<compile_context>
chip_gen: v7x
topology: tpu7x:2x2x1
jax: 0.10.2.dev20260603
libtpu: 0.0.44.dev20260713+nightly
codegen_flags: <defaults>
</compile_context>

<pallas_src>
import functools
import math

import jax
import jax.numpy as jnp
from jax import lax
from jax.experimental import pallas as pl
from jax.experimental.pallas import tpu as pltpu
from jax.experimental.pallas import tpu_sc as plsc

B, S, D, F_DIM, K = 2, 4096, 128, 64, 4
BQ = 512
KC = 256

NC, NS, L = 2, 16, 16
NW = NC * NS
NQ = B * S
QW = NQ // NW
CH = 32
NCH = QW // CH
RW = CH * K


def _router_body(q_ref, k_ref, fp_ref, Ws_ref, bs_ref, Wf_ref, bf_ref,
                 routes_ref, w_ref, rg_ref, mcat_ref, gcat_ref):
    b = pl.program_id(0)
    q = q_ref[0]
    k = k_ref[0]
    Ws = Ws_ref[...]
    bs = bs_ref[...]
    Wf = Wf_ref[...]
    fp = fp_ref[...]
    bf = bf_ref[...]

    dn = (((1,), (1,)), ((), ()))
    qp = jax.lax.dot_general(q, Ws, dn, preferred_element_type=jnp.float32) + bs
    fpb = jax.lax.dot_general(fp, Wf, dn, preferred_element_type=jnp.float32) + bf
    bias = jax.lax.dot_general(q, fpb, dn, preferred_element_type=jnp.float32) * 0.1

    neg = jnp.full((BQ, KC), -jnp.inf)
    m = [neg, neg, neg, neg]
    g = [jnp.zeros((BQ, KC), jnp.float32)] * K
    for c in range(S // KC):
        kc = k[c * KC:(c + 1) * KC, :]
        v = jax.lax.dot_general(qp, kc, dn, preferred_element_type=jnp.float32)
        v = v * (1.0 / math.sqrt(D)) + bias
        gi = jnp.full((BQ, KC), float(c))
        for lvl in range(K):
            cl = v > m[lvl]
            if lvl + 1 < K:
                hi = jnp.maximum(m[lvl], v)
                lo = jnp.minimum(m[lvl], v)
                gh = jnp.where(cl, gi, g[lvl])
                gl = jnp.where(cl, g[lvl], gi)
                m[lvl], v, g[lvl], gi = hi, lo, gh, gl
            else:
                m[lvl] = jnp.maximum(m[lvl], v)
                g[lvl] = jnp.where(cl, gi, g[lvl])

    lane = jax.lax.broadcasted_iota(jnp.int32, (BQ, KC), 1).astype(jnp.float32)
    mcat_ref[...] = jnp.concatenate(m, axis=1)
    gcat_ref[...] = jnp.concatenate([gg * float(KC) + lane for gg in g], axis=1)
    mcat = mcat_ref[...]
    gcat = gcat_ref[...]

    vals = [jnp.max(mcat, axis=1, keepdims=True)]
    for _ in range(K - 1):
        s = jnp.where(mcat < vals[-1], mcat, -jnp.inf)
        vals.append(jnp.max(s, axis=1, keepdims=True))

    idxs = [jnp.min(jnp.where(mcat == v, gcat, float(S)), axis=1, keepdims=True)
            for v in vals]

    vals4 = jnp.concatenate(vals, axis=1)
    e = jnp.exp(vals4 - vals[0])
    w4 = e / jnp.sum(e, axis=1, keepdims=True)

    routes4 = jnp.concatenate(idxs, axis=1).astype(jnp.int32)
    routes_ref[0] = routes4
    w_ref[0] = w4
    rg_ref[0] = routes4 + b * S


def _router(q, k, fp2d, Ws, bs2d, Wf, bf2d):
    return pl.pallas_call(
        _router_body,
        grid=(B, S // BQ),
        in_specs=[
            pl.BlockSpec((1, BQ, D), lambda b, i: (b, i, 0)),
            pl.BlockSpec((1, S, D), lambda b, i: (b, 0, 0)),
            pl.BlockSpec((1, F_DIM), lambda b, i: (0, 0)),
            pl.BlockSpec((D, D), lambda b, i: (0, 0)),
            pl.BlockSpec((1, D), lambda b, i: (0, 0)),
            pl.BlockSpec((D, F_DIM), lambda b, i: (0, 0)),
            pl.BlockSpec((1, D), lambda b, i: (0, 0)),
        ],
        out_specs=[
            pl.BlockSpec((1, BQ, K), lambda b, i: (b, i, 0)),
            pl.BlockSpec((1, BQ, K), lambda b, i: (b, i, 0)),
            pl.BlockSpec((1, BQ, K), lambda b, i: (b, i, 0)),
        ],
        out_shape=[
            jax.ShapeDtypeStruct((B, S, K), jnp.int32),
            jax.ShapeDtypeStruct((B, S, K), jnp.float32),
            jax.ShapeDtypeStruct((B, S, K), jnp.int32),
        ],
        scratch_shapes=[
            pltpu.VMEM((BQ, K * KC), jnp.float32),
            pltpu.VMEM((BQ, K * KC), jnp.float32),
        ],
        compiler_params=pltpu.CompilerParams(
            dimension_semantics=("arbitrary", "arbitrary"),
        ),
    )(q, k, fp2d, Ws, bs2d, Wf, bf2d)


def _combine_body(vt_ref, idx_ref, w_ref, out_ref,
                  idx_v, w_v, rows_a, rows_b, out_v, sem_a, sem_b):
    cid = lax.axis_index("c")
    sid = lax.axis_index("s")
    wid = sid * NC + cid
    qbase = wid * QW

    pltpu.sync_copy(idx_ref.at[pl.ds(qbase * K, QW * K)], idx_v)
    pltpu.sync_copy(w_ref.at[pl.ds(qbase * K, QW * K)], w_v)

    rows = [rows_a, rows_b]
    sems = [sem_a, sem_b]

    def start(ch):
        return pltpu.async_copy(
            vt_ref.at[idx_v.at[pl.ds(ch * RW, RW)]], rows[ch % 2], sems[ch % 2])

    def combine(ch, cp):
        cp.wait()
        rows_v = rows[ch % 2]
        w0 = ch * RW

        def q_body(qq, _):
            r0 = qq * K
            wk = [plsc.load_gather(w_v, [jnp.full((L,), w0 + r0 + kk, jnp.int32)])
                  for kk in range(K)]
            for c in range(D // L):
                sl = pl.ds(c * L, L)
                acc = wk[0] * rows_v[r0, sl]
                for kk in range(1, K):
                    acc = acc + wk[kk] * rows_v[r0 + kk, sl]
                out_v[qq, sl] = acc
            return _

        lax.fori_loop(0, CH, q_body, None)
        pltpu.sync_copy(out_v, out_ref.at[pl.ds(qbase + ch * CH, CH)])

    cps = {0: start(0)}
    for ch in range(NCH):
        if ch + 1 < NCH:
            cps[ch + 1] = start(ch + 1)
        combine(ch, cps[ch])


def _combine(vt, idxg, wg):
    mesh = plsc.VectorSubcoreMesh(core_axis_name="c", subcore_axis_name="s",
                                  num_cores=NC, num_subcores=NS)
    f = functools.partial(
        pl.kernel,
        out_type=jax.ShapeDtypeStruct((NQ, D), jnp.float32),
        mesh=mesh,
        scratch_types=[
            pltpu.VMEM((QW * K,), jnp.int32),
            pltpu.VMEM((QW * K,), jnp.float32),
            pltpu.VMEM((RW, D), jnp.float32),
            pltpu.VMEM((RW, D), jnp.float32),
            pltpu.VMEM((CH, D), jnp.float32),
            pltpu.SemaphoreType.DMA,
            pltpu.SemaphoreType.DMA,
        ],
        compiler_params=pltpu.CompilerParams(needs_layout_passes=False),
    )(_combine_body)
    return f(vt, idxg, wg)


@jax.jit
def _pipeline(q, k, v, fp2d, Ws, bs2d, Wf, bf2d):
    routes, weights, rg = _router(q, k, fp2d, Ws, bs2d, Wf, bf2d)
    out = _combine(v.reshape(NQ, D), rg.reshape(NQ * K), weights.reshape(NQ * K))
    return routes, weights, out.reshape(B, S, D)


def kernel(q, k, v, fingerprint, W_score, b_score, W_fp, b_fp):
    return _pipeline(
        q, k, v,
        fingerprint.reshape(1, F_DIM),
        W_score,
        b_score.reshape(1, D),
        W_fp,
        b_fp.reshape(1, D),
    )

# --- scband reference (transcript-rebuilt; emitter-appended) ---
"""Pipeline reference for scband-top-krouter-87368224735636 (READ-ONLY COPY).

The authoritative reference and input builder live on the scoring server;
editing this copy changes nothing except your own understanding.
"""

import jax, jax.numpy as jnp
import numpy as np

B, S, D, F_DIM, K = 2, 4096, 128, 64, 4
TEMP = 1.0

def setup_inputs(seed: int = 0) -> dict:
    key = jax.random.key(seed)
    ks = jax.random.split(key, 8)
    q = jax.random.normal(ks[0], (B, S, D), dtype=jnp.float32)
    k = jax.random.normal(ks[1], (B, S, D), dtype=jnp.float32)
    v = jax.random.normal(ks[2], (B, S, D), dtype=jnp.float32)
    fingerprint = jax.random.normal(ks[3], (F_DIM,), dtype=jnp.float32)
    W_score = jax.random.normal(ks[4], (D, D), dtype=jnp.float32) / np.sqrt(D)
    b_score = jnp.zeros((D,), dtype=jnp.float32)
    W_fp = jax.random.normal(ks[5], (D, F_DIM), dtype=jnp.float32) / np.sqrt(F_DIM)
    b_fp = jnp.zeros((D,), dtype=jnp.float32)
    return {"q": q, "k": k, "v": v, "fingerprint": fingerprint,
            "W_score": W_score, "b_score": b_score, "W_fp": W_fp, "b_fp": b_fp}

def reference(q, k, v, fingerprint, W_score, b_score, W_fp, b_fp):
    Dloc = q.shape[-1]
    # score_proj (nn.Linear): q @ W.T + b
    q_proj = jnp.einsum('bsd,ed->bse', q, W_score) + b_score
    # scores = bmm(q_proj, k^T) / sqrt(D)
    scores = jnp.einsum('bsd,btd->bst', q_proj, k) / jnp.sqrt(jnp.float32(Dloc))
    # fp_to_bias (nn.Linear on fingerprint vector)
    fp_bias = W_fp @ fingerprint + b_fp  # [D]
    bias_scores = jnp.einsum('bsd,d->bs', q, fp_bias)
    scores = scores + bias_scores[..., None] * 0.1
    topk_scores, routes = jax.lax.top_k(scores / TEMP, K)  # [B,S,K]
    weights = jax.nn.softmax(topk_scores, axis=-1)
    # gather: per batch, v[routes] -> [B,S,K,D] (avoids materializing [B,S,S,D])
    gathered = jax.vmap(lambda vb, rb: vb[rb])(v, routes)
    output = jnp.sum(gathered * weights[..., None], axis=2)
    return routes, weights, output

if __name__ == "__main__":
    import jax
    _d = setup_inputs()
    print(jax.jit(kernel)(*tuple(_d.values())))

</pallas_src>

<mosaic_0001>
#map = affine_map<(d0, d1) -> (0, 0)>
#map1 = affine_map<(d0, d1) -> (0)>
module attributes {stable_mosaic.version = 14 : i64} {
  func.func @_combine_body(%arg0: i32, %arg1: i32, %arg2: memref<8192x128xf32, #tpu.memory_space<hbm>>, %arg3: memref<32768xi32, #tpu.memory_space<hbm>>, %arg4: memref<32768xf32, #tpu.memory_space<hbm>>, %arg5: memref<8192x128xf32, #tpu.memory_space<hbm>>, %arg6: memref<1024xi32, #tpu.memory_space<vmem>>, %arg7: memref<1024xf32, #tpu.memory_space<vmem>>, %arg8: memref<128x128xf32, #tpu.memory_space<vmem>>, %arg9: memref<128x128xf32, #tpu.memory_space<vmem>>, %arg10: memref<32x128xf32, #tpu.memory_space<vmem>>, %arg11: memref<!tpu.dma_semaphore, #tpu.memory_space<semaphore_mem>>, %arg12: memref<!tpu.dma_semaphore, #tpu.memory_space<semaphore_mem>>) attributes {dimension_semantics = [#tpu.dimension_semantics<core_parallel>, #tpu.dimension_semantics<subcore_parallel>], iteration_bounds = array<i64: 2, 16>, scalar_prefetch = 0 : i64, scratch_operands = 7 : i64, tpu.core_type = #tpu.core_type<sc_vector_subcore>, window_params = [{transform_indices = #map}, {transform_indices = #map1}, {transform_indices = #map1}, {transform_indices = #map}]} {
    %mul3A = arith.constant 2 : i32
    %mul3A_0 = arith.muli %arg1, %mul3A : i32
    %add3A = arith.addi %mul3A_0, %arg0 : i32
    %mul3A_1 = arith.constant 256 : i32
    %mul3A_2 = arith.muli %add3A, %mul3A_1 : i32
    %mul3A_3 = arith.constant 4 : i32
    %mul3A_4 = arith.muli %mul3A_2, %mul3A_3 : i32
    "tpu.region"() ({
      %run_scoped3A = tpu.sem_alloc : memref<!tpu.dma_semaphore, #tpu.memory_space<semaphore_mem>>
      %dma_start3A_140 = tpu.memref_slice %arg3[%mul3A_4] : memref<32768xi32, #tpu.memory_space<hbm>> -> memref<1024xi32, #tpu.memory_space<hbm>>
      %dma_start3A_141 = tpu.memref_slice %arg3[%mul3A_4] : memref<32768xi32, #tpu.memory_space<hbm>> -> memref<1024xi32, #tpu.memory_space<hbm>>
      tpu.enqueue_dma source(%dma_start3A_141 : memref<1024xi32, #tpu.memory_space<hbm>>) target(%arg6 : memref<1024xi32, #tpu.memory_space<vmem>>) target_semaphore(%run_scoped3A : memref<!tpu.dma_semaphore, #tpu.memory_space<semaphore_mem>>)
      %dma_wait3A_142 = tpu.memref_slice %arg3[%mul3A_4] : memref<32768xi32, #tpu.memory_space<hbm>> -> memref<1024xi32, #tpu.memory_space<hbm>>
      %dma_wait3A_143 = tpu.memref_slice %arg3[%mul3A_4] : memref<32768xi32, #tpu.memory_space<hbm>> -> memref<1024xi32, #tpu.memory_space<hbm>>
      tpu.wait_dma2 semaphore(%run_scoped3A : memref<!tpu.dma_semaphore, #tpu.memory_space<semaphore_mem>>) src(%dma_wait3A_143 : memref<1024xi32, #tpu.memory_space<hbm>>) dst(%arg6 : memref<1024xi32, #tpu.memory_space<vmem>>)
      tpu.yield
    }) : () -> ()
    %mul3A_5 = arith.constant 4 : i32
    %mul3A_6 = arith.muli %mul3A_2, %mul3A_5 : i32
    "tpu.region"() ({
      %run_scoped3A = tpu.sem_alloc : memref<!tpu.dma_semaphore, #tpu.memory_space<semaphore_mem>>
      %dma_start3A_140 = tpu.memref_slice %arg4[%mul3A_6] : memref<32768xf32, #tpu.memory_space<hbm>> -> memref<1024xf32, #tpu.memory_space<hbm>>
      %dma_start3A_141 = tpu.memref_slice %arg4[%mul3A_6] : memref<32768xf32, #tpu.memory_space<hbm>> -> memref<1024xf32, #tpu.memory_space<hbm>>
      tpu.enqueue_dma source(%dma_start3A_141 : memref<1024xf32, #tpu.memory_space<hbm>>) target(%arg7 : memref<1024xf32, #tpu.memory_space<vmem>>) target_semaphore(%run_scoped3A : memref<!tpu.dma_semaphore, #tpu.memory_space<semaphore_mem>>)
      %dma_wait3A_142 = tpu.memref_slice %arg4[%mul3A_6] : memref<32768xf32, #tpu.memory_space<hbm>> -> memref<1024xf32, #tpu.memory_space<hbm>>
      %dma_wait3A_143 = tpu.memref_slice %arg4[%mul3A_6] : memref<32768xf32, #tpu.memory_space<hbm>> -> memref<1024xf32, #tpu.memory_space<hbm>>
      tpu.wait_dma2 semaphore(%run_scoped3A : memref<!tpu.dma_semaphore, #tpu.memory_space<semaphore_mem>>) src(%dma_wait3A_143 : memref<1024xf32, #tpu.memory_space<hbm>>) dst(%arg7 : memref<1024xf32, #tpu.memory_space<vmem>>)
      tpu.yield
    }) : () -> ()
    %dma_start3A = arith.constant 0 : i32
    %dma_start3A_7 = tpu.memref_slice %arg6[%dma_start3A] : memref<1024xi32, #tpu.memory_space<vmem>> -> memref<128xi32, #tpu.memory_space<vmem>>
    %dma_start3A_8 = arith.constant 0 : i32
    %dma_start3A_9 = arith.constant 0 : i32
    %dma_start3A_10 = tpu.memref_slice %arg2[%dma_start3A_8, %dma_start3A_9] : memref<8192x128xf32, #tpu.memory_space<hbm>> -> memref<8192x128xf32, #tpu.memory_space<hbm>>
    tpu.enqueue_indirect_dma source(%dma_start3A_10 : memref<8192x128xf32, #tpu.memory_space<hbm>>) target(%arg8 : memref<128x128xf32, #tpu.memory_space<vmem>>) offsets(%dma_start3A_7 : memref<128xi32, #tpu.memory_space<vmem>>) semaphore(%arg11 : memref<!tpu.dma_semaphore, #tpu.memory_space<semaphore_mem>>)
    %dma_start3A_11 = arith.constant 128 : i32
    %dma_start3A_12 = tpu.memref_slice %arg6[%dma_start3A_11] : memref<1024xi32, #tpu.memory_space<vmem>> -> memref<128xi32, #tpu.memory_space<vmem>>
    %dma_start3A_13 = arith.constant 0 : i32
    %dma_start3A_14 = arith.constant 0 : i32
    %dma_start3A_15 = tpu.memref_slice %arg2[%dma_start3A_13, %dma_start3A_14] : memref<8192x128xf32, #tpu.memory_space<hbm>> -> memref<8192x128xf32, #tpu.memory_space<hbm>>
    tpu.enqueue_indirect_dma source(%dma_start3A_15 : memref<8192x128xf32, #tpu.memory_space<hbm>>) target(%arg9 : memref<128x128xf32, #tpu.memory_space<vmem>>) offsets(%dma_start3A_12 : memref<128xi32, #tpu.memory_space<vmem>>) semaphore(%arg12 : memref<!tpu.dma_semaphore, #tpu.memory_space<semaphore_mem>>)
    %dma_wait3A = arith.constant 0 : i32
    %dma_wait3A_16 = tpu.memref_slice %arg6[%dma_wait3A] : memref<1024xi32, #tpu.memory_space<vmem>> -> memref<128xi32, #tpu.memory_space<vmem>>
    %dma_wait3A_17 = arith.constant 0 : i32
    %dma_wait3A_18 = arith.constant 0 : i32
    %dma_wait3A_19 = tpu.memref_slice %arg2[%dma_wait3A_17, %dma_wait3A_18] : memref<8192x128xf32, #tpu.memory_space<hbm>> -> memref<8192x128xf32, #tpu.memory_space<hbm>>
    tpu.wait_indirect_dma semaphore(%arg11 : memref<!tpu.dma_semaphore, #tpu.memory_space<semaphore_mem>>) src(%dma_wait3A_19 : memref<8192x128xf32, #tpu.memory_space<hbm>>) dst(%arg8 : memref<128x128xf32, #tpu.memory_space<vmem>>)
    %scan3A = arith.constant 0 : i32
    %scan3A_20 = arith.constant 32 : i32
    %scan3A_21 = arith.addi %scan3A, %scan3A_20 : i32
    %scan3A_22 = arith.constant 1 : i32
    scf.for %scan3A_140 = %scan3A to %scan3A_21 step %scan3A_22  : i32 {
      %mul3A_141 = arith.constant 4 : i32
      %mul3A_142 = arith.muli %scan3A_140, %mul3A_141 : i32
      %add3A_143 = arith.constant 0 : i32
      %add3A_144 = arith.addi %add3A_143, %mul3A_142 : i32
      %add3A_145 = arith.constant 0 : i32
      %add3A_146 = arith.addi %add3A_144, %add3A_145 : i32
      %broadcast_in_dim3A = vector.broadcast %add3A_146 : i32 to vector<16xi32>
      %gather3A = tpu.vector_load_idx %arg7[%broadcast_in_dim3A] : memref<1024xf32, #tpu.memory_space<vmem>>[vector<16xi32>], vector<16xf32>,
      %add3A_147 = arith.constant 0 : i32
      %add3A_148 = arith.addi %add3A_147, %mul3A_142 : i32
      %add3A_149 = arith.constant 1 : i32
      %add3A_150 = arith.addi %add3A_148, %add3A_149 : i32
      %broadcast_in_dim3A_151 = vector.broadcast %add3A_150 : i32 to vector<16xi32>
      %gather3A_152 = tpu.vector_load_idx %arg7[%broadcast_in_dim3A_151] : memref<1024xf32, #tpu.memory_space<vmem>>[vector<16xi32>], vector<16xf32>,
      %add3A_153 = arith.constant 0 : i32
      %add3A_154 = arith.addi %add3A_153, %mul3A_142 : i32
      %add3A_155 = arith.constant 2 : i32
      %add3A_156 = arith.addi %add3A_154, %add3A_155 : i32
      %broadcast_in_dim3A_157 = vector.broadcast %add3A_156 : i32 to vector<16xi32>
      %gather3A_158 = tpu.vector_load_idx %arg7[%broadcast_in_dim3A_157] : memref<1024xf32, #tpu.memory_space<vmem>>[vector<16xi32>], vector<16xf32>,
      %add3A_159 = arith.constant 0 : i32
      %add3A_160 = arith.addi %add3A_159, %mul3A_142 : i32
      %add3A_161 = arith.constant 3 : i32
      %add3A_162 = arith.addi %add3A_160, %add3A_161 : i32
      %broadcast_in_dim3A_163 = vector.broadcast %add3A_162 : i32 to vector<16xi32>
      %gather3A_164 = tpu.vector_load_idx %arg7[%broadcast_in_dim3A_163] : memref<1024xf32, #tpu.memory_space<vmem>>[vector<16xi32>], vector<16xf32>,
      %get3A = arith.index_cast %mul3A_142 : i32 to index
      %get3A_165 = arith.constant 0 : index
      %get3A_166 = tpu.vector_load %arg8[%get3A, %get3A_165] {strides = array<i32>} : memref<128x128xf32, #tpu.memory_space<vmem>>, vector<16xf32>,
      %mul3A_167 = arith.mulf %gather3A, %get3A_166 : vector<16xf32>
      %add3A_168 = arith.constant 1 : i32
      %add3A_169 = arith.addi %mul3A_142, %add3A_168 : i32
      %get3A_170 = arith.index_cast %add3A_169 : i32 to index
      %get3A_171 = arith.constant 0 : index
      %get3A_172 = tpu.vector_load %arg8[%get3A_170, %get3A_171] {strides = array<i32>} : memref<128x128xf32, #tpu.memory_space<vmem>>, vector<16xf32>,
      %mul3A_173 = arith.mulf %gather3A_152, %get3A_172 : vector<16xf32>
      %add3A_174 = arith.addf %mul3A_167, %mul3A_173 : vector<16xf32>
      %add3A_175 = arith.constant 2 : i32
      %add3A_176 = arith.addi %mul3A_142, %add3A_175 : i32
      %get3A_177 = arith.index_cast %add3A_176 : i32 to index
      %get3A_178 = arith.constant 0 : index
      %get3A_179 = tpu.vector_load %arg8[%get3A_177, %get3A_178] {strides = array<i32>} : memref<128x128xf32, #tpu.memory_space<vmem>>, vector<16xf32>,
      %mul3A_180 = arith.mulf %gather3A_158, %get3A_179 : vector<16xf32>
      %add3A_181 = arith.addf %add3A_174, %mul3A_180 : vector<16xf32>
      %add3A_182 = arith.constant 3 : i32
      %add3A_183 = arith.addi %mul3A_142, %add3A_182 : i32
      %get3A_184 = arith.index_cast %add3A_183 : i32 to index
      %get3A_185 = arith.constant 0 : index
      %get3A_186 = tpu.vector_load %arg8[%get3A_184, %get3A_185] {strides = array<i32>} : memref<128x128xf32, #tpu.memory_space<vmem>>, vector<16xf32>,
      %mul3A_187 = arith.mulf %gather3A_164, %get3A_186 : vector<16xf32>
      %add3A_188 = arith.addf %add3A_181, %mul3A_187 : vector<16xf32>
      %swap3A = arith.index_cast %scan3A_140 : i32 to index
      %swap3A_189 = arith.constant 0 : index
      %swap3A_190 = tpu.vector_load %arg10[%swap3A, %swap3A_189] {strides = array<i32>} : memref<32x128xf32, #tpu.memory_space<vmem>>, vector<16xf32>,
      tpu.vector_store %arg10[%swap3A, %swap3A_189], %add3A_188 {strides = array<i32>} : memref<32x128xf32, #tpu.memory_space<vmem>>, vector<16xf32>,
      %get3A_191 = arith.index_cast %mul3A_142 : i32 to index
      %get3A_192 = arith.constant 16 : index
      %get3A_193 = tpu.vector_load %arg8[%get3A_191, %get3A_192] {strides = array<i32>} : memref<128x128xf32, #tpu.memory_space<vmem>>, vector<16xf32>,
      %mul3A_194 = arith.mulf %gather3A, %get3A_193 : vector<16xf32>
      %add3A_195 = arith.constant 1 : i32
      %add3A_196 = arith.addi %mul3A_142, %add3A_195 : i32
      %get3A_197 = arith.index_cast %add3A_196 : i32 to index
      %get3A_198 = arith.constant 16 : index
      %get3A_199 = tpu.vector_load %arg8[%get3A_197, %get3A_198] {strides = array<i32>} : memref<128x128xf32, #tpu.memory_space<vmem>>, vector<16xf32>,
      %mul3A_200 = arith.mulf %gather3A_152, %get3A_199 : vector<16xf32>
      %add3A_201 = arith.addf %mul3A_194, %mul3A_200 : vector<16xf32>
      %add3A_202 = arith.constant 2 : i32
      %add3A_203 = arith.addi %mul3A_142, %add3A_202 : i32
      %get3A_204 = arith.index_cast %add3A_203 : i32 to index
      %get3A_205 = arith.constant 16 : index
      %get3A_206 = tpu.vector_load %arg8[%get3A_204, %get3A_205] {strides = array<i32>} : memref<128x128xf32, #tpu.memory_space<vmem>>, vector<16xf32>,
      %mul3A_207 = arith.mulf %gather3A_158, %get3A_206 : vector<16xf32>
      %add3A_208 = arith.addf %add3A_201, %mul3A_207 : vector<16xf32>
      %add3A_209 = arith.constant 3 : i32
      %add3A_210 = arith.addi %mul3A_142, %add3A_209 : i32
      %get3A_211 = arith.index_cast %add3A_210 : i32 to index
      %get3A_212 = arith.constant 16 : index
      %get3A_213 = tpu.vector_load %arg8[%get3A_211, %get3A_212] {strides = array<i32>} : memref<128x128xf32, #tpu.memory_space<vmem>>, vector<16xf32>,
      %mul3A_214 = arith.mulf %gather3A_164, %get3A_213 : vector<16xf32>
      %add3A_215 = arith.addf %add3A_208, %mul3A_214 : vector<16xf32>
      %swap3A_216 = arith.index_cast %scan3A_140 : i32 to index
      %swap3A_217 = arith.constant 16 : index
      %swap3A_218 = tpu.vector_load %arg10[%swap3A_216, %swap3A_217] {strides = array<i32>} : memref<32x128xf32, #tpu.memory_space<vmem>>, vector<16xf32>,
      tpu.vector_store %arg10[%swap3A_216, %swap3A_217], %add3A_215 {strides = array<i32>} : memref<32x128xf32, #tpu.memory_space<vmem>>, vector<16xf32>,
      %get3A_219 = arith.index_cast %mul3A_142 : i32 to index
      %get3A_220 = arith.constant 32 : index
      %get3A_221 = tpu.vector_load %arg8[%get3A_219, %get3A_220] {strides = array<i32>} : memref<128x128xf32, #tpu.memory_space<vmem>>, vector<16xf32>,
      %mul3A_222 = arith.mulf %gather3A, %get3A_221 : vector<16xf32>
      %add3A_223 = arith.constant 1 : i32
      %add3A_224 = arith.addi %mul3A_142, %add3A_223 : i32
      %get3A_225 = arith.index_cast %add3A_224 : i32 to index
      %get3A_226 = arith.constant 32 : index
      %get3A_227 = tpu.vector_load %arg8[%get3A_225, %get3A_226] {strides = array<i32>} : memref<128x128xf32, #tpu.memory_space<vmem>>, vector<16xf32>,
      %mul3A_228 = arith.mulf %gather3A_152, %get3A_227 : vector<16xf32>
      %add3A_229 = arith.addf %mul3A_222, %mul3A_228 : vector<16xf32>
      %add3A_230 = arith.constant 2 : i32
      %add3A_231 = arith.addi %mul3A_142, %add3A_230 : i32
      %get3A_232 = arith.index_cast %add3A_231 : i32 to index
      %get3A_233 = arith.constant 32 : index
      %get3A_234 = tpu.vector_load %arg8[%get3A_232, %get3A_233] {strides = array<i32>} : memref<128x128xf32, #tpu.memory_space<vmem>>, vector<16xf32>,
      %mul3A_235 = arith.mulf %gather3A_158, %get3A_234 : vector<16xf32>
      %add3A_236 = arith.addf %add3A_229, %mul3A_235 : vector<16xf32>
      %add3A_237 = arith.constant 3 : i32
      %add3A_238 = arith.addi %mul3A_142, %add3A_237 : i32
      %get3A_239 = arith.index_cast %add3A_238 : i32 to index
      %get3A_240 = arith.constant 32 : index
      %get3A_241 = tpu.vector_load %arg8[%get3A_239, %get3A_240] {strides = array<i32>} : memref<128x128xf32, #tpu.memory_space<vmem>>, vector<16xf32>,
      %mul3A_242 = arith.mulf %gather3A_164, %get3A_241 : vector<16xf32>
      %add3A_243 = arith.addf %add3A_236, %mul3A_242 : vector<16xf32>
      %swap3A_244 = arith.index_cast %scan3A_140 : i32 to index
      %swap3A_245 = arith.constant 32 : index
      %swap3A_246 = tpu.vector_load %arg10[%swap3A_244, %swap3A_245] {strides = array<i32>} : memref<32x128xf32, #tpu.memory_space<vmem>>, vector<16xf32>,
      tpu.vector_store %arg10[%swap3A_244, %swap3A_245], %add3A_243 {strides = array<i32>} : memref<32x128xf32, #tpu.memory_space<vmem>>, vector<16xf32>,
      %get3A_247 = arith.index_cast %mul3A_142 : i32 to index
      %get3A_248 = arith.constant 48 : index
      %get3A_249 = tpu.vector_load %arg8[%get3A_247, %get3A_248] {strides = array<i32>} : memref<128x128xf32, #tpu.memory_space<vmem>>, vector<16xf32>,
      %mul3A_250 = arith.mulf %gather3A, %get3A_249 : vector<16xf32>
      %add3A_251 = arith.constant 1 : i32
      %add3A_252 = arith.addi %mul3A_142, %add3A_251 : i32
      %get3A_253 = arith.index_cast %add3A_252 : i32 to index
      %get3A_254 = arith.constant 48 : index
      %get3A_255 = tpu.vector_load %arg8[%get3A_253, %get3A_254] {strides = array<i32>} : memref<128x128xf32, #tpu.memory_space<vmem>>, vector<16xf32>,
      %mul3A_256 = arith.mulf %gather3A_152, %get3A_255 : vector<16xf32>
      %add3A_257 = arith.addf %mul3A_250, %mul3A_256 : vector<16xf32>
      %add3A_258 = arith.constant 2 : i32
      %add3A_259 = arith.addi %mul3A_142, %add3A_258 : i32
      %get3A_260 = arith.index_cast %add3A_259 : i32 to index
      %get3A_261 = arith.constant 48 : index
      %get3A_262 = tpu.vector_load %arg8[%get3A_260, %get3A_261] {strides = array<i32>} : memref<128x128xf32, #tpu.memory_space<vmem>>, vector<16xf32>,
      %mul3A_263 = arith.mulf %gather3A_158, %get3A_262 : vector<16xf32>
      %add3A_264 = arith.addf %add3A_257, %mul3A_263 : vector<16xf32>
      %add3A_265 = arith.constant 3 : i32
      %add3A_266 = arith.addi %mul3A_142, %add3A_265 : i32
      %get3A_267 = arith.index_cast %add3A_266 : i32 to index
      %get3A_268 = arith.constant 48 : index
      %get3A_269 = tpu.vector_load %arg8[%get3A_267, %get3A_268] {strides = array<i32>} : memref<128x128xf32, #tpu.memory_space<vmem>>, vector<16xf32>,
      %mul3A_270 = arith.mulf %gather3A_164, %get3A_269 : vector<16xf32>
      %add3A_271 = arith.addf %add3A_264, %mul3A_270 : vector<16xf32>
      %swap3A_272 = arith.index_cast %scan3A_140 : i32 to index
      %swap3A_273 = arith.constant 48 : index
      %swap3A_274 = tpu.vector_load %arg10[%swap3A_272, %swap3A_273] {strides = array<i32>} : memref<32x128xf32, #tpu.memory_space<vmem>>, vector<16xf32>,
      tpu.vector_store %arg10[%swap3A_272, %swap3A_273], %add3A_271 {strides = array<i32>} : memref<32x128xf32, #tpu.memory_space<vmem>>, vector<16xf32>,
      %get3A_275 = arith.index_cast %mul3A_142 : i32 to index
      %get3A_276 = arith.constant 64 : index
      %get3A_277 = tpu.vector_load %arg8[%get3A_275, %get3A_276] {strides = array<i32>} : memref<128x128xf32, #tpu.memory_space<vmem>>, vector<16xf32>,
      %mul3A_278 = arith.mulf %gather3A, %get3A_277 : vector<16xf32>
      %add3A_279 = arith.constant 1 : i32
      %add3A_280 = arith.addi %mul3A_142, %add3A_279 : i32
      %get3A_281 = arith.index_cast %add3A_280 : i32 to index
      %get3A_282 = arith.constant 64 : index
      %get3A_283 = tpu.vector_load %arg8[%get3A_281, %get3A_282] {strides = array<i32>} : memref<128x128xf32, #tpu.memory_space<vmem>>, vector<16xf32>,
      %mul3A_284 = arith.mulf %gather3A_152, %get3A_283 : vector<16xf32>
      %add3A_285 = arith.addf %mul3A_278, %mul3A_284 : vector<16xf32>
      %add3A_286 = arith.constant 2 : i32
      %add3A_287 = arith.addi %mul3A_142, %add3A_286 : i32
      %get3A_288 = arith.index_cast %add3A_287 : i32 to index
      %get3A_289 = arith.constant 64 : index
      %get3A_290 = tpu.vector_load %arg8[%get3A_288, %get3A_289] {strides = array<i32>} : memref<128x128xf32, #tpu.memory_space<vmem>>, vector<16xf32>,
      %mul3A_291 = arith.mulf %gather3A_158, %get3A_290 : vector<16xf32>
      %add3A_292 = arith.addf %add3A_285, %mul3A_291 : vector<16xf32>
      %add3A_293 = arith.constant 3 : i32
      %add3A_294 = arith.addi %mul3A_142, %add3A_293 : i32
      %get3A_295 = arith.index_cast %add3A_294 : i32 to index
      %get3A_296 = arith.constant 64 : index
      %get3A_297 = tpu.vector_load %arg8[%get3A_295, %get3A_296] {strides = array<i32>} : memref<128x128xf32, #tpu.memory_space<vmem>>, vector<16xf32>,
      %mul3A_298 = arith.mulf %gather3A_164, %get3A_297 : vector<16xf32>
      %add3A_299 = arith.addf %add3A_292, %mul3A_298 : vector<16xf32>
      %swap3A_300 = arith.index_cast %scan3A_140 : i32 to index
      %swap3A_301 = arith.constant 64 : index
      %swap3A_302 = tpu.vector_load %arg10[%swap3A_300, %swap3A_301] {strides = array<i32>} : memref<32x128xf32, #tpu.memory_space<vmem>>, vector<16xf32>,
      tpu.vector_store %arg10[%swap3A_300, %swap3A_301], %add3A_299 {strides = array<i32>} : memref<32x128xf32, #tpu.memory_space<vmem>>, vector<16xf32>,
      %get3A_303 = arith.index_cast %mul3A_142 : i32 to index
      %get3A_304 = arith.constant 80 : index
      %get3A_305 = tpu.vector_load %arg8[%get3A_303, %get3A_304] {strides = array<i32>} : memref<128x128xf32, #tpu.memory_space<vmem>>, vector<16xf32>,
      %mul3A_306 = arith.mulf %gather3A, %get3A_305 : vector<16xf32>
      %add3A_307 = arith.constant 1 : i32
      %add3A_308 = arith.addi %mul3A_142, %add3A_307 : i32
      %get3A_309 = arith.index_cast %add3A_308 : i32 to index
      %get3A_310 = arith.constant 80 : index
      %get3A_311 = tpu.vector_load %arg8[%get3A_309, %get3A_310] {strides = array<i32>} : memref<128x128xf32, #tpu.memory_space<vmem>>, vector<16xf32>,
      %mul3A_312 = arith.mulf %gather3A_152, %get3A_311 : vector<16xf32>
      %add3A_313 = arith.addf %mul3A_306, %mul3A_312 : vector<16xf32>
      %add3A_314 = arith.constant 2 : i32
      %add3A_315 = arith.addi %mul3A_142, %add3A_314 : i32
      %get3A_316 = arith.index_cast %add3A_315 : i32 to index
      %get3A_317 = arith.constant 80 : index
      %get3A_318 = tpu.vector_load %arg8[%get3A_316, %get3A_317] {strides = array<i32>} : memref<128x128xf32, #tpu.memory_space<vmem>>, vector<16xf32>,
      %mul3A_319 = arith.mulf %gather3A_158, %get3A_318 : vector<16xf32>
      %add3A_320 = arith.addf %add3A_313, %mul3A_319 : vector<16xf32>
      %add3A_321 = arith.constant 3 : i32
      %add3A_322 = arith.addi %mul3A_142, %add3A_321 : i32
      %get3A_323 = arith.index_cast %add3A_322 : i32 to index
      %get3A_324 = arith.constant 80 : index
      %get3A_325 = tpu.vector_load %arg8[%get3A_323, %get3A_324] {strides = array<i32>} : memref<128x128xf32, #tpu.memory_space<vmem>>, vector<16xf32>,
      %mul3A_326 = arith.mulf %gather3A_164, %get3A_325 : vector<16xf32>
      %add3A_327 = arith.addf %add3A_320, %mul3A_326 : vector<16xf32>
      %swap3A_328 = arith.index_cast %scan3A_140 : i32 to index
      %swap3A_329 = arith.constant 80 : index
      %swap3A_330 = tpu.vector_load %arg10[%swap3A_328, %swap3A_329] {strides = array<i32>} : memref<32x128xf32, #tpu.memory_space<vmem>>, vector<16xf32>,
      tpu.vector_store %arg10[%swap3A_328, %swap3A_329], %add3A_327 {strides = array<i32>} : memref<32x128xf32, #tpu.memory_space<vmem>>, vector<16xf32>,
      %get3A_331 = arith.index_cast %mul3A_142 : i32 to index
      %get3A_332 = arith.constant 96 : index
      %get3A_333 = tpu.vector_load %arg8[%get3A_331, %get3A_332] {strides = array<i32>} : memref<128x128xf32, #tpu.memory_space<vmem>>, vector<16xf32>,
      %mul3A_334 = arith.mulf %gather3A, %get3A_333 : vector<16xf32>
      %add3A_335 = arith.constant 1 : i32
      %add3A_336 = arith.addi %mul3A_142, %add3A_335 : i32
      %get3A_337 = arith.index_cast %add3A_336 : i32 to index
      %get3A_338 = arith.constant 96 : index
      %get3A_339 = tpu.vector_load %arg8[%get3A_337, %get3A_338] {strides = array<i32>} : memref<128x128xf32, #tpu.memory_space<vmem>>, vector<16xf32>,
      %mul3A_340 = arith.mulf %gather3A_152, %get3A_339 : vector<16xf32>
      %add3A_341 = arith.addf %mul3A_334, %mul3A_340 : vector<16xf32>
      %add3A_342 = arith.constant 2 : i32
      %add3A_343 = arith.addi %mul3A_142, %add3A_342 : i32
      %get3A_344 = arith.index_cast %add3A_343 : i32 to index
      %get3A_345 = arith.constant 96 : index
      %get3A_346 = tpu.vector_load %arg8[%get3A_344, %get3A_345] {strides = array<i32>} : memref<128x128xf32, #tpu.memory_space<vmem>>, vector<16xf32>,
      %mul3A_347 = arith.mulf %gather3A_158, %get3A_346 : vector<16xf32>
      %add3A_348 = arith.addf %add3A_341, %mul3A_347 : vector<16xf32>
      %add3A_349 = arith.constant 3 : i32
      %add3A_350 = arith.addi %mul3A_142, %add3A_349 : i32
      %get3A_351 = arith.index_cast %add3A_350 : i32 to index
      %get3A_352 = arith.constant 96 : index
      %get3A_353 = tpu.vector_load %arg8[%get3A_351, %get3A_352] {strides = array<i32>} : memref<128x128xf32, #tpu.memory_space<vmem>>, vector<16xf32>,
      %mul3A_354 = arith.mulf %gather3A_164, %get3A_353 : vector<16xf32>
      %add3A_355 = arith.addf %add3A_348, %mul3A_354 : vector<16xf32>
      %swap3A_356 = arith.index_cast %scan3A_140 : i32 to index
      %swap3A_357 = arith.constant 96 : index
      %swap3A_358 = tpu.vector_load %arg10[%swap3A_356, %swap3A_357] {strides = array<i32>} : memref<32x128xf32, #tpu.memory_space<vmem>>, vector<16xf32>,
      tpu.vector_store %arg10[%swap3A_356, %swap3A_357], %add3A_355 {strides = array<i32>} : memref<32x128xf32, #tpu.memory_space<vmem>>, vector<16xf32>,
      %get3A_359 = arith.index_cast %mul3A_142 : i32 to index
      %get3A_360 = arith.constant 112 : index
      %get3A_361 = tpu.vector_load %arg8[%get3A_359, %get3A_360] {strides = array<i32>} : memref<128x128xf32, #tpu.memory_space<vmem>>, vector<16xf32>,
      %mul3A_362 = arith.mulf %gather3A, %get3A_361 : vector<16xf32>
      %add3A_363 = arith.constant 1 : i32
      %add3A_364 = arith.addi %mul3A_142, %add3A_363 : i32
      %get3A_365 = arith.index_cast %add3A_364 : i32 to index
      %get3A_366 = arith.constant 112 : index
      %get3A_367 = tpu.vector_load %arg8[%get3A_365, %get3A_366] {strides = array<i32>} : memref<128x128xf32, #tpu.memory_space<vmem>>, vector<16xf32>,
      %mul3A_368 = arith.mulf %gather3A_152, %get3A_367 : vector<16xf32>
      %add3A_369 = arith.addf %mul3A_362, %mul3A_368 : vector<16xf32>
      %add3A_370 = arith.constant 2 : i32
      %add3A_371 = arith.addi %mul3A_142, %add3A_370 : i32
      %get3A_372 = arith.index_cast %add3A_371 : i32 to index
      %get3A_373 = arith.constant 112 : index
      %get3A_374 = tpu.vector_load %arg8[%get3A_372, %get3A_373] {strides = array<i32>} : memref<128x128xf32, #tpu.memory_space<vmem>>, vector<16xf32>,
      %mul3A_375 = arith.mulf %gather3A_158, %get3A_374 : vector<16xf32>
      %add3A_376 = arith.addf %add3A_369, %mul3A_375 : vector<16xf32>
      %add3A_377 = arith.constant 3 : i32
      %add3A_378 = arith.addi %mul3A_142, %add3A_377 : i32
      %get3A_379 = arith.index_cast %add3A_378 : i32 to index
      %get3A_380 = arith.constant 112 : index
      %get3A_381 = tpu.vector_load %arg8[%get3A_379, %get3A_380] {strides = array<i32>} : memref<128x128xf32, #tpu.memory_space<vmem>>, vector<16xf32>,
      %mul3A_382 = arith.mulf %gather3A_164, %get3A_381 : vector<16xf32>
      %add3A_383 = arith.addf %add3A_376, %mul3A_382 : vector<16xf32>
      %swap3A_384 = arith.index_cast %scan3A_140 : i32 to index
      %swap3A_385 = arith.constant 112 : index
      %swap3A_386 = tpu.vector_load %arg10[%swap3A_384, %swap3A_385] {strides = array<i32>} : memref<32x128xf32, #tpu.memory_space<vmem>>, vector<16xf32>,
      tpu.vector_store %arg10[%swap3A_384, %swap3A_385], %add3A_383 {strides = array<i32>} : memref<32x128xf32, #tpu.memory_space<vmem>>, vector<16xf32>,
    }
    %scan3A_23 = arith.constant 32 : i32
    %add3A_24 = arith.constant 0 : i32
    %add3A_25 = arith.addi %mul3A_2, %add3A_24 : i32
    "tpu.region"() ({
      %run_scoped3A = tpu.sem_alloc : memref<!tpu.dma_semaphore, #tpu.memory_space<semaphore_mem>>
      %dma_start3A_140 = arith.constant 0 : i32
      %dma_start3A_141 = tpu.memref_slice %arg5[%add3A_25, %dma_start3A_140] : memref<8192x128xf32, #tpu.memory_space<hbm>> -> memref<32x128xf32, #tpu.memory_space<hbm>>
      %dma_start3A_142 = arith.constant 0 : i32
      %dma_start3A_143 = tpu.memref_slice %arg5[%add3A_25, %dma_start3A_142] : memref<8192x128xf32, #tpu.memory_space<hbm>> -> memref<32x128xf32, #tpu.memory_space<hbm>>
      tpu.enqueue_dma source(%arg10 : memref<32x128xf32, #tpu.memory_space<vmem>>) target(%dma_start3A_143 : memref<32x128xf32, #tpu.memory_space<hbm>>) target_semaphore(%run_scoped3A : memref<!tpu.dma_semaphore, #tpu.memory_space<semaphore_mem>>)
      %dma_wait3A_144 = arith.constant 0 : i32
      %dma_wait3A_145 = tpu.memref_slice %arg5[%add3A_25, %dma_wait3A_144] : memref<8192x128xf32, #tpu.memory_space<hbm>> -> memref<32x128xf32, #tpu.memory_space<hbm>>
      %dma_wait3A_146 = arith.constant 0 : i32
      %dma_wait3A_147 = tpu.memref_slice %arg5[%add3A_25, %dma_wait3A_146] : memref<8192x128xf32, #tpu.memory_space<hbm>> -> memref<32x128xf32, #tpu.memory_space<hbm>>
      tpu.wait_dma2 semaphore(%run_scoped3A : memref<!tpu.dma_semaphore, #tpu.memory_space<semaphore_mem>>) src(%arg10 : memref<32x128xf32, #tpu.memory_space<vmem>>) dst(%dma_wait3A_147 : memref<32x128xf32, #tpu.memory_space<hbm>>)
      tpu.yield
    }) : () -> ()
    %dma_start3A_26 = arith.constant 256 : i32
    %dma_start3A_27 = tpu.memref_slice %arg6[%dma_start3A_26] : memref<1024xi32, #tpu.memory_space<vmem>> -> memref<128xi32, #tpu.memory_space<vmem>>
    %dma_start3A_28 = arith.constant 0 : i32
    %dma_start3A_29 = arith.constant 0 : i32
    %dma_start3A_30 = tpu.memref_slice %arg2[%dma_start3A_28, %dma_start3A_29] : memref<8192x128xf32, #tpu.memory_space<hbm>> -> memref<8192x128xf32, #tpu.memory_space<hbm>>
    tpu.enqueue_indirect_dma source(%dma_start3A_30 : memref<8192x128xf32, #tpu.memory_space<hbm>>) target(%arg8 : memref<128x128xf32, #tpu.memory_space<vmem>>) offsets(%dma_start3A_27 : memref<128xi32, #tpu.memory_space<vmem>>) semaphore(%arg11 : memref<!tpu.dma_semaphore, #tpu.memory_space<semaphore_mem>>)
    %dma_wait3A_31 = arith.constant 128 : i32
    %dma_wait3A_32 = tpu.memref_slice %arg6[%dma_wait3A_31] : memref<1024xi32, #tpu.memory_space<vmem>> -> memref<128xi32, #tpu.memory_space<vmem>>
    %dma_wait3A_33 = arith.constant 0 : i32
    %dma_wait3A_34 = arith.constant 0 : i32
    %dma_wait3A_35 = tpu.memref_slice %arg2[%dma_wait3A_33, %dma_wait3A_34] : memref<8192x128xf32, #tpu.memory_space<hbm>> -> memref<8192x128xf32, #tpu.memory_space<hbm>>
    tpu.wait_indirect_dma semaphore(%arg12 : memref<!tpu.dma_semaphore, #tpu.memory_space<semaphore_mem>>) src(%dma_wait3A_35 : memref<8192x128xf32, #tpu.memory_space<hbm>>) dst(%arg9 : memref<128x128xf32, #tpu.memory_space<vmem>>)
    %scan3A_36 = arith.constant 0 : i32
    %scan3A_37 = arith.constant 32 : i32
    %scan3A_38 = arith.addi %scan3A_36, %scan3A_37 : i32
    %scan3A_39 = arith.constant 1 : i32
    scf.for %scan3A_140 = %scan3A_36 to %scan3A_38 step %scan3A_39  : i32 {
      %mul3A_141 = arith.constant 4 : i32
      %mul3A_142 = arith.muli %scan3A_140, %mul3A_141 : i32
      %add3A_143 = arith.constant 128 : i32
      %add3A_144 = arith.addi %add3A_143, %mul3A_142 : i32
      %add3A_145 = arith.constant 0 : i32
      %add3A_146 = arith.addi %add3A_144, %add3A_145 : i32
      %broadcast_in_dim3A = vector.broadcast %add3A_146 : i32 to vector<16xi32>
      %gather3A = tpu.vector_load_idx %arg7[%broadcast_in_dim3A] : memref<1024xf32, #tpu.memory_space<vmem>>[vector<16xi32>], vector<16xf32>,
      %add3A_147 = arith.constant 128 : i32
      %add3A_148 = arith.addi %add3A_147, %mul3A_142 : i32
      %add3A_149 = arith.constant 1 : i32
      %add3A_150 = arith.addi %add3A_148, %add3A_149 : i32
      %broadcast_in_dim3A_151 = vector.broadcast %add3A_150 : i32 to vector<16xi32>
      %gather3A_152 = tpu.vector_load_idx %arg7[%broadcast_in_dim3A_151] : memref<1024xf32, #tpu.memory_space<vmem>>[vector<16xi32>], vector<16xf32>,
      %add3A_153 = arith.constant 128 : i32
      %add3A_154 = arith.addi %add3A_153, %mul3A_142 : i32
      %add3A_155 = arith.constant 2 : i32
      %add3A_156 = arith.addi %add3A_154, %add3A_155 : i32
      %broadcast_in_dim3A_157 = vector.broadcast %add3A_156 : i32 to vector<16xi32>
      %gather3A_158 = tpu.vector_load_idx %arg7[%broadcast_in_dim3A_157] : memref<1024xf32, #tpu.memory_space<vmem>>[vector<16xi32>], vector<16xf32>,
      %add3A_159 = arith.constant 128 : i32
      %add3A_160 = arith.addi %add3A_159, %mul3A_142 : i32
      %add3A_161 = arith.constant 3 : i32
      %add3A_162 = arith.addi %add3A_160, %add3A_161 : i32
      %broadcast_in_dim3A_163 = vector.broadcast %add3A_162 : i32 to vector<16xi32>
      %gather3A_164 = tpu.vector_load_idx %arg7[%broadcast_in_dim3A_163] : memref<1024xf32, #tpu.memory_space<vmem>>[vector<16xi32>], vector<16xf32>,
      %get3A = arith.index_cast %mul3A_142 : i32 to index
      %get3A_165 = arith.constant 0 : index
      %get3A_166 = tpu.vector_load %arg9[%get3A, %get3A_165] {strides = array<i32>} : memref<128x128xf32, #tpu.memory_space<vmem>>, vector<16xf32>,
      %mul3A_167 = arith.mulf %gather3A, %get3A_166 : vector<16xf32>
      %add3A_168 = arith.constant 1 : i32
      %add3A_169 = arith.addi %mul3A_142, %add3A_168 : i32
      %get3A_170 = arith.index_cast %add3A_169 : i32 to index
      %get3A_171 = arith.constant 0 : index
      %get3A_172 = tpu.vector_load %arg9[%get3A_170, %get3A_171] {strides = array<i32>} : memref<128x128xf32, #tpu.memory_space<vmem>>, vector<16xf32>,
      %mul3A_173 = arith.mulf %gather3A_152, %get3A_172 : vector<16xf32>
      %add3A_174 = arith.addf %mul3A_167, %mul3A_173 : vector<16xf32>
      %add3A_175 = arith.constant 2 : i32
      %add3A_176 = arith.addi %mul3A_142, %add3A_175 : i32
      %get3A_177 = arith.index_cast %add3A_176 : i32 to index
      %get3A_178 = arith.constant 0 : index
      %get3A_179 = tpu.vector_load %arg9[%get3A_177, %get3A_178] {strides = array<i32>} : memref<128x128xf32, #tpu.memory_space<vmem>>, vector<16xf32>,
      %mul3A_180 = arith.mulf %gather3A_158, %get3A_179 : vector<16xf32>
      %add3A_181 = arith.addf %add3A_174, %mul3A_180 : vector<16xf32>
      %add3A_182 = arith.constant 3 : i32
      %add3A_183 = arith.addi %mul3A_142, %add3A_182 : i32
      %get3A_184 = arith.index_cast %add3A_183 : i32 to index
      %get3A_185 = arith.constant 0 : index
      %get3A_186 = tpu.vector_load %arg9[%get3A_184, %get3A_185] {strides = array<i32>} : memref<128x128xf32, #tpu.memory_space<vmem>>, vector<16xf32>,
      %mul3A_187 = arith.mulf %gather3A_164, %get3A_186 : vector<16xf32>
      %add3A_188 = arith.addf %add3A_181, %mul3A_187 : vector<16xf32>
      %swap3A = arith.index_cast %scan3A_140 : i32 to index
      %swap3A_189 = arith.constant 0 : index
      %swap3A_190 = tpu.vector_load %arg10[%swap3A, %swap3A_189] {strides = array<i32>} : memref<32x128xf32, #tpu.memory_space<vmem>>, vector<16xf32>,
      tpu.vector_store %arg10[%swap3A, %swap3A_189], %add3A_188 {strides = array<i32>} : memref<32x128xf32, #tpu.memory_space<vmem>>, vector<16xf32>,
      %get3A_191 = arith.index_cast %mul3A_142 : i32 to index
      %get3A_192 = arith.constant 16 : index
      %get3A_193 = tpu.vector_load %arg9[%get3A_191, %get3A_192] {strides = array<i32>} : memref<128x128xf32, #tpu.memory_space<vmem>>, vector<16xf32>,
      %mul3A_194 = arith.mulf %gather3A, %get3A_193 : vector<16xf32>
      %add3A_195 = arith.constant 1 : i32
      %add3A_196 = arith.addi %mul3A_142, %add3A_195 : i32
      %get3A_197 = arith.index_cast %add3A_196 : i32 to index
      %get3A_198 = arith.constant 16 : index
      %get3A_199 = tpu.vector_load %arg9[%get3A_197, %get3A_198] {strides = array<i32>} : memref<128x128xf32, #tpu.memory_space<vmem>>, vector<16xf32>,
      %mul3A_200 = arith.mulf %gather3A_152, %get3A_199 : vector<16xf32>
      %add3A_201 = arith.addf %mul3A_194, %mul3A_200 : vector<16xf32>
      %add3A_202 = arith.constant 2 : i32
      %add3A_203 = arith.addi %mul3A_142, %add3A_202 : i32
      %get3A_204 = arith.index_cast %add3A_203 : i32 to index
      %get3A_205 = arith.constant 16 : index
      %get3A_206 = tpu.vector_load %arg9[%get3A_204, %get3A_205] {strides = array<i32>} : memref<128x128xf32, #tpu.memory_space<vmem>>, vector<16xf32>,
      %mul3A_207 = arith.mulf %gather3A_158, %get3A_206 : vector<16xf32>
      %add3A_208 = arith.addf %add3A_201, %mul3A_207 : vector<16xf32>
      %add3A_209 = arith.constant 3 : i32
      %add3A_210 = arith.addi %mul3A_142, %add3A_209 : i32
      %get3A_211 = arith.index_cast %add3A_210 : i32 to index
      %get3A_212 = arith.constant 16 : index
      %get3A_213 = tpu.vector_load %arg9[%get3A_211, %get3A_212] {strides = array<i32>} : memref<128x128xf32, #tpu.memory_space<vmem>>, vector<16xf32>,
      %mul3A_214 = arith.mulf %gather3A_164, %get3A_213 : vector<16xf32>
      %add3A_215 = arith.addf %add3A_208, %mul3A_214 : vector<16xf32>
      %swap3A_216 = arith.index_cast %scan3A_140 : i32 to index
      %swap3A_217 = arith.constant 16 : index
      %swap3A_218 = tpu.vector_load %arg10[%swap3A_216, %swap3A_217] {strides = array<i32>} : memref<32x128xf32, #tpu.memory_space<vmem>>, vector<16xf32>,
      tpu.vector_store %arg10[%swap3A_216, %swap3A_217], %add3A_215 {strides = array<i32>} : memref<32x128xf32, #tpu.memory_space<vmem>>, vector<16xf32>,
      %get3A_219 = arith.index_cast %mul3A_142 : i32 to index
      %get3A_220 = arith.constant 32 : index
      %get3A_221 = tpu.vector_load %arg9[%get3A_219, %get3A_220] {strides = array<i32>} : memref<128x128xf32, #tpu.memory_space<vmem>>, vector<16xf32>,
      %mul3A_222 = arith.mulf %gather3A, %get3A_221 : vector<16xf32>
      %add3A_223 = arith.constant 1 : i32
      %add3A_224 = arith.addi %mul3A_142, %add3A_223 : i32
      %get3A_225 = arith.index_cast %add3A_224 : i32 to index
      %get3A_226 = arith.constant 32 : index
      %get3A_227 = tpu.vector_load %arg9[%get3A_225, %get3A_226] {strides = array<i32>} : memref<128x128xf32, #tpu.memory_space<vmem>>, vector<16xf32>,
      %mul3A_228 = arith.mulf %gather3A_152, %get3A_227 : vector<16xf32>
      %add3A_229 = arith.addf %mul3A_222, %mul3A_228 : vector<16xf32>
      %add3A_230 = arith.constant 2 : i32
      %add3A_231 = arith.addi %mul3A_142, %add3A_230 : i32
      %get3A_232 = arith.index_cast %add3A_231 : i32 to index
      %get3A_233 = arith.constant 32 : index
      %get3A_234 = tpu.vector_load %arg9[%get3A_232, %get3A_233] {strides = array<i32>} : memref<128x128xf32, #tpu.memory_space<vmem>>, vector<16xf32>,
      %mul3A_235 = arith.mulf %gather3A_158, %get3A_234 : vector<16xf32>
      %add3A_236 = arith.addf %add3A_229, %mul3A_235 : vector<16xf32>
      %add3A_237 = arith.constant 3 : i32
      %add3A_238 = arith.addi %mul3A_142, %add3A_237 : i32
      %get3A_239 = arith.index_cast %add3A_238 : i32 to index
      %get3A_240 = arith.constant 32 : index
      %get3A_241 = tpu.vector_load %arg9[%get3A_239, %get3A_240] {strides = array<i32>} : memref<128x128xf32, #tpu.memory_space<vmem>>, vector<16xf32>,
      %mul3A_242 = arith.mulf %gather3A_164, %get3A_241 : vector<16xf32>
      %add3A_243 = arith.addf %add3A_236, %mul3A_242 : vector<16xf32>
      %swap3A_244 = arith.index_cast %scan3A_140 : i32 to index
      %swap3A_245 = arith.constant 32 : index
      %swap3A_246 = tpu.vector_load %arg10[%swap3A_244, %swap3A_245] {strides = array<i32>} : memref<32x128xf32, #tpu.memory_space<vmem>>, vector<16xf32>,
      tpu.vector_store %arg10[%swap3A_244, %swap3A_245], %add3A_243 {strides = array<i32>} : memref<32x128xf32, #tpu.memory_space<vmem>>, vector<16xf32>,
      %get3A_247 = arith.index_cast %mul3A_142 : i32 to index
      %get3A_248 = arith.constant 48 : index
      %get3A_249 = tpu.vector_load %arg9[%get3A_247, %get3A_248] {strides = array<i32>} : memref<128x128xf32, #tpu.memory_space<vmem>>, vector<16xf32>,
      %mul3A_250 = arith.mulf %gather3A, %get3A_249 : vector<16xf32>
      %add3A_251 = arith.constant 1 : i32
      %add3A_252 = arith.addi %mul3A_142, %add3A_251 : i32
      %get3A_253 = arith.index_cast %add3A_252 : i32 to index
      %get3A_254 = arith.constant 48 : index
      %get3A_255 = tpu.vector_load %arg9[%get3A_253, %get3A_254] {strides = array<i32>} : memref<128x128xf32, #tpu.memory_space<vmem>>, vector<16xf32>,
      %mul3A_256 = arith.mulf %gather3A_152, %get3A_255 : vector<16xf32>
      %add3A_257 = arith.addf %mul3A_250, %mul3A_256 : vector<16xf32>
      %add3A_258 = arith.constant 2 : i32
      %add3A_259 = arith.addi %mul3A_142, %add3A_258 : i32
      %get3A_260 = arith.index_cast %add3A_259 : i32 to index
      %get3A_261 = arith.constant 48 : index
      %get3A_262 = tpu.vector_load %arg9[%get3A_260, %get3A_261] {strides = array<i32>} : memref<128x128xf32, #tpu.memory_space<vmem>>, vector<16xf32>,
      %mul3A_263 = arith.mulf %gather3A_158, %get3A_262 : vector<16xf32>
      %add3A_264 = arith.addf %add3A_257, %mul3A_263 : vector<16xf32>
      %add3A_265 = arith.constant 3 : i32
      %add3A_266 = arith.addi %mul3A_142, %add3A_265 : i32
      %get3A_267 = arith.index_cast %add3A_266 : i32 to index
      %get3A_268 = arith.constant 48 : index
      %get3A_269 = tpu.vector_load %arg9[%get3A_267, %get3A_268] {strides = array<i32>} : memref<128x128xf32, #tpu.memory_space<vmem>>, vector<16xf32>,
      %mul3A_270 = arith.mulf %gather3A_164, %get3A_269 : vector<16xf32>
      %add3A_271 = arith.addf %add3A_264, %mul3A_270 : vector<16xf32>
      %swap3A_272 = arith.index_cast %scan3A_140 : i32 to index
      %swap3A_273 = arith.constant 48 : index
      %swap3A_274 = tpu.vector_load %arg10[%swap3A_272, %swap3A_273] {strides = array<i32>} : memref<32x128xf32, #tpu.memory_space<vmem>>, vector<16xf32>,
      tpu.vector_store %arg10[%swap3A_272, %swap3A_273], %add3A_271 {strides = array<i32>} : memref<32x128xf32, #tpu.memory_space<vmem>>, vector<16xf32>,
      %get3A_275 = arith.index_cast %mul3A_142 : i32 to index
      %get3A_276 = arith.constant 64 : index
      %get3A_277 = tpu.vector_load %arg9[%get3A_275, %get3A_276] {strides = array<i32>} : memref<128x128xf32, #tpu.memory_space<vmem>>, vector<16xf32>,
      %mul3A_278 = arith.mulf %gather3A, %get3A_277 : vector<16xf32>
      %add3A_279 = arith.constant 1 : i32
      %add3A_280 = arith.addi %mul3A_142, %add3A_279 : i32
      %get3A_281 = arith.index_cast %add3A_280 : i32 to index
      %get3A_282 = arith.constant 64 : index
      %get3A_283 = tpu.vector_load %arg9[%get3A_281, %get3A_282] {strides = array<i32>} : memref<128x128xf32, #tpu.memory_space<vmem>>, vector<16xf32>,
      %mul3A_284 = arith.mulf %gather3A_152, %get3A_283 : vector<16xf32>
      %add3A_285 = arith.addf %mul3A_278, %mul3A_284 : vector<16xf32>
      %add3A_286 = arith.constant 2 : i32
      %add3A_287 = arith.addi %mul3A_142, %add3A_286 : i32
      %get3A_288 = arith.index_cast %add3A_287 : i32 to index
      %get3A_289 = arith.constant 64 : index
      %get3A_290 = tpu.vector_load %arg9[%get3A_288, %get3A_289] {strides = array<i32>} : memref<128x128xf32, #tpu.memory_space<vmem>>, vector<16xf32>,
      %mul3A_291 = arith.mulf %gather3A_158, %get3A_290 : vector<16xf32>
      %add3A_292 = arith.addf %add3A_285, %mul3A_291 : vector<16xf32>
      %add3A_293 = arith.constant 3 : i32
      %add3A_294 = arith.addi %mul3A_142, %add3A_293 : i32
      %get3A_295 = arith.index_cast %add3A_294 : i32 to index
      %get3A_296 = arith.constant 64 : index
      %get3A_297 = tpu.vector_load %arg9[%get3A_295, %get3A_296] {strides = array<i32>} : memref<128x128xf32, #tpu.memory_space<vmem>>, vector<16xf32>,
      %mul3A_298 = arith.mulf %gather3A_164, %get3A_297 : vector<16xf32>
      %add3A_299 = arith.addf %add3A_292, %mul3A_298 : vector<16xf32>
      %swap3A_300 = arith.index_cast %scan3A_140 : i32 to index
      %swap3A_301 = arith.constant 64 : index
      %swap3A_302 = tpu.vector_load %arg10[%swap3A_300, %swap3A_301] {strides = array<i32>} : memref<32x128xf32, #tpu.memory_space<vmem>>, vector<16xf32>,
      tpu.vector_store %arg10[%swap3A_300, %swap3A_301], %add3A_299 {strides = array<i32>} : memref<32x128xf32, #tpu.memory_space<vmem>>, vector<16xf32>,
      %get3A_303 = arith.index_cast %mul3A_142 : i32 to index
      %get3A_304 = arith.constant 80 : index
      %get3A_305 = tpu.vector_load %arg9[%get3A_303, %get3A_304] {strides = array<i32>} : memref<128x128xf32, #tpu.memory_space<vmem>>, vector<16xf32>,
      %mul3A_306 = arith.mulf %gather3A, %get3A_305 : vector<16xf32>
      %add3A_307 = arith.constant 1 : i32
      %add3A_308 = arith.addi %mul3A_142, %add3A_307 : i32
      %get3A_309 = arith.index_cast %add3A_308 : i32 to index
      %get3A_310 = arith.constant 80 : index
      %get3A_311 = tpu.vector_load %arg9[%get3A_309, %get3A_310] {strides = array<i32>} : memref<128x128xf32, #tpu.memory_space<vmem>>, vector<16xf32>,
      %mul3A_312 = arith.mulf %gather3A_152, %get3A_311 : vector<16xf32>
      %add3A_313 = arith.addf %mul3A_306, %mul3A_312 : vector<16xf32>
      %add3A_314 = arith.constant 2 : i32
      %add3A_315 = arith.addi %mul3A_142, %add3A_314 : i32
      %get3A_316 = arith.index_cast %add3A_315 : i32 to index
      %get3A_317 = arith.constant 80 : index
      %get3A_318 = tpu.vector_load %arg9[%get3A_316, %get3A_317] {strides = array<i32>} : memref<128x128xf32, #tpu.memory_space<vmem>>, vector<16xf32>,
      %mul3A_319 = arith.mulf %gather3A_158, %get3A_318 : vector<16xf32>
      %add3A_320 = arith.addf %add3A_313, %mul3A_319 : vector<16xf32>
      %add3A_321 = arith.constant 3 : i32
      %add3A_322 = arith.addi %mul3A_142, %add3A_321 : i32
      %get3A_323 = arith.index_cast %add3A_322 : i32 to index
      %get3A_324 = arith.constant 80 : index
      %get3A_325 = tpu.vector_load %arg9[%get3A_323, %get3A_324] {strides = array<i32>} : memref<128x128xf32, #tpu.memory_space<vmem>>, vector<16xf32>,
      %mul3A_326 = arith.mulf %gather3A_164, %get3A_325 : vector<16xf32>
      %add3A_327 = arith.addf %add3A_320, %mul3A_326 : vector<16xf32>
      %swap3A_328 = arith.index_cast %scan3A_140 : i32 to index
      %swap3A_329 = arith.constant 80 : index
      %swap3A_330 = tpu.vector_load %arg10[%swap3A_328, %swap3A_329] {strides = array<i32>} : memref<32x128xf32, #tpu.memory_space<vmem>>, vector<16xf32>,
      tpu.vector_store %arg10[%swap3A_328, %swap3A_329], %add3A_327 {strides = array<i32>} : memref<32x128xf32, #tpu.memory_space<vmem>>, vector<16xf32>,
      %get3A_331 = arith.index_cast %mul3A_142 : i32 to index
      %get3A_332 = arith.constant 96 : index
      %get3A_333 = tpu.vector_load %arg9[%get3A_331, %get3A_332] {strides = array<i32>} : memref<128x128xf32, #tpu.memory_space<vmem>>, vector<16xf32>,
      %mul3A_334 = arith.mulf %gather3A, %get3A_333 : vector<16xf32>
      %add3A_335 = arith.constant 1 : i32
      %add3A_336 = arith.addi %mul3A_142, %add3A_335 : i32
      %get3A_337 = arith.index_cast %add3A_336 : i32 to index
      %get3A_338 = arith.constant 96 : index
      %get3A_339 = tpu.vector_load %arg9[%get3A_337, %get3A_338] {strides = array<i32>} : memref<128x128xf32, #tpu.memory_space<vmem>>, vector<16xf32>,
      %mul3A_340 = arith.mulf %gather3A_152, %get3A_339 : vector<16xf32>
      %add3A_341 = arith.addf %mul3A_334, %mul3A_340 : vector<16xf32>
      %add3A_342 = arith.constant 2 : i32
      %add3A_343 = arith.addi %mul3A_142, %add3A_342 : i32
      %get3A_344 = arith.index_cast %add3A_343 : i32 to index
      %get3A_345 = arith.constant 96 : index
      %get3A_346 = tpu.vector_load %arg9[%get3A_344, %get3A_345] {strides = array<i32>} : memref<128x128xf32, #tpu.memory_space<vmem>>, vector<16xf32>,
      %mul3A_347 = arith.mulf %gather3A_158, %get3A_346 : vector<16xf32>
      %add3A_348 = arith.addf %add3A_341, %mul3A_347 : vector<16xf32>
      %add3A_349 = arith.constant 3 : i32
      %add3A_350 = arith.addi %mul3A_142, %add3A_349 : i32
      %get3A_351 = arith.index_cast %add3A_350 : i32 to index
      %get3A_352 = arith.constant 96 : index
      %get3A_353 = tpu.vector_load %arg9[%get3A_351, %get3A_352] {strides = array<i32>} : memref<128x128xf32, #tpu.memory_space<vmem>>, vector<16xf32>,
      %mul3A_354 = arith.mulf %gather3A_164, %get3A_353 : vector<16xf32>
      %add3A_355 = arith.addf %add3A_348, %mul3A_354 : vector<16xf32>
      %swap3A_356 = arith.index_cast %scan3A_140 : i32 to index
      %swap3A_357 = arith.constant 96 : index
      %swap3A_358 = tpu.vector_load %arg10[%swap3A_356, %swap3A_357] {strides = array<i32>} : memref<32x128xf32, #tpu.memory_space<vmem>>, vector<16xf32>,
      tpu.vector_store %arg10[%swap3A_356, %swap3A_357], %add3A_355 {strides = array<i32>} : memref<32x128xf32, #tpu.memory_space<vmem>>, vector<16xf32>,
      %get3A_359 = arith.index_cast %mul3A_142 : i32 to index
      %get3A_360 = arith.constant 112 : index
      %get3A_361 = tpu.vector_load %arg9[%get3A_359, %get3A_360] {strides = array<i32>} : memref<128x128xf32, #tpu.memory_space<vmem>>, vector<16xf32>,
      %mul3A_362 = arith.mulf %gather3A, %get3A_361 : vector<16xf32>
      %add3A_363 = arith.constant 1 : i32
      %add3A_364 = arith.addi %mul3A_142, %add3A_363 : i32
      %get3A_365 = arith.index_cast %add3A_364 : i32 to index
      %get3A_366 = arith.constant 112 : index
      %get3A_367 = tpu.vector_load %arg9[%get3A_365, %get3A_366] {strides = array<i32>} : memref<128x128xf32, #tpu.memory_space<vmem>>, vector<16xf32>,
      %mul3A_368 = arith.mulf %gather3A_152, %get3A_367 : vector<16xf32>
      %add3A_369 = arith.addf %mul3A_362, %mul3A_368 : vector<16xf32>
      %add3A_370 = arith.constant 2 : i32
      %add3A_371 = arith.addi %mul3A_142, %add3A_370 : i32
      %get3A_372 = arith.index_cast %add3A_371 : i32 to index
      %get3A_373 = arith.constant 112 : index
      %get3A_374 = tpu.vector_load %arg9[%get3A_372, %get3A_373] {strides = array<i32>} : memref<128x128xf32, #tpu.memory_space<vmem>>, vector<16xf32>,
      %mul3A_375 = arith.mulf %gather3A_158, %get3A_374 : vector<16xf32>
      %add3A_376 = arith.addf %add3A_369, %mul3A_375 : vector<16xf32>
      %add3A_377 = arith.constant 3 : i32
      %add3A_378 = arith.addi %mul3A_142, %add3A_377 : i32
      %get3A_379 = arith.index_cast %add3A_378 : i32 to index
      %get3A_380 = arith.constant 112 : index
      %get3A_381 = tpu.vector_load %arg9[%get3A_379, %get3A_380] {strides = array<i32>} : memref<128x128xf32, #tpu.memory_space<vmem>>, vector<16xf32>,
      %mul3A_382 = arith.mulf %gather3A_164, %get3A_381 : vector<16xf32>
      %add3A_383 = arith.addf %add3A_376, %mul3A_382 : vector<16xf32>
      %swap3A_384 = arith.index_cast %scan3A_140 : i32 to index
      %swap3A_385 = arith.constant 112 : index
      %swap3A_386 = tpu.vector_load %arg10[%swap3A_384, %swap3A_385] {strides = array<i32>} : memref<32x128xf32, #tpu.memory_space<vmem>>, vector<16xf32>,
      tpu.vector_store %arg10[%swap3A_384, %swap3A_385], %add3A_383 {strides = array<i32>} : memref<32x128xf32, #tpu.memory_space<vmem>>, vector<16xf32>,
    }
    %scan3A_40 = arith.constant 32 : i32
    %add3A_41 = arith.constant 32 : i32
    %add3A_42 = arith.addi %mul3A_2, %add3A_41 : i32
    "tpu.region"() ({
      %run_scoped3A = tpu.sem_alloc : memref<!tpu.dma_semaphore, #tpu.memory_space<semaphore_mem>>
      %dma_start3A_140 = arith.constant 0 : i32
      %dma_start3A_141 = tpu.memref_slice %arg5[%add3A_42, %dma_start3A_140] : memref<8192x128xf32, #tpu.memory_space<hbm>> -> memref<32x128xf32, #tpu.memory_space<hbm>>
      %dma_start3A_142 = arith.constant 0 : i32
      %dma_start3A_143 = tpu.memref_slice %arg5[%add3A_42, %dma_start3A_142] : memref<8192x128xf32, #tpu.memory_space<hbm>> -> memref<32x128xf32, #tpu.memory_space<hbm>>
      tpu.enqueue_dma source(%arg10 : memref<32x128xf32, #tpu.memory_space<vmem>>) target(%dma_start3A_143 : memref<32x128xf32, #tpu.memory_space<hbm>>) target_semaphore(%run_scoped3A : memref<!tpu.dma_semaphore, #tpu.memory_space<semaphore_mem>>)
      %dma_wait3A_144 = arith.constant 0 : i32
      %dma_wait3A_145 = tpu.memref_slice %arg5[%add3A_42, %dma_wait3A_144] : memref<8192x128xf32, #tpu.memory_space<hbm>> -> memref<32x128xf32, #tpu.memory_space<hbm>>
      %dma_wait3A_146 = arith.constant 0 : i32
      %dma_wait3A_147 = tpu.memref_slice %arg5[%add3A_42, %dma_wait3A_146] : memref<8192x128xf32, #tpu.memory_space<hbm>> -> memref<32x128xf32, #tpu.memory_space<hbm>>
      tpu.wait_dma2 semaphore(%run_scoped3A : memref<!tpu.dma_semaphore, #tpu.memory_space<semaphore_mem>>) src(%arg10 : memref<32x128xf32, #tpu.memory_space<vmem>>) dst(%dma_wait3A_147 : memref<32x128xf32, #tpu.memory_space<hbm>>)
      tpu.yield
    }) : () -> ()
    %dma_start3A_43 = arith.constant 384 : i32
    %dma_start3A_44 = tpu.memref_slice %arg6[%dma_start3A_43] : memref<1024xi32, #tpu.memory_space<vmem>> -> memref<128xi32, #tpu.memory_space<vmem>>
    %dma_start3A_45 = arith.constant 0 : i32
    %dma_start3A_46 = arith.constant 0 : i32
    %dma_start3A_47 = tpu.memref_slice %arg2[%dma_start3A_45, %dma_start3A_46] : memref<8192x128xf32, #tpu.memory_space<hbm>> -> memref<8192x128xf32, #tpu.memory_space<hbm>>
    tpu.enqueue_indirect_dma source(%dma_start3A_47 : memref<8192x128xf32, #tpu.memory_space<hbm>>) target(%arg9 : memref<128x128xf32, #tpu.memory_space<vmem>>) offsets(%dma_start3A_44 : memref<128xi32, #tpu.memory_space<vmem>>) semaphore(%arg12 : memref<!tpu.dma_semaphore, #tpu.memory_space<semaphore_mem>>)
    %dma_wait3A_48 = arith.constant 256 : i32
    %dma_wait3A_49 = tpu.memref_slice %arg6[%dma_wait3A_48] : memref<1024xi32, #tpu.memory_space<vmem>> -> memref<128xi32, #tpu.memory_space<vmem>>
    %dma_wait3A_50 = arith.constant 0 : i32
    %dma_wait3A_51 = arith.constant 0 : i32
    %dma_wait3A_52 = tpu.memref_slice %arg2[%dma_wait3A_50, %dma_wait3A_51] : memref<8192x128xf32, #tpu.memory_space<hbm>> -> memref<8192x128xf32, #tpu.memory_space<hbm>>
    tpu.wait_indirect_dma semaphore(%arg11 : memref<!tpu.dma_semaphore, #tpu.memory_space<semaphore_mem>>) src(%dma_wait3A_52 : memref<8192x128xf32, #tpu.memory_space<hbm>>) dst(%arg8 : memref<128x128xf32, #tpu.memory_space<vmem>>)
    %scan3A_53 = arith.constant 0 : i32
    %scan3A_54 = arith.constant 32 : i32
    %scan3A_55 = arith.addi %scan3A_53, %scan3A_54 : i32
    %scan3A_56 = arith.constant 1 : i32
    scf.for %scan3A_140 = %scan3A_53 to %scan3A_55 step %scan3A_56  : i32 {
      %mul3A_141 = arith.constant 4 : i32
      %mul3A_142 = arith.muli %scan3A_140, %mul3A_141 : i32
      %add3A_143 = arith.constant 256 : i32
      %add3A_144 = arith.addi %add3A_143, %mul3A_142 : i32
      %add3A_145 = arith.constant 0 : i32
      %add3A_146 = arith.addi %add3A_144, %add3A_145 : i32
      %broadcast_in_dim3A = vector.broadcast %add3A_146 : i32 to vector<16xi32>
      %gather3A = tpu.vector_load_idx %arg7[%broadcast_in_dim3A] : memref<1024xf32, #tpu.memory_space<vmem>>[vector<16xi32>], vector<16xf32>,
      %add3A_147 = arith.constant 256 : i32
      %add3A_148 = arith.addi %add3A_147, %mul3A_142 : i32
      %add3A_149 = arith.constant 1 : i32
      %add3A_150 = arith.addi %add3A_148, %add3A_149 : i32
      %broadcast_in_dim3A_151 = vector.broadcast %add3A_150 : i32 to vector<16xi32>
      %gather3A_152 = tpu.vector_load_idx %arg7[%broadcast_in_dim3A_151] : memref<1024xf32, #tpu.memory_space<vmem>>[vector<16xi32>], vector<16xf32>,
      %add3A_153 = arith.constant 256 : i32
      %add3A_154 = arith.addi %add3A_153, %mul3A_142 : i32
      %add3A_155 = arith.constant 2 : i32
      %add3A_156 = arith.addi %add3A_154, %add3A_155 : i32
      %broadcast_in_dim3A_157 = vector.broadcast %add3A_156 : i32 to vector<16xi32>
      %gather3A_158 = tpu.vector_load_idx %arg7[%broadcast_in_dim3A_157] : memref<1024xf32, #tpu.memory_space<vmem>>[vector<16xi32>], vector<16xf32>,
      %add3A_159 = arith.constant 256 : i32
      %add3A_160 = arith.addi %add3A_159, %mul3A_142 : i32
      %add3A_161 = arith.constant 3 : i32
      %add3A_162 = arith.addi %add3A_160, %add3A_161 : i32
      %broadcast_in_dim3A_163 = vector.broadcast %add3A_162 : i32 to vector<16xi32>
      %gather3A_164 = tpu.vector_load_idx %arg7[%broadcast_in_dim3A_163] : memref<1024xf32, #tpu.memory_space<vmem>>[vector<16xi32>], vector<16xf32>,
      %get3A = arith.index_cast %mul3A_142 : i32 to index
      %get3A_165 = arith.constant 0 : index
      %get3A_166 = tpu.vector_load %arg8[%get3A, %get3A_165] {strides = array<i32>} : memref<128x128xf32, #tpu.memory_space<vmem>>, vector<16xf32>,
      %mul3A_167 = arith.mulf %gather3A, %get3A_166 : vector<16xf32>
      %add3A_168 = arith.constant 1 : i32
      %add3A_169 = arith.addi %mul3A_142, %add3A_168 : i32
      %get3A_170 = arith.index_cast %add3A_169 : i32 to index
      %get3A_171 = arith.constant 0 : index
      %get3A_172 = tpu.vector_load %arg8[%get3A_170, %get3A_171] {strides = array<i32>} : memref<128x128xf32, #tpu.memory_space<vmem>>, vector<16xf32>,
      %mul3A_173 = arith.mulf %gather3A_152, %get3A_172 : vector<16xf32>
      %add3A_174 = arith.addf %mul3A_167, %mul3A_173 : vector<16xf32>
      %add3A_175 = arith.constant 2 : i32
      %add3A_176 = arith.addi %mul3A_142, %add3A_175 : i32
      %get3A_177 = arith.index_cast %add3A_176 : i32 to index
      %get3A_178 = arith.constant 0 : index
      %get3A_179 = tpu.vector_load %arg8[%get3A_177, %get3A_178] {strides = array<i32>} : memref<128x128xf32, #tpu.memory_space<vmem>>, vector<16xf32>,
      %mul3A_180 = arith.mulf %gather3A_158, %get3A_179 : vector<16xf32>
      %add3A_181 = arith.addf %add3A_174, %mul3A_180 : vector<16xf32>
      %add3A_182 = arith.constant 3 : i32
      %add3A_183 = arith.addi %mul3A_142, %add3A_182 : i32
      %get3A_184 = arith.index_cast %add3A_183 : i32 to index
      %get3A_185 = arith.constant 0 : index
      %get3A_186 = tpu.vector_load %arg8[%get3A_184, %get3A_185] {strides = array<i32>} : memref<128x128xf32, #tpu.memory_space<vmem>>, vector<16xf32>,
      %mul3A_187 = arith.mulf %gather3A_164, %get3A_186 : vector<16xf32>
      %add3A_188 = arith.addf %add3A_181, %mul3A_187 : vector<16xf32>
      %swap3A = arith.index_cast %scan3A_140 : i32 to index
      %swap3A_189 = arith.constant 0 : index
      %swap3A_190 = tpu.vector_load %arg10[%swap3A, %swap3A_189] {strides = array<i32>} : memref<32x128xf32, #tpu.memory_space<vmem>>, vector<16xf32>,
      tpu.vector_store %arg10[%swap3A, %swap3A_189], %add3A_188 {strides = array<i32>} : memref<32x128xf32, #tpu.memory_space<vmem>>, vector<16xf32>,
      %get3A_191 = arith.index_cast %mul3A_142 : i32 to index
      %get3A_192 = arith.constant 16 : index
      %get3A_193 = tpu.vector_load %arg8[%get3A_191, %get3A_192] {strides = array<i32>} : memref<128x128xf32, #tpu.memory_space<vmem>>, vector<16xf32>,
      %mul3A_194 = arith.mulf %gather3A, %get3A_193 : vector<16xf32>
      %add3A_195 = arith.constant 1 : i32
      %add3A_196 = arith.addi %mul3A_142, %add3A_195 : i32
      %get3A_197 = arith.index_cast %add3A_196 : i32 to index
      %get3A_198 = arith.constant 16 : index
      %get3A_199 = tpu.vector_load %arg8[%get3A_197, %get3A_198] {strides = array<i32>} : memref<128x128xf32, #tpu.memory_space<vmem>>, vector<16xf32>,
      %mul3A_200 = arith.mulf %gather3A_152, %get3A_199 : vector<16xf32>
      %add3A_201 = arith.addf %mul3A_194, %mul3A_200 : vector<16xf32>
      %add3A_202 = arith.constant 2 : i32
      %add3A_203 = arith.addi %mul3A_142, %add3A_202 : i32
      %get3A_204 = arith.index_cast %add3A_203 : i32 to index
      %get3A_205 = arith.constant 16 : index
      %get3A_206 = tpu.vector_load %arg8[%get3A_204, %get3A_205] {strides = array<i32>} : memref<128x128xf32, #tpu.memory_space<vmem>>, vector<16xf32>,
      %mul3A_207 = arith.mulf %gather3A_158, %get3A_206 : vector<16xf32>
      %add3A_208 = arith.addf %add3A_201, %mul3A_207 : vector<16xf32>
      %add3A_209 = arith.constant 3 : i32
      %add3A_210 = arith.addi %mul3A_142, %add3A_209 : i32
      %get3A_211 = arith.index_cast %add3A_210 : i32 to index
      %get3A_212 = arith.constant 16 : index
      %get3A_213 = tpu.vector_load %arg8[%get3A_211, %get3A_212] {strides = array<i32>} : memref<128x128xf32, #tpu.memory_space<vmem>>, vector<16xf32>,
      %mul3A_214 = arith.mulf %gather3A_164, %get3A_213 : vector<16xf32>
      %add3A_215 = arith.addf %add3A_208, %mul3A_214 : vector<16xf32>
      %swap3A_216 = arith.index_cast %scan3A_140 : i32 to index
      %swap3A_217 = arith.constant 16 : index
      %swap3A_218 = tpu.vector_load %arg10[%swap3A_216, %swap3A_217] {strides = array<i32>} : memref<32x128xf32, #tpu.memory_space<vmem>>, vector<16xf32>,
      tpu.vector_store %arg10[%swap3A_216, %swap3A_217], %add3A_215 {strides = array<i32>} : memref<32x128xf32, #tpu.memory_space<vmem>>, vector<16xf32>,
      %get3A_219 = arith.index_cast %mul3A_142 : i32 to index
      %get3A_220 = arith.constant 32 : index
      %get3A_221 = tpu.vector_load %arg8[%get3A_219, %get3A_220] {strides = array<i32>} : memref<128x128xf32, #tpu.memory_space<vmem>>, vector<16xf32>,
      %mul3A_222 = arith.mulf %gather3A, %get3A_221 : vector<16xf32>
      %add3A_223 = arith.constant 1 : i32
      %add3A_224 = arith.addi %mul3A_142, %add3A_223 : i32
      %get3A_225 = arith.index_cast %add3A_224 : i32 to index
      %get3A_226 = arith.constant 32 : index
      %get3A_227 = tpu.vector_load %arg8[%get3A_225, %get3A_226] {strides = array<i32>} : memref<128x128xf32, #tpu.memory_space<vmem>>, vector<16xf32>,
      %mul3A_228 = arith.mulf %gather3A_152, %get3A_227 : vector<16xf32>
      %add3A_229 = arith.addf %mul3A_222, %mul3A_228 : vector<16xf32>
      %add3A_230 = arith.constant 2 : i32
      %add3A_231 = arith.addi %mul3A_142, %add3A_230 : i32
      %get3A_232 = arith.index_cast %add3A_231 : i32 to index
      %get3A_233 = arith.constant 32 : index
      %get3A_234 = tpu.vector_load %arg8[%get3A_232, %get3A_233] {strides = array<i32>} : memref<128x128xf32, #tpu.memory_space<vmem>>, vector<16xf32>,
      %mul3A_235 = arith.mulf %gather3A_158, %get3A_234 : vector<16xf32>
      %add3A_236 = arith.addf %add3A_229, %mul3A_235 : vector<16xf32>
      %add3A_237 = arith.constant 3 : i32
      %add3A_238 = arith.addi %mul3A_142, %add3A_237 : i32
      %get3A_239 = arith.index_cast %add3A_238 : i32 to index
      %get3A_240 = arith.constant 32 : index
      %get3A_241 = tpu.vector_load %arg8[%get3A_239, %get3A_240] {strides = array<i32>} : memref<128x128xf32, #tpu.memory_space<vmem>>, vector<16xf32>,
      %mul3A_242 = arith.mulf %gather3A_164, %get3A_241 : vector<16xf32>
      %add3A_243 = arith.addf %add3A_236, %mul3A_242 : vector<16xf32>
      %swap3A_244 = arith.index_cast %scan3A_140 : i32 to index
      %swap3A_245 = arith.constant 32 : index
      %swap3A_246 = tpu.vector_load %arg10[%swap3A_244, %swap3A_245] {strides = array<i32>} : memref<32x128xf32, #tpu.memory_space<vmem>>, vector<16xf32>,
      tpu.vector_store %arg10[%swap3A_244, %swap3A_245], %add3A_243 {strides = array<i32>} : memref<32x128xf32, #tpu.memory_space<vmem>>, vector<16xf32>,
      %get3A_247 = arith.index_cast %mul3A_142 : i32 to index
      %get3A_248 = arith.constant 48 : index
      %get3A_249 = tpu.vector_load %arg8[%get3A_247, %get3A_248] {strides = array<i32>} : memref<128x128xf32, #tpu.memory_space<vmem>>, vector<16xf32>,
      %mul3A_250 = arith.mulf %gather3A, %get3A_249 : vector<16xf32>
      %add3A_251 = arith.constant 1 : i32
      %add3A_252 = arith.addi %mul3A_142, %add3A_251 : i32
      %get3A_253 = arith.index_cast %add3A_252 : i32 to index
      %get3A_254 = arith.constant 48 : index
      %get3A_255 = tpu.vector_load %arg8[%get3A_253, %get3A_254] {strides = array<i32>} : memref<128x128xf32, #tpu.memory_space<vmem>>, vector<16xf32>,
      %mul3A_256 = arith.mulf %gather3A_152, %get3A_255 : vector<16xf32>
      %add3A_257 = arith.addf %mul3A_250, %mul3A_256 : vector<16xf32>
      %add3A_258 = arith.constant 2 : i32
      %add3A_259 = arith.addi %mul3A_142, %add3A_258 : i32
      %get3A_260 = arith.index_cast %add3A_259 : i32 to index
      %get3A_261 = arith.constant 48 : index
      %get3A_262 = tpu.vector_load %arg8[%get3A_260, %get3A_261] {strides = array<i32>} : memref<128x128xf32, #tpu.memory_space<vmem>>, vector<16xf32>,
      %mul3A_263 = arith.mulf %gather3A_158, %get3A_262 : vector<16xf32>
      %add3A_264 = arith.addf %add3A_257, %mul3A_263 : vector<16xf32>
      %add3A_265 = arith.constant 3 : i32
      %add3A_266 = arith.addi %mul3A_142, %add3A_265 : i32
      %get3A_267 = arith.index_cast %add3A_266 : i32 to index
      %get3A_268 = arith.constant 48 : index
      %get3A_269 = tpu.vector_load %arg8[%get3A_267, %get3A_268] {strides = array<i32>} : memref<128x128xf32, #tpu.memory_space<vmem>>, vector<16xf32>,
      %mul3A_270 = arith.mulf %gather3A_164, %get3A_269 : vector<16xf32>
      %add3A_271 = arith.addf %add3A_264, %mul3A_270 : vector<16xf32>
      %swap3A_272 = arith.index_cast %scan3A_140 : i32 to index
      %swap3A_273 = arith.constant 48 : index
      %swap3A_274 = tpu.vector_load %arg10[%swap3A_272, %swap3A_273] {strides = array<i32>} : memref<32x128xf32, #tpu.memory_space<vmem>>, vector<16xf32>,
      tpu.vector_store %arg10[%swap3A_272, %swap3A_273], %add3A_271 {strides = array<i32>} : memref<32x128xf32, #tpu.memory_space<vmem>>, vector<16xf32>,
      %get3A_275 = arith.index_cast %mul3A_142 : i32 to index
      %get3A_276 = arith.constant 64 : index
      %get3A_277 = tpu.vector_load %arg8[%get3A_275, %get3A_276] {strides = array<i32>} : memref<128x128xf32, #tpu.memory_space<vmem>>, vector<16xf32>,
      %mul3A_278 = arith.mulf %gather3A, %get3A_277 : vector<16xf32>
      %add3A_279 = arith.constant 1 : i32
      %add3A_280 = arith.addi %mul3A_142, %add3A_279 : i32
      %get3A_281 = arith.index_cast %add3A_280 : i32 to index
      %get3A_282 = arith.constant 64 : index
      %get3A_283 = tpu.vector_load %arg8[%get3A_281, %get3A_282] {strides = array<i32>} : memref<128x128xf32, #tpu.memory_space<vmem>>, vector<16xf32>,
      %mul3A_284 = arith.mulf %gather3A_152, %get3A_283 : vector<16xf32>
      %add3A_285 = arith.addf %mul3A_278, %mul3A_284 : vector<16xf32>
      %add3A_286 = arith.constant 2 : i32
      %add3A_287 = arith.addi %mul3A_142, %add3A_286 : i32
      %get3A_288 = arith.index_cast %add3A_287 : i32 to index
      %get3A_289 = arith.constant 64 : index
      %get3A_290 = tpu.vector_load %arg8[%get3A_288, %get3A_289] {strides = array<i32>} : memref<128x128xf32, #tpu.memory_space<vmem>>, vector<16xf32>,
      %mul3A_291 = arith.mulf %gather3A_158, %get3A_290 : vector<16xf32>
      %add3A_292 = arith.addf %add3A_285, %mul3A_291 : vector<16xf32>
      %add3A_293 = arith.constant 3 : i32
      %add3A_294 = arith.addi %mul3A_142, %add3A_293 : i32
      %get3A_295 = arith.index_cast %add3A_294 : i32 to index
      %get3A_296 = arith.constant 64 : index
      %get3A_297 = tpu.vector_load %arg8[%get3A_295, %get3A_296] {strides = array<i32>} : memref<128x128xf32, #tpu.memory_space<vmem>>, vector<16xf32>,
      %mul3A_298 = arith.mulf %gather3A_164, %get3A_297 : vector<16xf32>
      %add3A_299 = arith.addf %add3A_292, %mul3A_298 : vector<16xf32>
      %swap3A_300 = arith.index_cast %scan3A_140 : i32 to index
      %swap3A_301 = arith.constant 64 : index
      %swap3A_302 = tpu.vector_load %arg10[%swap3A_300, %swap3A_301] {strides = array<i32>} : memref<32x128xf32, #tpu.memory_space<vmem>>, vector<16xf32>,
      tpu.vector_store %arg10[%swap3A_300, %swap3A_301], %add3A_299 {strides = array<i32>} : memref<32x128xf32, #tpu.memory_space<vmem>>, vector<16xf32>,
      %get3A_303 = arith.index_cast %mul3A_142 : i32 to index
      %get3A_304 = arith.constant 80 : index
      %get3A_305 = tpu.vector_load %arg8[%get3A_303, %get3A_304] {strides = array<i32>} : memref<128x128xf32, #tpu.memory_space<vmem>>, vector<16xf32>,
      %mul3A_306 = arith.mulf %gather3A, %get3A_305 : vector<16xf32>
      %add3A_307 = arith.constant 1 : i32
      %add3A_308 = arith.addi %mul3A_142, %add3A_307 : i32
      %get3A_309 = arith.index_cast %add3A_308 : i32 to index
      %get3A_310 = arith.constant 80 : index
      %get3A_311 = tpu.vector_load %arg8[%get3A_309, %get3A_310] {strides = array<i32>} : memref<128x128xf32, #tpu.memory_space<vmem>>, vector<16xf32>,
      %mul3A_312 = arith.mulf %gather3A_152, %get3A_311 : vector<16xf32>
      %add3A_313 = arith.addf %mul3A_306, %mul3A_312 : vector<16xf32>
      %add3A_314 = arith.constant 2 : i32
      %add3A_315 = arith.addi %mul3A_142, %add3A_314 : i32
      %get3A_316 = arith.index_cast %add3A_315 : i32 to index
      %get3A_317 = arith.constant 80 : index
      %get3A_318 = tpu.vector_load %arg8[%get3A_316, %get3A_317] {strides = array<i32>} : memref<128x128xf32, #tpu.memory_space<vmem>>, vector<16xf32>,
      %mul3A_319 = arith.mulf %gather3A_158, %get3A_318 : vector<16xf32>
      %add3A_320 = arith.addf %add3A_313, %mul3A_319 : vector<16xf32>
      %add3A_321 = arith.constant 3 : i32
      %add3A_322 = arith.addi %mul3A_142, %add3A_321 : i32
      %get3A_323 = arith.index_cast %add3A_322 : i32 to index
      %get3A_324 = arith.constant 80 : index
      %get3A_325 = tpu.vector_load %arg8[%get3A_323, %get3A_324] {strides = array<i32>} : memref<128x128xf32, #tpu.memory_space<vmem>>, vector<16xf32>,
      %mul3A_326 = arith.mulf %gather3A_164, %get3A_325 : vector<16xf32>
      %add3A_327 = arith.addf %add3A_320, %mul3A_326 : vector<16xf32>
      %swap3A_328 = arith.index_cast %scan3A_140 : i32 to index
      %swap3A_329 = arith.constant 80 : index
      %swap3A_330 = tpu.vector_load %arg10[%swap3A_328, %swap3A_329] {strides = array<i32>} : memref<32x128xf32, #tpu.memory_space<vmem>>, vector<16xf32>,
      tpu.vector_store %arg10[%swap3A_328, %swap3A_329], %add3A_327 {strides = array<i32>} : memref<32x128xf32, #tpu.memory_space<vmem>>, vector<16xf32>,
      %get3A_331 = arith.index_cast %mul3A_142 : i32 to index
      %get3A_332 = arith.constant 96 : index
      %get3A_333 = tpu.vector_load %arg8[%get3A_331, %get3A_332] {strides = array<i32>} : memref<128x128xf32, #tpu.memory_space<vmem>>, vector<16xf32>,
      %mul3A_334 = arith.mulf %gather3A, %get3A_333 : vector<16xf32>
      %add3A_335 = arith.constant 1 : i32
      %add3A_336 = arith.addi %mul3A_142, %add3A_335 : i32
      %get3A_337 = arith.index_cast %add3A_336 : i32 to index
      %get3A_338 = arith.constant 96 : index
      %get3A_339 = tpu.vector_load %arg8[%get3A_337, %get3A_338] {strides = array<i32>} : memref<128x128xf32, #tpu.memory_space<vmem>>, vector<16xf32>,
      %mul3A_340 = arith.mulf %gather3A_152, %get3A_339 : vector<16xf32>
      %add3A_341 = arith.addf %mul3A_334, %mul3A_340 : vector<16xf32>
      %add3A_342 = arith.constant 2 : i32
      %add3A_343 = arith.addi %mul3A_142, %add3A_342 : i32
      %get3A_344 = arith.index_cast %add3A_343 : i32 to index
      %get3A_345 = arith.constant 96 : index
      %get3A_346 = tpu.vector_load %arg8[%get3A_344, %get3A_345] {strides = array<i32>} : memref<128x128xf32, #tpu.memory_space<vmem>>, vector<16xf32>,
      %mul3A_347 = arith.mulf %gather3A_158, %get3A_346 : vector<16xf32>
      %add3A_348 = arith.addf %add3A_341, %mul3A_347 : vector<16xf32>
      %add3A_349 = arith.constant 3 : i32
      %add3A_350 = arith.addi %mul3A_142, %add3A_349 : i32
      %get3A_351 = arith.index_cast %add3A_350 : i32 to index
      %get3A_352 = arith.constant 96 : index
      %get3A_353 = tpu.vector_load %arg8[%get3A_351, %get3A_352] {strides = array<i32>} : memref<128x128xf32, #tpu.memory_space<vmem>>, vector<16xf32>,
      %mul3A_354 = arith.mulf %gather3A_164, %get3A_353 : vector<16xf32>
      %add3A_355 = arith.addf %add3A_348, %mul3A_354 : vector<16xf32>
      %swap3A_356 = arith.index_cast %scan3A_140 : i32 to index
      %swap3A_357 = arith.constant 96 : index
      %swap3A_358 = tpu.vector_load %arg10[%swap3A_356, %swap3A_357] {strides = array<i32>} : memref<32x128xf32, #tpu.memory_space<vmem>>, vector<16xf32>,
      tpu.vector_store %arg10[%swap3A_356, %swap3A_357], %add3A_355 {strides = array<i32>} : memref<32x128xf32, #tpu.memory_space<vmem>>, vector<16xf32>,
      %get3A_359 = arith.index_cast %mul3A_142 : i32 to index
      %get3A_360 = arith.constant 112 : index
      %get3A_361 = tpu.vector_load %arg8[%get3A_359, %get3A_360] {strides = array<i32>} : memref<128x128xf32, #tpu.memory_space<vmem>>, vector<16xf32>,
      %mul3A_362 = arith.mulf %gather3A, %get3A_361 : vector<16xf32>
      %add3A_363 = arith.constant 1 : i32
      %add3A_364 = arith.addi %mul3A_142, %add3A_363 : i32
      %get3A_365 = arith.index_cast %add3A_364 : i32 to index
      %get3A_366 = arith.constant 112 : index
      %get3A_367 = tpu.vector_load %arg8[%get3A_365, %get3A_366] {strides = array<i32>} : memref<128x128xf32, #tpu.memory_space<vmem>>, vector<16xf32>,
      %mul3A_368 = arith.mulf %gather3A_152, %get3A_367 : vector<16xf32>
      %add3A_369 = arith.addf %mul3A_362, %mul3A_368 : vector<16xf32>
      %add3A_370 = arith.constant 2 : i32
      %add3A_371 = arith.addi %mul3A_142, %add3A_370 : i32
      %get3A_372 = arith.index_cast %add3A_371 : i32 to index
      %get3A_373 = arith.constant 112 : index
      %get3A_374 = tpu.vector_load %arg8[%get3A_372, %get3A_373] {strides = array<i32>} : memref<128x128xf32, #tpu.memory_space<vmem>>, vector<16xf32>,
      %mul3A_375 = arith.mulf %gather3A_158, %get3A_374 : vector<16xf32>
      %add3A_376 = arith.addf %add3A_369, %mul3A_375 : vector<16xf32>
      %add3A_377 = arith.constant 3 : i32
      %add3A_378 = arith.addi %mul3A_142, %add3A_377 : i32
      %get3A_379 = arith.index_cast %add3A_378 : i32 to index
      %get3A_380 = arith.constant 112 : index
      %get3A_381 = tpu.vector_load %arg8[%get3A_379, %get3A_380] {strides = array<i32>} : memref<128x128xf32, #tpu.memory_space<vmem>>, vector<16xf32>,
      %mul3A_382 = arith.mulf %gather3A_164, %get3A_381 : vector<16xf32>
      %add3A_383 = arith.addf %add3A_376, %mul3A_382 : vector<16xf32>
      %swap3A_384 = arith.index_cast %scan3A_140 : i32 to index
      %swap3A_385 = arith.constant 112 : index
      %swap3A_386 = tpu.vector_load %arg10[%swap3A_384, %swap3A_385] {strides = array<i32>} : memref<32x128xf32, #tpu.memory_space<vmem>>, vector<16xf32>,
      tpu.vector_store %arg10[%swap3A_384, %swap3A_385], %add3A_383 {strides = array<i32>} : memref<32x128xf32, #tpu.memory_space<vmem>>, vector<16xf32>,
    }
    %scan3A_57 = arith.constant 32 : i32
    %add3A_58 = arith.constant 64 : i32
    %add3A_59 = arith.addi %mul3A_2, %add3A_58 : i32
    "tpu.region"() ({
      %run_scoped3A = tpu.sem_alloc : memref<!tpu.dma_semaphore, #tpu.memory_space<semaphore_mem>>
      %dma_start3A_140 = arith.constant 0 : i32
      %dma_start3A_141 = tpu.memref_slice %arg5[%add3A_59, %dma_start3A_140] : memref<8192x128xf32, #tpu.memory_space<hbm>> -> memref<32x128xf32, #tpu.memory_space<hbm>>
      %dma_start3A_142 = arith.constant 0 : i32
      %dma_start3A_143 = tpu.memref_slice %arg5[%add3A_59, %dma_start3A_142] : memref<8192x128xf32, #tpu.memory_space<hbm>> -> memref<32x128xf32, #tpu.memory_space<hbm>>
      tpu.enqueue_dma source(%arg10 : memref<32x128xf32, #tpu.memory_space<vmem>>) target(%dma_start3A_143 : memref<32x128xf32, #tpu.memory_space<hbm>>) target_semaphore(%run_scoped3A : memref<!tpu.dma_semaphore, #tpu.memory_space<semaphore_mem>>)
      %dma_wait3A_144 = arith.constant 0 : i32
      %dma_wait3A_145 = tpu.memref_slice %arg5[%add3A_59, %dma_wait3A_144] : memref<8192x128xf32, #tpu.memory_space<hbm>> -> memref<32x128xf32, #tpu.memory_space<hbm>>
      %dma_wait3A_146 = arith.constant 0 : i32
      %dma_wait3A_147 = tpu.memref_slice %arg5[%add3A_59, %dma_wait3A_146] : memref<8192x128xf32, #tpu.memory_space<hbm>> -> memref<32x128xf32, #tpu.memory_space<hbm>>
      tpu.wait_dma2 semaphore(%run_scoped3A : memref<!tpu.dma_semaphore, #tpu.memory_space<semaphore_mem>>) src(%arg10 : memref<32x128xf32, #tpu.memory_space<vmem>>) dst(%dma_wait3A_147 : memref<32x128xf32, #tpu.memory_space<hbm>>)
      tpu.yield
    }) : () -> ()
    %dma_start3A_60 = arith.constant 512 : i32
    %dma_start3A_61 = tpu.memref_slice %arg6[%dma_start3A_60] : memref<1024xi32, #tpu.memory_space<vmem>> -> memref<128xi32, #tpu.memory_space<vmem>>
    %dma_start3A_62 = arith.constant 0 : i32
    %dma_start3A_63 = arith.constant 0 : i32
    %dma_start3A_64 = tpu.memref_slice %arg2[%dma_start3A_62, %dma_start3A_63] : memref<8192x128xf32, #tpu.memory_space<hbm>> -> memref<8192x128xf32, #tpu.memory_space<hbm>>
    tpu.enqueue_indirect_dma source(%dma_start3A_64 : memref<8192x128xf32, #tpu.memory_space<hbm>>) target(%arg8 : memref<128x128xf32, #tpu.memory_space<vmem>>) offsets(%dma_start3A_61 : memref<128xi32, #tpu.memory_space<vmem>>) semaphore(%arg11 : memref<!tpu.dma_semaphore, #tpu.memory_space<semaphore_mem>>)
    %dma_wait3A_65 = arith.constant 384 : i32
    %dma_wait3A_66 = tpu.memref_slice %arg6[%dma_wait3A_65] : memref<1024xi32, #tpu.memory_space<vmem>> -> memref<128xi32, #tpu.memory_space<vmem>>
    %dma_wait3A_67 = arith.constant 0 : i32
    %dma_wait3A_68 = arith.constant 0 : i32
    %dma_wait3A_69 = tpu.memref_slice %arg2[%dma_wait3A_67, %dma_wait3A_68] : memref<8192x128xf32, #tpu.memory_space<hbm>> -> memref<8192x128xf32, #tpu.memory_space<hbm>>
    tpu.wait_indirect_dma semaphore(%arg12 : memref<!tpu.dma_semaphore, #tpu.memory_space<semaphore_mem>>) src(%dma_wait3A_69 : memref<8192x128xf32, #tpu.memory_space<hbm>>) dst(%arg9 : memref<128x128xf32, #tpu.memory_space<vmem>>)
    %scan3A_70 = arith.constant 0 : i32
    %scan3A_71 = arith.constant 32 : i32
    %scan3A_72 = arith.addi %scan3A_70, %scan3A_71 : i32
    %scan3A_73 = arith.constant 1 : i32
    scf.for %scan3A_140 = %scan3A_70 to %scan3A_72 step %scan3A_73  : i32 {
      %mul3A_141 = arith.constant 4 : i32
      %mul3A_142 = arith.muli %scan3A_140, %mul3A_141 : i32
      %add3A_143 = arith.constant 384 : i32
      %add3A_144 = arith.addi %add3A_143, %mul3A_142 : i32
      %add3A_145 = arith.constant 0 : i32
      %add3A_146 = arith.addi %add3A_144, %add3A_145 : i32
      %broadcast_in_dim3A = vector.broadcast %add3A_146 : i32 to vector<16xi32>
      %gather3A = tpu.vector_load_idx %arg7[%broadcast_in_dim3A] : memref<1024xf32, #tpu.memory_space<vmem>>[vector<16xi32>], vector<16xf32>,
      %add3A_147 = arith.constant 384 : i32
      %add3A_148 = arith.addi %add3A_147, %mul3A_142 : i32
      %add3A_149 = arith.constant 1 : i32
      %add3A_150 = arith.addi %add3A_148, %add3A_149 : i32
      %broadcast_in_dim3A_151 = vector.broadcast %add3A_150 : i32 to vector<16xi32>
      %gather3A_152 = tpu.vector_load_idx %arg7[%broadcast_in_dim3A_151] : memref<1024xf32, #tpu.memory_space<vmem>>[vector<16xi32>], vector<16xf32>,
      %add3A_153 = arith.constant 384 : i32
      %add3A_154 = arith.addi %add3A_153, %mul3A_142 : i32
      %add3A_155 = arith.constant 2 : i32
      %add3A_156 = arith.addi %add3A_154, %add3A_155 : i32
      %broadcast_in_dim3A_157 = vector.broadcast %add3A_156 : i32 to vector<16xi32>
      %gather3A_158 = tpu.vector_load_idx %arg7[%broadcast_in_dim3A_157] : memref<1024xf32, #tpu.memory_space<vmem>>[vector<16xi32>], vector<16xf32>,
      %add3A_159 = arith.constant 384 : i32
      %add3A_160 = arith.addi %add3A_159, %mul3A_142 : i32
      %add3A_161 = arith.constant 3 : i32
      %add3A_162 = arith.addi %add3A_160, %add3A_161 : i32
      %broadcast_in_dim3A_163 = vector.broadcast %add3A_162 : i32 to vector<16xi32>
      %gather3A_164 = tpu.vector_load_idx %arg7[%broadcast_in_dim3A_163] : memref<1024xf32, #tpu.memory_space<vmem>>[vector<16xi32>], vector<16xf32>,
      %get3A = arith.index_cast %mul3A_142 : i32 to index
      %get3A_165 = arith.constant 0 : index
      %get3A_166 = tpu.vector_load %arg9[%get3A, %get3A_165] {strides = array<i32>} : memref<128x128xf32, #tpu.memory_space<vmem>>, vector<16xf32>,
      %mul3A_167 = arith.mulf %gather3A, %get3A_166 : vector<16xf32>
      %add3A_168 = arith.constant 1 : i32
      %add3A_169 = arith.addi %mul3A_142, %add3A_168 : i32
      %get3A_170 = arith.index_cast %add3A_169 : i32 to index
      %get3A_171 = arith.constant 0 : index
      %get3A_172 = tpu.vector_load %arg9[%get3A_170, %get3A_171] {strides = array<i32>} : memref<128x128xf32, #tpu.memory_space<vmem>>, vector<16xf32>,
      %mul3A_173 = arith.mulf %gather3A_152, %get3A_172 : vector<16xf32>
      %add3A_174 = arith.addf %mul3A_167, %mul3A_173 : vector<16xf32>
      %add3A_175 = arith.constant 2 : i32
      %add3A_176 = arith.addi %mul3A_142, %add3A_175 : i32
      %get3A_177 = arith.index_cast %add3A_176 : i32 to index
      %get3A_178 = arith.constant 0 : index
      %get3A_179 = tpu.vector_load %arg9[%get3A_177, %get3A_178] {strides = array<i32>} : memref<128x128xf32, #tpu.memory_space<vmem>>, vector<16xf32>,
      %mul3A_180 = arith.mulf %gather3A_158, %get3A_179 : vector<16xf32>
      %add3A_181 = arith.addf %add3A_174, %mul3A_180 : vector<16xf32>
      %add3A_182 = arith.constant 3 : i32
      %add3A_183 = arith.addi %mul3A_142, %add3A_182 : i32
      %get3A_184 = arith.index_cast %add3A_183 : i32 to index
      %get3A_185 = arith.constant 0 : index
      %get3A_186 = tpu.vector_load %arg9[%get3A_184, %get3A_185] {strides = array<i32>} : memref<128x128xf32, #tpu.memory_space<vmem>>, vector<16xf32>,
      %mul3A_187 = arith.mulf %gather3A_164, %get3A_186 : vector<16xf32>
      %add3A_188 = arith.addf %add3A_181, %mul3A_187 : vector<16xf32>
      %swap3A = arith.index_cast %scan3A_140 : i32 to index
      %swap3A_189 = arith.constant 0 : index
      %swap3A_190 = tpu.vector_load %arg10[%swap3A, %swap3A_189] {strides = array<i32>} : memref<32x128xf32, #tpu.memory_space<vmem>>, vector<16xf32>,
      tpu.vector_store %arg10[%swap3A, %swap3A_189], %add3A_188 {strides = array<i32>} : memref<32x128xf32, #tpu.memory_space<vmem>>, vector<16xf32>,
      %get3A_191 = arith.index_cast %mul3A_142 : i32 to index
      %get3A_192 = arith.constant 16 : index
      %get3A_193 = tpu.vector_load %arg9[%get3A_191, %get3A_192] {strides = array<i32>} : memref<128x128xf32, #tpu.memory_space<vmem>>, vector<16xf32>,
      %mul3A_194 = arith.mulf %gather3A, %get3A_193 : vector<16xf32>
      %add3A_195 = arith.constant 1 : i32
      %add3A_196 = arith.addi %mul3A_142, %add3A_195 : i32
      %get3A_197 = arith.index_cast %add3A_196 : i32 to index
      %get3A_198 = arith.constant 16 : index
      %get3A_199 = tpu.vector_load %arg9[%get3A_197, %get3A_198] {strides = array<i32>} : memref<128x128xf32, #tpu.memory_space<vmem>>, vector<16xf32>,
      %mul3A_200 = arith.mulf %gather3A_152, %get3A_199 : vector<16xf32>
      %add3A_201 = arith.addf %mul3A_194, %mul3A_200 : vector<16xf32>
      %add3A_202 = arith.constant 2 : i32
      %add3A_203 = arith.addi %mul3A_142, %add3A_202 : i32
      %get3A_204 = arith.index_cast %add3A_203 : i32 to index
      %get3A_205 = arith.constant 16 : index
      %get3A_206 = tpu.vector_load %arg9[%get3A_204, %get3A_205] {strides = array<i32>} : memref<128x128xf32, #tpu.memory_space<vmem>>, vector<16xf32>,
      %mul3A_207 = arith.mulf %gather3A_158, %get3A_206 : vector<16xf32>
      %add3A_208 = arith.addf %add3A_201, %mul3A_207 : vector<16xf32>
      %add3A_209 = arith.constant 3 : i32
      %add3A_210 = arith.addi %mul3A_142, %add3A_209 : i32
      %get3A_211 = arith.index_cast %add3A_210 : i32 to index
      %get3A_212 = arith.constant 16 : index
      %get3A_213 = tpu.vector_load %arg9[%get3A_211, %get3A_212] {strides = array<i32>} : memref<128x128xf32, #tpu.memory_space<vmem>>, vector<16xf32>,
      %mul3A_214 = arith.mulf %gather3A_164, %get3A_213 : vector<16xf32>
      %add3A_215 = arith.addf %add3A_208, %mul3A_214 : vector<16xf32>
      %swap3A_216 = arith.index_cast %scan3A_140 : i32 to index
      %swap3A_217 = arith.constant 16 : index
      %swap3A_218 = tpu.vector_load %arg10[%swap3A_216, %swap3A_217] {strides = array<i32>} : memref<32x128xf32, #tpu.memory_space<vmem>>, vector<16xf32>,
      tpu.vector_store %arg10[%swap3A_216, %swap3A_217], %add3A_215 {strides = array<i32>} : memref<32x128xf32, #tpu.memory_space<vmem>>, vector<16xf32>,
      %get3A_219 = arith.index_cast %mul3A_142 : i32 to index
      %get3A_220 = arith.constant 32 : index
      %get3A_221 = tpu.vector_load %arg9[%get3A_219, %get3A_220] {strides = array<i32>} : memref<128x128xf32, #tpu.memory_space<vmem>>, vector<16xf32>,
      %mul3A_222 = arith.mulf %gather3A, %get3A_221 : vector<16xf32>
      %add3A_223 = arith.constant 1 : i32
      %add3A_224 = arith.addi %mul3A_142, %add3A_223 : i32
      %get3A_225 = arith.index_cast %add3A_224 : i32 to index
      %get3A_226 = arith.constant 32 : index
      %get3A_227 = tpu.vector_load %arg9[%get3A_225, %get3A_226] {strides = array<i32>} : memref<128x128xf32, #tpu.memory_space<vmem>>, vector<16xf32>,
      %mul3A_228 = arith.mulf %gather3A_152, %get3A_227 : vector<16xf32>
      %add3A_229 = arith.addf %mul3A_222, %mul3A_228 : vector<16xf32>
      %add3A_230 = arith.constant 2 : i32
      %add3A_231 = arith.addi %mul3A_142, %add3A_230 : i32
      %get3A_232 = arith.index_cast %add3A_231 : i32 to index
      %get3A_233 = arith.constant 32 : index
      %get3A_234 = tpu.vector_load %arg9[%get3A_232, %get3A_233] {strides = array<i32>} : memref<128x128xf32, #tpu.memory_space<vmem>>, vector<16xf32>,
      %mul3A_235 = arith.mulf %gather3A_158, %get3A_234 : vector<16xf32>
      %add3A_236 = arith.addf %add3A_229, %mul3A_235 : vector<16xf32>
      %add3A_237 = arith.constant 3 : i32
      %add3A_238 = arith.addi %mul3A_142, %add3A_237 : i32
      %get3A_239 = arith.index_cast %add3A_238 : i32 to index
      %get3A_240 = arith.constant 32 : index
      %get3A_241 = tpu.vector_load %arg9[%get3A_239, %get3A_240] {strides = array<i32>} : memref<128x128xf32, #tpu.memory_space<vmem>>, vector<16xf32>,
      %mul3A_242 = arith.mulf %gather3A_164, %get3A_241 : vector<16xf32>
      %add3A_243 = arith.addf %add3A_236, %mul3A_242 : vector<16xf32>
      %swap3A_244 = arith.index_cast %scan3A_140 : i32 to index
      %swap3A_245 = arith.constant 32 : index
      %swap3A_246 = tpu.vector_load %arg10[%swap3A_244, %swap3A_245] {strides = array<i32>} : memref<32x128xf32, #tpu.memory_space<vmem>>, vector<16xf32>,
      tpu.vector_store %arg10[%swap3A_244, %swap3A_245], %add3A_243 {strides = array<i32>} : memref<32x128xf32, #tpu.memory_space<vmem>>, vector<16xf32>,
      %get3A_247 = arith.index_cast %mul3A_142 : i32 to index
      %get3A_248 = arith.constant 48 : index
      %get3A_249 = tpu.vector_load %arg9[%get3A_247, %get3A_248] {strides = array<i32>} : memref<128x128xf32, #tpu.memory_space<vmem>>, vector<16xf32>,
      %mul3A_250 = arith.mulf %gather3A, %get3A_249 : vector<16xf32>
      %add3A_251 = arith.constant 1 : i32
      %add3A_252 = arith.addi %mul3A_142, %add3A_251 : i32
      %get3A_253 = arith.index_cast %add3A_252 : i32 to index
      %get3A_254 = arith.constant 48 : index
      %get3A_255 = tpu.vector_load %arg9[%get3A_253, %get3A_254] {strides = array<i32>} : memref<128x128xf32, #tpu.memory_space<vmem>>, vector<16xf32>,
      %mul3A_256 = arith.mulf %gather3A_152, %get3A_255 : vector<16xf32>
      %add3A_257 = arith.addf %mul3A_250, %mul3A_256 : vector<16xf32>
      %add3A_258 = arith.constant 2 : i32
      %add3A_259 = arith.addi %mul3A_142, %add3A_258 : i32
      %get3A_260 = arith.index_cast %add3A_259 : i32 to index
      %get3A_261 = arith.constant 48 : index
      %get3A_262 = tpu.vector_load %arg9[%get3A_260, %get3A_261] {strides = array<i32>} : memref<128x128xf32, #tpu.memory_space<vmem>>, vector<16xf32>,
      %mul3A_263 = arith.mulf %gather3A_158, %get3A_262 : vector<16xf32>
      %add3A_264 = arith.addf %add3A_257, %mul3A_263 : vector<16xf32>
      %add3A_265 = arith.constant 3 : i32
      %add3A_266 = arith.addi %mul3A_142, %add3A_265 : i32
      %get3A_267 = arith.index_cast %add3A_266 : i32 to index
      %get3A_268 = arith.constant 48 : index
      %get3A_269 = tpu.vector_load %arg9[%get3A_267, %get3A_268] {strides = array<i32>} : memref<128x128xf32, #tpu.memory_space<vmem>>, vector<16xf32>,
      %mul3A_270 = arith.mulf %gather3A_164, %get3A_269 : vector<16xf32>
      %add3A_271 = arith.addf %add3A_264, %mul3A_270 : vector<16xf32>
      %swap3A_272 = arith.index_cast %scan3A_140 : i32 to index
      %swap3A_273 = arith.constant 48 : index
      %swap3A_274 = tpu.vector_load %arg10[%swap3A_272, %swap3A_273] {strides = array<i32>} : memref<32x128xf32, #tpu.memory_space<vmem>>, vector<16xf32>,
      tpu.vector_store %arg10[%swap3A_272, %swap3A_273], %add3A_271 {strides = array<i32>} : memref<32x128xf32, #tpu.memory_space<vmem>>, vector<16xf32>,
      %get3A_275 = arith.index_cast %mul3A_142 : i32 to index
      %get3A_276 = arith.constant 64 : index
      %get3A_277 = tpu.vector_load %arg9[%get3A_275, %get3A_276] {strides = array<i32>} : memref<128x128xf32, #tpu.memory_space<vmem>>, vector<16xf32>,
      %mul3A_278 = arith.mulf %gather3A, %get3A_277 : vector<16xf32>
      %add3A_279 = arith.constant 1 : i32
      %add3A_280 = arith.addi %mul3A_142, %add3A_279 : i32
      %get3A_281 = arith.index_cast %add3A_280 : i32 to index
      %get3A_282 = arith.constant 64 : index
      %get3A_283 = tpu.vector_load %arg9[%get3A_281, %get3A_282] {strides = array<i32>} : memref<128x128xf32, #tpu.memory_space<vmem>>, vector<16xf32>,
      %mul3A_284 = arith.mulf %gather3A_152, %get3A_283 : vector<16xf32>
      %add3A_285 = arith.addf %mul3A_278, %mul3A_284 : vector<16xf32>
      %add3A_286 = arith.constant 2 : i32
      %add3A_287 = arith.addi %mul3A_142, %add3A_286 : i32
      %get3A_288 = arith.index_cast %add3A_287 : i32 to index
      %get3A_289 = arith.constant 64 : index
      %get3A_290 = tpu.vector_load %arg9[%get3A_288, %get3A_289] {strides = array<i32>} : memref<128x128xf32, #tpu.memory_space<vmem>>, vector<16xf32>,
      %mul3A_291 = arith.mulf %gather3A_158, %get3A_290 : vector<16xf32>
      %add3A_292 = arith.addf %add3A_285, %mul3A_291 : vector<16xf32>
      %add3A_293 = arith.constant 3 : i32
      %add3A_294 = arith.addi %mul3A_142, %add3A_293 : i32
      %get3A_295 = arith.index_cast %add3A_294 : i32 to index
      %get3A_296 = arith.constant 64 : index
      %get3A_297 = tpu.vector_load %arg9[%get3A_295, %get3A_296] {strides = array<i32>} : memref<128x128xf32, #tpu.memory_space<vmem>>, vector<16xf32>,
      %mul3A_298 = arith.mulf %gather3A_164, %get3A_297 : vector<16xf32>
      %add3A_299 = arith.addf %add3A_292, %mul3A_298 : vector<16xf32>
      %swap3A_300 = arith.index_cast %scan3A_140 : i32 to index
      %swap3A_301 = arith.constant 64 : index
      %swap3A_302 = tpu.vector_load %arg10[%swap3A_300, %swap3A_301] {strides = array<i32>} : memref<32x128xf32, #tpu.memory_space<vmem>>, vector<16xf32>,
      tpu.vector_store %arg10[%swap3A_300, %swap3A_301], %add3A_299 {strides = array<i32>} : memref<32x128xf32, #tpu.memory_space<vmem>>, vector<16xf32>,
      %get3A_303 = arith.index_cast %mul3A_142 : i32 to index
      %get3A_304 = arith.constant 80 : index
      %get3A_305 = tpu.vector_load %arg9[%get3A_303, %get3A_304] {strides = array<i32>} : memref<128x128xf32, #tpu.memory_space<vmem>>, vector<16xf32>,
      %mul3A_306 = arith.mulf %gather3A, %get3A_305 : vector<16xf32>
      %add3A_307 = arith.constant 1 : i32
      %add3A_308 = arith.addi %mul3A_142, %add3A_307 : i32
      %get3A_309 = arith.index_cast %add3A_308 : i32 to index
      %get3A_310 = arith.constant 80 : index
      %get3A_311 = tpu.vector_load %arg9[%get3A_309, %get3A_310] {strides = array<i32>} : memref<128x128xf32, #tpu.memory_space<vmem>>, vector<16xf32>,
      %mul3A_312 = arith.mulf %gather3A_152, %get3A_311 : vector<16xf32>
      %add3A_313 = arith.addf %mul3A_306, %mul3A_312 : vector<16xf32>
      %add3A_314 = arith.constant 2 : i32
      %add3A_315 = arith.addi %mul3A_142, %add3A_314 : i32
      %get3A_316 = arith.index_cast %add3A_315 : i32 to index
      %get3A_317 = arith.constant 80 : index
      %get3A_318 = tpu.vector_load %arg9[%get3A_316, %get3A_317] {strides = array<i32>} : memref<128x128xf32, #tpu.memory_space<vmem>>, vector<16xf32>,
      %mul3A_319 = arith.mulf %gather3A_158, %get3A_318 : vector<16xf32>
      %add3A_320 = arith.addf %add3A_313, %mul3A_319 : vector<16xf32>
      %add3A_321 = arith.constant 3 : i32
      %add3A_322 = arith.addi %mul3A_142, %add3A_321 : i32
      %get3A_323 = arith.index_cast %add3A_322 : i32 to index
      %get3A_324 = arith.constant 80 : index
      %get3A_325 = tpu.vector_load %arg9[%get3A_323, %get3A_324] {strides = array<i32>} : memref<128x128xf32, #tpu.memory_space<vmem>>, vector<16xf32>,
      %mul3A_326 = arith.mulf %gather3A_164, %get3A_325 : vector<16xf32>
      %add3A_327 = arith.addf %add3A_320, %mul3A_326 : vector<16xf32>
      %swap3A_328 = arith.index_cast %scan3A_140 : i32 to index
      %swap3A_329 = arith.constant 80 : index
      %swap3A_330 = tpu.vector_load %arg10[%swap3A_328, %swap3A_329] {strides = array<i32>} : memref<32x128xf32, #tpu.memory_space<vmem>>, vector<16xf32>,
      tpu.vector_store %arg10[%swap3A_328, %swap3A_329], %add3A_327 {strides = array<i32>} : memref<32x128xf32, #tpu.memory_space<vmem>>, vector<16xf32>,
      %get3A_331 = arith.index_cast %mul3A_142 : i32 to index
      %get3A_332 = arith.constant 96 : index
      %get3A_333 = tpu.vector_load %arg9[%get3A_331, %get3A_332] {strides = array<i32>} : memref<128x128xf32, #tpu.memory_space<vmem>>, vector<16xf32>,
      %mul3A_334 = arith.mulf %gather3A, %get3A_333 : vector<16xf32>
      %add3A_335 = arith.constant 1 : i32
      %add3A_336 = arith.addi %mul3A_142, %add3A_335 : i32
      %get3A_337 = arith.index_cast %add3A_336 : i32 to index
      %get3A_338 = arith.constant 96 : index
      %get3A_339 = tpu.vector_load %arg9[%get3A_337, %get3A_338] {strides = array<i32>} : memref<128x128xf32, #tpu.memory_space<vmem>>, vector<16xf32>,
      %mul3A_340 = arith.mulf %gather3A_152, %get3A_339 : vector<16xf32>
      %add3A_341 = arith.addf %mul3A_334, %mul3A_340 : vector<16xf32>
      %add3A_342 = arith.constant 2 : i32
      %add3A_343 = arith.addi %mul3A_142, %add3A_342 : i32
      %get3A_344 = arith.index_cast %add3A_343 : i32 to index
      %get3A_345 = arith.constant 96 : index
      %get3A_346 = tpu.vector_load %arg9[%get3A_344, %get3A_345] {strides = array<i32>} : memref<128x128xf32, #tpu.memory_space<vmem>>, vector<16xf32>,
      %mul3A_347 = arith.mulf %gather3A_158, %get3A_346 : vector<16xf32>
      %add3A_348 = arith.addf %add3A_341, %mul3A_347 : vector<16xf32>
      %add3A_349 = arith.constant 3 : i32
      %add3A_350 = arith.addi %mul3A_142, %add3A_349 : i32
      %get3A_351 = arith.index_cast %add3A_350 : i32 to index
      %get3A_352 = arith.constant 96 : index
      %get3A_353 = tpu.vector_load %arg9[%get3A_351, %get3A_352] {strides = array<i32>} : memref<128x128xf32, #tpu.memory_space<vmem>>, vector<16xf32>,
      %mul3A_354 = arith.mulf %gather3A_164, %get3A_353 : vector<16xf32>
      %add3A_355 = arith.addf %add3A_348, %mul3A_354 : vector<16xf32>
      %swap3A_356 = arith.index_cast %scan3A_140 : i32 to index
      %swap3A_357 = arith.constant 96 : index
      %swap3A_358 = tpu.vector_load %arg10[%swap3A_356, %swap3A_357] {strides = array<i32>} : memref<32x128xf32, #tpu.memory_space<vmem>>, vector<16xf32>,
      tpu.vector_store %arg10[%swap3A_356, %swap3A_357], %add3A_355 {strides = array<i32>} : memref<32x128xf32, #tpu.memory_space<vmem>>, vector<16xf32>,
      %get3A_359 = arith.index_cast %mul3A_142 : i32 to index
      %get3A_360 = arith.constant 112 : index
      %get3A_361 = tpu.vector_load %arg9[%get3A_359, %get3A_360] {strides = array<i32>} : memref<128x128xf32, #tpu.memory_space<vmem>>, vector<16xf32>,
      %mul3A_362 = arith.mulf %gather3A, %get3A_361 : vector<16xf32>
      %add3A_363 = arith.constant 1 : i32
      %add3A_364 = arith.addi %mul3A_142, %add3A_363 : i32
      %get3A_365 = arith.index_cast %add3A_364 : i32 to index
      %get3A_366 = arith.constant 112 : index
      %get3A_367 = tpu.vector_load %arg9[%get3A_365, %get3A_366] {strides = array<i32>} : memref<128x128xf32, #tpu.memory_space<vmem>>, vector<16xf32>,
      %mul3A_368 = arith.mulf %gather3A_152, %get3A_367 : vector<16xf32>
      %add3A_369 = arith.addf %mul3A_362, %mul3A_368 : vector<16xf32>
      %add3A_370 = arith.constant 2 : i32
      %add3A_371 = arith.addi %mul3A_142, %add3A_370 : i32
      %get3A_372 = arith.index_cast %add3A_371 : i32 to index
      %get3A_373 = arith.constant 112 : index
      %get3A_374 = tpu.vector_load %arg9[%get3A_372, %get3A_373] {strides = array<i32>} : memref<128x128xf32, #tpu.memory_space<vmem>>, vector<16xf32>,
      %mul3A_375 = arith.mulf %gather3A_158, %get3A_374 : vector<16xf32>
      %add3A_376 = arith.addf %add3A_369, %mul3A_375 : vector<16xf32>
      %add3A_377 = arith.constant 3 : i32
      %add3A_378 = arith.addi %mul3A_142, %add3A_377 : i32
      %get3A_379 = arith.index_cast %add3A_378 : i32 to index
      %get3A_380 = arith.constant 112 : index
      %get3A_381 = tpu.vector_load %arg9[%get3A_379, %get3A_380] {strides = array<i32>} : memref<128x128xf32, #tpu.memory_space<vmem>>, vector<16xf32>,
      %mul3A_382 = arith.mulf %gather3A_164, %get3A_381 : vector<16xf32>
      %add3A_383 = arith.addf %add3A_376, %mul3A_382 : vector<16xf32>
      %swap3A_384 = arith.index_cast %scan3A_140 : i32 to index
      %swap3A_385 = arith.constant 112 : index
      %swap3A_386 = tpu.vector_load %arg10[%swap3A_384, %swap3A_385] {strides = array<i32>} : memref<32x128xf32, #tpu.memory_space<vmem>>, vector<16xf32>,
      tpu.vector_store %arg10[%swap3A_384, %swap3A_385], %add3A_383 {strides = array<i32>} : memref<32x128xf32, #tpu.memory_space<vmem>>, vector<16xf32>,
    }
    %scan3A_74 = arith.constant 32 : i32
    %add3A_75 = arith.constant 96 : i32
    %add3A_76 = arith.addi %mul3A_2, %add3A_75 : i32
    "tpu.region"() ({
      %run_scoped3A = tpu.sem_alloc : memref<!tpu.dma_semaphore, #tpu.memory_space<semaphore_mem>>
      %dma_start3A_140 = arith.constant 0 : i32
      %dma_start3A_141 = tpu.memref_slice %arg5[%add3A_76, %dma_start3A_140] : memref<8192x128xf32, #tpu.memory_space<hbm>> -> memref<32x128xf32, #tpu.memory_space<hbm>>
      %dma_start3A_142 = arith.constant 0 : i32
      %dma_start3A_143 = tpu.memref_slice %arg5[%add3A_76, %dma_start3A_142] : memref<8192x128xf32, #tpu.memory_space<hbm>> -> memref<32x128xf32, #tpu.memory_space<hbm>>
      tpu.enqueue_dma source(%arg10 : memref<32x128xf32, #tpu.memory_space<vmem>>) target(%dma_start3A_143 : memref<32x128xf32, #tpu.memory_space<hbm>>) target_semaphore(%run_scoped3A : memref<!tpu.dma_semaphore, #tpu.memory_space<semaphore_mem>>)
      %dma_wait3A_144 = arith.constant 0 : i32
      %dma_wait3A_145 = tpu.memref_slice %arg5[%add3A_76, %dma_wait3A_144] : memref<8192x128xf32, #tpu.memory_space<hbm>> -> memref<32x128xf32, #tpu.memory_space<hbm>>
      %dma_wait3A_146 = arith.constant 0 : i32
      %dma_wait3A_147 = tpu.memref_slice %arg5[%add3A_76, %dma_wait3A_146] : memref<8192x128xf32, #tpu.memory_space<hbm>> -> memref<32x128xf32, #tpu.memory_space<hbm>>
      tpu.wait_dma2 semaphore(%run_scoped3A : memref<!tpu.dma_semaphore, #tpu.memory_space<semaphore_mem>>) src(%arg10 : memref<32x128xf32, #tpu.memory_space<vmem>>) dst(%dma_wait3A_147 : memref<32x128xf32, #tpu.memory_space<hbm>>)
      tpu.yield
    }) : () -> ()
    %dma_start3A_77 = arith.constant 640 : i32
    %dma_start3A_78 = tpu.memref_slice %arg6[%dma_start3A_77] : memref<1024xi32, #tpu.memory_space<vmem>> -> memref<128xi32, #tpu.memory_space<vmem>>
    %dma_start3A_79 = arith.constant 0 : i32
    %dma_start3A_80 = arith.constant 0 : i32
    %dma_start3A_81 = tpu.memref_slice %arg2[%dma_start3A_79, %dma_start3A_80] : memref<8192x128xf32, #tpu.memory_space<hbm>> -> memref<8192x128xf32, #tpu.memory_space<hbm>>
    tpu.enqueue_indirect_dma source(%dma_start3A_81 : memref<8192x128xf32, #tpu.memory_space<hbm>>) target(%arg9 : memref<128x128xf32, #tpu.memory_space<vmem>>) offsets(%dma_start3A_78 : memref<128xi32, #tpu.memory_space<vmem>>) semaphore(%arg12 : memref<!tpu.dma_semaphore, #tpu.memory_space<semaphore_mem>>)
    %dma_wait3A_82 = arith.constant 512 : i32
    %dma_wait3A_83 = tpu.memref_slice %arg6[%dma_wait3A_82] : memref<1024xi32, #tpu.memory_space<vmem>> -> memref<128xi32, #tpu.memory_space<vmem>>
    %dma_wait3A_84 = arith.constant 0 : i32
    %dma_wait3A_85 = arith.constant 0 : i32
    %dma_wait3A_86 = tpu.memref_slice %arg2[%dma_wait3A_84, %dma_wait3A_85] : memref<8192x128xf32, #tpu.memory_space<hbm>> -> memref<8192x128xf32, #tpu.memory_space<hbm>>
    tpu.wait_indirect_dma semaphore(%arg11 : memref<!tpu.dma_semaphore, #tpu.memory_space<semaphore_mem>>) src(%dma_wait3A_86 : memref<8192x128xf32, #tpu.memory_space<hbm>>) dst(%arg8 : memref<128x128xf32, #tpu.memory_space<vmem>>)
    %scan3A_87 = arith.constant 0 : i32
    %scan3A_88 = arith.constant 32 : i32
    %scan3A_89 = arith.addi %scan3A_87, %scan3A_88 : i32
    %scan3A_90 = arith.constant 1 : i32
    scf.for %scan3A_140 = %scan3A_87 to %scan3A_89 step %scan3A_90  : i32 {
      %mul3A_141 = arith.constant 4 : i32
      %mul3A_142 = arith.muli %scan3A_140, %mul3A_141 : i32
      %add3A_143 = arith.constant 512 : i32
      %add3A_144 = arith.addi %add3A_143, %mul3A_142 : i32
      %add3A_145 = arith.constant 0 : i32
      %add3A_146 = arith.addi %add3A_144, %add3A_145 : i32
      %broadcast_in_dim3A = vector.broadcast %add3A_146 : i32 to vector<16xi32>
      %gather3A = tpu.vector_load_idx %arg7[%broadcast_in_dim3A] : memref<1024xf32, #tpu.memory_space<vmem>>[vector<16xi32>], vector<16xf32>,
      %add3A_147 = arith.constant 512 : i32
      %add3A_148 = arith.addi %add3A_147, %mul3A_142 : i32
      %add3A_149 = arith.constant 1 : i32
      %add3A_150 = arith.addi %add3A_148, %add3A_149 : i32
      %broadcast_in_dim3A_151 = vector.broadcast %add3A_150 : i32 to vector<16xi32>
      %gather3A_152 = tpu.vector_load_idx %arg7[%broadcast_in_dim3A_151] : memref<1024xf32, #tpu.memory_space<vmem>>[vector<16xi32>], vector<16xf32>,
      %add3A_153 = arith.constant 512 : i32
      %add3A_154 = arith.addi %add3A_153, %mul3A_142 : i32
      %add3A_155 = arith.constant 2 : i32
      %add3A_156 = arith.addi %add3A_154, %add3A_155 : i32
      %broadcast_in_dim3A_157 = vector.broadcast %add3A_156 : i32 to vector<16xi32>
      %gather3A_158 = tpu.vector_load_idx %arg7[%broadcast_in_dim3A_157] : memref<1024xf32, #tpu.memory_space<vmem>>[vector<16xi32>], vector<16xf32>,
      %add3A_159 = arith.constant 512 : i32
      %add3A_160 = arith.addi %add3A_159, %mul3A_142 : i32
      %add3A_161 = arith.constant 3 : i32
      %add3A_162 = arith.addi %add3A_160, %add3A_161 : i32
      %broadcast_in_dim3A_163 = vector.broadcast %add3A_162 : i32 to vector<16xi32>
      %gather3A_164 = tpu.vector_load_idx %arg7[%broadcast_in_dim3A_163] : memref<1024xf32, #tpu.memory_space<vmem>>[vector<16xi32>], vector<16xf32>,
      %get3A = arith.index_cast %mul3A_142 : i32 to index
      %get3A_165 = arith.constant 0 : index
      %get3A_166 = tpu.vector_load %arg8[%get3A, %get3A_165] {strides = array<i32>} : memref<128x128xf32, #tpu.memory_space<vmem>>, vector<16xf32>,
      %mul3A_167 = arith.mulf %gather3A, %get3A_166 : vector<16xf32>
      %add3A_168 = arith.constant 1 : i32
      %add3A_169 = arith.addi %mul3A_142, %add3A_168 : i32
      %get3A_170 = arith.index_cast %add3A_169 : i32 to index
      %get3A_171 = arith.constant 0 : index
      %get3A_172 = tpu.vector_load %arg8[%get3A_170, %get3A_171] {strides = array<i32>} : memref<128x128xf32, #tpu.memory_space<vmem>>, vector<16xf32>,
      %mul3A_173 = arith.mulf %gather3A_152, %get3A_172 : vector<16xf32>
      %add3A_174 = arith.addf %mul3A_167, %mul3A_173 : vector<16xf32>
      %add3A_175 = arith.constant 2 : i32
      %add3A_176 = arith.addi %mul3A_142, %add3A_175 : i32
      %get3A_177 = arith.index_cast %add3A_176 : i32 to index
      %get3A_178 = arith.constant 0 : index
      %get3A_179 = tpu.vector_load %arg8[%get3A_177, %get3A_178] {strides = array<i32>} : memref<128x128xf32, #tpu.memory_space<vmem>>, vector<16xf32>,
      %mul3A_180 = arith.mulf %gather3A_158, %get3A_179 : vector<16xf32>
      %add3A_181 = arith.addf %add3A_174, %mul3A_180 : vector<16xf32>
      %add3A_182 = arith.constant 3 : i32
      %add3A_183 = arith.addi %mul3A_142, %add3A_182 : i32
      %get3A_184 = arith.index_cast %add3A_183 : i32 to index
      %get3A_185 = arith.constant 0 : index
      %get3A_186 = tpu.vector_load %arg8[%get3A_184, %get3A_185] {strides = array<i32>} : memref<128x128xf32, #tpu.memory_space<vmem>>, vector<16xf32>,
      %mul3A_187 = arith.mulf %gather3A_164, %get3A_186 : vector<16xf32>
      %add3A_188 = arith.addf %add3A_181, %mul3A_187 : vector<16xf32>
      %swap3A = arith.index_cast %scan3A_140 : i32 to index
      %swap3A_189 = arith.constant 0 : index
      %swap3A_190 = tpu.vector_load %arg10[%swap3A, %swap3A_189] {strides = array<i32>} : memref<32x128xf32, #tpu.memory_space<vmem>>, vector<16xf32>,
      tpu.vector_store %arg10[%swap3A, %swap3A_189], %add3A_188 {strides = array<i32>} : memref<32x128xf32, #tpu.memory_space<vmem>>, vector<16xf32>,
      %get3A_191 = arith.index_cast %mul3A_142 : i32 to index
      %get3A_192 = arith.constant 16 : index
      %get3A_193 = tpu.vector_load %arg8[%get3A_191, %get3A_192] {strides = array<i32>} : memref<128x128xf32, #tpu.memory_space<vmem>>, vector<16xf32>,
      %mul3A_194 = arith.mulf %gather3A, %get3A_193 : vector<16xf32>
      %add3A_195 = arith.constant 1 : i32
      %add3A_196 = arith.addi %mul3A_142, %add3A_195 : i32
      %get3A_197 = arith.index_cast %add3A_196 : i32 to index
      %get3A_198 = arith.constant 16 : index
      %get3A_199 = tpu.vector_load %arg8[%get3A_197, %get3A_198] {strides = array<i32>} : memref<128x128xf32, #tpu.memory_space<vmem>>, vector<16xf32>,
      %mul3A_200 = arith.mulf %gather3A_152, %get3A_199 : vector<16xf32>
      %add3A_201 = arith.addf %mul3A_194, %mul3A_200 : vector<16xf32>
      %add3A_202 = arith.constant 2 : i32
      %add3A_203 = arith.addi %mul3A_142, %add3A_202 : i32
      %get3A_204 = arith.index_cast %add3A_203 : i32 to index
      %get3A_205 = arith.constant 16 : index
      %get3A_206 = tpu.vector_load %arg8[%get3A_204, %get3A_205] {strides = array<i32>} : memref<128x128xf32, #tpu.memory_space<vmem>>, vector<16xf32>,
      %mul3A_207 = arith.mulf %gather3A_158, %get3A_206 : vector<16xf32>
      %add3A_208 = arith.addf %add3A_201, %mul3A_207 : vector<16xf32>
      %add3A_209 = arith.constant 3 : i32
      %add3A_210 = arith.addi %mul3A_142, %add3A_209 : i32
      %get3A_211 = arith.index_cast %add3A_210 : i32 to index
      %get3A_212 = arith.constant 16 : index
      %get3A_213 = tpu.vector_load %arg8[%get3A_211, %get3A_212] {strides = array<i32>} : memref<128x128xf32, #tpu.memory_space<vmem>>, vector<16xf32>,
      %mul3A_214 = arith.mulf %gather3A_164, %get3A_213 : vector<16xf32>
      %add3A_215 = arith.addf %add3A_208, %mul3A_214 : vector<16xf32>
      %swap3A_216 = arith.index_cast %scan3A_140 : i32 to index
      %swap3A_217 = arith.constant 16 : index
      %swap3A_218 = tpu.vector_load %arg10[%swap3A_216, %swap3A_217] {strides = array<i32>} : memref<32x128xf32, #tpu.memory_space<vmem>>, vector<16xf32>,
      tpu.vector_store %arg10[%swap3A_216, %swap3A_217], %add3A_215 {strides = array<i32>} : memref<32x128xf32, #tpu.memory_space<vmem>>, vector<16xf32>,
      %get3A_219 = arith.index_cast %mul3A_142 : i32 to index
      %get3A_220 = arith.constant 32 : index
      %get3A_221 = tpu.vector_load %arg8[%get3A_219, %get3A_220] {strides = array<i32>} : memref<128x128xf32, #tpu.memory_space<vmem>>, vector<16xf32>,
      %mul3A_222 = arith.mulf %gather3A, %get3A_221 : vector<16xf32>
      %add3A_223 = arith.constant 1 : i32
      %add3A_224 = arith.addi %mul3A_142, %add3A_223 : i32
      %get3A_225 = arith.index_cast %add3A_224 : i32 to index
      %get3A_226 = arith.constant 32 : index
      %get3A_227 = tpu.vector_load %arg8[%get3A_225, %get3A_226] {strides = array<i32>} : memref<128x128xf32, #tpu.memory_space<vmem>>, vector<16xf32>,
      %mul3A_228 = arith.mulf %gather3A_152, %get3A_227 : vector<16xf32>
      %add3A_229 = arith.addf %mul3A_222, %mul3A_228 : vector<16xf32>
      %add3A_230 = arith.constant 2 : i32
      %add3A_231 = arith.addi %mul3A_142, %add3A_230 : i32
      %get3A_232 = arith.index_cast %add3A_231 : i32 to index
      %get3A_233 = arith.constant 32 : index
      %get3A_234 = tpu.vector_load %arg8[%get3A_232, %get3A_233] {strides = array<i32>} : memref<128x128xf32, #tpu.memory_space<vmem>>, vector<16xf32>,
      %mul3A_235 = arith.mulf %gather3A_158, %get3A_234 : vector<16xf32>
      %add3A_236 = arith.addf %add3A_229, %mul3A_235 : vector<16xf32>
      %add3A_237 = arith.constant 3 : i32
      %add3A_238 = arith.addi %mul3A_142, %add3A_237 : i32
      %get3A_239 = arith.index_cast %add3A_238 : i32 to index
      %get3A_240 = arith.constant 32 : index
      %get3A_241 = tpu.vector_load %arg8[%get3A_239, %get3A_240] {strides = array<i32>} : memref<128x128xf32, #tpu.memory_space<vmem>>, vector<16xf32>,
      %mul3A_242 = arith.mulf %gather3A_164, %get3A_241 : vector<16xf32>
      %add3A_243 = arith.addf %add3A_236, %mul3A_242 : vector<16xf32>
      %swap3A_244 = arith.index_cast %scan3A_140 : i32 to index
      %swap3A_245 = arith.constant 32 : index
      %swap3A_246 = tpu.vector_load %arg10[%swap3A_244, %swap3A_245] {strides = array<i32>} : memref<32x128xf32, #tpu.memory_space<vmem>>, vector<16xf32>,
      tpu.vector_store %arg10[%swap3A_244, %swap3A_245], %add3A_243 {strides = array<i32>} : memref<32x128xf32, #tpu.memory_space<vmem>>, vector<16xf32>,
      %get3A_247 = arith.index_cast %mul3A_142 : i32 to index
      %get3A_248 = arith.constant 48 : index
      %get3A_249 = tpu.vector_load %arg8[%get3A_247, %get3A_248] {strides = array<i32>} : memref<128x128xf32, #tpu.memory_space<vmem>>, vector<16xf32>,
      %mul3A_250 = arith.mulf %gather3A, %get3A_249 : vector<16xf32>
      %add3A_251 = arith.constant 1 : i32
      %add3A_252 = arith.addi %mul3A_142, %add3A_251 : i32
      %get3A_253 = arith.index_cast %add3A_252 : i32 to index
      %get3A_254 = arith.constant 48 : index
      %get3A_255 = tpu.vector_load %arg8[%get3A_253, %get3A_254] {strides = array<i32>} : memref<128x128xf32, #tpu.memory_space<vmem>>, vector<16xf32>,
      %mul3A_256 = arith.mulf %gather3A_152, %get3A_255 : vector<16xf32>
      %add3A_257 = arith.addf %mul3A_250, %mul3A_256 : vector<16xf32>
      %add3A_258 = arith.constant 2 : i32
      %add3A_259 = arith.addi %mul3A_142, %add3A_258 : i32
      %get3A_260 = arith.index_cast %add3A_259 : i32 to index
      %get3A_261 = arith.constant 48 : index
      %get3A_262 = tpu.vector_load %arg8[%get3A_260, %get3A_261] {strides = array<i32>} : memref<128x128xf32, #tpu.memory_space<vmem>>, vector<16xf32>,
      %mul3A_263 = arith.mulf %gather3A_158, %get3A_262 : vector<16xf32>
      %add3A_264 = arith.addf %add3A_257, %mul3A_263 : vector<16xf32>
      %add3A_265 = arith.constant 3 : i32
      %add3A_266 = arith.addi %mul3A_142, %add3A_265 : i32
      %get3A_267 = arith.index_cast %add3A_266 : i32 to index
      %get3A_268 = arith.constant 48 : index
      %get3A_269 = tpu.vector_load %arg8[%get3A_267, %get3A_268] {strides = array<i32>} : memref<128x128xf32, #tpu.memory_space<vmem>>, vector<16xf32>,
      %mul3A_270 = arith.mulf %gather3A_164, %get3A_269 : vector<16xf32>
      %add3A_271 = arith.addf %add3A_264, %mul3A_270 : vector<16xf32>
      %swap3A_272 = arith.index_cast %scan3A_140 : i32 to index
      %swap3A_273 = arith.constant 48 : index
      %swap3A_274 = tpu.vector_load %arg10[%swap3A_272, %swap3A_273] {strides = array<i32>} : memref<32x128xf32, #tpu.memory_space<vmem>>, vector<16xf32>,
      tpu.vector_store %arg10[%swap3A_272, %swap3A_273], %add3A_271 {strides = array<i32>} : memref<32x128xf32, #tpu.memory_space<vmem>>, vector<16xf32>,
      %get3A_275 = arith.index_cast %mul3A_142 : i32 to index
      %get3A_276 = arith.constant 64 : index
      %get3A_277 = tpu.vector_load %arg8[%get3A_275, %get3A_276] {strides = array<i32>} : memref<128x128xf32, #tpu.memory_space<vmem>>, vector<16xf32>,
      %mul3A_278 = arith.mulf %gather3A, %get3A_277 : vector<16xf32>
      %add3A_279 = arith.constant 1 : i32
      %add3A_280 = arith.addi %mul3A_142, %add3A_279 : i32
      %get3A_281 = arith.index_cast %add3A_280 : i32 to index
      %get3A_282 = arith.constant 64 : index
      %get3A_283 = tpu.vector_load %arg8[%get3A_281, %get3A_282] {strides = array<i32>} : memref<128x128xf32, #tpu.memory_space<vmem>>, vector<16xf32>,
      %mul3A_284 = arith.mulf %gather3A_152, %get3A_283 : vector<16xf32>
      %add3A_285 = arith.addf %mul3A_278, %mul3A_284 : vector<16xf32>
      %add3A_286 = arith.constant 2 : i32
      %add3A_287 = arith.addi %mul3A_142, %add3A_286 : i32
      %get3A_288 = arith.index_cast %add3A_287 : i32 to index
      %get3A_289 = arith.constant 64 : index
      %get3A_290 = tpu.vector_load %arg8[%get3A_288, %get3A_289] {strides = array<i32>} : memref<128x128xf32, #tpu.memory_space<vmem>>, vector<16xf32>,
      %mul3A_291 = arith.mulf %gather3A_158, %get3A_290 : vector<16xf32>
      %add3A_292 = arith.addf %add3A_285, %mul3A_291 : vector<16xf32>
      %add3A_293 = arith.constant 3 : i32
      %add3A_294 = arith.addi %mul3A_142, %add3A_293 : i32
      %get3A_295 = arith.index_cast %add3A_294 : i32 to index
      %get3A_296 = arith.constant 64 : index
      %get3A_297 = tpu.vector_load %arg8[%get3A_295, %get3A_296] {strides = array<i32>} : memref<128x128xf32, #tpu.memory_space<vmem>>, vector<16xf32>,
      %mul3A_298 = arith.mulf %gather3A_164, %get3A_297 : vector<16xf32>
      %add3A_299 = arith.addf %add3A_292, %mul3A_298 : vector<16xf32>
      %swap3A_300 = arith.index_cast %scan3A_140 : i32 to index
      %swap3A_301 = arith.constant 64 : index
      %swap3A_302 = tpu.vector_load %arg10[%swap3A_300, %swap3A_301] {strides = array<i32>} : memref<32x128xf32, #tpu.memory_space<vmem>>, vector<16xf32>,
      tpu.vector_store %arg10[%swap3A_300, %swap3A_301], %add3A_299 {strides = array<i32>} : memref<32x128xf32, #tpu.memory_space<vmem>>, vector<16xf32>,
      %get3A_303 = arith.index_cast %mul3A_142 : i32 to index
      %get3A_304 = arith.constant 80 : index
      %get3A_305 = tpu.vector_load %arg8[%get3A_303, %get3A_304] {strides = array<i32>} : memref<128x128xf32, #tpu.memory_space<vmem>>, vector<16xf32>,
      %mul3A_306 = arith.mulf %gather3A, %get3A_305 : vector<16xf32>
      %add3A_307 = arith.constant 1 : i32
      %add3A_308 = arith.addi %mul3A_142, %add3A_307 : i32
      %get3A_309 = arith.index_cast %add3A_308 : i32 to index
      %get3A_310 = arith.constant 80 : index
      %get3A_311 = tpu.vector_load %arg8[%get3A_309, %get3A_310] {strides = array<i32>} : memref<128x128xf32, #tpu.memory_space<vmem>>, vector<16xf32>,
      %mul3A_312 = arith.mulf %gather3A_152, %get3A_311 : vector<16xf32>
      %add3A_313 = arith.addf %mul3A_306, %mul3A_312 : vector<16xf32>
      %add3A_314 = arith.constant 2 : i32
      %add3A_315 = arith.addi %mul3A_142, %add3A_314 : i32
      %get3A_316 = arith.index_cast %add3A_315 : i32 to index
      %get3A_317 = arith.constant 80 : index
      %get3A_318 = tpu.vector_load %arg8[%get3A_316, %get3A_317] {strides = array<i32>} : memref<128x128xf32, #tpu.memory_space<vmem>>, vector<16xf32>,
      %mul3A_319 = arith.mulf %gather3A_158, %get3A_318 : vector<16xf32>
      %add3A_320 = arith.addf %add3A_313, %mul3A_319 : vector<16xf32>
      %add3A_321 = arith.constant 3 : i32
      %add3A_322 = arith.addi %mul3A_142, %add3A_321 : i32
      %get3A_323 = arith.index_cast %add3A_322 : i32 to index
      %get3A_324 = arith.constant 80 : index
      %get3A_325 = tpu.vector_load %arg8[%get3A_323, %get3A_324] {strides = array<i32>} : memref<128x128xf32, #tpu.memory_space<vmem>>, vector<16xf32>,
      %mul3A_326 = arith.mulf %gather3A_164, %get3A_325 : vector<16xf32>
      %add3A_327 = arith.addf %add3A_320, %mul3A_326 : vector<16xf32>
      %swap3A_328 = arith.index_cast %scan3A_140 : i32 to index
      %swap3A_329 = arith.constant 80 : index
      %swap3A_330 = tpu.vector_load %arg10[%swap3A_328, %swap3A_329] {strides = array<i32>} : memref<32x128xf32, #tpu.memory_space<vmem>>, vector<16xf32>,
      tpu.vector_store %arg10[%swap3A_328, %swap3A_329], %add3A_327 {strides = array<i32>} : memref<32x128xf32, #tpu.memory_space<vmem>>, vector<16xf32>,
      %get3A_331 = arith.index_cast %mul3A_142 : i32 to index
      %get3A_332 = arith.constant 96 : index
      %get3A_333 = tpu.vector_load %arg8[%get3A_331, %get3A_332] {strides = array<i32>} : memref<128x128xf32, #tpu.memory_space<vmem>>, vector<16xf32>,
      %mul3A_334 = arith.mulf %gather3A, %get3A_333 : vector<16xf32>
      %add3A_335 = arith.constant 1 : i32
      %add3A_336 = arith.addi %mul3A_142, %add3A_335 : i32
      %get3A_337 = arith.index_cast %add3A_336 : i32 to index
      %get3A_338 = arith.constant 96 : index
      %get3A_339 = tpu.vector_load %arg8[%get3A_337, %get3A_338] {strides = array<i32>} : memref<128x128xf32, #tpu.memory_space<vmem>>, vector<16xf32>,
      %mul3A_340 = arith.mulf %gather3A_152, %get3A_339 : vector<16xf32>
      %add3A_341 = arith.addf %mul3A_334, %mul3A_340 : vector<16xf32>
      %add3A_342 = arith.constant 2 : i32
      %add3A_343 = arith.addi %mul3A_142, %add3A_342 : i32
      %get3A_344 = arith.index_cast %add3A_343 : i32 to index
      %get3A_345 = arith.constant 96 : index
      %get3A_346 = tpu.vector_load %arg8[%get3A_344, %get3A_345] {strides = array<i32>} : memref<128x128xf32, #tpu.memory_space<vmem>>, vector<16xf32>,
      %mul3A_347 = arith.mulf %gather3A_158, %get3A_346 : vector<16xf32>
      %add3A_348 = arith.addf %add3A_341, %mul3A_347 : vector<16xf32>
      %add3A_349 = arith.constant 3 : i32
      %add3A_350 = arith.addi %mul3A_142, %add3A_349 : i32
      %get3A_351 = arith.index_cast %add3A_350 : i32 to index
      %get3A_352 = arith.constant 96 : index
      %get3A_353 = tpu.vector_load %arg8[%get3A_351, %get3A_352] {strides = array<i32>} : memref<128x128xf32, #tpu.memory_space<vmem>>, vector<16xf32>,
      %mul3A_354 = arith.mulf %gather3A_164, %get3A_353 : vector<16xf32>
      %add3A_355 = arith.addf %add3A_348, %mul3A_354 : vector<16xf32>
      %swap3A_356 = arith.index_cast %scan3A_140 : i32 to index
      %swap3A_357 = arith.constant 96 : index
      %swap3A_358 = tpu.vector_load %arg10[%swap3A_356, %swap3A_357] {strides = array<i32>} : memref<32x128xf32, #tpu.memory_space<vmem>>, vector<16xf32>,
      tpu.vector_store %arg10[%swap3A_356, %swap3A_357], %add3A_355 {strides = array<i32>} : memref<32x128xf32, #tpu.memory_space<vmem>>, vector<16xf32>,
      %get3A_359 = arith.index_cast %mul3A_142 : i32 to index
      %get3A_360 = arith.constant 112 : index
      %get3A_361 = tpu.vector_load %arg8[%get3A_359, %get3A_360] {strides = array<i32>} : memref<128x128xf32, #tpu.memory_space<vmem>>, vector<16xf32>,
      %mul3A_362 = arith.mulf %gather3A, %get3A_361 : vector<16xf32>
      %add3A_363 = arith.constant 1 : i32
      %add3A_364 = arith.addi %mul3A_142, %add3A_363 : i32
      %get3A_365 = arith.index_cast %add3A_364 : i32 to index
      %get3A_366 = arith.constant 112 : index
      %get3A_367 = tpu.vector_load %arg8[%get3A_365, %get3A_366] {strides = array<i32>} : memref<128x128xf32, #tpu.memory_space<vmem>>, vector<16xf32>,
      %mul3A_368 = arith.mulf %gather3A_152, %get3A_367 : vector<16xf32>
      %add3A_369 = arith.addf %mul3A_362, %mul3A_368 : vector<16xf32>
      %add3A_370 = arith.constant 2 : i32
      %add3A_371 = arith.addi %mul3A_142, %add3A_370 : i32
      %get3A_372 = arith.index_cast %add3A_371 : i32 to index
      %get3A_373 = arith.constant 112 : index
      %get3A_374 = tpu.vector_load %arg8[%get3A_372, %get3A_373] {strides = array<i32>} : memref<128x128xf32, #tpu.memory_space<vmem>>, vector<16xf32>,
      %mul3A_375 = arith.mulf %gather3A_158, %get3A_374 : vector<16xf32>
      %add3A_376 = arith.addf %add3A_369, %mul3A_375 : vector<16xf32>
      %add3A_377 = arith.constant 3 : i32
      %add3A_378 = arith.addi %mul3A_142, %add3A_377 : i32
      %get3A_379 = arith.index_cast %add3A_378 : i32 to index
      %get3A_380 = arith.constant 112 : index
      %get3A_381 = tpu.vector_load %arg8[%get3A_379, %get3A_380] {strides = array<i32>} : memref<128x128xf32, #tpu.memory_space<vmem>>, vector<16xf32>,
      %mul3A_382 = arith.mulf %gather3A_164, %get3A_381 : vector<16xf32>
      %add3A_383 = arith.addf %add3A_376, %mul3A_382 : vector<16xf32>
      %swap3A_384 = arith.index_cast %scan3A_140 : i32 to index
      %swap3A_385 = arith.constant 112 : index
      %swap3A_386 = tpu.vector_load %arg10[%swap3A_384, %swap3A_385] {strides = array<i32>} : memref<32x128xf32, #tpu.memory_space<vmem>>, vector<16xf32>,
      tpu.vector_store %arg10[%swap3A_384, %swap3A_385], %add3A_383 {strides = array<i32>} : memref<32x128xf32, #tpu.memory_space<vmem>>, vector<16xf32>,
    }
    %scan3A_91 = arith.constant 32 : i32
    %add3A_92 = arith.constant 128 : i32
    %add3A_93 = arith.addi %mul3A_2, %add3A_92 : i32
    "tpu.region"() ({
      %run_scoped3A = tpu.sem_alloc : memref<!tpu.dma_semaphore, #tpu.memory_space<semaphore_mem>>
      %dma_start3A_140 = arith.constant 0 : i32
      %dma_start3A_141 = tpu.memref_slice %arg5[%add3A_93, %dma_start3A_140] : memref<8192x128xf32, #tpu.memory_space<hbm>> -> memref<32x128xf32, #tpu.memory_space<hbm>>
      %dma_start3A_142 = arith.constant 0 : i32
      %dma_start3A_143 = tpu.memref_slice %arg5[%add3A_93, %dma_start3A_142] : memref<8192x128xf32, #tpu.memory_space<hbm>> -> memref<32x128xf32, #tpu.memory_space<hbm>>
      tpu.enqueue_dma source(%arg10 : memref<32x128xf32, #tpu.memory_space<vmem>>) target(%dma_start3A_143 : memref<32x128xf32, #tpu.memory_space<hbm>>) target_semaphore(%run_scoped3A : memref<!tpu.dma_semaphore, #tpu.memory_space<semaphore_mem>>)
      %dma_wait3A_144 = arith.constant 0 : i32
      %dma_wait3A_145 = tpu.memref_slice %arg5[%add3A_93, %dma_wait3A_144] : memref<8192x128xf32, #tpu.memory_space<hbm>> -> memref<32x128xf32, #tpu.memory_space<hbm>>
      %dma_wait3A_146 = arith.constant 0 : i32
      %dma_wait3A_147 = tpu.memref_slice %arg5[%add3A_93, %dma_wait3A_146] : memref<8192x128xf32, #tpu.memory_space<hbm>> -> memref<32x128xf32, #tpu.memory_space<hbm>>
      tpu.wait_dma2 semaphore(%run_scoped3A : memref<!tpu.dma_semaphore, #tpu.memory_space<semaphore_mem>>) src(%arg10 : memref<32x128xf32, #tpu.memory_space<vmem>>) dst(%dma_wait3A_147 : memref<32x128xf32, #tpu.memory_space<hbm>>)
      tpu.yield
    }) : () -> ()
    %dma_start3A_94 = arith.constant 768 : i32
    %dma_start3A_95 = tpu.memref_slice %arg6[%dma_start3A_94] : memref<1024xi32, #tpu.memory_space<vmem>> -> memref<128xi32, #tpu.memory_space<vmem>>
    %dma_start3A_96 = arith.constant 0 : i32
    %dma_start3A_97 = arith.constant 0 : i32
    %dma_start3A_98 = tpu.memref_slice %arg2[%dma_start3A_96, %dma_start3A_97] : memref<8192x128xf32, #tpu.memory_space<hbm>> -> memref<8192x128xf32, #tpu.memory_space<hbm>>
    tpu.enqueue_indirect_dma source(%dma_start3A_98 : memref<8192x128xf32, #tpu.memory_space<hbm>>) target(%arg8 : memref<128x128xf32, #tpu.memory_space<vmem>>) offsets(%dma_start3A_95 : memref<128xi32, #tpu.memory_space<vmem>>) semaphore(%arg11 : memref<!tpu.dma_semaphore, #tpu.memory_space<semaphore_mem>>)
    %dma_wait3A_99 = arith.constant 640 : i32
    %dma_wait3A_100 = tpu.memref_slice %arg6[%dma_wait3A_99] : memref<1024xi32, #tpu.memory_space<vmem>> -> memref<128xi32, #tpu.memory_space<vmem>>
    %dma_wait3A_101 = arith.constant 0 : i32
    %dma_wait3A_102 = arith.constant 0 : i32
    %dma_wait3A_103 = tpu.memref_slice %arg2[%dma_wait3A_101, %dma_wait3A_102] : memref<8192x128xf32, #tpu.memory_space<hbm>> -> memref<8192x128xf32, #tpu.memory_space<hbm>>
    tpu.wait_indirect_dma semaphore(%arg12 : memref<!tpu.dma_semaphore, #tpu.memory_space<semaphore_mem>>) src(%dma_wait3A_103 : memref<8192x128xf32, #tpu.memory_space<hbm>>) dst(%arg9 : memref<128x128xf32, #tpu.memory_space<vmem>>)
    %scan3A_104 = arith.constant 0 : i32
    %scan3A_105 = arith.constant 32 : i32
    %scan3A_106 = arith.addi %scan3A_104, %scan3A_105 : i32
    %scan3A_107 = arith.constant 1 : i32
    scf.for %scan3A_140 = %scan3A_104 to %scan3A_106 step %scan3A_107  : i32 {
      %mul3A_141 = arith.constant 4 : i32
      %mul3A_142 = arith.muli %scan3A_140, %mul3A_141 : i32
      %add3A_143 = arith.constant 640 : i32
      %add3A_144 = arith.addi %add3A_143, %mul3A_142 : i32
      %add3A_145 = arith.constant 0 : i32
      %add3A_146 = arith.addi %add3A_144, %add3A_145 : i32
      %broadcast_in_dim3A = vector.broadcast %add3A_146 : i32 to vector<16xi32>
      %gather3A = tpu.vector_load_idx %arg7[%broadcast_in_dim3A] : memref<1024xf32, #tpu.memory_space<vmem>>[vector<16xi32>], vector<16xf32>,
      %add3A_147 = arith.constant 640 : i32
      %add3A_148 = arith.addi %add3A_147, %mul3A_142 : i32
      %add3A_149 = arith.constant 1 : i32
      %add3A_150 = arith.addi %add3A_148, %add3A_149 : i32
      %broadcast_in_dim3A_151 = vector.broadcast %add3A_150 : i32 to vector<16xi32>
      %gather3A_152 = tpu.vector_load_idx %arg7[%broadcast_in_dim3A_151] : memref<1024xf32, #tpu.memory_space<vmem>>[vector<16xi32>], vector<16xf32>,
      %add3A_153 = arith.constant 640 : i32
      %add3A_154 = arith.addi %add3A_153, %mul3A_142 : i32
      %add3A_155 = arith.constant 2 : i32
      %add3A_156 = arith.addi %add3A_154, %add3A_155 : i32
      %broadcast_in_dim3A_157 = vector.broadcast %add3A_156 : i32 to vector<16xi32>
      %gather3A_158 = tpu.vector_load_idx %arg7[%broadcast_in_dim3A_157] : memref<1024xf32, #tpu.memory_space<vmem>>[vector<16xi32>], vector<16xf32>,
      %add3A_159 = arith.constant 640 : i32
      %add3A_160 = arith.addi %add3A_159, %mul3A_142 : i32
      %add3A_161 = arith.constant 3 : i32
      %add3A_162 = arith.addi %add3A_160, %add3A_161 : i32
      %broadcast_in_dim3A_163 = vector.broadcast %add3A_162 : i32 to vector<16xi32>
      %gather3A_164 = tpu.vector_load_idx %arg7[%broadcast_in_dim3A_163] : memref<1024xf32, #tpu.memory_space<vmem>>[vector<16xi32>], vector<16xf32>,
      %get3A = arith.index_cast %mul3A_142 : i32 to index
      %get3A_165 = arith.constant 0 : index
      %get3A_166 = tpu.vector_load %arg9[%get3A, %get3A_165] {strides = array<i32>} : memref<128x128xf32, #tpu.memory_space<vmem>>, vector<16xf32>,
      %mul3A_167 = arith.mulf %gather3A, %get3A_166 : vector<16xf32>
      %add3A_168 = arith.constant 1 : i32
      %add3A_169 = arith.addi %mul3A_142, %add3A_168 : i32
      %get3A_170 = arith.index_cast %add3A_169 : i32 to index
      %get3A_171 = arith.constant 0 : index
      %get3A_172 = tpu.vector_load %arg9[%get3A_170, %get3A_171] {strides = array<i32>} : memref<128x128xf32, #tpu.memory_space<vmem>>, vector<16xf32>,
      %mul3A_173 = arith.mulf %gather3A_152, %get3A_172 : vector<16xf32>
      %add3A_174 = arith.addf %mul3A_167, %mul3A_173 : vector<16xf32>
      %add3A_175 = arith.constant 2 : i32
      %add3A_176 = arith.addi %mul3A_142, %add3A_175 : i32
      %get3A_177 = arith.index_cast %add3A_176 : i32 to index
      %get3A_178 = arith.constant 0 : index
      %get3A_179 = tpu.vector_load %arg9[%get3A_177, %get3A_178] {strides = array<i32>} : memref<128x128xf32, #tpu.memory_space<vmem>>, vector<16xf32>,
      %mul3A_180 = arith.mulf %gather3A_158, %get3A_179 : vector<16xf32>
      %add3A_181 = arith.addf %add3A_174, %mul3A_180 : vector<16xf32>
      %add3A_182 = arith.constant 3 : i32
      %add3A_183 = arith.addi %mul3A_142, %add3A_182 : i32
      %get3A_184 = arith.index_cast %add3A_183 : i32 to index
      %get3A_185 = arith.constant 0 : index
      %get3A_186 = tpu.vector_load %arg9[%get3A_184, %get3A_185] {strides = array<i32>} : memref<128x128xf32, #tpu.memory_space<vmem>>, vector<16xf32>,
      %mul3A_187 = arith.mulf %gather3A_164, %get3A_186 : vector<16xf32>
      %add3A_188 = arith.addf %add3A_181, %mul3A_187 : vector<16xf32>
      %swap3A = arith.index_cast %scan3A_140 : i32 to index
      %swap3A_189 = arith.constant 0 : index
      %swap3A_190 = tpu.vector_load %arg10[%swap3A, %swap3A_189] {strides = array<i32>} : memref<32x128xf32, #tpu.memory_space<vmem>>, vector<16xf32>,
      tpu.vector_store %arg10[%swap3A, %swap3A_189], %add3A_188 {strides = array<i32>} : memref<32x128xf32, #tpu.memory_space<vmem>>, vector<16xf32>,
      %get3A_191 = arith.index_cast %mul3A_142 : i32 to index
      %get3A_192 = arith.constant 16 : index
      %get3A_193 = tpu.vector_load %arg9[%get3A_191, %get3A_192] {strides = array<i32>} : memref<128x128xf32, #tpu.memory_space<vmem>>, vector<16xf32>,
      %mul3A_194 = arith.mulf %gather3A, %get3A_193 : vector<16xf32>
      %add3A_195 = arith.constant 1 : i32
      %add3A_196 = arith.addi %mul3A_142, %add3A_195 : i32
      %get3A_197 = arith.index_cast %add3A_196 : i32 to index
      %get3A_198 = arith.constant 16 : index
      %get3A_199 = tpu.vector_load %arg9[%get3A_197, %get3A_198] {strides = array<i32>} : memref<128x128xf32, #tpu.memory_space<vmem>>, vector<16xf32>,
      %mul3A_200 = arith.mulf %gather3A_152, %get3A_199 : vector<16xf32>
      %add3A_201 = arith.addf %mul3A_194, %mul3A_200 : vector<16xf32>
      %add3A_202 = arith.constant 2 : i32
      %add3A_203 = arith.addi %mul3A_142, %add3A_202 : i32
      %get3A_204 = arith.index_cast %add3A_203 : i32 to index
      %get3A_205 = arith.constant 16 : index
      %get3A_206 = tpu.vector_load %arg9[%get3A_204, %get3A_205] {strides = array<i32>} : memref<128x128xf32, #tpu.memory_space<vmem>>, vector<16xf32>,
      %mul3A_207 = arith.mulf %gather3A_158, %get3A_206 : vector<16xf32>
      %add3A_208 = arith.addf %add3A_201, %mul3A_207 : vector<16xf32>
      %add3A_209 = arith.constant 3 : i32
      %add3A_210 = arith.addi %mul3A_142, %add3A_209 : i32
      %get3A_211 = arith.index_cast %add3A_210 : i32 to index
      %get3A_212 = arith.constant 16 : index
      %get3A_213 = tpu.vector_load %arg9[%get3A_211, %get3A_212] {strides = array<i32>} : memref<128x128xf32, #tpu.memory_space<vmem>>, vector<16xf32>,
      %mul3A_214 = arith.mulf %gather3A_164, %get3A_213 : vector<16xf32>
      %add3A_215 = arith.addf %add3A_208, %mul3A_214 : vector<16xf32>
      %swap3A_216 = arith.index_cast %scan3A_140 : i32 to index
      %swap3A_217 = arith.constant 16 : index
      %swap3A_218 = tpu.vector_load %arg10[%swap3A_216, %swap3A_217] {strides = array<i32>} : memref<32x128xf32, #tpu.memory_space<vmem>>, vector<16xf32>,
      tpu.vector_store %arg10[%swap3A_216, %swap3A_217], %add3A_215 {strides = array<i32>} : memref<32x128xf32, #tpu.memory_space<vmem>>, vector<16xf32>,
      %get3A_219 = arith.index_cast %mul3A_142 : i32 to index
      %get3A_220 = arith.constant 32 : index
      %get3A_221 = tpu.vector_load %arg9[%get3A_219, %get3A_220] {strides = array<i32>} : memref<128x128xf32, #tpu.memory_space<vmem>>, vector<16xf32>,
      %mul3A_222 = arith.mulf %gather3A, %get3A_221 : vector<16xf32>
      %add3A_223 = arith.constant 1 : i32
      %add3A_224 = arith.addi %mul3A_142, %add3A_223 : i32
      %get3A_225 = arith.index_cast %add3A_224 : i32 to index
      %get3A_226 = arith.constant 32 : index
      %get3A_227 = tpu.vector_load %arg9[%get3A_225, %get3A_226] {strides = array<i32>} : memref<128x128xf32, #tpu.memory_space<vmem>>, vector<16xf32>,
      %mul3A_228 = arith.mulf %gather3A_152, %get3A_227 : vector<16xf32>
      %add3A_229 = arith.addf %mul3A_222, %mul3A_228 : vector<16xf32>
      %add3A_230 = arith.constant 2 : i32
      %add3A_231 = arith.addi %mul3A_142, %add3A_230 : i32
      %get3A_232 = arith.index_cast %add3A_231 : i32 to index
      %get3A_233 = arith.constant 32 : index
      %get3A_234 = tpu.vector_load %arg9[%get3A_232, %get3A_233] {strides = array<i32>} : memref<128x128xf32, #tpu.memory_space<vmem>>, vector<16xf32>,
      %mul3A_235 = arith.mulf %gather3A_158, %get3A_234 : vector<16xf32>
      %add3A_236 = arith.addf %add3A_229, %mul3A_235 : vector<16xf32>
      %add3A_237 = arith.constant 3 : i32
      %add3A_238 = arith.addi %mul3A_142, %add3A_237 : i32
      %get3A_239 = arith.index_cast %add3A_238 : i32 to index
      %get3A_240 = arith.constant 32 : index
      %get3A_241 = tpu.vector_load %arg9[%get3A_239, %get3A_240] {strides = array<i32>} : memref<128x128xf32, #tpu.memory_space<vmem>>, vector<16xf32>,
      %mul3A_242 = arith.mulf %gather3A_164, %get3A_241 : vector<16xf32>
      %add3A_243 = arith.addf %add3A_236, %mul3A_242 : vector<16xf32>
      %swap3A_244 = arith.index_cast %scan3A_140 : i32 to index
      %swap3A_245 = arith.constant 32 : index
      %swap3A_246 = tpu.vector_load %arg10[%swap3A_244, %swap3A_245] {strides = array<i32>} : memref<32x128xf32, #tpu.memory_space<vmem>>, vector<16xf32>,
      tpu.vector_store %arg10[%swap3A_244, %swap3A_245], %add3A_243 {strides = array<i32>} : memref<32x128xf32, #tpu.memory_space<vmem>>, vector<16xf32>,
      %get3A_247 = arith.index_cast %mul3A_142 : i32 to index
      %get3A_248 = arith.constant 48 : index
      %get3A_249 = tpu.vector_load %arg9[%get3A_247, %get3A_248] {strides = array<i32>} : memref<128x128xf32, #tpu.memory_space<vmem>>, vector<16xf32>,
      %mul3A_250 = arith.mulf %gather3A, %get3A_249 : vector<16xf32>
      %add3A_251 = arith.constant 1 : i32
      %add3A_252 = arith.addi %mul3A_142, %add3A_251 : i32
      %get3A_253 = arith.index_cast %add3A_252 : i32 to index
      %get3A_254 = arith.constant 48 : index
      %get3A_255 = tpu.vector_load %arg9[%get3A_253, %get3A_254] {strides = array<i32>} : memref<128x128xf32, #tpu.memory_space<vmem>>, vector<16xf32>,
      %mul3A_256 = arith.mulf %gather3A_152, %get3A_255 : vector<16xf32>
      %add3A_257 = arith.addf %mul3A_250, %mul3A_256 : vector<16xf32>
      %add3A_258 = arith.constant 2 : i32
      %add3A_259 = arith.addi %mul3A_142, %add3A_258 : i32
      %get3A_260 = arith.index_cast %add3A_259 : i32 to index
      %get3A_261 = arith.constant 48 : index
      %get3A_262 = tpu.vector_load %arg9[%get3A_260, %get3A_261] {strides = array<i32>} : memref<128x128xf32, #tpu.memory_space<vmem>>, vector<16xf32>,
      %mul3A_263 = arith.mulf %gather3A_158, %get3A_262 : vector<16xf32>
      %add3A_264 = arith.addf %add3A_257, %mul3A_263 : vector<16xf32>
      %add3A_265 = arith.constant 3 : i32
      %add3A_266 = arith.addi %mul3A_142, %add3A_265 : i32
      %get3A_267 = arith.index_cast %add3A_266 : i32 to index
      %get3A_268 = arith.constant 48 : index
      %get3A_269 = tpu.vector_load %arg9[%get3A_267, %get3A_268] {strides = array<i32>} : memref<128x128xf32, #tpu.memory_space<vmem>>, vector<16xf32>,
      %mul3A_270 = arith.mulf %gather3A_164, %get3A_269 : vector<16xf32>
      %add3A_271 = arith.addf %add3A_264, %mul3A_270 : vector<16xf32>
      %swap3A_272 = arith.index_cast %scan3A_140 : i32 to index
      %swap3A_273 = arith.constant 48 : index
      %swap3A_274 = tpu.vector_load %arg10[%swap3A_272, %swap3A_273] {strides = array<i32>} : memref<32x128xf32, #tpu.memory_space<vmem>>, vector<16xf32>,
      tpu.vector_store %arg10[%swap3A_272, %swap3A_273], %add3A_271 {strides = array<i32>} : memref<32x128xf32, #tpu.memory_space<vmem>>, vector<16xf32>,
      %get3A_275 = arith.index_cast %mul3A_142 : i32 to index
      %get3A_276 = arith.constant 64 : index
      %get3A_277 = tpu.vector_load %arg9[%get3A_275, %get3A_276] {strides = array<i32>} : memref<128x128xf32, #tpu.memory_space<vmem>>, vector<16xf32>,
      %mul3A_278 = arith.mulf %gather3A, %get3A_277 : vector<16xf32>
      %add3A_279 = arith.constant 1 : i32
      %add3A_280 = arith.addi %mul3A_142, %add3A_279 : i32
      %get3A_281 = arith.index_cast %add3A_280 : i32 to index
      %get3A_282 = arith.constant 64 : index
      %get3A_283 = tpu.vector_load %arg9[%get3A_281, %get3A_282] {strides = array<i32>} : memref<128x128xf32, #tpu.memory_space<vmem>>, vector<16xf32>,
      %mul3A_284 = arith.mulf %gather3A_152, %get3A_283 : vector<16xf32>
      %add3A_285 = arith.addf %mul3A_278, %mul3A_284 : vector<16xf32>
      %add3A_286 = arith.constant 2 : i32
      %add3A_287 = arith.addi %mul3A_142, %add3A_286 : i32
      %get3A_288 = arith.index_cast %add3A_287 : i32 to index
      %get3A_289 = arith.constant 64 : index
      %get3A_290 = tpu.vector_load %arg9[%get3A_288, %get3A_289] {strides = array<i32>} : memref<128x128xf32, #tpu.memory_space<vmem>>, vector<16xf32>,
      %mul3A_291 = arith.mulf %gather3A_158, %get3A_290 : vector<16xf32>
      %add3A_292 = arith.addf %add3A_285, %mul3A_291 : vector<16xf32>
      %add3A_293 = arith.constant 3 : i32
      %add3A_294 = arith.addi %mul3A_142, %add3A_293 : i32
      %get3A_295 = arith.index_cast %add3A_294 : i32 to index
      %get3A_296 = arith.constant 64 : index
      %get3A_297 = tpu.vector_load %arg9[%get3A_295, %get3A_296] {strides = array<i32>} : memref<128x128xf32, #tpu.memory_space<vmem>>, vector<16xf32>,
      %mul3A_298 = arith.mulf %gather3A_164, %get3A_297 : vector<16xf32>
      %add3A_299 = arith.addf %add3A_292, %mul3A_298 : vector<16xf32>
      %swap3A_300 = arith.index_cast %scan3A_140 : i32 to index
      %swap3A_301 = arith.constant 64 : index
      %swap3A_302 = tpu.vector_load %arg10[%swap3A_300, %swap3A_301] {strides = array<i32>} : memref<32x128xf32, #tpu.memory_space<vmem>>, vector<16xf32>,
      tpu.vector_store %arg10[%swap3A_300, %swap3A_301], %add3A_299 {strides = array<i32>} : memref<32x128xf32, #tpu.memory_space<vmem>>, vector<16xf32>,
      %get3A_303 = arith.index_cast %mul3A_142 : i32 to index
      %get3A_304 = arith.constant 80 : index
      %get3A_305 = tpu.vector_load %arg9[%get3A_303, %get3A_304] {strides = array<i32>} : memref<128x128xf32, #tpu.memory_space<vmem>>, vector<16xf32>,
      %mul3A_306 = arith.mulf %gather3A, %get3A_305 : vector<16xf32>
      %add3A_307 = arith.constant 1 : i32
      %add3A_308 = arith.addi %mul3A_142, %add3A_307 : i32
      %get3A_309 = arith.index_cast %add3A_308 : i32 to index
      %get3A_310 = arith.constant 80 : index
      %get3A_311 = tpu.vector_load %arg9[%get3A_309, %get3A_310] {strides = array<i32>} : memref<128x128xf32, #tpu.memory_space<vmem>>, vector<16xf32>,
      %mul3A_312 = arith.mulf %gather3A_152, %get3A_311 : vector<16xf32>
      %add3A_313 = arith.addf %mul3A_306, %mul3A_312 : vector<16xf32>
      %add3A_314 = arith.constant 2 : i32
      %add3A_315 = arith.addi %mul3A_142, %add3A_314 : i32
      %get3A_316 = arith.index_cast %add3A_315 : i32 to index
      %get3A_317 = arith.constant 80 : index
      %get3A_318 = tpu.vector_load %arg9[%get3A_316, %get3A_317] {strides = array<i32>} : memref<128x128xf32, #tpu.memory_space<vmem>>, vector<16xf32>,
      %mul3A_319 = arith.mulf %gather3A_158, %get3A_318 : vector<16xf32>
      %add3A_320 = arith.addf %add3A_313, %mul3A_319 : vector<16xf32>
      %add3A_321 = arith.constant 3 : i32
      %add3A_322 = arith.addi %mul3A_142, %add3A_321 : i32
      %get3A_323 = arith.index_cast %add3A_322 : i32 to index
      %get3A_324 = arith.constant 80 : index
      %get3A_325 = tpu.vector_load %arg9[%get3A_323, %get3A_324] {strides = array<i32>} : memref<128x128xf32, #tpu.memory_space<vmem>>, vector<16xf32>,
      %mul3A_326 = arith.mulf %gather3A_164, %get3A_325 : vector<16xf32>
      %add3A_327 = arith.addf %add3A_320, %mul3A_326 : vector<16xf32>
      %swap3A_328 = arith.index_cast %scan3A_140 : i32 to index
      %swap3A_329 = arith.constant 80 : index
      %swap3A_330 = tpu.vector_load %arg10[%swap3A_328, %swap3A_329] {strides = array<i32>} : memref<32x128xf32, #tpu.memory_space<vmem>>, vector<16xf32>,
      tpu.vector_store %arg10[%swap3A_328, %swap3A_329], %add3A_327 {strides = array<i32>} : memref<32x128xf32, #tpu.memory_space<vmem>>, vector<16xf32>,
      %get3A_331 = arith.index_cast %mul3A_142 : i32 to index
      %get3A_332 = arith.constant 96 : index
      %get3A_333 = tpu.vector_load %arg9[%get3A_331, %get3A_332] {strides = array<i32>} : memref<128x128xf32, #tpu.memory_space<vmem>>, vector<16xf32>,
      %mul3A_334 = arith.mulf %gather3A, %get3A_333 : vector<16xf32>
      %add3A_335 = arith.constant 1 : i32
      %add3A_336 = arith.addi %mul3A_142, %add3A_335 : i32
      %get3A_337 = arith.index_cast %add3A_336 : i32 to index
      %get3A_338 = arith.constant 96 : index
      %get3A_339 = tpu.vector_load %arg9[%get3A_337, %get3A_338] {strides = array<i32>} : memref<128x128xf32, #tpu.memory_space<vmem>>, vector<16xf32>,
      %mul3A_340 = arith.mulf %gather3A_152, %get3A_339 : vector<16xf32>
      %add3A_341 = arith.addf %mul3A_334, %mul3A_340 : vector<16xf32>
      %add3A_342 = arith.constant 2 : i32
      %add3A_343 = arith.addi %mul3A_142, %add3A_342 : i32
      %get3A_344 = arith.index_cast %add3A_343 : i32 to index
      %get3A_345 = arith.constant 96 : index
      %get3A_346 = tpu.vector_load %arg9[%get3A_344, %get3A_345] {strides = array<i32>} : memref<128x128xf32, #tpu.memory_space<vmem>>, vector<16xf32>,
      %mul3A_347 = arith.mulf %gather3A_158, %get3A_346 : vector<16xf32>
      %add3A_348 = arith.addf %add3A_341, %mul3A_347 : vector<16xf32>
      %add3A_349 = arith.constant 3 : i32
      %add3A_350 = arith.addi %mul3A_142, %add3A_349 : i32
      %get3A_351 = arith.index_cast %add3A_350 : i32 to index
      %get3A_352 = arith.constant 96 : index
      %get3A_353 = tpu.vector_load %arg9[%get3A_351, %get3A_352] {strides = array<i32>} : memref<128x128xf32, #tpu.memory_space<vmem>>, vector<16xf32>,
      %mul3A_354 = arith.mulf %gather3A_164, %get3A_353 : vector<16xf32>
      %add3A_355 = arith.addf %add3A_348, %mul3A_354 : vector<16xf32>
      %swap3A_356 = arith.index_cast %scan3A_140 : i32 to index
      %swap3A_357 = arith.constant 96 : index
      %swap3A_358 = tpu.vector_load %arg10[%swap3A_356, %swap3A_357] {strides = array<i32>} : memref<32x128xf32, #tpu.memory_space<vmem>>, vector<16xf32>,
      tpu.vector_store %arg10[%swap3A_356, %swap3A_357], %add3A_355 {strides = array<i32>} : memref<32x128xf32, #tpu.memory_space<vmem>>, vector<16xf32>,
      %get3A_359 = arith.index_cast %mul3A_142 : i32 to index
      %get3A_360 = arith.constant 112 : index
      %get3A_361 = tpu.vector_load %arg9[%get3A_359, %get3A_360] {strides = array<i32>} : memref<128x128xf32, #tpu.memory_space<vmem>>, vector<16xf32>,
      %mul3A_362 = arith.mulf %gather3A, %get3A_361 : vector<16xf32>
      %add3A_363 = arith.constant 1 : i32
      %add3A_364 = arith.addi %mul3A_142, %add3A_363 : i32
      %get3A_365 = arith.index_cast %add3A_364 : i32 to index
      %get3A_366 = arith.constant 112 : index
      %get3A_367 = tpu.vector_load %arg9[%get3A_365, %get3A_366] {strides = array<i32>} : memref<128x128xf32, #tpu.memory_space<vmem>>, vector<16xf32>,
      %mul3A_368 = arith.mulf %gather3A_152, %get3A_367 : vector<16xf32>
      %add3A_369 = arith.addf %mul3A_362, %mul3A_368 : vector<16xf32>
      %add3A_370 = arith.constant 2 : i32
      %add3A_371 = arith.addi %mul3A_142, %add3A_370 : i32
      %get3A_372 = arith.index_cast %add3A_371 : i32 to index
      %get3A_373 = arith.constant 112 : index
      %get3A_374 = tpu.vector_load %arg9[%get3A_372, %get3A_373] {strides = array<i32>} : memref<128x128xf32, #tpu.memory_space<vmem>>, vector<16xf32>,
      %mul3A_375 = arith.mulf %gather3A_158, %get3A_374 : vector<16xf32>
      %add3A_376 = arith.addf %add3A_369, %mul3A_375 : vector<16xf32>
      %add3A_377 = arith.constant 3 : i32
      %add3A_378 = arith.addi %mul3A_142, %add3A_377 : i32
      %get3A_379 = arith.index_cast %add3A_378 : i32 to index
      %get3A_380 = arith.constant 112 : index
      %get3A_381 = tpu.vector_load %arg9[%get3A_379, %get3A_380] {strides = array<i32>} : memref<128x128xf32, #tpu.memory_space<vmem>>, vector<16xf32>,
      %mul3A_382 = arith.mulf %gather3A_164, %get3A_381 : vector<16xf32>
      %add3A_383 = arith.addf %add3A_376, %mul3A_382 : vector<16xf32>
      %swap3A_384 = arith.index_cast %scan3A_140 : i32 to index
      %swap3A_385 = arith.constant 112 : index
      %swap3A_386 = tpu.vector_load %arg10[%swap3A_384, %swap3A_385] {strides = array<i32>} : memref<32x128xf32, #tpu.memory_space<vmem>>, vector<16xf32>,
      tpu.vector_store %arg10[%swap3A_384, %swap3A_385], %add3A_383 {strides = array<i32>} : memref<32x128xf32, #tpu.memory_space<vmem>>, vector<16xf32>,
    }
    %scan3A_108 = arith.constant 32 : i32
    %add3A_109 = arith.constant 160 : i32
    %add3A_110 = arith.addi %mul3A_2, %add3A_109 : i32
    "tpu.region"() ({
      %run_scoped3A = tpu.sem_alloc : memref<!tpu.dma_semaphore, #tpu.memory_space<semaphore_mem>>
      %dma_start3A_140 = arith.constant 0 : i32
      %dma_start3A_141 = tpu.memref_slice %arg5[%add3A_110, %dma_start3A_140] : memref<8192x128xf32, #tpu.memory_space<hbm>> -> memref<32x128xf32, #tpu.memory_space<hbm>>
      %dma_start3A_142 = arith.constant 0 : i32
      %dma_start3A_143 = tpu.memref_slice %arg5[%add3A_110, %dma_start3A_142] : memref<8192x128xf32, #tpu.memory_space<hbm>> -> memref<32x128xf32, #tpu.memory_space<hbm>>
      tpu.enqueue_dma source(%arg10 : memref<32x128xf32, #tpu.memory_space<vmem>>) target(%dma_start3A_143 : memref<32x128xf32, #tpu.memory_space<hbm>>) target_semaphore(%run_scoped3A : memref<!tpu.dma_semaphore, #tpu.memory_space<semaphore_mem>>)
      %dma_wait3A_144 = arith.constant 0 : i32
      %dma_wait3A_145 = tpu.memref_slice %arg5[%add3A_110, %dma_wait3A_144] : memref<8192x128xf32, #tpu.memory_space<hbm>> -> memref<32x128xf32, #tpu.memory_space<hbm>>
      %dma_wait3A_146 = arith.constant 0 : i32
      %dma_wait3A_147 = tpu.memref_slice %arg5[%add3A_110, %dma_wait3A_146] : memref<8192x128xf32, #tpu.memory_space<hbm>> -> memref<32x128xf32, #tpu.memory_space<hbm>>
      tpu.wait_dma2 semaphore(%run_scoped3A : memref<!tpu.dma_semaphore, #tpu.memory_space<semaphore_mem>>) src(%arg10 : memref<32x128xf32, #tpu.memory_space<vmem>>) dst(%dma_wait3A_147 : memref<32x128xf32, #tpu.memory_space<hbm>>)
      tpu.yield
    }) : () -> ()
    %dma_start3A_111 = arith.constant 896 : i32
    %dma_start3A_112 = tpu.memref_slice %arg6[%dma_start3A_111] : memref<1024xi32, #tpu.memory_space<vmem>> -> memref<128xi32, #tpu.memory_space<vmem>>
    %dma_start3A_113 = arith.constant 0 : i32
    %dma_start3A_114 = arith.constant 0 : i32
    %dma_start3A_115 = tpu.memref_slice %arg2[%dma_start3A_113, %dma_start3A_114] : memref<8192x128xf32, #tpu.memory_space<hbm>> -> memref<8192x128xf32, #tpu.memory_space<hbm>>
    tpu.enqueue_indirect_dma source(%dma_start3A_115 : memref<8192x128xf32, #tpu.memory_space<hbm>>) target(%arg9 : memref<128x128xf32, #tpu.memory_space<vmem>>) offsets(%dma_start3A_112 : memref<128xi32, #tpu.memory_space<vmem>>) semaphore(%arg12 : memref<!tpu.dma_semaphore, #tpu.memory_space<semaphore_mem>>)
    %dma_wait3A_116 = arith.constant 768 : i32
    %dma_wait3A_117 = tpu.memref_slice %arg6[%dma_wait3A_116] : memref<1024xi32, #tpu.memory_space<vmem>> -> memref<128xi32, #tpu.memory_space<vmem>>
    %dma_wait3A_118 = arith.constant 0 : i32
    %dma_wait3A_119 = arith.constant 0 : i32
    %dma_wait3A_120 = tpu.memref_slice %arg2[%dma_wait3A_118, %dma_wait3A_119] : memref<8192x128xf32, #tpu.memory_space<hbm>> -> memref<8192x128xf32, #tpu.memory_space<hbm>>
    tpu.wait_indirect_dma semaphore(%arg11 : memref<!tpu.dma_semaphore, #tpu.memory_space<semaphore_mem>>) src(%dma_wait3A_120 : memref<8192x128xf32, #tpu.memory_space<hbm>>) dst(%arg8 : memref<128x128xf32, #tpu.memory_space<vmem>>)
    %scan3A_121 = arith.constant 0 : i32
    %scan3A_122 = arith.constant 32 : i32
    %scan3A_123 = arith.addi %scan3A_121, %scan3A_122 : i32
    %scan3A_124 = arith.constant 1 : i32
    scf.for %scan3A_140 = %scan3A_121 to %scan3A_123 step %scan3A_124  : i32 {
      %mul3A_141 = arith.constant 4 : i32
      %mul3A_142 = arith.muli %scan3A_140, %mul3A_141 : i32
      %add3A_143 = arith.constant 768 : i32
      %add3A_144 = arith.addi %add3A_143, %mul3A_142 : i32
      %add3A_145 = arith.constant 0 : i32
      %add3A_146 = arith.addi %add3A_144, %add3A_145 : i32
      %broadcast_in_dim3A = vector.broadcast %add3A_146 : i32 to vector<16xi32>
      %gather3A = tpu.vector_load_idx %arg7[%broadcast_in_dim3A] : memref<1024xf32, #tpu.memory_space<vmem>>[vector<16xi32>], vector<16xf32>,
      %add3A_147 = arith.constant 768 : i32
      %add3A_148 = arith.addi %add3A_147, %mul3A_142 : i32
      %add3A_149 = arith.constant 1 : i32
      %add3A_150 = arith.addi %add3A_148, %add3A_149 : i32
      %broadcast_in_dim3A_151 = vector.broadcast %add3A_150 : i32 to vector<16xi32>
      %gather3A_152 = tpu.vector_load_idx %arg7[%broadcast_in_dim3A_151] : memref<1024xf32, #tpu.memory_space<vmem>>[vector<16xi32>], vector<16xf32>,
      %add3A_153 = arith.constant 768 : i32
      %add3A_154 = arith.addi %add3A_153, %mul3A_142 : i32
      %add3A_155 = arith.constant 2 : i32
      %add3A_156 = arith.addi %add3A_154, %add3A_155 : i32
      %broadcast_in_dim3A_157 = vector.broadcast %add3A_156 : i32 to vector<16xi32>
      %gather3A_158 = tpu.vector_load_idx %arg7[%broadcast_in_dim3A_157] : memref<1024xf32, #tpu.memory_space<vmem>>[vector<16xi32>], vector<16xf32>,
      %add3A_159 = arith.constant 768 : i32
      %add3A_160 = arith.addi %add3A_159, %mul3A_142 : i32
      %add3A_161 = arith.constant 3 : i32
      %add3A_162 = arith.addi %add3A_160, %add3A_161 : i32
      %broadcast_in_dim3A_163 = vector.broadcast %add3A_162 : i32 to vector<16xi32>
      %gather3A_164 = tpu.vector_load_idx %arg7[%broadcast_in_dim3A_163] : memref<1024xf32, #tpu.memory_space<vmem>>[vector<16xi32>], vector<16xf32>,
      %get3A = arith.index_cast %mul3A_142 : i32 to index
      %get3A_165 = arith.constant 0 : index
      %get3A_166 = tpu.vector_load %arg8[%get3A, %get3A_165] {strides = array<i32>} : memref<128x128xf32, #tpu.memory_space<vmem>>, vector<16xf32>,
      %mul3A_167 = arith.mulf %gather3A, %get3A_166 : vector<16xf32>
      %add3A_168 = arith.constant 1 : i32
      %add3A_169 = arith.addi %mul3A_142, %add3A_168 : i32
      %get3A_170 = arith.index_cast %add3A_169 : i32 to index
      %get3A_171 = arith.constant 0 : index
      %get3A_172 = tpu.vector_load %arg8[%get3A_170, %get3A_171] {strides = array<i32>} : memref<128x128xf32, #tpu.memory_space<vmem>>, vector<16xf32>,
      %mul3A_173 = arith.mulf %gather3A_152, %get3A_172 : vector<16xf32>
      %add3A_174 = arith.addf %mul3A_167, %mul3A_173 : vector<16xf32>
      %add3A_175 = arith.constant 2 : i32
      %add3A_176 = arith.addi %mul3A_142, %add3A_175 : i32
      %get3A_177 = arith.index_cast %add3A_176 : i32 to index
      %get3A_178 = arith.constant 0 : index
      %get3A_179 = tpu.vector_load %arg8[%get3A_177, %get3A_178] {strides = array<i32>} : memref<128x128xf32, #tpu.memory_space<vmem>>, vector<16xf32>,
      %mul3A_180 = arith.mulf %gather3A_158, %get3A_179 : vector<16xf32>
      %add3A_181 = arith.addf %add3A_174, %mul3A_180 : vector<16xf32>
      %add3A_182 = arith.constant 3 : i32
      %add3A_183 = arith.addi %mul3A_142, %add3A_182 : i32
      %get3A_184 = arith.index_cast %add3A_183 : i32 to index
      %get3A_185 = arith.constant 0 : index
      %get3A_186 = tpu.vector_load %arg8[%get3A_184, %get3A_185] {strides = array<i32>} : memref<128x128xf32, #tpu.memory_space<vmem>>, vector<16xf32>,
      %mul3A_187 = arith.mulf %gather3A_164, %get3A_186 : vector<16xf32>
      %add3A_188 = arith.addf %add3A_181, %mul3A_187 : vector<16xf32>
      %swap3A = arith.index_cast %scan3A_140 : i32 to index
      %swap3A_189 = arith.constant 0 : index
      %swap3A_190 = tpu.vector_load %arg10[%swap3A, %swap3A_189] {strides = array<i32>} : memref<32x128xf32, #tpu.memory_space<vmem>>, vector<16xf32>,
      tpu.vector_store %arg10[%swap3A, %swap3A_189], %add3A_188 {strides = array<i32>} : memref<32x128xf32, #tpu.memory_space<vmem>>, vector<16xf32>,
      %get3A_191 = arith.index_cast %mul3A_142 : i32 to index
      %get3A_192 = arith.constant 16 : index
      %get3A_193 = tpu.vector_load %arg8[%get3A_191, %get3A_192] {strides = array<i32>} : memref<128x128xf32, #tpu.memory_space<vmem>>, vector<16xf32>,
      %mul3A_194 = arith.mulf %gather3A, %get3A_193 : vector<16xf32>
      %add3A_195 = arith.constant 1 : i32
      %add3A_196 = arith.addi %mul3A_142, %add3A_195 : i32
      %get3A_197 = arith.index_cast %add3A_196 : i32 to index
      %get3A_198 = arith.constant 16 : index
      %get3A_199 = tpu.vector_load %arg8[%get3A_197, %get3A_198] {strides = array<i32>} : memref<128x128xf32, #tpu.memory_space<vmem>>, vector<16xf32>,
      %mul3A_200 = arith.mulf %gather3A_152, %get3A_199 : vector<16xf32>
      %add3A_201 = arith.addf %mul3A_194, %mul3A_200 : vector<16xf32>
      %add3A_202 = arith.constant 2 : i32
      %add3A_203 = arith.addi %mul3A_142, %add3A_202 : i32
      %get3A_204 = arith.index_cast %add3A_203 : i32 to index
      %get3A_205 = arith.constant 16 : index
      %get3A_206 = tpu.vector_load %arg8[%get3A_204, %get3A_205] {strides = array<i32>} : memref<128x128xf32, #tpu.memory_space<vmem>>, vector<16xf32>,
      %mul3A_207 = arith.mulf %gather3A_158, %get3A_206 : vector<16xf32>
      %add3A_208 = arith.addf %add3A_201, %mul3A_207 : vector<16xf32>
      %add3A_209 = arith.constant 3 : i32
      %add3A_210 = arith.addi %mul3A_142, %add3A_209 : i32
      %get3A_211 = arith.index_cast %add3A_210 : i32 to index
      %get3A_212 = arith.constant 16 : index
      %get3A_213 = tpu.vector_load %arg8[%get3A_211, %get3A_212] {strides = array<i32>} : memref<128x128xf32, #tpu.memory_space<vmem>>, vector<16xf32>,
      %mul3A_214 = arith.mulf %gather3A_164, %get3A_213 : vector<16xf32>
      %add3A_215 = arith.addf %add3A_208, %mul3A_214 : vector<16xf32>
      %swap3A_216 = arith.index_cast %scan3A_140 : i32 to index
      %swap3A_217 = arith.constant 16 : index
      %swap3A_218 = tpu.vector_load %arg10[%swap3A_216, %swap3A_217] {strides = array<i32>} : memref<32x128xf32, #tpu.memory_space<vmem>>, vector<16xf32>,
      tpu.vector_store %arg10[%swap3A_216, %swap3A_217], %add3A_215 {strides = array<i32>} : memref<32x128xf32, #tpu.memory_space<vmem>>, vector<16xf32>,
      %get3A_219 = arith.index_cast %mul3A_142 : i32 to index
      %get3A_220 = arith.constant 32 : index
      %get3A_221 = tpu.vector_load %arg8[%get3A_219, %get3A_220] {strides = array<i32>} : memref<128x128xf32, #tpu.memory_space<vmem>>, vector<16xf32>,
      %mul3A_222 = arith.mulf %gather3A, %get3A_221 : vector<16xf32>
      %add3A_223 = arith.constant 1 : i32
      %add3A_224 = arith.addi %mul3A_142, %add3A_223 : i32
      %get3A_225 = arith.index_cast %add3A_224 : i32 to index
      %get3A_226 = arith.constant 32 : index
      %get3A_227 = tpu.vector_load %arg8[%get3A_225, %get3A_226] {strides = array<i32>} : memref<128x128xf32, #tpu.memory_space<vmem>>, vector<16xf32>,
      %mul3A_228 = arith.mulf %gather3A_152, %get3A_227 : vector<16xf32>
      %add3A_229 = arith.addf %mul3A_222, %mul3A_228 : vector<16xf32>
      %add3A_230 = arith.constant 2 : i32
      %add3A_231 = arith.addi %mul3A_142, %add3A_230 : i32
      %get3A_232 = arith.index_cast %add3A_231 : i32 to index
      %get3A_233 = arith.constant 32 : index
      %get3A_234 = tpu.vector_load %arg8[%get3A_232, %get3A_233] {strides = array<i32>} : memref<128x128xf32, #tpu.memory_space<vmem>>, vector<16xf32>,
      %mul3A_235 = arith.mulf %gather3A_158, %get3A_234 : vector<16xf32>
      %add3A_236 = arith.addf %add3A_229, %mul3A_235 : vector<16xf32>
      %add3A_237 = arith.constant 3 : i32
      %add3A_238 = arith.addi %mul3A_142, %add3A_237 : i32
      %get3A_239 = arith.index_cast %add3A_238 : i32 to index
      %get3A_240 = arith.constant 32 : index
      %get3A_241 = tpu.vector_load %arg8[%get3A_239, %get3A_240] {strides = array<i32>} : memref<128x128xf32, #tpu.memory_space<vmem>>, vector<16xf32>,
      %mul3A_242 = arith.mulf %gather3A_164, %get3A_241 : vector<16xf32>
      %add3A_243 = arith.addf %add3A_236, %mul3A_242 : vector<16xf32>
      %swap3A_244 = arith.index_cast %scan3A_140 : i32 to index
      %swap3A_245 = arith.constant 32 : index
      %swap3A_246 = tpu.vector_load %arg10[%swap3A_244, %swap3A_245] {strides = array<i32>} : memref<32x128xf32, #tpu.memory_space<vmem>>, vector<16xf32>,
      tpu.vector_store %arg10[%swap3A_244, %swap3A_245], %add3A_243 {strides = array<i32>} : memref<32x128xf32, #tpu.memory_space<vmem>>, vector<16xf32>,
      %get3A_247 = arith.index_cast %mul3A_142 : i32 to index
      %get3A_248 = arith.constant 48 : index
      %get3A_249 = tpu.vector_load %arg8[%get3A_247, %get3A_248] {strides = array<i32>} : memref<128x128xf32, #tpu.memory_space<vmem>>, vector<16xf32>,
      %mul3A_250 = arith.mulf %gather3A, %get3A_249 : vector<16xf32>
      %add3A_251 = arith.constant 1 : i32
      %add3A_252 = arith.addi %mul3A_142, %add3A_251 : i32
      %get3A_253 = arith.index_cast %add3A_252 : i32 to index
      %get3A_254 = arith.constant 48 : index
      %get3A_255 = tpu.vector_load %arg8[%get3A_253, %get3A_254] {strides = array<i32>} : memref<128x128xf32, #tpu.memory_space<vmem>>, vector<16xf32>,
      %mul3A_256 = arith.mulf %gather3A_152, %get3A_255 : vector<16xf32>
      %add3A_257 = arith.addf %mul3A_250, %mul3A_256 : vector<16xf32>
      %add3A_258 = arith.constant 2 : i32
      %add3A_259 = arith.addi %mul3A_142, %add3A_258 : i32
      %get3A_260 = arith.index_cast %add3A_259 : i32 to index
      %get3A_261 = arith.constant 48 : index
      %get3A_262 = tpu.vector_load %arg8[%get3A_260, %get3A_261] {strides = array<i32>} : memref<128x128xf32, #tpu.memory_space<vmem>>, vector<16xf32>,
      %mul3A_263 = arith.mulf %gather3A_158, %get3A_262 : vector<16xf32>
      %add3A_264 = arith.addf %add3A_257, %mul3A_263 : vector<16xf32>
      %add3A_265 = arith.constant 3 : i32
      %add3A_266 = arith.addi %mul3A_142, %add3A_265 : i32
      %get3A_267 = arith.index_cast %add3A_266 : i32 to index
      %get3A_268 = arith.constant 48 : index
      %get3A_269 = tpu.vector_load %arg8[%get3A_267, %get3A_268] {strides = array<i32>} : memref<128x128xf32, #tpu.memory_space<vmem>>, vector<16xf32>,
      %mul3A_270 = arith.mulf %gather3A_164, %get3A_269 : vector<16xf32>
      %add3A_271 = arith.addf %add3A_264, %mul3A_270 : vector<16xf32>
      %swap3A_272 = arith.index_cast %scan3A_140 : i32 to index
      %swap3A_273 = arith.constant 48 : index
      %swap3A_274 = tpu.vector_load %arg10[%swap3A_272, %swap3A_273] {strides = array<i32>} : memref<32x128xf32, #tpu.memory_space<vmem>>, vector<16xf32>,
      tpu.vector_store %arg10[%swap3A_272, %swap3A_273], %add3A_271 {strides = array<i32>} : memref<32x128xf32, #tpu.memory_space<vmem>>, vector<16xf32>,
      %get3A_275 = arith.index_cast %mul3A_142 : i32 to index
      %get3A_276 = arith.constant 64 : index
      %get3A_277 = tpu.vector_load %arg8[%get3A_275, %get3A_276] {strides = array<i32>} : memref<128x128xf32, #tpu.memory_space<vmem>>, vector<16xf32>,
      %mul3A_278 = arith.mulf %gather3A, %get3A_277 : vector<16xf32>
      %add3A_279 = arith.constant 1 : i32
      %add3A_280 = arith.addi %mul3A_142, %add3A_279 : i32
      %get3A_281 = arith.index_cast %add3A_280 : i32 to index
      %get3A_282 = arith.constant 64 : index
      %get3A_283 = tpu.vector_load %arg8[%get3A_281, %get3A_282] {strides = array<i32>} : memref<128x128xf32, #tpu.memory_space<vmem>>, vector<16xf32>,
      %mul3A_284 = arith.mulf %gather3A_152, %get3A_283 : vector<16xf32>
      %add3A_285 = arith.addf %mul3A_278, %mul3A_284 : vector<16xf32>
      %add3A_286 = arith.constant 2 : i32
      %add3A_287 = arith.addi %mul3A_142, %add3A_286 : i32
      %get3A_288 = arith.index_cast %add3A_287 : i32 to index
      %get3A_289 = arith.constant 64 : index
      %get3A_290 = tpu.vector_load %arg8[%get3A_288, %get3A_289] {strides = array<i32>} : memref<128x128xf32, #tpu.memory_space<vmem>>, vector<16xf32>,
      %mul3A_291 = arith.mulf %gather3A_158, %get3A_290 : vector<16xf32>
      %add3A_292 = arith.addf %add3A_285, %mul3A_291 : vector<16xf32>
      %add3A_293 = arith.constant 3 : i32
      %add3A_294 = arith.addi %mul3A_142, %add3A_293 : i32
      %get3A_295 = arith.index_cast %add3A_294 : i32 to index
      %get3A_296 = arith.constant 64 : index
      %get3A_297 = tpu.vector_load %arg8[%get3A_295, %get3A_296] {strides = array<i32>} : memref<128x128xf32, #tpu.memory_space<vmem>>, vector<16xf32>,
      %mul3A_298 = arith.mulf %gather3A_164, %get3A_297 : vector<16xf32>
      %add3A_299 = arith.addf %add3A_292, %mul3A_298 : vector<16xf32>
      %swap3A_300 = arith.index_cast %scan3A_140 : i32 to index
      %swap3A_301 = arith.constant 64 : index
      %swap3A_302 = tpu.vector_load %arg10[%swap3A_300, %swap3A_301] {strides = array<i32>} : memref<32x128xf32, #tpu.memory_space<vmem>>, vector<16xf32>,
      tpu.vector_store %arg10[%swap3A_300, %swap3A_301], %add3A_299 {strides = array<i32>} : memref<32x128xf32, #tpu.memory_space<vmem>>, vector<16xf32>,
      %get3A_303 = arith.index_cast %mul3A_142 : i32 to index
      %get3A_304 = arith.constant 80 : index
      %get3A_305 = tpu.vector_load %arg8[%get3A_303, %get3A_304] {strides = array<i32>} : memref<128x128xf32, #tpu.memory_space<vmem>>, vector<16xf32>,
      %mul3A_306 = arith.mulf %gather3A, %get3A_305 : vector<16xf32>
      %add3A_307 = arith.constant 1 : i32
      %add3A_308 = arith.addi %mul3A_142, %add3A_307 : i32
      %get3A_309 = arith.index_cast %add3A_308 : i32 to index
      %get3A_310 = arith.constant 80 : index
      %get3A_311 = tpu.vector_load %arg8[%get3A_309, %get3A_310] {strides = array<i32>} : memref<128x128xf32, #tpu.memory_space<vmem>>, vector<16xf32>,
      %mul3A_312 = arith.mulf %gather3A_152, %get3A_311 : vector<16xf32>
      %add3A_313 = arith.addf %mul3A_306, %mul3A_312 : vector<16xf32>
      %add3A_314 = arith.constant 2 : i32
      %add3A_315 = arith.addi %mul3A_142, %add3A_314 : i32
      %get3A_316 = arith.index_cast %add3A_315 : i32 to index
      %get3A_317 = arith.constant 80 : index
      %get3A_318 = tpu.vector_load %arg8[%get3A_316, %get3A_317] {strides = array<i32>} : memref<128x128xf32, #tpu.memory_space<vmem>>, vector<16xf32>,
      %mul3A_319 = arith.mulf %gather3A_158, %get3A_318 : vector<16xf32>
      %add3A_320 = arith.addf %add3A_313, %mul3A_319 : vector<16xf32>
      %add3A_321 = arith.constant 3 : i32
      %add3A_322 = arith.addi %mul3A_142, %add3A_321 : i32
      %get3A_323 = arith.index_cast %add3A_322 : i32 to index
      %get3A_324 = arith.constant 80 : index
      %get3A_325 = tpu.vector_load %arg8[%get3A_323, %get3A_324] {strides = array<i32>} : memref<128x128xf32, #tpu.memory_space<vmem>>, vector<16xf32>,
      %mul3A_326 = arith.mulf %gather3A_164, %get3A_325 : vector<16xf32>
      %add3A_327 = arith.addf %add3A_320, %mul3A_326 : vector<16xf32>
      %swap3A_328 = arith.index_cast %scan3A_140 : i32 to index
      %swap3A_329 = arith.constant 80 : index
      %swap3A_330 = tpu.vector_load %arg10[%swap3A_328, %swap3A_329] {strides = array<i32>} : memref<32x128xf32, #tpu.memory_space<vmem>>, vector<16xf32>,
      tpu.vector_store %arg10[%swap3A_328, %swap3A_329], %add3A_327 {strides = array<i32>} : memref<32x128xf32, #tpu.memory_space<vmem>>, vector<16xf32>,
      %get3A_331 = arith.index_cast %mul3A_142 : i32 to index
      %get3A_332 = arith.constant 96 : index
      %get3A_333 = tpu.vector_load %arg8[%get3A_331, %get3A_332] {strides = array<i32>} : memref<128x128xf32, #tpu.memory_space<vmem>>, vector<16xf32>,
      %mul3A_334 = arith.mulf %gather3A, %get3A_333 : vector<16xf32>
      %add3A_335 = arith.constant 1 : i32
      %add3A_336 = arith.addi %mul3A_142, %add3A_335 : i32
      %get3A_337 = arith.index_cast %add3A_336 : i32 to index
      %get3A_338 = arith.constant 96 : index
      %get3A_339 = tpu.vector_load %arg8[%get3A_337, %get3A_338] {strides = array<i32>} : memref<128x128xf32, #tpu.memory_space<vmem>>, vector<16xf32>,
      %mul3A_340 = arith.mulf %gather3A_152, %get3A_339 : vector<16xf32>
      %add3A_341 = arith.addf %mul3A_334, %mul3A_340 : vector<16xf32>
      %add3A_342 = arith.constant 2 : i32
      %add3A_343 = arith.addi %mul3A_142, %add3A_342 : i32
      %get3A_344 = arith.index_cast %add3A_343 : i32 to index
      %get3A_345 = arith.constant 96 : index
      %get3A_346 = tpu.vector_load %arg8[%get3A_344, %get3A_345] {strides = array<i32>} : memref<128x128xf32, #tpu.memory_space<vmem>>, vector<16xf32>,
      %mul3A_347 = arith.mulf %gather3A_158, %get3A_346 : vector<16xf32>
      %add3A_348 = arith.addf %add3A_341, %mul3A_347 : vector<16xf32>
      %add3A_349 = arith.constant 3 : i32
      %add3A_350 = arith.addi %mul3A_142, %add3A_349 : i32
      %get3A_351 = arith.index_cast %add3A_350 : i32 to index
      %get3A_352 = arith.constant 96 : index
      %get3A_353 = tpu.vector_load %arg8[%get3A_351, %get3A_352] {strides = array<i32>} : memref<128x128xf32, #tpu.memory_space<vmem>>, vector<16xf32>,
      %mul3A_354 = arith.mulf %gather3A_164, %get3A_353 : vector<16xf32>
      %add3A_355 = arith.addf %add3A_348, %mul3A_354 : vector<16xf32>
      %swap3A_356 = arith.index_cast %scan3A_140 : i32 to index
      %swap3A_357 = arith.constant 96 : index
      %swap3A_358 = tpu.vector_load %arg10[%swap3A_356, %swap3A_357] {strides = array<i32>} : memref<32x128xf32, #tpu.memory_space<vmem>>, vector<16xf32>,
      tpu.vector_store %arg10[%swap3A_356, %swap3A_357], %add3A_355 {strides = array<i32>} : memref<32x128xf32, #tpu.memory_space<vmem>>, vector<16xf32>,
      %get3A_359 = arith.index_cast %mul3A_142 : i32 to index
      %get3A_360 = arith.constant 112 : index
      %get3A_361 = tpu.vector_load %arg8[%get3A_359, %get3A_360] {strides = array<i32>} : memref<128x128xf32, #tpu.memory_space<vmem>>, vector<16xf32>,
      %mul3A_362 = arith.mulf %gather3A, %get3A_361 : vector<16xf32>
      %add3A_363 = arith.constant 1 : i32
      %add3A_364 = arith.addi %mul3A_142, %add3A_363 : i32
      %get3A_365 = arith.index_cast %add3A_364 : i32 to index
      %get3A_366 = arith.constant 112 : index
      %get3A_367 = tpu.vector_load %arg8[%get3A_365, %get3A_366] {strides = array<i32>} : memref<128x128xf32, #tpu.memory_space<vmem>>, vector<16xf32>,
      %mul3A_368 = arith.mulf %gather3A_152, %get3A_367 : vector<16xf32>
      %add3A_369 = arith.addf %mul3A_362, %mul3A_368 : vector<16xf32>
      %add3A_370 = arith.constant 2 : i32
      %add3A_371 = arith.addi %mul3A_142, %add3A_370 : i32
      %get3A_372 = arith.index_cast %add3A_371 : i32 to index
      %get3A_373 = arith.constant 112 : index
      %get3A_374 = tpu.vector_load %arg8[%get3A_372, %get3A_373] {strides = array<i32>} : memref<128x128xf32, #tpu.memory_space<vmem>>, vector<16xf32>,
      %mul3A_375 = arith.mulf %gather3A_158, %get3A_374 : vector<16xf32>
      %add3A_376 = arith.addf %add3A_369, %mul3A_375 : vector<16xf32>
      %add3A_377 = arith.constant 3 : i32
      %add3A_378 = arith.addi %mul3A_142, %add3A_377 : i32
      %get3A_379 = arith.index_cast %add3A_378 : i32 to index
      %get3A_380 = arith.constant 112 : index
      %get3A_381 = tpu.vector_load %arg8[%get3A_379, %get3A_380] {strides = array<i32>} : memref<128x128xf32, #tpu.memory_space<vmem>>, vector<16xf32>,
      %mul3A_382 = arith.mulf %gather3A_164, %get3A_381 : vector<16xf32>
      %add3A_383 = arith.addf %add3A_376, %mul3A_382 : vector<16xf32>
      %swap3A_384 = arith.index_cast %scan3A_140 : i32 to index
      %swap3A_385 = arith.constant 112 : index
      %swap3A_386 = tpu.vector_load %arg10[%swap3A_384, %swap3A_385] {strides = array<i32>} : memref<32x128xf32, #tpu.memory_space<vmem>>, vector<16xf32>,
      tpu.vector_store %arg10[%swap3A_384, %swap3A_385], %add3A_383 {strides = array<i32>} : memref<32x128xf32, #tpu.memory_space<vmem>>, vector<16xf32>,
    }
    %scan3A_125 = arith.constant 32 : i32
    %add3A_126 = arith.constant 192 : i32
    %add3A_127 = arith.addi %mul3A_2, %add3A_126 : i32
    "tpu.region"() ({
      %run_scoped3A = tpu.sem_alloc : memref<!tpu.dma_semaphore, #tpu.memory_space<semaphore_mem>>
      %dma_start3A_140 = arith.constant 0 : i32
      %dma_start3A_141 = tpu.memref_slice %arg5[%add3A_127, %dma_start3A_140] : memref<8192x128xf32, #tpu.memory_space<hbm>> -> memref<32x128xf32, #tpu.memory_space<hbm>>
      %dma_start3A_142 = arith.constant 0 : i32
      %dma_start3A_143 = tpu.memref_slice %arg5[%add3A_127, %dma_start3A_142] : memref<8192x128xf32, #tpu.memory_space<hbm>> -> memref<32x128xf32, #tpu.memory_space<hbm>>
      tpu.enqueue_dma source(%arg10 : memref<32x128xf32, #tpu.memory_space<vmem>>) target(%dma_start3A_143 : memref<32x128xf32, #tpu.memory_space<hbm>>) target_semaphore(%run_scoped3A : memref<!tpu.dma_semaphore, #tpu.memory_space<semaphore_mem>>)
      %dma_wait3A_144 = arith.constant 0 : i32
      %dma_wait3A_145 = tpu.memref_slice %arg5[%add3A_127, %dma_wait3A_144] : memref<8192x128xf32, #tpu.memory_space<hbm>> -> memref<32x128xf32, #tpu.memory_space<hbm>>
      %dma_wait3A_146 = arith.constant 0 : i32
      %dma_wait3A_147 = tpu.memref_slice %arg5[%add3A_127, %dma_wait3A_146] : memref<8192x128xf32, #tpu.memory_space<hbm>> -> memref<32x128xf32, #tpu.memory_space<hbm>>
      tpu.wait_dma2 semaphore(%run_scoped3A : memref<!tpu.dma_semaphore, #tpu.memory_space<semaphore_mem>>) src(%arg10 : memref<32x128xf32, #tpu.memory_space<vmem>>) dst(%dma_wait3A_147 : memref<32x128xf32, #tpu.memory_space<hbm>>)
      tpu.yield
    }) : () -> ()
    %dma_wait3A_128 = arith.constant 896 : i32
    %dma_wait3A_129 = tpu.memref_slice %arg6[%dma_wait3A_128] : memref<1024xi32, #tpu.memory_space<vmem>> -> memref<128xi32, #tpu.memory_space<vmem>>
    %dma_wait3A_130 = arith.constant 0 : i32
    %dma_wait3A_131 = arith.constant 0 : i32
    %dma_wait3A_132 = tpu.memref_slice %arg2[%dma_wait3A_130, %dma_wait3A_131] : memref<8192x128xf32, #tpu.memory_space<hbm>> -> memref<8192x128xf32, #tpu.memory_space<hbm>>
    tpu.wait_indirect_dma semaphore(%arg12 : memref<!tpu.dma_semaphore, #tpu.memory_space<semaphore_mem>>) src(%dma_wait3A_132 : memref<8192x128xf32, #tpu.memory_space<hbm>>) dst(%arg9 : memref<128x128xf32, #tpu.memory_space<vmem>>)
    %scan3A_133 = arith.constant 0 : i32
    %scan3A_134 = arith.constant 32 : i32
    %scan3A_135 = arith.addi %scan3A_133, %scan3A_134 : i32
    %scan3A_136 = arith.constant 1 : i32
    scf.for %scan3A_140 = %scan3A_133 to %scan3A_135 step %scan3A_136  : i32 {
      %mul3A_141 = arith.constant 4 : i32
      %mul3A_142 = arith.muli %scan3A_140, %mul3A_141 : i32
      %add3A_143 = arith.constant 896 : i32
      %add3A_144 = arith.addi %add3A_143, %mul3A_142 : i32
      %add3A_145 = arith.constant 0 : i32
      %add3A_146 = arith.addi %add3A_144, %add3A_145 : i32
      %broadcast_in_dim3A = vector.broadcast %add3A_146 : i32 to vector<16xi32>
      %gather3A = tpu.vector_load_idx %arg7[%broadcast_in_dim3A] : memref<1024xf32, #tpu.memory_space<vmem>>[vector<16xi32>], vector<16xf32>,
      %add3A_147 = arith.constant 896 : i32
      %add3A_148 = arith.addi %add3A_147, %mul3A_142 : i32
      %add3A_149 = arith.constant 1 : i32
      %add3A_150 = arith.addi %add3A_148, %add3A_149 : i32
      %broadcast_in_dim3A_151 = vector.broadcast %add3A_150 : i32 to vector<16xi32>
      %gather3A_152 = tpu.vector_load_idx %arg7[%broadcast_in_dim3A_151] : memref<1024xf32, #tpu.memory_space<vmem>>[vector<16xi32>], vector<16xf32>,
      %add3A_153 = arith.constant 896 : i32
      %add3A_154 = arith.addi %add3A_153, %mul3A_142 : i32
      %add3A_155 = arith.constant 2 : i32
      %add3A_156 = arith.addi %add3A_154, %add3A_155 : i32
      %broadcast_in_dim3A_157 = vector.broadcast %add3A_156 : i32 to vector<16xi32>
      %gather3A_158 = tpu.vector_load_idx %arg7[%broadcast_in_dim3A_157] : memref<1024xf32, #tpu.memory_space<vmem>>[vector<16xi32>], vector<16xf32>,
      %add3A_159 = arith.constant 896 : i32
      %add3A_160 = arith.addi %add3A_159, %mul3A_142 : i32
      %add3A_161 = arith.constant 3 : i32
      %add3A_162 = arith.addi %add3A_160, %add3A_161 : i32
      %broadcast_in_dim3A_163 = vector.broadcast %add3A_162 : i32 to vector<16xi32>
      %gather3A_164 = tpu.vector_load_idx %arg7[%broadcast_in_dim3A_163] : memref<1024xf32, #tpu.memory_space<vmem>>[vector<16xi32>], vector<16xf32>,
      %get3A = arith.index_cast %mul3A_142 : i32 to index
      %get3A_165 = arith.constant 0 : index
      %get3A_166 = tpu.vector_load %arg9[%get3A, %get3A_165] {strides = array<i32>} : memref<128x128xf32, #tpu.memory_space<vmem>>, vector<16xf32>,
      %mul3A_167 = arith.mulf %gather3A, %get3A_166 : vector<16xf32>
      %add3A_168 = arith.constant 1 : i32
      %add3A_169 = arith.addi %mul3A_142, %add3A_168 : i32
      %get3A_170 = arith.index_cast %add3A_169 : i32 to index
      %get3A_171 = arith.constant 0 : index
      %get3A_172 = tpu.vector_load %arg9[%get3A_170, %get3A_171] {strides = array<i32>} : memref<128x128xf32, #tpu.memory_space<vmem>>, vector<16xf32>,
      %mul3A_173 = arith.mulf %gather3A_152, %get3A_172 : vector<16xf32>
      %add3A_174 = arith.addf %mul3A_167, %mul3A_173 : vector<16xf32>
      %add3A_175 = arith.constant 2 : i32
      %add3A_176 = arith.addi %mul3A_142, %add3A_175 : i32
      %get3A_177 = arith.index_cast %add3A_176 : i32 to index
      %get3A_178 = arith.constant 0 : index
      %get3A_179 = tpu.vector_load %arg9[%get3A_177, %get3A_178] {strides = array<i32>} : memref<128x128xf32, #tpu.memory_space<vmem>>, vector<16xf32>,
      %mul3A_180 = arith.mulf %gather3A_158, %get3A_179 : vector<16xf32>
      %add3A_181 = arith.addf %add3A_174, %mul3A_180 : vector<16xf32>
      %add3A_182 = arith.constant 3 : i32
      %add3A_183 = arith.addi %mul3A_142, %add3A_182 : i32
      %get3A_184 = arith.index_cast %add3A_183 : i32 to index
      %get3A_185 = arith.constant 0 : index
      %get3A_186 = tpu.vector_load %arg9[%get3A_184, %get3A_185] {strides = array<i32>} : memref<128x128xf32, #tpu.memory_space<vmem>>, vector<16xf32>,
      %mul3A_187 = arith.mulf %gather3A_164, %get3A_186 : vector<16xf32>
      %add3A_188 = arith.addf %add3A_181, %mul3A_187 : vector<16xf32>
      %swap3A = arith.index_cast %scan3A_140 : i32 to index
      %swap3A_189 = arith.constant 0 : index
      %swap3A_190 = tpu.vector_load %arg10[%swap3A, %swap3A_189] {strides = array<i32>} : memref<32x128xf32, #tpu.memory_space<vmem>>, vector<16xf32>,
      tpu.vector_store %arg10[%swap3A, %swap3A_189], %add3A_188 {strides = array<i32>} : memref<32x128xf32, #tpu.memory_space<vmem>>, vector<16xf32>,
      %get3A_191 = arith.index_cast %mul3A_142 : i32 to index
      %get3A_192 = arith.constant 16 : index
      %get3A_193 = tpu.vector_load %arg9[%get3A_191, %get3A_192] {strides = array<i32>} : memref<128x128xf32, #tpu.memory_space<vmem>>, vector<16xf32>,
      %mul3A_194 = arith.mulf %gather3A, %get3A_193 : vector<16xf32>
      %add3A_195 = arith.constant 1 : i32
      %add3A_196 = arith.addi %mul3A_142, %add3A_195 : i32
      %get3A_197 = arith.index_cast %add3A_196 : i32 to index
      %get3A_198 = arith.constant 16 : index
      %get3A_199 = tpu.vector_load %arg9[%get3A_197, %get3A_198] {strides = array<i32>} : memref<128x128xf32, #tpu.memory_space<vmem>>, vector<16xf32>,
      %mul3A_200 = arith.mulf %gather3A_152, %get3A_199 : vector<16xf32>
      %add3A_201 = arith.addf %mul3A_194, %mul3A_200 : vector<16xf32>
      %add3A_202 = arith.constant 2 : i32
      %add3A_203 = arith.addi %mul3A_142, %add3A_202 : i32
      %get3A_204 = arith.index_cast %add3A_203 : i32 to index
      %get3A_205 = arith.constant 16 : index
      %get3A_206 = tpu.vector_load %arg9[%get3A_204, %get3A_205] {strides = array<i32>} : memref<128x128xf32, #tpu.memory_space<vmem>>, vector<16xf32>,
      %mul3A_207 = arith.mulf %gather3A_158, %get3A_206 : vector<16xf32>
      %add3A_208 = arith.addf %add3A_201, %mul3A_207 : vector<16xf32>
      %add3A_209 = arith.constant 3 : i32
      %add3A_210 = arith.addi %mul3A_142, %add3A_209 : i32
      %get3A_211 = arith.index_cast %add3A_210 : i32 to index
      %get3A_212 = arith.constant 16 : index
      %get3A_213 = tpu.vector_load %arg9[%get3A_211, %get3A_212] {strides = array<i32>} : memref<128x128xf32, #tpu.memory_space<vmem>>, vector<16xf32>,
      %mul3A_214 = arith.mulf %gather3A_164, %get3A_213 : vector<16xf32>
      %add3A_215 = arith.addf %add3A_208, %mul3A_214 : vector<16xf32>
      %swap3A_216 = arith.index_cast %scan3A_140 : i32 to index
      %swap3A_217 = arith.constant 16 : index
      %swap3A_218 = tpu.vector_load %arg10[%swap3A_216, %swap3A_217] {strides = array<i32>} : memref<32x128xf32, #tpu.memory_space<vmem>>, vector<16xf32>,
      tpu.vector_store %arg10[%swap3A_216, %swap3A_217], %add3A_215 {strides = array<i32>} : memref<32x128xf32, #tpu.memory_space<vmem>>, vector<16xf32>,
      %get3A_219 = arith.index_cast %mul3A_142 : i32 to index
      %get3A_220 = arith.constant 32 : index
      %get3A_221 = tpu.vector_load %arg9[%get3A_219, %get3A_220] {strides = array<i32>} : memref<128x128xf32, #tpu.memory_space<vmem>>, vector<16xf32>,
      %mul3A_222 = arith.mulf %gather3A, %get3A_221 : vector<16xf32>
      %add3A_223 = arith.constant 1 : i32
      %add3A_224 = arith.addi %mul3A_142, %add3A_223 : i32
      %get3A_225 = arith.index_cast %add3A_224 : i32 to index
      %get3A_226 = arith.constant 32 : index
      %get3A_227 = tpu.vector_load %arg9[%get3A_225, %get3A_226] {strides = array<i32>} : memref<128x128xf32, #tpu.memory_space<vmem>>, vector<16xf32>,
      %mul3A_228 = arith.mulf %gather3A_152, %get3A_227 : vector<16xf32>
      %add3A_229 = arith.addf %mul3A_222, %mul3A_228 : vector<16xf32>
      %add3A_230 = arith.constant 2 : i32
      %add3A_231 = arith.addi %mul3A_142, %add3A_230 : i32
      %get3A_232 = arith.index_cast %add3A_231 : i32 to index
      %get3A_233 = arith.constant 32 : index
      %get3A_234 = tpu.vector_load %arg9[%get3A_232, %get3A_233] {strides = array<i32>} : memref<128x128xf32, #tpu.memory_space<vmem>>, vector<16xf32>,
      %mul3A_235 = arith.mulf %gather3A_158, %get3A_234 : vector<16xf32>
      %add3A_236 = arith.addf %add3A_229, %mul3A_235 : vector<16xf32>
      %add3A_237 = arith.constant 3 : i32
      %add3A_238 = arith.addi %mul3A_142, %add3A_237 : i32
      %get3A_239 = arith.index_cast %add3A_238 : i32 to index
      %get3A_240 = arith.constant 32 : index
      %get3A_241 = tpu.vector_load %arg9[%get3A_239, %get3A_240] {strides = array<i32>} : memref<128x128xf32, #tpu.memory_space<vmem>>, vector<16xf32>,
      %mul3A_242 = arith.mulf %gather3A_164, %get3A_241 : vector<16xf32>
      %add3A_243 = arith.addf %add3A_236, %mul3A_242 : vector<16xf32>
      %swap3A_244 = arith.index_cast %scan3A_140 : i32 to index
      %swap3A_245 = arith.constant 32 : index
      %swap3A_246 = tpu.vector_load %arg10[%swap3A_244, %swap3A_245] {strides = array<i32>} : memref<32x128xf32, #tpu.memory_space<vmem>>, vector<16xf32>,
      tpu.vector_store %arg10[%swap3A_244, %swap3A_245], %add3A_243 {strides = array<i32>} : memref<32x128xf32, #tpu.memory_space<vmem>>, vector<16xf32>,
      %get3A_247 = arith.index_cast %mul3A_142 : i32 to index
      %get3A_248 = arith.constant 48 : index
      %get3A_249 = tpu.vector_load %arg9[%get3A_247, %get3A_248] {strides = array<i32>} : memref<128x128xf32, #tpu.memory_space<vmem>>, vector<16xf32>,
      %mul3A_250 = arith.mulf %gather3A, %get3A_249 : vector<16xf32>
      %add3A_251 = arith.constant 1 : i32
      %add3A_252 = arith.addi %mul3A_142, %add3A_251 : i32
      %get3A_253 = arith.index_cast %add3A_252 : i32 to index
      %get3A_254 = arith.constant 48 : index
      %get3A_255 = tpu.vector_load %arg9[%get3A_253, %get3A_254] {strides = array<i32>} : memref<128x128xf32, #tpu.memory_space<vmem>>, vector<16xf32>,
      %mul3A_256 = arith.mulf %gather3A_152, %get3A_255 : vector<16xf32>
      %add3A_257 = arith.addf %mul3A_250, %mul3A_256 : vector<16xf32>
      %add3A_258 = arith.constant 2 : i32
      %add3A_259 = arith.addi %mul3A_142, %add3A_258 : i32
      %get3A_260 = arith.index_cast %add3A_259 : i32 to index
      %get3A_261 = arith.constant 48 : index
      %get3A_262 = tpu.vector_load %arg9[%get3A_260, %get3A_261] {strides = array<i32>} : memref<128x128xf32, #tpu.memory_space<vmem>>, vector<16xf32>,
      %mul3A_263 = arith.mulf %gather3A_158, %get3A_262 : vector<16xf32>
      %add3A_264 = arith.addf %add3A_257, %mul3A_263 : vector<16xf32>
      %add3A_265 = arith.constant 3 : i32
      %add3A_266 = arith.addi %mul3A_142, %add3A_265 : i32
      %get3A_267 = arith.index_cast %add3A_266 : i32 to index
      %get3A_268 = arith.constant 48 : index
      %get3A_269 = tpu.vector_load %arg9[%get3A_267, %get3A_268] {strides = array<i32>} : memref<128x128xf32, #tpu.memory_space<vmem>>, vector<16xf32>,
      %mul3A_270 = arith.mulf %gather3A_164, %get3A_269 : vector<16xf32>
      %add3A_271 = arith.addf %add3A_264, %mul3A_270 : vector<16xf32>
      %swap3A_272 = arith.index_cast %scan3A_140 : i32 to index
      %swap3A_273 = arith.constant 48 : index
      %swap3A_274 = tpu.vector_load %arg10[%swap3A_272, %swap3A_273] {strides = array<i32>} : memref<32x128xf32, #tpu.memory_space<vmem>>, vector<16xf32>,
      tpu.vector_store %arg10[%swap3A_272, %swap3A_273], %add3A_271 {strides = array<i32>} : memref<32x128xf32, #tpu.memory_space<vmem>>, vector<16xf32>,
      %get3A_275 = arith.index_cast %mul3A_142 : i32 to index
      %get3A_276 = arith.constant 64 : index
      %get3A_277 = tpu.vector_load %arg9[%get3A_275, %get3A_276] {strides = array<i32>} : memref<128x128xf32, #tpu.memory_space<vmem>>, vector<16xf32>,
      %mul3A_278 = arith.mulf %gather3A, %get3A_277 : vector<16xf32>
      %add3A_279 = arith.constant 1 : i32
      %add3A_280 = arith.addi %mul3A_142, %add3A_279 : i32
      %get3A_281 = arith.index_cast %add3A_280 : i32 to index
      %get3A_282 = arith.constant 64 : index
      %get3A_283 = tpu.vector_load %arg9[%get3A_281, %get3A_282] {strides = array<i32>} : memref<128x128xf32, #tpu.memory_space<vmem>>, vector<16xf32>,
      %mul3A_284 = arith.mulf %gather3A_152, %get3A_283 : vector<16xf32>
      %add3A_285 = arith.addf %mul3A_278, %mul3A_284 : vector<16xf32>
      %add3A_286 = arith.constant 2 : i32
      %add3A_287 = arith.addi %mul3A_142, %add3A_286 : i32
      %get3A_288 = arith.index_cast %add3A_287 : i32 to index
      %get3A_289 = arith.constant 64 : index
      %get3A_290 = tpu.vector_load %arg9[%get3A_288, %get3A_289] {strides = array<i32>} : memref<128x128xf32, #tpu.memory_space<vmem>>, vector<16xf32>,
      %mul3A_291 = arith.mulf %gather3A_158, %get3A_290 : vector<16xf32>
      %add3A_292 = arith.addf %add3A_285, %mul3A_291 : vector<16xf32>
      %add3A_293 = arith.constant 3 : i32
      %add3A_294 = arith.addi %mul3A_142, %add3A_293 : i32
      %get3A_295 = arith.index_cast %add3A_294 : i32 to index
      %get3A_296 = arith.constant 64 : index
      %get3A_297 = tpu.vector_load %arg9[%get3A_295, %get3A_296] {strides = array<i32>} : memref<128x128xf32, #tpu.memory_space<vmem>>, vector<16xf32>,
      %mul3A_298 = arith.mulf %gather3A_164, %get3A_297 : vector<16xf32>
      %add3A_299 = arith.addf %add3A_292, %mul3A_298 : vector<16xf32>
      %swap3A_300 = arith.index_cast %scan3A_140 : i32 to index
      %swap3A_301 = arith.constant 64 : index
      %swap3A_302 = tpu.vector_load %arg10[%swap3A_300, %swap3A_301] {strides = array<i32>} : memref<32x128xf32, #tpu.memory_space<vmem>>, vector<16xf32>,
      tpu.vector_store %arg10[%swap3A_300, %swap3A_301], %add3A_299 {strides = array<i32>} : memref<32x128xf32, #tpu.memory_space<vmem>>, vector<16xf32>,
      %get3A_303 = arith.index_cast %mul3A_142 : i32 to index
      %get3A_304 = arith.constant 80 : index
      %get3A_305 = tpu.vector_load %arg9[%get3A_303, %get3A_304] {strides = array<i32>} : memref<128x128xf32, #tpu.memory_space<vmem>>, vector<16xf32>,
      %mul3A_306 = arith.mulf %gather3A, %get3A_305 : vector<16xf32>
      %add3A_307 = arith.constant 1 : i32
      %add3A_308 = arith.addi %mul3A_142, %add3A_307 : i32
      %get3A_309 = arith.index_cast %add3A_308 : i32 to index
      %get3A_310 = arith.constant 80 : index
      %get3A_311 = tpu.vector_load %arg9[%get3A_309, %get3A_310] {strides = array<i32>} : memref<128x128xf32, #tpu.memory_space<vmem>>, vector<16xf32>,
      %mul3A_312 = arith.mulf %gather3A_152, %get3A_311 : vector<16xf32>
      %add3A_313 = arith.addf %mul3A_306, %mul3A_312 : vector<16xf32>
      %add3A_314 = arith.constant 2 : i32
      %add3A_315 = arith.addi %mul3A_142, %add3A_314 : i32
      %get3A_316 = arith.index_cast %add3A_315 : i32 to index
      %get3A_317 = arith.constant 80 : index
      %get3A_318 = tpu.vector_load %arg9[%get3A_316, %get3A_317] {strides = array<i32>} : memref<128x128xf32, #tpu.memory_space<vmem>>, vector<16xf32>,
      %mul3A_319 = arith.mulf %gather3A_158, %get3A_318 : vector<16xf32>
      %add3A_320 = arith.addf %add3A_313, %mul3A_319 : vector<16xf32>
      %add3A_321 = arith.constant 3 : i32
      %add3A_322 = arith.addi %mul3A_142, %add3A_321 : i32
      %get3A_323 = arith.index_cast %add3A_322 : i32 to index
      %get3A_324 = arith.constant 80 : index
      %get3A_325 = tpu.vector_load %arg9[%get3A_323, %get3A_324] {strides = array<i32>} : memref<128x128xf32, #tpu.memory_space<vmem>>, vector<16xf32>,
      %mul3A_326 = arith.mulf %gather3A_164, %get3A_325 : vector<16xf32>
      %add3A_327 = arith.addf %add3A_320, %mul3A_326 : vector<16xf32>
      %swap3A_328 = arith.index_cast %scan3A_140 : i32 to index
      %swap3A_329 = arith.constant 80 : index
      %swap3A_330 = tpu.vector_load %arg10[%swap3A_328, %swap3A_329] {strides = array<i32>} : memref<32x128xf32, #tpu.memory_space<vmem>>, vector<16xf32>,
      tpu.vector_store %arg10[%swap3A_328, %swap3A_329], %add3A_327 {strides = array<i32>} : memref<32x128xf32, #tpu.memory_space<vmem>>, vector<16xf32>,
      %get3A_331 = arith.index_cast %mul3A_142 : i32 to index
      %get3A_332 = arith.constant 96 : index
      %get3A_333 = tpu.vector_load %arg9[%get3A_331, %get3A_332] {strides = array<i32>} : memref<128x128xf32, #tpu.memory_space<vmem>>, vector<16xf32>,
      %mul3A_334 = arith.mulf %gather3A, %get3A_333 : vector<16xf32>
      %add3A_335 = arith.constant 1 : i32
      %add3A_336 = arith.addi %mul3A_142, %add3A_335 : i32
      %get3A_337 = arith.index_cast %add3A_336 : i32 to index
      %get3A_338 = arith.constant 96 : index
      %get3A_339 = tpu.vector_load %arg9[%get3A_337, %get3A_338] {strides = array<i32>} : memref<128x128xf32, #tpu.memory_space<vmem>>, vector<16xf32>,
      %mul3A_340 = arith.mulf %gather3A_152, %get3A_339 : vector<16xf32>
      %add3A_341 = arith.addf %mul3A_334, %mul3A_340 : vector<16xf32>
      %add3A_342 = arith.constant 2 : i32
      %add3A_343 = arith.addi %mul3A_142, %add3A_342 : i32
      %get3A_344 = arith.index_cast %add3A_343 : i32 to index
      %get3A_345 = arith.constant 96 : index
      %get3A_346 = tpu.vector_load %arg9[%get3A_344, %get3A_345] {strides = array<i32>} : memref<128x128xf32, #tpu.memory_space<vmem>>, vector<16xf32>,
      %mul3A_347 = arith.mulf %gather3A_158, %get3A_346 : vector<16xf32>
      %add3A_348 = arith.addf %add3A_341, %mul3A_347 : vector<16xf32>
      %add3A_349 = arith.constant 3 : i32
      %add3A_350 = arith.addi %mul3A_142, %add3A_349 : i32
      %get3A_351 = arith.index_cast %add3A_350 : i32 to index
      %get3A_352 = arith.constant 96 : index
      %get3A_353 = tpu.vector_load %arg9[%get3A_351, %get3A_352] {strides = array<i32>} : memref<128x128xf32, #tpu.memory_space<vmem>>, vector<16xf32>,
      %mul3A_354 = arith.mulf %gather3A_164, %get3A_353 : vector<16xf32>
      %add3A_355 = arith.addf %add3A_348, %mul3A_354 : vector<16xf32>
      %swap3A_356 = arith.index_cast %scan3A_140 : i32 to index
      %swap3A_357 = arith.constant 96 : index
      %swap3A_358 = tpu.vector_load %arg10[%swap3A_356, %swap3A_357] {strides = array<i32>} : memref<32x128xf32, #tpu.memory_space<vmem>>, vector<16xf32>,
      tpu.vector_store %arg10[%swap3A_356, %swap3A_357], %add3A_355 {strides = array<i32>} : memref<32x128xf32, #tpu.memory_space<vmem>>, vector<16xf32>,
      %get3A_359 = arith.index_cast %mul3A_142 : i32 to index
      %get3A_360 = arith.constant 112 : index
      %get3A_361 = tpu.vector_load %arg9[%get3A_359, %get3A_360] {strides = array<i32>} : memref<128x128xf32, #tpu.memory_space<vmem>>, vector<16xf32>,
      %mul3A_362 = arith.mulf %gather3A, %get3A_361 : vector<16xf32>
      %add3A_363 = arith.constant 1 : i32
      %add3A_364 = arith.addi %mul3A_142, %add3A_363 : i32
      %get3A_365 = arith.index_cast %add3A_364 : i32 to index
      %get3A_366 = arith.constant 112 : index
      %get3A_367 = tpu.vector_load %arg9[%get3A_365, %get3A_366] {strides = array<i32>} : memref<128x128xf32, #tpu.memory_space<vmem>>, vector<16xf32>,
      %mul3A_368 = arith.mulf %gather3A_152, %get3A_367 : vector<16xf32>
      %add3A_369 = arith.addf %mul3A_362, %mul3A_368 : vector<16xf32>
      %add3A_370 = arith.constant 2 : i32
      %add3A_371 = arith.addi %mul3A_142, %add3A_370 : i32
      %get3A_372 = arith.index_cast %add3A_371 : i32 to index
      %get3A_373 = arith.constant 112 : index
      %get3A_374 = tpu.vector_load %arg9[%get3A_372, %get3A_373] {strides = array<i32>} : memref<128x128xf32, #tpu.memory_space<vmem>>, vector<16xf32>,
      %mul3A_375 = arith.mulf %gather3A_158, %get3A_374 : vector<16xf32>
      %add3A_376 = arith.addf %add3A_369, %mul3A_375 : vector<16xf32>
      %add3A_377 = arith.constant 3 : i32
      %add3A_378 = arith.addi %mul3A_142, %add3A_377 : i32
      %get3A_379 = arith.index_cast %add3A_378 : i32 to index
      %get3A_380 = arith.constant 112 : index
      %get3A_381 = tpu.vector_load %arg9[%get3A_379, %get3A_380] {strides = array<i32>} : memref<128x128xf32, #tpu.memory_space<vmem>>, vector<16xf32>,
      %mul3A_382 = arith.mulf %gather3A_164, %get3A_381 : vector<16xf32>
      %add3A_383 = arith.addf %add3A_376, %mul3A_382 : vector<16xf32>
      %swap3A_384 = arith.index_cast %scan3A_140 : i32 to index
      %swap3A_385 = arith.constant 112 : index
      %swap3A_386 = tpu.vector_load %arg10[%swap3A_384, %swap3A_385] {strides = array<i32>} : memref<32x128xf32, #tpu.memory_space<vmem>>, vector<16xf32>,
      tpu.vector_store %arg10[%swap3A_384, %swap3A_385], %add3A_383 {strides = array<i32>} : memref<32x128xf32, #tpu.memory_space<vmem>>, vector<16xf32>,
    }
    %scan3A_137 = arith.constant 32 : i32
    %add3A_138 = arith.constant 224 : i32
    %add3A_139 = arith.addi %mul3A_2, %add3A_138 : i32
    "tpu.region"() ({
      %run_scoped3A = tpu.sem_alloc : memref<!tpu.dma_semaphore, #tpu.memory_space<semaphore_mem>>
      %dma_start3A_140 = arith.constant 0 : i32
      %dma_start3A_141 = tpu.memref_slice %arg5[%add3A_139, %dma_start3A_140] : memref<8192x128xf32, #tpu.memory_space<hbm>> -> memref<32x128xf32, #tpu.memory_space<hbm>>
      %dma_start3A_142 = arith.constant 0 : i32
      %dma_start3A_143 = tpu.memref_slice %arg5[%add3A_139, %dma_start3A_142] : memref<8192x128xf32, #tpu.memory_space<hbm>> -> memref<32x128xf32, #tpu.memory_space<hbm>>
      tpu.enqueue_dma source(%arg10 : memref<32x128xf32, #tpu.memory_space<vmem>>) target(%dma_start3A_143 : memref<32x128xf32, #tpu.memory_space<hbm>>) target_semaphore(%run_scoped3A : memref<!tpu.dma_semaphore, #tpu.memory_space<semaphore_mem>>)
      %dma_wait3A_144 = arith.constant 0 : i32
      %dma_wait3A_145 = tpu.memref_slice %arg5[%add3A_139, %dma_wait3A_144] : memref<8192x128xf32, #tpu.memory_space<hbm>> -> memref<32x128xf32, #tpu.memory_space<hbm>>
      %dma_wait3A_146 = arith.constant 0 : i32
      %dma_wait3A_147 = tpu.memref_slice %arg5[%add3A_139, %dma_wait3A_146] : memref<8192x128xf32, #tpu.memory_space<hbm>> -> memref<32x128xf32, #tpu.memory_space<hbm>>
      tpu.wait_dma2 semaphore(%run_scoped3A : memref<!tpu.dma_semaphore, #tpu.memory_space<semaphore_mem>>) src(%arg10 : memref<32x128xf32, #tpu.memory_space<vmem>>) dst(%dma_wait3A_147 : memref<32x128xf32, #tpu.memory_space<hbm>>)
      tpu.yield
    }) : () -> ()
    return
  }
}

module attributes {stable_mosaic.version = 14 : i64} {
  func.func @_router_body(%arg0: i32, %arg1: i32, %arg2: memref<1x512x128xf32, #tpu.memory_space<vmem>>, %arg3: memref<1x4096x128xf32, #tpu.memory_space<vmem>>, %arg4: memref<1x64xf32, #tpu.memory_space<vmem>>, %arg5: memref<128x128xf32, #tpu.memory_space<vmem>>, %arg6: memref<1x128xf32, #tpu.memory_space<vmem>>, %arg7: memref<128x64xf32, #tpu.memory_space<vmem>>, %arg8: memref<1x128xf32, #tpu.memory_space<vmem>>, %arg9: memref<1x512x4xi32, #tpu.memory_space<vmem>>, %arg10: memref<1x512x4xf32, #tpu.memory_space<vmem>>, %arg11: memref<1x512x4xi32, #tpu.memory_space<vmem>>, %arg12: memref<512x1024xf32, #tpu.memory_space<vmem>>, %arg13: memref<512x1024xf32, #tpu.memory_space<vmem>>) attributes {dimension_semantics = [#tpu.dimension_semantics<arbitrary>, #tpu.dimension_semantics<arbitrary>], iteration_bounds = array<i64: 2, 8>, scalar_prefetch = 0 : i64, scratch_operands = 2 : i64, tpu.core_type = #tpu.core_type<tc>, window_params = [{transform_indices = @transform_0, window_bounds = array<i64: 1, 512, 128>}, {transform_indices = @transform_1, window_bounds = array<i64: 1, 4096, 128>}, {pipeline_mode = #tpu.pipeline_mode<synchronous>, transform_indices = @transform_2, window_bounds = array<i64: 1, 64>}, {pipeline_mode = #tpu.pipeline_mode<synchronous>, transform_indices = @transform_3, window_bounds = array<i64: 128, 128>}, {pipeline_mode = #tpu.pipeline_mode<synchronous>, transform_indices = @transform_4, window_bounds = array<i64: 1, 128>}, {pipeline_mode = #tpu.pipeline_mode<synchronous>, transform_indices = @transform_5, window_bounds = array<i64: 128, 64>}, {pipeline_mode = #tpu.pipeline_mode<synchronous>, transform_indices = @transform_6, window_bounds = array<i64: 1, 128>}, {transform_indices = @transform_7, window_bounds = array<i64: 1, 512, 4>}, {transform_indices = @transform_8, window_bounds = array<i64: 1, 512, 4>}, {transform_indices = @transform_9, window_bounds = array<i64: 1, 512, 4>}]} {
    %get3A = arith.constant 0 : index
    %get3A_0 = arith.constant 0 : index
    %get3A_1 = arith.constant 0 : index
    %get3A_2 = vector.load %arg2[%get3A, %get3A_0, %get3A_1] : memref<1x512x128xf32, #tpu.memory_space<vmem>>, vector<1x512x128xf32>
    %get3A_3 = vector.shape_cast %get3A_2 : vector<1x512x128xf32> to vector<512x128xf32>
    %get3A_4 = arith.constant 0 : index
    %get3A_5 = arith.constant 0 : index
    %get3A_6 = arith.constant 0 : index
    %get3A_7 = vector.load %arg3[%get3A_4, %get3A_5, %get3A_6] : memref<1x4096x128xf32, #tpu.memory_space<vmem>>, vector<1x4096x128xf32>
    %get3A_8 = vector.shape_cast %get3A_7 : vector<1x4096x128xf32> to vector<4096x128xf32>
    %get3A_9 = arith.constant 0 : index
    %get3A_10 = arith.constant 0 : index
    %get3A_11 = vector.load %arg5[%get3A_9, %get3A_10] : memref<128x128xf32, #tpu.memory_space<vmem>>, vector<128x128xf32>
    %get3A_12 = arith.constant 0 : index
    %get3A_13 = arith.constant 0 : index
    %get3A_14 = vector.load %arg6[%get3A_12, %get3A_13] : memref<1x128xf32, #tpu.memory_space<vmem>>, vector<1x128xf32>
    %get3A_15 = arith.constant 0 : index
    %get3A_16 = arith.constant 0 : index
    %get3A_17 = vector.load %arg7[%get3A_15, %get3A_16] : memref<128x64xf32, #tpu.memory_space<vmem>>, vector<128x64xf32>
    %get3A_18 = arith.constant 0 : index
    %get3A_19 = arith.constant 0 : index
    %get3A_20 = vector.load %arg4[%get3A_18, %get3A_19] : memref<1x64xf32, #tpu.memory_space<vmem>>, vector<1x64xf32>
    %get3A_21 = arith.constant 0 : index
    %get3A_22 = arith.constant 0 : index
    %get3A_23 = vector.load %arg8[%get3A_21, %get3A_22] : memref<1x128xf32, #tpu.memory_space<vmem>>, vector<1x128xf32>
    %dot_general3A = arith.constant dense<0.000000e+00> : vector<512x128xf32>
    %dot_general3A_24 = tpu.matmul %get3A_3, %get3A_11, %dot_general3A {dimension_numbers = #tpu.dot_dimension_numbers<[1], [1], [0], [0], [0, 0, 1, 0], [], []>, transpose_lhs_hint = false} : vector<512x128xf32>, vector<128x128xf32>, vector<512x128xf32> -> vector<512x128xf32>
    %add3A = vector.broadcast %get3A_14 : vector<1x128xf32> to vector<512x128xf32>
    %add3A_25 = arith.addf %dot_general3A_24, %add3A : vector<512x128xf32>
    %dot_general3A_26 = arith.constant dense<0.000000e+00> : vector<1x128xf32>
    %dot_general3A_27 = tpu.matmul %get3A_20, %get3A_17, %dot_general3A_26 {dimension_numbers = #tpu.dot_dimension_numbers<[1], [1], [0], [0], [0, 0, 1, 0], [], []>, transpose_lhs_hint = false} : vector<1x64xf32>, vector<128x64xf32>, vector<1x128xf32> -> vector<1x128xf32>
    %add3A_28 = arith.addf %dot_general3A_27, %get3A_23 : vector<1x128xf32>
    %dot_general3A_29 = arith.constant dense<0.000000e+00> : vector<512x1xf32>
    %dot_general3A_30 = tpu.matmul %get3A_3, %add3A_28, %dot_general3A_29 {dimension_numbers = #tpu.dot_dimension_numbers<[1], [1], [0], [0], [0, 0, 1, 0], [], []>, transpose_lhs_hint = false} : vector<512x128xf32>, vector<1x128xf32>, vector<512x1xf32> -> vector<512x1xf32>
    %mul3A = arith.constant 1.000000e-01 : f32
    %mul3A_31 = vector.broadcast %mul3A : f32 to vector<512x1xf32>
    %mul3A_32 = arith.mulf %dot_general3A_30, %mul3A_31 : vector<512x1xf32>
    %broadcast_in_dim3A = arith.constant 0xFF800000 : f32
    %broadcast_in_dim3A_33 = vector.broadcast %broadcast_in_dim3A : f32 to vector<512x256xf32>
    %broadcast_in_dim3A_34 = arith.constant 0.000000e+00 : f32
    %broadcast_in_dim3A_35 = vector.broadcast %broadcast_in_dim3A_34 : f32 to vector<512x256xf32>
    %slice3A = vector.extract_strided_slice %get3A_8 {offsets = [0, 0], sizes = [256, 128], strides = [1, 1]} : vector<4096x128xf32> to vector<256x128xf32>
    %dot_general3A_36 = arith.constant dense<0.000000e+00> : vector<512x256xf32>
    %dot_general3A_37 = tpu.matmul %add3A_25, %slice3A, %dot_general3A_36 {dimension_numbers = #tpu.dot_dimension_numbers<[1], [1], [0], [0], [0, 0, 1, 0], [], []>, transpose_lhs_hint = false} : vector<512x128xf32>, vector<256x128xf32>, vector<512x256xf32> -> vector<512x256xf32>
    %mul3A_38 = arith.constant 0.0883883461 : f32
    %mul3A_39 = vector.broadcast %mul3A_38 : f32 to vector<512x256xf32>
    %mul3A_40 = arith.mulf %dot_general3A_37, %mul3A_39 : vector<512x256xf32>
    %add3A_41 = vector.broadcast %mul3A_32 : vector<512x1xf32> to vector<512x256xf32>
    %add3A_42 = arith.addf %mul3A_40, %add3A_41 : vector<512x256xf32>
    %broadcast_in_dim3A_43 = arith.constant 0.000000e+00 : f32
    %broadcast_in_dim3A_44 = vector.broadcast %broadcast_in_dim3A_43 : f32 to vector<512x256xf32>
    %gt3A = arith.cmpf ogt, %add3A_42, %broadcast_in_dim3A_33 : vector<512x256xf32>
    %max3A = arith.maximumf %broadcast_in_dim3A_33, %add3A_42 : vector<512x256xf32>
    %min3A = arith.minimumf %broadcast_in_dim3A_33, %add3A_42 : vector<512x256xf32>
    %select_n3A = arith.select %gt3A, %broadcast_in_dim3A_44, %broadcast_in_dim3A_35 : vector<512x256xi1>, vector<512x256xf32>
    %select_n3A_45 = arith.select %gt3A, %broadcast_in_dim3A_35, %broadcast_in_dim3A_44 : vector<512x256xi1>, vector<512x256xf32>
    %gt3A_46 = arith.cmpf ogt, %min3A, %broadcast_in_dim3A_33 : vector<512x256xf32>
    %max3A_47 = arith.maximumf %broadcast_in_dim3A_33, %min3A : vector<512x256xf32>
    %min3A_48 = arith.minimumf %broadcast_in_dim3A_33, %min3A : vector<512x256xf32>
    %select_n3A_49 = arith.select %gt3A_46, %select_n3A_45, %broadcast_in_dim3A_35 : vector<512x256xi1>, vector<512x256xf32>
    %select_n3A_50 = arith.select %gt3A_46, %broadcast_in_dim3A_35, %select_n3A_45 : vector<512x256xi1>, vector<512x256xf32>
    %gt3A_51 = arith.cmpf ogt, %min3A_48, %broadcast_in_dim3A_33 : vector<512x256xf32>
    %max3A_52 = arith.maximumf %broadcast_in_dim3A_33, %min3A_48 : vector<512x256xf32>
    %min3A_53 = arith.minimumf %broadcast_in_dim3A_33, %min3A_48 : vector<512x256xf32>
    %select_n3A_54 = arith.select %gt3A_51, %select_n3A_50, %broadcast_in_dim3A_35 : vector<512x256xi1>, vector<512x256xf32>
    %select_n3A_55 = arith.select %gt3A_51, %broadcast_in_dim3A_35, %select_n3A_50 : vector<512x256xi1>, vector<512x256xf32>
    %gt3A_56 = arith.cmpf ogt, %min3A_53, %broadcast_in_dim3A_33 : vector<512x256xf32>
    %max3A_57 = arith.maximumf %broadcast_in_dim3A_33, %min3A_53 : vector<512x256xf32>
    %select_n3A_58 = arith.select %gt3A_56, %select_n3A_55, %broadcast_in_dim3A_35 : vector<512x256xi1>, vector<512x256xf32>
    %slice3A_59 = vector.extract_strided_slice %get3A_8 {offsets = [256, 0], sizes = [256, 128], strides = [1, 1]} : vector<4096x128xf32> to vector<256x128xf32>
    %dot_general3A_60 = arith.constant dense<0.000000e+00> : vector<512x256xf32>
    %dot_general3A_61 = tpu.matmul %add3A_25, %slice3A_59, %dot_general3A_60 {dimension_numbers = #tpu.dot_dimension_numbers<[1], [1], [0], [0], [0, 0, 1, 0], [], []>, transpose_lhs_hint = false} : vector<512x128xf32>, vector<256x128xf32>, vector<512x256xf32> -> vector<512x256xf32>
    %mul3A_62 = arith.constant 0.0883883461 : f32
    %mul3A_63 = vector.broadcast %mul3A_62 : f32 to vector<512x256xf32>
    %mul3A_64 = arith.mulf %dot_general3A_61, %mul3A_63 : vector<512x256xf32>
    %add3A_65 = vector.broadcast %mul3A_32 : vector<512x1xf32> to vector<512x256xf32>
    %add3A_66 = arith.addf %mul3A_64, %add3A_65 : vector<512x256xf32>
    %broadcast_in_dim3A_67 = arith.constant 1.000000e+00 : f32
    %broadcast_in_dim3A_68 = vector.broadcast %broadcast_in_dim3A_67 : f32 to vector<512x256xf32>
    %gt3A_69 = arith.cmpf ogt, %add3A_66, %max3A : vector<512x256xf32>
    %max3A_70 = arith.maximumf %max3A, %add3A_66 : vector<512x256xf32>
    %min3A_71 = arith.minimumf %max3A, %add3A_66 : vector<512x256xf32>
    %select_n3A_72 = arith.select %gt3A_69, %broadcast_in_dim3A_68, %select_n3A : vector<512x256xi1>, vector<512x256xf32>
    %select_n3A_73 = arith.select %gt3A_69, %select_n3A, %broadcast_in_dim3A_68 : vector<512x256xi1>, vector<512x256xf32>
    %gt3A_74 = arith.cmpf ogt, %min3A_71, %max3A_47 : vector<512x256xf32>
    %max3A_75 = arith.maximumf %max3A_47, %min3A_71 : vector<512x256xf32>
    %min3A_76 = arith.minimumf %max3A_47, %min3A_71 : vector<512x256xf32>
    %select_n3A_77 = arith.select %gt3A_74, %select_n3A_73, %select_n3A_49 : vector<512x256xi1>, vector<512x256xf32>
    %select_n3A_78 = arith.select %gt3A_74, %select_n3A_49, %select_n3A_73 : vector<512x256xi1>, vector<512x256xf32>
    %gt3A_79 = arith.cmpf ogt, %min3A_76, %max3A_52 : vector<512x256xf32>
    %max3A_80 = arith.maximumf %max3A_52, %min3A_76 : vector<512x256xf32>
    %min3A_81 = arith.minimumf %max3A_52, %min3A_76 : vector<512x256xf32>
    %select_n3A_82 = arith.select %gt3A_79, %select_n3A_78, %select_n3A_54 : vector<512x256xi1>, vector<512x256xf32>
    %select_n3A_83 = arith.select %gt3A_79, %select_n3A_54, %select_n3A_78 : vector<512x256xi1>, vector<512x256xf32>
    %gt3A_84 = arith.cmpf ogt, %min3A_81, %max3A_57 : vector<512x256xf32>
    %max3A_85 = arith.maximumf %max3A_57, %min3A_81 : vector<512x256xf32>
    %select_n3A_86 = arith.select %gt3A_84, %select_n3A_83, %select_n3A_58 : vector<512x256xi1>, vector<512x256xf32>
    %slice3A_87 = vector.extract_strided_slice %get3A_8 {offsets = [512, 0], sizes = [256, 128], strides = [1, 1]} : vector<4096x128xf32> to vector<256x128xf32>
    %dot_general3A_88 = arith.constant dense<0.000000e+00> : vector<512x256xf32>
    %dot_general3A_89 = tpu.matmul %add3A_25, %slice3A_87, %dot_general3A_88 {dimension_numbers = #tpu.dot_dimension_numbers<[1], [1], [0], [0], [0, 0, 1, 0], [], []>, transpose_lhs_hint = false} : vector<512x128xf32>, vector<256x128xf32>, vector<512x256xf32> -> vector<512x256xf32>
    %mul3A_90 = arith.constant 0.0883883461 : f32
    %mul3A_91 = vector.broadcast %mul3A_90 : f32 to vector<512x256xf32>
    %mul3A_92 = arith.mulf %dot_general3A_89, %mul3A_91 : vector<512x256xf32>
    %add3A_93 = vector.broadcast %mul3A_32 : vector<512x1xf32> to vector<512x256xf32>
    %add3A_94 = arith.addf %mul3A_92, %add3A_93 : vector<512x256xf32>
    %broadcast_in_dim3A_95 = arith.constant 2.000000e+00 : f32
    %broadcast_in_dim3A_96 = vector.broadcast %broadcast_in_dim3A_95 : f32 to vector<512x256xf32>
    %gt3A_97 = arith.cmpf ogt, %add3A_94, %max3A_70 : vector<512x256xf32>
    %max3A_98 = arith.maximumf %max3A_70, %add3A_94 : vector<512x256xf32>
    %min3A_99 = arith.minimumf %max3A_70, %add3A_94 : vector<512x256xf32>
    %select_n3A_100 = arith.select %gt3A_97, %broadcast_in_dim3A_96, %select_n3A_72 : vector<512x256xi1>, vector<512x256xf32>
    %select_n3A_101 = arith.select %gt3A_97, %select_n3A_72, %broadcast_in_dim3A_96 : vector<512x256xi1>, vector<512x256xf32>
    %gt3A_102 = arith.cmpf ogt, %min3A_99, %max3A_75 : vector<512x256xf32>
    %max3A_103 = arith.maximumf %max3A_75, %min3A_99 : vector<512x256xf32>
    %min3A_104 = arith.minimumf %max3A_75, %min3A_99 : vector<512x256xf32>
    %select_n3A_105 = arith.select %gt3A_102, %select_n3A_101, %select_n3A_77 : vector<512x256xi1>, vector<512x256xf32>
    %select_n3A_106 = arith.select %gt3A_102, %select_n3A_77, %select_n3A_101 : vector<512x256xi1>, vector<512x256xf32>
    %gt3A_107 = arith.cmpf ogt, %min3A_104, %max3A_80 : vector<512x256xf32>
    %max3A_108 = arith.maximumf %max3A_80, %min3A_104 : vector<512x256xf32>
    %min3A_109 = arith.minimumf %max3A_80, %min3A_104 : vector<512x256xf32>
    %select_n3A_110 = arith.select %gt3A_107, %select_n3A_106, %select_n3A_82 : vector<512x256xi1>, vector<512x256xf32>
    %select_n3A_111 = arith.select %gt3A_107, %select_n3A_82, %select_n3A_106 : vector<512x256xi1>, vector<512x256xf32>
    %gt3A_112 = arith.cmpf ogt, %min3A_109, %max3A_85 : vector<512x256xf32>
    %max3A_113 = arith.maximumf %max3A_85, %min3A_109 : vector<512x256xf32>
    %select_n3A_114 = arith.select %gt3A_112, %select_n3A_111, %select_n3A_86 : vector<512x256xi1>, vector<512x256xf32>
    %slice3A_115 = vector.extract_strided_slice %get3A_8 {offsets = [768, 0], sizes = [256, 128], strides = [1, 1]} : vector<4096x128xf32> to vector<256x128xf32>
    %dot_general3A_116 = arith.constant dense<0.000000e+00> : vector<512x256xf32>
    %dot_general3A_117 = tpu.matmul %add3A_25, %slice3A_115, %dot_general3A_116 {dimension_numbers = #tpu.dot_dimension_numbers<[1], [1], [0], [0], [0, 0, 1, 0], [], []>, transpose_lhs_hint = false} : vector<512x128xf32>, vector<256x128xf32>, vector<512x256xf32> -> vector<512x256xf32>
    %mul3A_118 = arith.constant 0.0883883461 : f32
    %mul3A_119 = vector.broadcast %mul3A_118 : f32 to vector<512x256xf32>
    %mul3A_120 = arith.mulf %dot_general3A_117, %mul3A_119 : vector<512x256xf32>
    %add3A_121 = vector.broadcast %mul3A_32 : vector<512x1xf32> to vector<512x256xf32>
    %add3A_122 = arith.addf %mul3A_120, %add3A_121 : vector<512x256xf32>
    %broadcast_in_dim3A_123 = arith.constant 3.000000e+00 : f32
    %broadcast_in_dim3A_124 = vector.broadcast %broadcast_in_dim3A_123 : f32 to vector<512x256xf32>
    %gt3A_125 = arith.cmpf ogt, %add3A_122, %max3A_98 : vector<512x256xf32>
    %max3A_126 = arith.maximumf %max3A_98, %add3A_122 : vector<512x256xf32>
    %min3A_127 = arith.minimumf %max3A_98, %add3A_122 : vector<512x256xf32>
    %select_n3A_128 = arith.select %gt3A_125, %broadcast_in_dim3A_124, %select_n3A_100 : vector<512x256xi1>, vector<512x256xf32>
    %select_n3A_129 = arith.select %gt3A_125, %select_n3A_100, %broadcast_in_dim3A_124 : vector<512x256xi1>, vector<512x256xf32>
    %gt3A_130 = arith.cmpf ogt, %min3A_127, %max3A_103 : vector<512x256xf32>
    %max3A_131 = arith.maximumf %max3A_103, %min3A_127 : vector<512x256xf32>
    %min3A_132 = arith.minimumf %max3A_103, %min3A_127 : vector<512x256xf32>
    %select_n3A_133 = arith.select %gt3A_130, %select_n3A_129, %select_n3A_105 : vector<512x256xi1>, vector<512x256xf32>
    %select_n3A_134 = arith.select %gt3A_130, %select_n3A_105, %select_n3A_129 : vector<512x256xi1>, vector<512x256xf32>
    %gt3A_135 = arith.cmpf ogt, %min3A_132, %max3A_108 : vector<512x256xf32>
    %max3A_136 = arith.maximumf %max3A_108, %min3A_132 : vector<512x256xf32>
    %min3A_137 = arith.minimumf %max3A_108, %min3A_132 : vector<512x256xf32>
    %select_n3A_138 = arith.select %gt3A_135, %select_n3A_134, %select_n3A_110 : vector<512x256xi1>, vector<512x256xf32>
    %select_n3A_139 = arith.select %gt3A_135, %select_n3A_110, %select_n3A_134 : vector<512x256xi1>, vector<512x256xf32>
    %gt3A_140 = arith.cmpf ogt, %min3A_137, %max3A_113 : vector<512x256xf32>
    %max3A_141 = arith.maximumf %max3A_113, %min3A_137 : vector<512x256xf32>
    %select_n3A_142 = arith.select %gt3A_140, %select_n3A_139, %select_n3A_114 : vector<512x256xi1>, vector<512x256xf32>
    %slice3A_143 = vector.extract_strided_slice %get3A_8 {offsets = [1024, 0], sizes = [256, 128], strides = [1, 1]} : vector<4096x128xf32> to vector<256x128xf32>
    %dot_general3A_144 = arith.constant dense<0.000000e+00> : vector<512x256xf32>
    %dot_general3A_145 = tpu.matmul %add3A_25, %slice3A_143, %dot_general3A_144 {dimension_numbers = #tpu.dot_dimension_numbers<[1], [1], [0], [0], [0, 0, 1, 0], [], []>, transpose_lhs_hint = false} : vector<512x128xf32>, vector<256x128xf32>, vector<512x256xf32> -> vector<512x256xf32>
    %mul3A_146 = arith.constant 0.0883883461 : f32
    %mul3A_147 = vector.broadcast %mul3A_146 : f32 to vector<512x256xf32>
    %mul3A_148 = arith.mulf %dot_general3A_145, %mul3A_147 : vector<512x256xf32>
    %add3A_149 = vector.broadcast %mul3A_32 : vector<512x1xf32> to vector<512x256xf32>
    %add3A_150 = arith.addf %mul3A_148, %add3A_149 : vector<512x256xf32>
    %broadcast_in_dim3A_151 = arith.constant 4.000000e+00 : f32
    %broadcast_in_dim3A_152 = vector.broadcast %broadcast_in_dim3A_151 : f32 to vector<512x256xf32>
    %gt3A_153 = arith.cmpf ogt, %add3A_150, %max3A_126 : vector<512x256xf32>
    %max3A_154 = arith.maximumf %max3A_126, %add3A_150 : vector<512x256xf32>
    %min3A_155 = arith.minimumf %max3A_126, %add3A_150 : vector<512x256xf32>
    %select_n3A_156 = arith.select %gt3A_153, %broadcast_in_dim3A_152, %select_n3A_128 : vector<512x256xi1>, vector<512x256xf32>
    %select_n3A_157 = arith.select %gt3A_153, %select_n3A_128, %broadcast_in_dim3A_152 : vector<512x256xi1>, vector<512x256xf32>
    %gt3A_158 = arith.cmpf ogt, %min3A_155, %max3A_131 : vector<512x256xf32>
    %max3A_159 = arith.maximumf %max3A_131, %min3A_155 : vector<512x256xf32>
    %min3A_160 = arith.minimumf %max3A_131, %min3A_155 : vector<512x256xf32>
    %select_n3A_161 = arith.select %gt3A_158, %select_n3A_157, %select_n3A_133 : vector<512x256xi1>, vector<512x256xf32>
    %select_n3A_162 = arith.select %gt3A_158, %select_n3A_133, %select_n3A_157 : vector<512x256xi1>, vector<512x256xf32>
    %gt3A_163 = arith.cmpf ogt, %min3A_160, %max3A_136 : vector<512x256xf32>
    %max3A_164 = arith.maximumf %max3A_136, %min3A_160 : vector<512x256xf32>
    %min3A_165 = arith.minimumf %max3A_136, %min3A_160 : vector<512x256xf32>
    %select_n3A_166 = arith.select %gt3A_163, %select_n3A_162, %select_n3A_138 : vector<512x256xi1>, vector<512x256xf32>
    %select_n3A_167 = arith.select %gt3A_163, %select_n3A_138, %select_n3A_162 : vector<512x256xi1>, vector<512x256xf32>
    %gt3A_168 = arith.cmpf ogt, %min3A_165, %max3A_141 : vector<512x256xf32>
    %max3A_169 = arith.maximumf %max3A_141, %min3A_165 : vector<512x256xf32>
    %select_n3A_170 = arith.select %gt3A_168, %select_n3A_167, %select_n3A_142 : vector<512x256xi1>, vector<512x256xf32>
    %slice3A_171 = vector.extract_strided_slice %get3A_8 {offsets = [1280, 0], sizes = [256, 128], strides = [1, 1]} : vector<4096x128xf32> to vector<256x128xf32>
    %dot_general3A_172 = arith.constant dense<0.000000e+00> : vector<512x256xf32>
    %dot_general3A_173 = tpu.matmul %add3A_25, %slice3A_171, %dot_general3A_172 {dimension_numbers = #tpu.dot_dimension_numbers<[1], [1], [0], [0], [0, 0, 1, 0], [], []>, transpose_lhs_hint = false} : vector<512x128xf32>, vector<256x128xf32>, vector<512x256xf32> -> vector<512x256xf32>
    %mul3A_174 = arith.constant 0.0883883461 : f32
    %mul3A_175 = vector.broadcast %mul3A_174 : f32 to vector<512x256xf32>
    %mul3A_176 = arith.mulf %dot_general3A_173, %mul3A_175 : vector<512x256xf32>
    %add3A_177 = vector.broadcast %mul3A_32 : vector<512x1xf32> to vector<512x256xf32>
    %add3A_178 = arith.addf %mul3A_176, %add3A_177 : vector<512x256xf32>
    %broadcast_in_dim3A_179 = arith.constant 5.000000e+00 : f32
    %broadcast_in_dim3A_180 = vector.broadcast %broadcast_in_dim3A_179 : f32 to vector<512x256xf32>
    %gt3A_181 = arith.cmpf ogt, %add3A_178, %max3A_154 : vector<512x256xf32>
    %max3A_182 = arith.maximumf %max3A_154, %add3A_178 : vector<512x256xf32>
    %min3A_183 = arith.minimumf %max3A_154, %add3A_178 : vector<512x256xf32>
    %select_n3A_184 = arith.select %gt3A_181, %broadcast_in_dim3A_180, %select_n3A_156 : vector<512x256xi1>, vector<512x256xf32>
    %select_n3A_185 = arith.select %gt3A_181, %select_n3A_156, %broadcast_in_dim3A_180 : vector<512x256xi1>, vector<512x256xf32>
    %gt3A_186 = arith.cmpf ogt, %min3A_183, %max3A_159 : vector<512x256xf32>
    %max3A_187 = arith.maximumf %max3A_159, %min3A_183 : vector<512x256xf32>
    %min3A_188 = arith.minimumf %max3A_159, %min3A_183 : vector<512x256xf32>
    %select_n3A_189 = arith.select %gt3A_186, %select_n3A_185, %select_n3A_161 : vector<512x256xi1>, vector<512x256xf32>
    %select_n3A_190 = arith.select %gt3A_186, %select_n3A_161, %select_n3A_185 : vector<512x256xi1>, vector<512x256xf32>
    %gt3A_191 = arith.cmpf ogt, %min3A_188, %max3A_164 : vector<512x256xf32>
    %max3A_192 = arith.maximumf %max3A_164, %min3A_188 : vector<512x256xf32>
    %min3A_193 = arith.minimumf %max3A_164, %min3A_188 : vector<512x256xf32>
    %select_n3A_194 = arith.select %gt3A_191, %select_n3A_190, %select_n3A_166 : vector<512x256xi1>, vector<512x256xf32>
    %select_n3A_195 = arith.select %gt3A_191, %select_n3A_166, %select_n3A_190 : vector<512x256xi1>, vector<512x256xf32>
    %gt3A_196 = arith.cmpf ogt, %min3A_193, %max3A_169 : vector<512x256xf32>
    %max3A_197 = arith.maximumf %max3A_169, %min3A_193 : vector<512x256xf32>
    %select_n3A_198 = arith.select %gt3A_196, %select_n3A_195, %select_n3A_170 : vector<512x256xi1>, vector<512x256xf32>
    %slice3A_199 = vector.extract_strided_slice %get3A_8 {offsets = [1536, 0], sizes = [256, 128], strides = [1, 1]} : vector<4096x128xf32> to vector<256x128xf32>
    %dot_general3A_200 = arith.constant dense<0.000000e+00> : vector<512x256xf32>
    %dot_general3A_201 = tpu.matmul %add3A_25, %slice3A_199, %dot_general3A_200 {dimension_numbers = #tpu.dot_dimension_numbers<[1], [1], [0], [0], [0, 0, 1, 0], [], []>, transpose_lhs_hint = false} : vector<512x128xf32>, vector<256x128xf32>, vector<512x256xf32> -> vector<512x256xf32>
    %mul3A_202 = arith.constant 0.0883883461 : f32
    %mul3A_203 = vector.broadcast %mul3A_202 : f32 to vector<512x256xf32>
    %mul3A_204 = arith.mulf %dot_general3A_201, %mul3A_203 : vector<512x256xf32>
    %add3A_205 = vector.broadcast %mul3A_32 : vector<512x1xf32> to vector<512x256xf32>
    %add3A_206 = arith.addf %mul3A_204, %add3A_205 : vector<512x256xf32>
    %broadcast_in_dim3A_207 = arith.constant 6.000000e+00 : f32
    %broadcast_in_dim3A_208 = vector.broadcast %broadcast_in_dim3A_207 : f32 to vector<512x256xf32>
    %gt3A_209 = arith.cmpf ogt, %add3A_206, %max3A_182 : vector<512x256xf32>
    %max3A_210 = arith.maximumf %max3A_182, %add3A_206 : vector<512x256xf32>
    %min3A_211 = arith.minimumf %max3A_182, %add3A_206 : vector<512x256xf32>
    %select_n3A_212 = arith.select %gt3A_209, %broadcast_in_dim3A_208, %select_n3A_184 : vector<512x256xi1>, vector<512x256xf32>
    %select_n3A_213 = arith.select %gt3A_209, %select_n3A_184, %broadcast_in_dim3A_208 : vector<512x256xi1>, vector<512x256xf32>
    %gt3A_214 = arith.cmpf ogt, %min3A_211, %max3A_187 : vector<512x256xf32>
    %max3A_215 = arith.maximumf %max3A_187, %min3A_211 : vector<512x256xf32>
    %min3A_216 = arith.minimumf %max3A_187, %min3A_211 : vector<512x256xf32>
    %select_n3A_217 = arith.select %gt3A_214, %select_n3A_213, %select_n3A_189 : vector<512x256xi1>, vector<512x256xf32>
    %select_n3A_218 = arith.select %gt3A_214, %select_n3A_189, %select_n3A_213 : vector<512x256xi1>, vector<512x256xf32>
    %gt3A_219 = arith.cmpf ogt, %min3A_216, %max3A_192 : vector<512x256xf32>
    %max3A_220 = arith.maximumf %max3A_192, %min3A_216 : vector<512x256xf32>
    %min3A_221 = arith.minimumf %max3A_192, %min3A_216 : vector<512x256xf32>
    %select_n3A_222 = arith.select %gt3A_219, %select_n3A_218, %select_n3A_194 : vector<512x256xi1>, vector<512x256xf32>
    %select_n3A_223 = arith.select %gt3A_219, %select_n3A_194, %select_n3A_218 : vector<512x256xi1>, vector<512x256xf32>
    %gt3A_224 = arith.cmpf ogt, %min3A_221, %max3A_197 : vector<512x256xf32>
    %max3A_225 = arith.maximumf %max3A_197, %min3A_221 : vector<512x256xf32>
    %select_n3A_226 = arith.select %gt3A_224, %select_n3A_223, %select_n3A_198 : vector<512x256xi1>, vector<512x256xf32>
    %slice3A_227 = vector.extract_strided_slice %get3A_8 {offsets = [1792, 0], sizes = [256, 128], strides = [1, 1]} : vector<4096x128xf32> to vector<256x128xf32>
    %dot_general3A_228 = arith.constant dense<0.000000e+00> : vector<512x256xf32>
    %dot_general3A_229 = tpu.matmul %add3A_25, %slice3A_227, %dot_general3A_228 {dimension_numbers = #tpu.dot_dimension_numbers<[1], [1], [0], [0], [0, 0, 1, 0], [], []>, transpose_lhs_hint = false} : vector<512x128xf32>, vector<256x128xf32>, vector<512x256xf32> -> vector<512x256xf32>
    %mul3A_230 = arith.constant 0.0883883461 : f32
    %mul3A_231 = vector.broadcast %mul3A_230 : f32 to vector<512x256xf32>
    %mul3A_232 = arith.mulf %dot_general3A_229, %mul3A_231 : vector<512x256xf32>
    %add3A_233 = vector.broadcast %mul3A_32 : vector<512x1xf32> to vector<512x256xf32>
    %add3A_234 = arith.addf %mul3A_232, %add3A_233 : vector<512x256xf32>
    %broadcast_in_dim3A_235 = arith.constant 7.000000e+00 : f32
    %broadcast_in_dim3A_236 = vector.broadcast %broadcast_in_dim3A_235 : f32 to vector<512x256xf32>
    %gt3A_237 = arith.cmpf ogt, %add3A_234, %max3A_210 : vector<512x256xf32>
    %max3A_238 = arith.maximumf %max3A_210, %add3A_234 : vector<512x256xf32>
    %min3A_239 = arith.minimumf %max3A_210, %add3A_234 : vector<512x256xf32>
    %select_n3A_240 = arith.select %gt3A_237, %broadcast_in_dim3A_236, %select_n3A_212 : vector<512x256xi1>, vector<512x256xf32>
    %select_n3A_241 = arith.select %gt3A_237, %select_n3A_212, %broadcast_in_dim3A_236 : vector<512x256xi1>, vector<512x256xf32>
    %gt3A_242 = arith.cmpf ogt, %min3A_239, %max3A_215 : vector<512x256xf32>
    %max3A_243 = arith.maximumf %max3A_215, %min3A_239 : vector<512x256xf32>
    %min3A_244 = arith.minimumf %max3A_215, %min3A_239 : vector<512x256xf32>
    %select_n3A_245 = arith.select %gt3A_242, %select_n3A_241, %select_n3A_217 : vector<512x256xi1>, vector<512x256xf32>
    %select_n3A_246 = arith.select %gt3A_242, %select_n3A_217, %select_n3A_241 : vector<512x256xi1>, vector<512x256xf32>
    %gt3A_247 = arith.cmpf ogt, %min3A_244, %max3A_220 : vector<512x256xf32>
    %max3A_248 = arith.maximumf %max3A_220, %min3A_244 : vector<512x256xf32>
    %min3A_249 = arith.minimumf %max3A_220, %min3A_244 : vector<512x256xf32>
    %select_n3A_250 = arith.select %gt3A_247, %select_n3A_246, %select_n3A_222 : vector<512x256xi1>, vector<512x256xf32>
    %select_n3A_251 = arith.select %gt3A_247, %select_n3A_222, %select_n3A_246 : vector<512x256xi1>, vector<512x256xf32>
    %gt3A_252 = arith.cmpf ogt, %min3A_249, %max3A_225 : vector<512x256xf32>
    %max3A_253 = arith.maximumf %max3A_225, %min3A_249 : vector<512x256xf32>
    %select_n3A_254 = arith.select %gt3A_252, %select_n3A_251, %select_n3A_226 : vector<512x256xi1>, vector<512x256xf32>
    %slice3A_255 = vector.extract_strided_slice %get3A_8 {offsets = [2048, 0], sizes = [256, 128], strides = [1, 1]} : vector<4096x128xf32> to vector<256x128xf32>
    %dot_general3A_256 = arith.constant dense<0.000000e+00> : vector<512x256xf32>
    %dot_general3A_257 = tpu.matmul %add3A_25, %slice3A_255, %dot_general3A_256 {dimension_numbers = #tpu.dot_dimension_numbers<[1], [1], [0], [0], [0, 0, 1, 0], [], []>, transpose_lhs_hint = false} : vector<512x128xf32>, vector<256x128xf32>, vector<512x256xf32> -> vector<512x256xf32>
    %mul3A_258 = arith.constant 0.0883883461 : f32
    %mul3A_259 = vector.broadcast %mul3A_258 : f32 to vector<512x256xf32>
    %mul3A_260 = arith.mulf %dot_general3A_257, %mul3A_259 : vector<512x256xf32>
    %add3A_261 = vector.broadcast %mul3A_32 : vector<512x1xf32> to vector<512x256xf32>
    %add3A_262 = arith.addf %mul3A_260, %add3A_261 : vector<512x256xf32>
    %broadcast_in_dim3A_263 = arith.constant 8.000000e+00 : f32
    %broadcast_in_dim3A_264 = vector.broadcast %broadcast_in_dim3A_263 : f32 to vector<512x256xf32>
    %gt3A_265 = arith.cmpf ogt, %add3A_262, %max3A_238 : vector<512x256xf32>
    %max3A_266 = arith.maximumf %max3A_238, %add3A_262 : vector<512x256xf32>
    %min3A_267 = arith.minimumf %max3A_238, %add3A_262 : vector<512x256xf32>
    %select_n3A_268 = arith.select %gt3A_265, %broadcast_in_dim3A_264, %select_n3A_240 : vector<512x256xi1>, vector<512x256xf32>
    %select_n3A_269 = arith.select %gt3A_265, %select_n3A_240, %broadcast_in_dim3A_264 : vector<512x256xi1>, vector<512x256xf32>
    %gt3A_270 = arith.cmpf ogt, %min3A_267, %max3A_243 : vector<512x256xf32>
    %max3A_271 = arith.maximumf %max3A_243, %min3A_267 : vector<512x256xf32>
    %min3A_272 = arith.minimumf %max3A_243, %min3A_267 : vector<512x256xf32>
    %select_n3A_273 = arith.select %gt3A_270, %select_n3A_269, %select_n3A_245 : vector<512x256xi1>, vector<512x256xf32>
    %select_n3A_274 = arith.select %gt3A_270, %select_n3A_245, %select_n3A_269 : vector<512x256xi1>, vector<512x256xf32>
    %gt3A_275 = arith.cmpf ogt, %min3A_272, %max3A_248 : vector<512x256xf32>
    %max3A_276 = arith.maximumf %max3A_248, %min3A_272 : vector<512x256xf32>
    %min3A_277 = arith.minimumf %max3A_248, %min3A_272 : vector<512x256xf32>
    %select_n3A_278 = arith.select %gt3A_275, %select_n3A_274, %select_n3A_250 : vector<512x256xi1>, vector<512x256xf32>
    %select_n3A_279 = arith.select %gt3A_275, %select_n3A_250, %select_n3A_274 : vector<512x256xi1>, vector<512x256xf32>
    %gt3A_280 = arith.cmpf ogt, %min3A_277, %max3A_253 : vector<512x256xf32>
    %max3A_281 = arith.maximumf %max3A_253, %min3A_277 : vector<512x256xf32>
    %select_n3A_282 = arith.select %gt3A_280, %select_n3A_279, %select_n3A_254 : vector<512x256xi1>, vector<512x256xf32>
    %slice3A_283 = vector.extract_strided_slice %get3A_8 {offsets = [2304, 0], sizes = [256, 128], strides = [1, 1]} : vector<4096x128xf32> to vector<256x128xf32>
    %dot_general3A_284 = arith.constant dense<0.000000e+00> : vector<512x256xf32>
    %dot_general3A_285 = tpu.matmul %add3A_25, %slice3A_283, %dot_general3A_284 {dimension_numbers = #tpu.dot_dimension_numbers<[1], [1], [0], [0], [0, 0, 1, 0], [], []>, transpose_lhs_hint = false} : vector<512x128xf32>, vector<256x128xf32>, vector<512x256xf32> -> vector<512x256xf32>
    %mul3A_286 = arith.constant 0.0883883461 : f32
    %mul3A_287 = vector.broadcast %mul3A_286 : f32 to vector<512x256xf32>
    %mul3A_288 = arith.mulf %dot_general3A_285, %mul3A_287 : vector<512x256xf32>
    %add3A_289 = vector.broadcast %mul3A_32 : vector<512x1xf32> to vector<512x256xf32>
    %add3A_290 = arith.addf %mul3A_288, %add3A_289 : vector<512x256xf32>
    %broadcast_in_dim3A_291 = arith.constant 9.000000e+00 : f32
    %broadcast_in_dim3A_292 = vector.broadcast %broadcast_in_dim3A_291 : f32 to vector<512x256xf32>
    %gt3A_293 = arith.cmpf ogt, %add3A_290, %max3A_266 : vector<512x256xf32>
    %max3A_294 = arith.maximumf %max3A_266, %add3A_290 : vector<512x256xf32>
    %min3A_295 = arith.minimumf %max3A_266, %add3A_290 : vector<512x256xf32>
    %select_n3A_296 = arith.select %gt3A_293, %broadcast_in_dim3A_292, %select_n3A_268 : vector<512x256xi1>, vector<512x256xf32>
    %select_n3A_297 = arith.select %gt3A_293, %select_n3A_268, %broadcast_in_dim3A_292 : vector<512x256xi1>, vector<512x256xf32>
    %gt3A_298 = arith.cmpf ogt, %min3A_295, %max3A_271 : vector<512x256xf32>
    %max3A_299 = arith.maximumf %max3A_271, %min3A_295 : vector<512x256xf32>
    %min3A_300 = arith.minimumf %max3A_271, %min3A_295 : vector<512x256xf32>
    %select_n3A_301 = arith.select %gt3A_298, %select_n3A_297, %select_n3A_273 : vector<512x256xi1>, vector<512x256xf32>
    %select_n3A_302 = arith.select %gt3A_298, %select_n3A_273, %select_n3A_297 : vector<512x256xi1>, vector<512x256xf32>
    %gt3A_303 = arith.cmpf ogt, %min3A_300, %max3A_276 : vector<512x256xf32>
    %max3A_304 = arith.maximumf %max3A_276, %min3A_300 : vector<512x256xf32>
    %min3A_305 = arith.minimumf %max3A_276, %min3A_300 : vector<512x256xf32>
    %select_n3A_306 = arith.select %gt3A_303, %select_n3A_302, %select_n3A_278 : vector<512x256xi1>, vector<512x256xf32>
    %select_n3A_307 = arith.select %gt3A_303, %select_n3A_278, %select_n3A_302 : vector<512x256xi1>, vector<512x256xf32>
    %gt3A_308 = arith.cmpf ogt, %min3A_305, %max3A_281 : vector<512x256xf32>
    %max3A_309 = arith.maximumf %max3A_281, %min3A_305 : vector<512x256xf32>
    %select_n3A_310 = arith.select %gt3A_308, %select_n3A_307, %select_n3A_282 : vector<512x256xi1>, vector<512x256xf32>
    %slice3A_311 = vector.extract_strided_slice %get3A_8 {offsets = [2560, 0], sizes = [256, 128], strides = [1, 1]} : vector<4096x128xf32> to vector<256x128xf32>
    %dot_general3A_312 = arith.constant dense<0.000000e+00> : vector<512x256xf32>
    %dot_general3A_313 = tpu.matmul %add3A_25, %slice3A_311, %dot_general3A_312 {dimension_numbers = #tpu.dot_dimension_numbers<[1], [1], [0], [0], [0, 0, 1, 0], [], []>, transpose_lhs_hint = false} : vector<512x128xf32>, vector<256x128xf32>, vector<512x256xf32> -> vector<512x256xf32>
    %mul3A_314 = arith.constant 0.0883883461 : f32
    %mul3A_315 = vector.broadcast %mul3A_314 : f32 to vector<512x256xf32>
    %mul3A_316 = arith.mulf %dot_general3A_313, %mul3A_315 : vector<512x256xf32>
    %add3A_317 = vector.broadcast %mul3A_32 : vector<512x1xf32> to vector<512x256xf32>
    %add3A_318 = arith.addf %mul3A_316, %add3A_317 : vector<512x256xf32>
    %broadcast_in_dim3A_319 = arith.constant 1.000000e+01 : f32
    %broadcast_in_dim3A_320 = vector.broadcast %broadcast_in_dim3A_319 : f32 to vector<512x256xf32>
    %gt3A_321 = arith.cmpf ogt, %add3A_318, %max3A_294 : vector<512x256xf32>
    %max3A_322 = arith.maximumf %max3A_294, %add3A_318 : vector<512x256xf32>
    %min3A_323 = arith.minimumf %max3A_294, %add3A_318 : vector<512x256xf32>
    %select_n3A_324 = arith.select %gt3A_321, %broadcast_in_dim3A_320, %select_n3A_296 : vector<512x256xi1>, vector<512x256xf32>
    %select_n3A_325 = arith.select %gt3A_321, %select_n3A_296, %broadcast_in_dim3A_320 : vector<512x256xi1>, vector<512x256xf32>
    %gt3A_326 = arith.cmpf ogt, %min3A_323, %max3A_299 : vector<512x256xf32>
    %max3A_327 = arith.maximumf %max3A_299, %min3A_323 : vector<512x256xf32>
    %min3A_328 = arith.minimumf %max3A_299, %min3A_323 : vector<512x256xf32>
    %select_n3A_329 = arith.select %gt3A_326, %select_n3A_325, %select_n3A_301 : vector<512x256xi1>, vector<512x256xf32>
    %select_n3A_330 = arith.select %gt3A_326, %select_n3A_301, %select_n3A_325 : vector<512x256xi1>, vector<512x256xf32>
    %gt3A_331 = arith.cmpf ogt, %min3A_328, %max3A_304 : vector<512x256xf32>
    %max3A_332 = arith.maximumf %max3A_304, %min3A_328 : vector<512x256xf32>
    %min3A_333 = arith.minimumf %max3A_304, %min3A_328 : vector<512x256xf32>
    %select_n3A_334 = arith.select %gt3A_331, %select_n3A_330, %select_n3A_306 : vector<512x256xi1>, vector<512x256xf32>
    %select_n3A_335 = arith.select %gt3A_331, %select_n3A_306, %select_n3A_330 : vector<512x256xi1>, vector<512x256xf32>
    %gt3A_336 = arith.cmpf ogt, %min3A_333, %max3A_309 : vector<512x256xf32>
    %max3A_337 = arith.maximumf %max3A_309, %min3A_333 : vector<512x256xf32>
    %select_n3A_338 = arith.select %gt3A_336, %select_n3A_335, %select_n3A_310 : vector<512x256xi1>, vector<512x256xf32>
    %slice3A_339 = vector.extract_strided_slice %get3A_8 {offsets = [2816, 0], sizes = [256, 128], strides = [1, 1]} : vector<4096x128xf32> to vector<256x128xf32>
    %dot_general3A_340 = arith.constant dense<0.000000e+00> : vector<512x256xf32>
    %dot_general3A_341 = tpu.matmul %add3A_25, %slice3A_339, %dot_general3A_340 {dimension_numbers = #tpu.dot_dimension_numbers<[1], [1], [0], [0], [0, 0, 1, 0], [], []>, transpose_lhs_hint = false} : vector<512x128xf32>, vector<256x128xf32>, vector<512x256xf32> -> vector<512x256xf32>
    %mul3A_342 = arith.constant 0.0883883461 : f32
    %mul3A_343 = vector.broadcast %mul3A_342 : f32 to vector<512x256xf32>
    %mul3A_344 = arith.mulf %dot_general3A_341, %mul3A_343 : vector<512x256xf32>
    %add3A_345 = vector.broadcast %mul3A_32 : vector<512x1xf32> to vector<512x256xf32>
    %add3A_346 = arith.addf %mul3A_344, %add3A_345 : vector<512x256xf32>
    %broadcast_in_dim3A_347 = arith.constant 1.100000e+01 : f32
    %broadcast_in_dim3A_348 = vector.broadcast %broadcast_in_dim3A_347 : f32 to vector<512x256xf32>
    %gt3A_349 = arith.cmpf ogt, %add3A_346, %max3A_322 : vector<512x256xf32>
    %max3A_350 = arith.maximumf %max3A_322, %add3A_346 : vector<512x256xf32>
    %min3A_351 = arith.minimumf %max3A_322, %add3A_346 : vector<512x256xf32>
    %select_n3A_352 = arith.select %gt3A_349, %broadcast_in_dim3A_348, %select_n3A_324 : vector<512x256xi1>, vector<512x256xf32>
    %select_n3A_353 = arith.select %gt3A_349, %select_n3A_324, %broadcast_in_dim3A_348 : vector<512x256xi1>, vector<512x256xf32>
    %gt3A_354 = arith.cmpf ogt, %min3A_351, %max3A_327 : vector<512x256xf32>
    %max3A_355 = arith.maximumf %max3A_327, %min3A_351 : vector<512x256xf32>
    %min3A_356 = arith.minimumf %max3A_327, %min3A_351 : vector<512x256xf32>
    %select_n3A_357 = arith.select %gt3A_354, %select_n3A_353, %select_n3A_329 : vector<512x256xi1>, vector<512x256xf32>
    %select_n3A_358 = arith.select %gt3A_354, %select_n3A_329, %select_n3A_353 : vector<512x256xi1>, vector<512x256xf32>
    %gt3A_359 = arith.cmpf ogt, %min3A_356, %max3A_332 : vector<512x256xf32>
    %max3A_360 = arith.maximumf %max3A_332, %min3A_356 : vector<512x256xf32>
    %min3A_361 = arith.minimumf %max3A_332, %min3A_356 : vector<512x256xf32>
    %select_n3A_362 = arith.select %gt3A_359, %select_n3A_358, %select_n3A_334 : vector<512x256xi1>, vector<512x256xf32>
    %select_n3A_363 = arith.select %gt3A_359, %select_n3A_334, %select_n3A_358 : vector<512x256xi1>, vector<512x256xf32>
    %gt3A_364 = arith.cmpf ogt, %min3A_361, %max3A_337 : vector<512x256xf32>
    %max3A_365 = arith.maximumf %max3A_337, %min3A_361 : vector<512x256xf32>
    %select_n3A_366 = arith.select %gt3A_364, %select_n3A_363, %select_n3A_338 : vector<512x256xi1>, vector<512x256xf32>
    %slice3A_367 = vector.extract_strided_slice %get3A_8 {offsets = [3072, 0], sizes = [256, 128], strides = [1, 1]} : vector<4096x128xf32> to vector<256x128xf32>
    %dot_general3A_368 = arith.constant dense<0.000000e+00> : vector<512x256xf32>
    %dot_general3A_369 = tpu.matmul %add3A_25, %slice3A_367, %dot_general3A_368 {dimension_numbers = #tpu.dot_dimension_numbers<[1], [1], [0], [0], [0, 0, 1, 0], [], []>, transpose_lhs_hint = false} : vector<512x128xf32>, vector<256x128xf32>, vector<512x256xf32> -> vector<512x256xf32>
    %mul3A_370 = arith.constant 0.0883883461 : f32
    %mul3A_371 = vector.broadcast %mul3A_370 : f32 to vector<512x256xf32>
    %mul3A_372 = arith.mulf %dot_general3A_369, %mul3A_371 : vector<512x256xf32>
    %add3A_373 = vector.broadcast %mul3A_32 : vector<512x1xf32> to vector<512x256xf32>
    %add3A_374 = arith.addf %mul3A_372, %add3A_373 : vector<512x256xf32>
    %broadcast_in_dim3A_375 = arith.constant 1.200000e+01 : f32
    %broadcast_in_dim3A_376 = vector.broadcast %broadcast_in_dim3A_375 : f32 to vector<512x256xf32>
    %gt3A_377 = arith.cmpf ogt, %add3A_374, %max3A_350 : vector<512x256xf32>
    %max3A_378 = arith.maximumf %max3A_350, %add3A_374 : vector<512x256xf32>
    %min3A_379 = arith.minimumf %max3A_350, %add3A_374 : vector<512x256xf32>
    %select_n3A_380 = arith.select %gt3A_377, %broadcast_in_dim3A_376, %select_n3A_352 : vector<512x256xi1>, vector<512x256xf32>
    %select_n3A_381 = arith.select %gt3A_377, %select_n3A_352, %broadcast_in_dim3A_376 : vector<512x256xi1>, vector<512x256xf32>
    %gt3A_382 = arith.cmpf ogt, %min3A_379, %max3A_355 : vector<512x256xf32>
    %max3A_383 = arith.maximumf %max3A_355, %min3A_379 : vector<512x256xf32>
    %min3A_384 = arith.minimumf %max3A_355, %min3A_379 : vector<512x256xf32>
    %select_n3A_385 = arith.select %gt3A_382, %select_n3A_381, %select_n3A_357 : vector<512x256xi1>, vector<512x256xf32>
    %select_n3A_386 = arith.select %gt3A_382, %select_n3A_357, %select_n3A_381 : vector<512x256xi1>, vector<512x256xf32>
    %gt3A_387 = arith.cmpf ogt, %min3A_384, %max3A_360 : vector<512x256xf32>
    %max3A_388 = arith.maximumf %max3A_360, %min3A_384 : vector<512x256xf32>
    %min3A_389 = arith.minimumf %max3A_360, %min3A_384 : vector<512x256xf32>
    %select_n3A_390 = arith.select %gt3A_387, %select_n3A_386, %select_n3A_362 : vector<512x256xi1>, vector<512x256xf32>
    %select_n3A_391 = arith.select %gt3A_387, %select_n3A_362, %select_n3A_386 : vector<512x256xi1>, vector<512x256xf32>
    %gt3A_392 = arith.cmpf ogt, %min3A_389, %max3A_365 : vector<512x256xf32>
    %max3A_393 = arith.maximumf %max3A_365, %min3A_389 : vector<512x256xf32>
    %select_n3A_394 = arith.select %gt3A_392, %select_n3A_391, %select_n3A_366 : vector<512x256xi1>, vector<512x256xf32>
    %slice3A_395 = vector.extract_strided_slice %get3A_8 {offsets = [3328, 0], sizes = [256, 128], strides = [1, 1]} : vector<4096x128xf32> to vector<256x128xf32>
    %dot_general3A_396 = arith.constant dense<0.000000e+00> : vector<512x256xf32>
    %dot_general3A_397 = tpu.matmul %add3A_25, %slice3A_395, %dot_general3A_396 {dimension_numbers = #tpu.dot_dimension_numbers<[1], [1], [0], [0], [0, 0, 1, 0], [], []>, transpose_lhs_hint = false} : vector<512x128xf32>, vector<256x128xf32>, vector<512x256xf32> -> vector<512x256xf32>
    %mul3A_398 = arith.constant 0.0883883461 : f32
    %mul3A_399 = vector.broadcast %mul3A_398 : f32 to vector<512x256xf32>
    %mul3A_400 = arith.mulf %dot_general3A_397, %mul3A_399 : vector<512x256xf32>
    %add3A_401 = vector.broadcast %mul3A_32 : vector<512x1xf32> to vector<512x256xf32>
    %add3A_402 = arith.addf %mul3A_400, %add3A_401 : vector<512x256xf32>
    %broadcast_in_dim3A_403 = arith.constant 1.300000e+01 : f32
    %broadcast_in_dim3A_404 = vector.broadcast %broadcast_in_dim3A_403 : f32 to vector<512x256xf32>
    %gt3A_405 = arith.cmpf ogt, %add3A_402, %max3A_378 : vector<512x256xf32>
    %max3A_406 = arith.maximumf %max3A_378, %add3A_402 : vector<512x256xf32>
    %min3A_407 = arith.minimumf %max3A_378, %add3A_402 : vector<512x256xf32>
    %select_n3A_408 = arith.select %gt3A_405, %broadcast_in_dim3A_404, %select_n3A_380 : vector<512x256xi1>, vector<512x256xf32>
    %select_n3A_409 = arith.select %gt3A_405, %select_n3A_380, %broadcast_in_dim3A_404 : vector<512x256xi1>, vector<512x256xf32>
    %gt3A_410 = arith.cmpf ogt, %min3A_407, %max3A_383 : vector<512x256xf32>
    %max3A_411 = arith.maximumf %max3A_383, %min3A_407 : vector<512x256xf32>
    %min3A_412 = arith.minimumf %max3A_383, %min3A_407 : vector<512x256xf32>
    %select_n3A_413 = arith.select %gt3A_410, %select_n3A_409, %select_n3A_385 : vector<512x256xi1>, vector<512x256xf32>
    %select_n3A_414 = arith.select %gt3A_410, %select_n3A_385, %select_n3A_409 : vector<512x256xi1>, vector<512x256xf32>
    %gt3A_415 = arith.cmpf ogt, %min3A_412, %max3A_388 : vector<512x256xf32>
    %max3A_416 = arith.maximumf %max3A_388, %min3A_412 : vector<512x256xf32>
    %min3A_417 = arith.minimumf %max3A_388, %min3A_412 : vector<512x256xf32>
    %select_n3A_418 = arith.select %gt3A_415, %select_n3A_414, %select_n3A_390 : vector<512x256xi1>, vector<512x256xf32>
    %select_n3A_419 = arith.select %gt3A_415, %select_n3A_390, %select_n3A_414 : vector<512x256xi1>, vector<512x256xf32>
    %gt3A_420 = arith.cmpf ogt, %min3A_417, %max3A_393 : vector<512x256xf32>
    %max3A_421 = arith.maximumf %max3A_393, %min3A_417 : vector<512x256xf32>
    %select_n3A_422 = arith.select %gt3A_420, %select_n3A_419, %select_n3A_394 : vector<512x256xi1>, vector<512x256xf32>
    %slice3A_423 = vector.extract_strided_slice %get3A_8 {offsets = [3584, 0], sizes = [256, 128], strides = [1, 1]} : vector<4096x128xf32> to vector<256x128xf32>
    %dot_general3A_424 = arith.constant dense<0.000000e+00> : vector<512x256xf32>
    %dot_general3A_425 = tpu.matmul %add3A_25, %slice3A_423, %dot_general3A_424 {dimension_numbers = #tpu.dot_dimension_numbers<[1], [1], [0], [0], [0, 0, 1, 0], [], []>, transpose_lhs_hint = false} : vector<512x128xf32>, vector<256x128xf32>, vector<512x256xf32> -> vector<512x256xf32>
    %mul3A_426 = arith.constant 0.0883883461 : f32
    %mul3A_427 = vector.broadcast %mul3A_426 : f32 to vector<512x256xf32>
    %mul3A_428 = arith.mulf %dot_general3A_425, %mul3A_427 : vector<512x256xf32>
    %add3A_429 = vector.broadcast %mul3A_32 : vector<512x1xf32> to vector<512x256xf32>
    %add3A_430 = arith.addf %mul3A_428, %add3A_429 : vector<512x256xf32>
    %broadcast_in_dim3A_431 = arith.constant 1.400000e+01 : f32
    %broadcast_in_dim3A_432 = vector.broadcast %broadcast_in_dim3A_431 : f32 to vector<512x256xf32>
    %gt3A_433 = arith.cmpf ogt, %add3A_430, %max3A_406 : vector<512x256xf32>
    %max3A_434 = arith.maximumf %max3A_406, %add3A_430 : vector<512x256xf32>
    %min3A_435 = arith.minimumf %max3A_406, %add3A_430 : vector<512x256xf32>
    %select_n3A_436 = arith.select %gt3A_433, %broadcast_in_dim3A_432, %select_n3A_408 : vector<512x256xi1>, vector<512x256xf32>
    %select_n3A_437 = arith.select %gt3A_433, %select_n3A_408, %broadcast_in_dim3A_432 : vector<512x256xi1>, vector<512x256xf32>
    %gt3A_438 = arith.cmpf ogt, %min3A_435, %max3A_411 : vector<512x256xf32>
    %max3A_439 = arith.maximumf %max3A_411, %min3A_435 : vector<512x256xf32>
    %min3A_440 = arith.minimumf %max3A_411, %min3A_435 : vector<512x256xf32>
    %select_n3A_441 = arith.select %gt3A_438, %select_n3A_437, %select_n3A_413 : vector<512x256xi1>, vector<512x256xf32>
    %select_n3A_442 = arith.select %gt3A_438, %select_n3A_413, %select_n3A_437 : vector<512x256xi1>, vector<512x256xf32>
    %gt3A_443 = arith.cmpf ogt, %min3A_440, %max3A_416 : vector<512x256xf32>
    %max3A_444 = arith.maximumf %max3A_416, %min3A_440 : vector<512x256xf32>
    %min3A_445 = arith.minimumf %max3A_416, %min3A_440 : vector<512x256xf32>
    %select_n3A_446 = arith.select %gt3A_443, %select_n3A_442, %select_n3A_418 : vector<512x256xi1>, vector<512x256xf32>
    %select_n3A_447 = arith.select %gt3A_443, %select_n3A_418, %select_n3A_442 : vector<512x256xi1>, vector<512x256xf32>
    %gt3A_448 = arith.cmpf ogt, %min3A_445, %max3A_421 : vector<512x256xf32>
    %max3A_449 = arith.maximumf %max3A_421, %min3A_445 : vector<512x256xf32>
    %select_n3A_450 = arith.select %gt3A_448, %select_n3A_447, %select_n3A_422 : vector<512x256xi1>, vector<512x256xf32>
    %slice3A_451 = vector.extract_strided_slice %get3A_8 {offsets = [3840, 0], sizes = [256, 128], strides = [1, 1]} : vector<4096x128xf32> to vector<256x128xf32>
    %dot_general3A_452 = arith.constant dense<0.000000e+00> : vector<512x256xf32>
    %dot_general3A_453 = tpu.matmul %add3A_25, %slice3A_451, %dot_general3A_452 {dimension_numbers = #tpu.dot_dimension_numbers<[1], [1], [0], [0], [0, 0, 1, 0], [], []>, transpose_lhs_hint = false} : vector<512x128xf32>, vector<256x128xf32>, vector<512x256xf32> -> vector<512x256xf32>
    %mul3A_454 = arith.constant 0.0883883461 : f32
    %mul3A_455 = vector.broadcast %mul3A_454 : f32 to vector<512x256xf32>
    %mul3A_456 = arith.mulf %dot_general3A_453, %mul3A_455 : vector<512x256xf32>
    %add3A_457 = vector.broadcast %mul3A_32 : vector<512x1xf32> to vector<512x256xf32>
    %add3A_458 = arith.addf %mul3A_456, %add3A_457 : vector<512x256xf32>
    %broadcast_in_dim3A_459 = arith.constant 1.500000e+01 : f32
    %broadcast_in_dim3A_460 = vector.broadcast %broadcast_in_dim3A_459 : f32 to vector<512x256xf32>
    %gt3A_461 = arith.cmpf ogt, %add3A_458, %max3A_434 : vector<512x256xf32>
    %max3A_462 = arith.maximumf %max3A_434, %add3A_458 : vector<512x256xf32>
    %min3A_463 = arith.minimumf %max3A_434, %add3A_458 : vector<512x256xf32>
    %select_n3A_464 = arith.select %gt3A_461, %broadcast_in_dim3A_460, %select_n3A_436 : vector<512x256xi1>, vector<512x256xf32>
    %select_n3A_465 = arith.select %gt3A_461, %select_n3A_436, %broadcast_in_dim3A_460 : vector<512x256xi1>, vector<512x256xf32>
    %gt3A_466 = arith.cmpf ogt, %min3A_463, %max3A_439 : vector<512x256xf32>
    %max3A_467 = arith.maximumf %max3A_439, %min3A_463 : vector<512x256xf32>
    %min3A_468 = arith.minimumf %max3A_439, %min3A_463 : vector<512x256xf32>
    %select_n3A_469 = arith.select %gt3A_466, %select_n3A_465, %select_n3A_441 : vector<512x256xi1>, vector<512x256xf32>
    %select_n3A_470 = arith.select %gt3A_466, %select_n3A_441, %select_n3A_465 : vector<512x256xi1>, vector<512x256xf32>
    %gt3A_471 = arith.cmpf ogt, %min3A_468, %max3A_444 : vector<512x256xf32>
    %max3A_472 = arith.maximumf %max3A_444, %min3A_468 : vector<512x256xf32>
    %min3A_473 = arith.minimumf %max3A_444, %min3A_468 : vector<512x256xf32>
    %select_n3A_474 = arith.select %gt3A_471, %select_n3A_470, %select_n3A_446 : vector<512x256xi1>, vector<512x256xf32>
    %select_n3A_475 = arith.select %gt3A_471, %select_n3A_446, %select_n3A_470 : vector<512x256xi1>, vector<512x256xf32>
    %gt3A_476 = arith.cmpf ogt, %min3A_473, %max3A_449 : vector<512x256xf32>
    %max3A_477 = arith.maximumf %max3A_449, %min3A_473 : vector<512x256xf32>
    %select_n3A_478 = arith.select %gt3A_476, %select_n3A_475, %select_n3A_450 : vector<512x256xi1>, vector<512x256xf32>
    %iota3A = tpu.iota {dimensions = array<i32: 1>} : vector<512x256xi32>
    %convert_element_type3A = arith.sitofp %iota3A : vector<512x256xi32> to vector<512x256xf32>
    %concatenate3A = tpu.concatenate %max3A_462, %max3A_467, %max3A_472, %max3A_477 in 1 : vector<512x256xf32>, vector<512x256xf32>, vector<512x256xf32>, vector<512x256xf32> -> vector<512x1024xf32>
    %swap3A = arith.constant 0 : index
    %swap3A_479 = arith.constant 0 : index
    %swap3A_480 = vector.load %arg12[%swap3A, %swap3A_479] : memref<512x1024xf32, #tpu.memory_space<vmem>>, vector<512x1024xf32>
    tpu.vector_store %arg12[%swap3A, %swap3A_479], %concatenate3A {strides = array<i32>} : memref<512x1024xf32, #tpu.memory_space<vmem>>, vector<512x1024xf32>,
    %mul3A_481 = arith.constant 2.560000e+02 : f32
    %mul3A_482 = vector.broadcast %mul3A_481 : f32 to vector<512x256xf32>
    %mul3A_483 = arith.mulf %select_n3A_464, %mul3A_482 : vector<512x256xf32>
    %add3A_484 = arith.addf %mul3A_483, %convert_element_type3A : vector<512x256xf32>
    %mul3A_485 = arith.constant 2.560000e+02 : f32
    %mul3A_486 = vector.broadcast %mul3A_485 : f32 to vector<512x256xf32>
    %mul3A_487 = arith.mulf %select_n3A_469, %mul3A_486 : vector<512x256xf32>
    %add3A_488 = arith.addf %mul3A_487, %convert_element_type3A : vector<512x256xf32>
    %mul3A_489 = arith.constant 2.560000e+02 : f32
    %mul3A_490 = vector.broadcast %mul3A_489 : f32 to vector<512x256xf32>
    %mul3A_491 = arith.mulf %select_n3A_474, %mul3A_490 : vector<512x256xf32>
    %add3A_492 = arith.addf %mul3A_491, %convert_element_type3A : vector<512x256xf32>
    %mul3A_493 = arith.constant 2.560000e+02 : f32
    %mul3A_494 = vector.broadcast %mul3A_493 : f32 to vector<512x256xf32>
    %mul3A_495 = arith.mulf %select_n3A_478, %mul3A_494 : vector<512x256xf32>
    %add3A_496 = arith.addf %mul3A_495, %convert_element_type3A : vector<512x256xf32>
    %concatenate3A_497 = tpu.concatenate %add3A_484, %add3A_488, %add3A_492, %add3A_496 in 1 : vector<512x256xf32>, vector<512x256xf32>, vector<512x256xf32>, vector<512x256xf32> -> vector<512x1024xf32>
    %swap3A_498 = arith.constant 0 : index
    %swap3A_499 = arith.constant 0 : index
    %swap3A_500 = vector.load %arg13[%swap3A_498, %swap3A_499] : memref<512x1024xf32, #tpu.memory_space<vmem>>, vector<512x1024xf32>
    tpu.vector_store %arg13[%swap3A_498, %swap3A_499], %concatenate3A_497 {strides = array<i32>} : memref<512x1024xf32, #tpu.memory_space<vmem>>, vector<512x1024xf32>,
    %get3A_501 = arith.constant 0 : index
    %get3A_502 = arith.constant 0 : index
    %get3A_503 = vector.load %arg12[%get3A_501, %get3A_502] : memref<512x1024xf32, #tpu.memory_space<vmem>>, vector<512x1024xf32>
    %get3A_504 = arith.constant 0 : index
    %get3A_505 = arith.constant 0 : index
    %get3A_506 = vector.load %arg13[%get3A_504, %get3A_505] : memref<512x1024xf32, #tpu.memory_space<vmem>>, vector<512x1024xf32>
    %reduce_max3A = arith.constant dense<0xFF800000> : vector<512xf32>
    %reduce_max3A_507 = vector.multi_reduction <maximumf>, %get3A_503, %reduce_max3A [1] : vector<512x1024xf32> to vector<512xf32>
    %broadcast_in_dim3A_508 = vector.shape_cast %reduce_max3A_507 : vector<512xf32> to vector<512x1xf32>
    %lt3A = vector.broadcast %broadcast_in_dim3A_508 : vector<512x1xf32> to vector<512x1024xf32>
    %lt3A_509 = arith.cmpf olt, %get3A_503, %lt3A : vector<512x1024xf32>
    %jit3A = arith.constant 0xFF800000 : f32
    %broadcast_in_dim3A_510 = vector.broadcast %jit3A : f32 to vector<512x1024xf32>
    %select_n3A_511 = arith.select %lt3A_509, %get3A_503, %broadcast_in_dim3A_510 : vector<512x1024xi1>, vector<512x1024xf32>
    %reduce_max3A_512 = arith.constant dense<0xFF800000> : vector<512xf32>
    %reduce_max3A_513 = vector.multi_reduction <maximumf>, %select_n3A_511, %reduce_max3A_512 [1] : vector<512x1024xf32> to vector<512xf32>
    %broadcast_in_dim3A_514 = vector.shape_cast %reduce_max3A_513 : vector<512xf32> to vector<512x1xf32>
    %lt3A_515 = vector.broadcast %broadcast_in_dim3A_514 : vector<512x1xf32> to vector<512x1024xf32>
    %lt3A_516 = arith.cmpf olt, %get3A_503, %lt3A_515 : vector<512x1024xf32>
    %jit3A_517 = arith.constant 0xFF800000 : f32
    %broadcast_in_dim3A_518 = vector.broadcast %jit3A_517 : f32 to vector<512x1024xf32>
    %select_n3A_519 = arith.select %lt3A_516, %get3A_503, %broadcast_in_dim3A_518 : vector<512x1024xi1>, vector<512x1024xf32>
    %reduce_max3A_520 = arith.constant dense<0xFF800000> : vector<512xf32>
    %reduce_max3A_521 = vector.multi_reduction <maximumf>, %select_n3A_519, %reduce_max3A_520 [1] : vector<512x1024xf32> to vector<512xf32>
    %broadcast_in_dim3A_522 = vector.shape_cast %reduce_max3A_521 : vector<512xf32> to vector<512x1xf32>
    %lt3A_523 = vector.broadcast %broadcast_in_dim3A_522 : vector<512x1xf32> to vector<512x1024xf32>
    %lt3A_524 = arith.cmpf olt, %get3A_503, %lt3A_523 : vector<512x1024xf32>
    %jit3A_525 = arith.constant 0xFF800000 : f32
    %broadcast_in_dim3A_526 = vector.broadcast %jit3A_525 : f32 to vector<512x1024xf32>
    %select_n3A_527 = arith.select %lt3A_524, %get3A_503, %broadcast_in_dim3A_526 : vector<512x1024xi1>, vector<512x1024xf32>
    %reduce_max3A_528 = arith.constant dense<0xFF800000> : vector<512xf32>
    %reduce_max3A_529 = vector.multi_reduction <maximumf>, %select_n3A_527, %reduce_max3A_528 [1] : vector<512x1024xf32> to vector<512xf32>
    %broadcast_in_dim3A_530 = vector.shape_cast %reduce_max3A_529 : vector<512xf32> to vector<512x1xf32>
    %eq3A = vector.broadcast %broadcast_in_dim3A_508 : vector<512x1xf32> to vector<512x1024xf32>
    %eq3A_531 = arith.cmpf oeq, %get3A_503, %eq3A : vector<512x1024xf32>
    %jit3A_532 = arith.constant 4.096000e+03 : f32
    %broadcast_in_dim3A_533 = vector.broadcast %jit3A_532 : f32 to vector<512x1024xf32>
    %select_n3A_534 = arith.select %eq3A_531, %get3A_506, %broadcast_in_dim3A_533 : vector<512x1024xi1>, vector<512x1024xf32>
    %reduce_min3A = arith.constant dense<0x7F800000> : vector<512xf32>
    %reduce_min3A_535 = vector.multi_reduction <minimumf>, %select_n3A_534, %reduce_min3A [1] : vector<512x1024xf32> to vector<512xf32>
    %broadcast_in_dim3A_536 = vector.shape_cast %reduce_min3A_535 : vector<512xf32> to vector<512x1xf32>
    %eq3A_537 = vector.broadcast %broadcast_in_dim3A_514 : vector<512x1xf32> to vector<512x1024xf32>
    %eq3A_538 = arith.cmpf oeq, %get3A_503, %eq3A_537 : vector<512x1024xf32>
    %jit3A_539 = arith.constant 4.096000e+03 : f32
    %broadcast_in_dim3A_540 = vector.broadcast %jit3A_539 : f32 to vector<512x1024xf32>
    %select_n3A_541 = arith.select %eq3A_538, %get3A_506, %broadcast_in_dim3A_540 : vector<512x1024xi1>, vector<512x1024xf32>
    %reduce_min3A_542 = arith.constant dense<0x7F800000> : vector<512xf32>
    %reduce_min3A_543 = vector.multi_reduction <minimumf>, %select_n3A_541, %reduce_min3A_542 [1] : vector<512x1024xf32> to vector<512xf32>
    %broadcast_in_dim3A_544 = vector.shape_cast %reduce_min3A_543 : vector<512xf32> to vector<512x1xf32>
    %eq3A_545 = vector.broadcast %broadcast_in_dim3A_522 : vector<512x1xf32> to vector<512x1024xf32>
    %eq3A_546 = arith.cmpf oeq, %get3A_503, %eq3A_545 : vector<512x1024xf32>
    %jit3A_547 = arith.constant 4.096000e+03 : f32
    %broadcast_in_dim3A_548 = vector.broadcast %jit3A_547 : f32 to vector<512x1024xf32>
    %select_n3A_549 = arith.select %eq3A_546, %get3A_506, %broadcast_in_dim3A_548 : vector<512x1024xi1>, vector<512x1024xf32>
    %reduce_min3A_550 = arith.constant dense<0x7F800000> : vector<512xf32>
    %reduce_min3A_551 = vector.multi_reduction <minimumf>, %select_n3A_549, %reduce_min3A_550 [1] : vector<512x1024xf32> to vector<512xf32>
    %broadcast_in_dim3A_552 = vector.shape_cast %reduce_min3A_551 : vector<512xf32> to vector<512x1xf32>
    %eq3A_553 = vector.broadcast %broadcast_in_dim3A_530 : vector<512x1xf32> to vector<512x1024xf32>
    %eq3A_554 = arith.cmpf oeq, %get3A_503, %eq3A_553 : vector<512x1024xf32>
    %jit3A_555 = arith.constant 4.096000e+03 : f32
    %broadcast_in_dim3A_556 = vector.broadcast %jit3A_555 : f32 to vector<512x1024xf32>
    %select_n3A_557 = arith.select %eq3A_554, %get3A_506, %broadcast_in_dim3A_556 : vector<512x1024xi1>, vector<512x1024xf32>
    %reduce_min3A_558 = arith.constant dense<0x7F800000> : vector<512xf32>
    %reduce_min3A_559 = vector.multi_reduction <minimumf>, %select_n3A_557, %reduce_min3A_558 [1] : vector<512x1024xf32> to vector<512xf32>
    %broadcast_in_dim3A_560 = vector.shape_cast %reduce_min3A_559 : vector<512xf32> to vector<512x1xf32>
    %concatenate3A_561 = tpu.concatenate %broadcast_in_dim3A_508, %broadcast_in_dim3A_514, %broadcast_in_dim3A_522, %broadcast_in_dim3A_530 in 1 : vector<512x1xf32>, vector<512x1xf32>, vector<512x1xf32>, vector<512x1xf32> -> vector<512x4xf32>
    %sub3A = vector.broadcast %broadcast_in_dim3A_508 : vector<512x1xf32> to vector<512x4xf32>
    %sub3A_562 = arith.subf %concatenate3A_561, %sub3A : vector<512x4xf32>
    %exp3A = math.exp %sub3A_562 : vector<512x4xf32>
    %reduce_sum3A = arith.constant dense<0.000000e+00> : vector<512xf32>
    %reduce_sum3A_563 = vector.multi_reduction <add>, %exp3A, %reduce_sum3A [1] : vector<512x4xf32> to vector<512xf32>
    %broadcast_in_dim3A_564 = vector.shape_cast %reduce_sum3A_563 : vector<512xf32> to vector<512x1xf32>
    %div3A = vector.broadcast %broadcast_in_dim3A_564 : vector<512x1xf32> to vector<512x4xf32>
    %div3A_565 = arith.divf %exp3A, %div3A : vector<512x4xf32>
    %concatenate3A_566 = tpu.concatenate %broadcast_in_dim3A_536, %broadcast_in_dim3A_544, %broadcast_in_dim3A_552, %broadcast_in_dim3A_560 in 1 : vector<512x1xf32>, vector<512x1xf32>, vector<512x1xf32>, vector<512x1xf32> -> vector<512x4xf32>
    %convert_element_type3A_567 = arith.fptosi %concatenate3A_566 : vector<512x4xf32> to vector<512x4xi32>
    %swap3A_568 = arith.constant 0 : index
    %swap3A_569 = arith.constant 0 : index
    %swap3A_570 = arith.constant 0 : index
    %swap3A_571 = vector.load %arg9[%swap3A_568, %swap3A_569, %swap3A_570] : memref<1x512x4xi32, #tpu.memory_space<vmem>>, vector<1x512x4xi32>
    %swap3A_572 = vector.shape_cast %swap3A_571 : vector<1x512x4xi32> to vector<512x4xi32>
    %swap3A_573 = vector.shape_cast %convert_element_type3A_567 : vector<512x4xi32> to vector<1x512x4xi32>
    tpu.vector_store %arg9[%swap3A_568, %swap3A_569, %swap3A_570], %swap3A_573 {strides = array<i32>} : memref<1x512x4xi32, #tpu.memory_space<vmem>>, vector<1x512x4xi32>,
    %swap3A_574 = arith.constant 0 : index
    %swap3A_575 = arith.constant 0 : index
    %swap3A_576 = arith.constant 0 : index
    %swap3A_577 = vector.load %arg10[%swap3A_574, %swap3A_575, %swap3A_576] : memref<1x512x4xf32, #tpu.memory_space<vmem>>, vector<1x512x4xf32>
    %swap3A_578 = vector.shape_cast %swap3A_577 : vector<1x512x4xf32> to vector<512x4xf32>
    %swap3A_579 = vector.shape_cast %div3A_565 : vector<512x4xf32> to vector<1x512x4xf32>
    tpu.vector_store %arg10[%swap3A_574, %swap3A_575, %swap3A_576], %swap3A_579 {strides = array<i32>} : memref<1x512x4xf32, #tpu.memory_space<vmem>>, vector<1x512x4xf32>,
    %mul3A_580 = arith.constant 4096 : i32
    %mul3A_581 = arith.muli %arg0, %mul3A_580 : i32
    %add3A_582 = vector.broadcast %mul3A_581 : i32 to vector<512x4xi32>
    %add3A_583 = arith.addi %convert_element_type3A_567, %add3A_582 : vector<512x4xi32>
    %swap3A_584 = arith.constant 0 : index
    %swap3A_585 = arith.constant 0 : index
    %swap3A_586 = arith.constant 0 : index
    %swap3A_587 = vector.load %arg11[%swap3A_584, %swap3A_585, %swap3A_586] : memref<1x512x4xi32, #tpu.memory_space<vmem>>, vector<1x512x4xi32>
    %swap3A_588 = vector.shape_cast %swap3A_587 : vector<1x512x4xi32> to vector<512x4xi32>
    %swap3A_589 = vector.shape_cast %add3A_583 : vector<512x4xi32> to vector<1x512x4xi32>
    tpu.vector_store %arg11[%swap3A_584, %swap3A_585, %swap3A_586], %swap3A_589 {strides = array<i32>} : memref<1x512x4xi32, #tpu.memory_space<vmem>>, vector<1x512x4xi32>,
    return
  }
  func.func @transform_0(%arg0: i32, %arg1: i32) -> (i32, i32, i32) {
    %c0_i32 = arith.constant 0 : i32
    %c0_i32_0 = arith.constant 0 : i32
    return %arg0, %arg1, %c0_i32 : i32, i32, i32
  }
  func.func @transform_1(%arg0: i32, %arg1: i32) -> (i32, i32, i32) {
    %c0_i32 = arith.constant 0 : i32
    %c0_i32_0 = arith.constant 0 : i32
    %c0_i32_1 = arith.constant 0 : i32
    return %arg0, %c0_i32, %c0_i32_0 : i32, i32, i32
  }
  func.func @transform_2(%arg0: i32, %arg1: i32) -> (i32, i32) {
    %c0_i32 = arith.constant 0 : i32
    %c0_i32_0 = arith.constant 0 : i32
    %c0_i32_1 = arith.constant 0 : i32
    return %c0_i32, %c0_i32_0 : i32, i32
  }
  func.func @transform_3(%arg0: i32, %arg1: i32) -> (i32, i32) {
    %c0_i32 = arith.constant 0 : i32
    %c0_i32_0 = arith.constant 0 : i32
    %c0_i32_1 = arith.constant 0 : i32
    return %c0_i32, %c0_i32_0 : i32, i32
  }
  func.func @transform_4(%arg0: i32, %arg1: i32) -> (i32, i32) {
    %c0_i32 = arith.constant 0 : i32
    %c0_i32_0 = arith.constant 0 : i32
    %c0_i32_1 = arith.constant 0 : i32
    return %c0_i32, %c0_i32_0 : i32, i32
  }
  func.func @transform_5(%arg0: i32, %arg1: i32) -> (i32, i32) {
    %c0_i32 = arith.constant 0 : i32
    %c0_i32_0 = arith.constant 0 : i32
    %c0_i32_1 = arith.constant 0 : i32
    return %c0_i32, %c0_i32_0 : i32, i32
  }
  func.func @transform_6(%arg0: i32, %arg1: i32) -> (i32, i32) {
    %c0_i32 = arith.constant 0 : i32
    %c0_i32_0 = arith.constant 0 : i32
    %c0_i32_1 = arith.constant 0 : i32
    return %c0_i32, %c0_i32_0 : i32, i32
  }
  func.func @transform_7(%arg0: i32, %arg1: i32) -> (i32, i32, i32) {
    %c0_i32 = arith.constant 0 : i32
    %c0_i32_0 = arith.constant 0 : i32
    return %arg0, %arg1, %c0_i32 : i32, i32, i32
  }
  func.func @transform_8(%arg0: i32, %arg1: i32) -> (i32, i32, i32) {
    %c0_i32 = arith.constant 0 : i32
    %c0_i32_0 = arith.constant 0 : i32
    return %arg0, %arg1, %c0_i32 : i32, i32, i32
  }
  func.func @transform_9(%arg0: i32, %arg1: i32) -> (i32, i32, i32) {
    %c0_i32 = arith.constant 0 : i32
    %c0_i32_0 = arith.constant 0 : i32
    return %arg0, %arg1, %c0_i32 : i32, i32, i32
  }
}

</mosaic_0001>

<sc_bundles>
// kernel: _pipeline.4.cloned.1.call-start
scs
__scs_entry_jumppad:
0x0: {  	(pc) =	sbr.rel $0x88, $3  }
0x1: {  	(tag) =	ssettag $0x0;
	lr =	simm.s32 $0x1  }
0x2: {  	[smem:$0x3F99] =	sst lr;
	_ =	strace $0xD0000000  }
0x3: {  	_ = 	snop  }
0x4: {  	_ = 	snop  }
0x5: {  	_ = 	snop  }
0x6: {  	_ = 	snop  }
0x7: {  	_ = 	snop  }
__scs_overlays_trampoline_lowered:
0x8: {  	[smem:$0x3FA8] =	sst s0  }
0x9: {  	[smem:$0x3FA9] =	sst s1  }
0xa: {  	[smem:$0x3FAA] =	sst s2  }
0xb: {  	[smem:$0x3FAB] =	sst s3  }
0xc: {  	[smem:$0x3FAC] =	sst s4  }
0xd: {  	[smem:$0x3FAD] =	sst s5  }
0xe: {  	[smem:$0x3FAE] =	sst s6  }
0xf: {  	[smem:$0x3FAF] =	sst s7  }
0x10: {  	[smem:$0x3FB0] =	sst s8  }
0x11: {  	[smem:$0x3FB1] =	sst s9;
	s0 =	simm.s32 @!p0 $0x0  }
0x12: {  	s1 =	sld [smem:$0x3F97];
	s0 =	simm.s32 @p0 $0x1  }
0x13: {  	[smem:$0x3FB2] =	sst s0;
	s0 =	simm.s32 @!p1 $0x0  }
0x14: {  	s2 =	sld [smem:$0x3F96];
	s0 =	simm.s32 @p1 $0x1  }
0x15: {  	[smem:$0x3FB3] =	sst s0;
	s0 =	simm.s32 @!p2 $0x0  }
0x16: {  	s3 =	sld [smem:$0x3FDB];
	s0 =	simm.s32 @p2 $0x1  }
0x17: {  	s4 =	simm.s32 $0x1BF5;
	[smem:$0x3FB5] =	sst s0  }
0x18: {  	s0 =	sld [smem:$0x3F98];
	_ =	swait.ge [sflag:s4], $0x0  }
0x19: {  	s7 =	sld [smem:$0x3F99]  }
0x1a: {  	s8 =	sadd.s32 $0xFFFFE003, lr  }
0x1b: {  	s9 =	sadd.s32 $0xFFFFFEF7, lr;
	s5 =	simm.s32 $0xFFFFFFFF;
	p2 =	slt.u32 s8, $0xFFFFF086  }
0x1c: {  	p1 =	slt.u32 s9, $0xF7A;
	s5 =	simm.s32 @!p2 $0x0  }
0x1d: {  	s5 =	simm.s32 @p1 $0x1;
	p0 =	seq.s32 s7, s2  }
0x1e: {  	s7 =	smul.u32 @!p0 $0xF7A, s2;
	p2 =	seq.s32 @!p0 s5, $0x0  }
0x1f: {  	s9 =	smul.u32 $0xF7A, s1;
	s8 =	simm.s32 @!p0 $0x1BF5;
	p2 =	por !p2, p0  }
0x20: {  	[sflag:s8] =	ssyncset.s32 @!p0 $0xFFFFF086;
	s6 =	sadd.s32 @!p0 s3, s7;
	s7 =	simm.s32 @!p0 $0x108  }
0x21: {  	s3 =	sadd.s32 s3, s9;
	s6 =	sadd.s32 @!p0 $0x88, s6;
	s7 =	simm.s32 @p2 $0x1082  }
0x22: {  	[simem:s7], [sflag:s8] =	dma.local @!p0 [hbm:s6], $0xF7A  }
0x23: {  	s9 =	sor.u32 $0xD0000000, s2;
	s6 =	simm.s32 $0x108;
	_ =	swait.ge @!p0 [sflag:s8], $0x0  }
0x24: {  	s3 =	sadd.s32 $0x88, s3;
	s6 =	simm.s32 @!p1 $0x1082;
	[sflag:s4] =	ssyncset.s32 $0xFFFFF086  }
0x25: {  	[simem:s6], [sflag:s4] =	dma.local [hbm:s3], $0xF7A  }
0x26: {  	[smem:$0x3F99] =	sst s1;
	(tag) =	ssettag s2;
	_ =	strace s9  }
0x27: {  	s1 =	sld [smem:$0x3FA9]  }
0x28: {  	s2 =	sld [smem:$0x3FAA]  }
0x29: {  	s4 =	sld [smem:$0x3FAC]  }
0x2a: {  	p0 =	seq.s32 s5, $0x0;
	s5 =	sld [smem:$0x3FAD]  }
0x2b: {  	s6 =	sld [smem:$0x3FAE]  }
0x2c: {  	s7 =	sld [smem:$0x3FAF]  }
0x2d: {  	s3 =	simm.s32 $0x108;
	s8 =	sld [smem:$0x3FB0]  }
0x2e: {  	s3 =	simm.s32 @!p0 $0x1082;
	s9 =	sld [smem:$0x3FB1]  }
0x2f: {  	lr =	sadd.s32 s0, s3;
	s0 =	sld [smem:$0x3FA8]  }
0x30: {  	s3 =	sld [smem:$0x3FAB]  }
0x31: {  	[smem:$0x3FB4] =	sst s10  }
0x32: {  	s10 =	sld [smem:$0x3FB2];
	_ =	sdelay $0x3  }
0x33: {  	p0 =	seq.s32 s10, $0x1;
	s10 =	sld [smem:$0x3FB4];
	_ =	sdelay $0x3  }
0x34: {  	[smem:$0x3FB4] =	sst s10  }
0x35: {  	s10 =	sld [smem:$0x3FB3];
	_ =	sdelay $0x3  }
0x36: {  	p1 =	seq.s32 s10, $0x1;
	s10 =	sld [smem:$0x3FB4];
	_ =	sdelay $0x3  }
0x37: {  	[smem:$0x3FB4] =	sst s10  }
0x38: {  	s10 =	sld [smem:$0x3FB5]  }
0x39: {  	_ = 	snop;
	(pc) =	sbr.ind lr, $3  }
0x3a: {  	_ = 	snop  }
0x3b: {  	_ = 	snop  }
0x3c: {  	p2 =	seq.s32 s10, $0x1;
	s10 =	sld [smem:$0x3FB4]  }
0x3d: {  	_ =	shalt  }
0x3e: {  	_ =	shalt  }
0x3f: {  	_ =	shalt  }
0x40: {  	_ =	shalt  }
0x41: {  	_ =	shalt  }
0x42: {  	_ =	shalt  }
0x43: {  	_ =	shalt  }
0x44: {  	_ =	shalt  }
0x45: {  	_ =	shalt  }
0x46: {  	_ =	shalt  }
0x47: {  	_ =	shalt  }
0x48: {  	_ =	shalt  }
0x49: {  	_ =	shalt  }
0x4a: {  	_ =	shalt  }
0x4b: {  	_ =	shalt  }
0x4c: {  	_ =	shalt  }
0x4d: {  	_ =	shalt  }
0x4e: {  	_ =	shalt  }
0x4f: {  	_ =	shalt  }
0x50: {  	_ =	shalt  }
0x51: {  	_ =	shalt  }
0x52: {  	_ =	shalt  }
0x53: {  	_ =	shalt  }
0x54: {  	_ =	shalt  }
0x55: {  	_ =	shalt  }
0x56: {  	_ =	shalt  }
0x57: {  	_ =	shalt  }
0x58: {  	_ =	shalt  }
0x59: {  	_ =	shalt  }
0x5a: {  	_ =	shalt  }
0x5b: {  	_ =	shalt  }
0x5c: {  	_ =	shalt  }
0x5d: {  	_ =	shalt  }
0x5e: {  	_ =	shalt  }
0x5f: {  	_ =	shalt  }
0x60: {  	_ =	shalt  }
0x61: {  	_ =	shalt  }
0x62: {  	_ =	shalt  }
0x63: {  	_ =	shalt  }
0x64: {  	_ =	shalt  }
0x65: {  	_ =	shalt  }
0x66: {  	_ =	shalt  }
0x67: {  	_ =	shalt  }
0x68: {  	_ =	shalt  }
0x69: {  	_ =	shalt  }
0x6a: {  	_ =	shalt  }
0x6b: {  	_ =	shalt  }
0x6c: {  	_ =	shalt  }
0x6d: {  	_ =	shalt  }
0x6e: {  	_ =	shalt  }
0x6f: {  	_ =	shalt  }
0x70: {  	_ =	shalt  }
0x71: {  	_ =	shalt  }
0x72: {  	_ =	shalt  }
0x73: {  	_ =	shalt  }
0x74: {  	_ =	shalt  }
0x75: {  	_ =	shalt  }
0x76: {  	_ =	shalt  }
0x77: {  	_ =	shalt  }
0x78: {  	_ =	shalt  }
0x79: {  	_ =	shalt  }
0x7a: {  	_ =	shalt  }
0x7b: {  	_ =	shalt  }
0x7c: {  	_ =	shalt  }
0x7d: {  	_ =	shalt  }
0x7e: {  	_ =	shalt  }
0x7f: {  	_ =	shalt  }
0x80: {  	_ =	shalt  }
0x81: {  	_ =	shalt  }
0x82: {  	_ =	shalt  }
0x83: {  	_ =	shalt  }
0x84: {  	_ =	shalt  }
0x85: {  	_ =	shalt  }
0x86: {  	_ =	shalt  }
0x87: {  	_ =	shalt  }
.Lfunc_end0:
.L_simem_size_0:
called_computation_lowered:
.L_overlay_start_0:
0x88: {  	s2 =	sld [smem:$0x3FD9]  }
0x89: {  	s3 =	sld [smem:$0x3FFE];
	_ =	sdelay $0x1  }
0x8a: {  	s1 =	srdreg.scid  }
0x8b: {  	s0 =	sand.u32 $0x1, s1  }
0x8c: {  	s14 =	sshll.u32 s0, $0xA;
	s2 =	sadd.s32 s3, s2  }
0x8d: {  	s2 =	sadd.s32 s2, s14  }
0x8e: {  	[smem:$0x3FC0] =	sst s2  }
0x8f: {  	_ = 	snop  }
0x90: {  	s2 =	sld [smem:$0x3FD0];
	_ =	sdelay $0x2  }
0x91: {  	s4 =	simm.s32 $0xA;
	s5 =	simm.s32 $0x10;
	s15 =	sld [smem:$0x3FC7]  }
0x92: {  	[smem:s5], [sflag:s4] =	dma.local [hbm:s2], $0x1  }
0x93: {  	_ =	swait.eq [sflag:s4], $0x1  }
0x94: {  	[sflag:s4] =	ssyncset.done $0x0  }
0x95: {  	[sflag:s4] =	ssyncadd.s32 $0xFFFFFFFF  }
0x96: {  	s16 =	sld [smem:$0x12];
	(tm) =	ssettm $0x1  }
0x97: {  	s17 =	sld [smem:$0x3FFB];
	_ =	sdelay $0x3  }
0x98: {  	_ =	strace s17  }
0x99: {  	s4 =	sld [smem:$0x3FFC];
	_ =	sdelay $0x3  }
0x9a: {  	_ =	strace s4  }
0x9b: {  	s4 =	sld [smem:$0x3FFD];
	_ =	sdelay $0x3  }
0x9c: {  	_ =	strace s4  }
0x9d: {  	_ =	strace $0x8FFFFFFF  }
0x9e: {  	s18 =	sld [smem:$0x3FDB];
	_ =	sdelay $0x1  }
0x9f: {  	s19 =	simm.s32 $_scs_section_size  }
0xa0: {  	s6 =	simm.s32 $_size__tile_overlayer_lowered;
	s7 =	simm.s32 $_tile_overlayer_lowered  }
0xa1: {  	s22 =	simm.s32 $0x1BFF;
	s21 =	sshll.u32 s7, $0x1;
	s4 =	sadd.s32 s19, s18  }
0xa2: {  	s8 =	simm.s32 $0x0;
	s20 =	sshll.u32 s6, $0x1;
	s6 =	sadd.s32 s21, s4  }
0xa3: {  	[timem:s8], [sflag:s22] =	dma.local [hbm:s6], s20  }
0xa4: {  	_ =	swait.ge [sflag:s22], s20  }
0xa5: {  	s5 =	ssub.s32 $0x0, s20;
	[sflag:s22] =	ssyncset.done $0x0  }
0xa6: {  	[sflag:s22] =	ssyncadd.s32 s5;
	_ =	sdelay $0x1  }
0xa7: {  	s23 =	simm.s32 $0x1B8B  }
0xa8: {  	_ =	swait.ge [sflag:s23], $0x1  }
0xa9: {  	[sflag:s23] =	ssyncset.done $0x0  }
0xaa: {  	s25 =	simm.s32 $0x1B8E;
	s24 =	sld [smem:$0x3FFE];
	[sflag:s23] =	ssyncadd.s32 $0xFFFFFFFF  }
0xab: {  	s26 =	simm.s32 $execute0_lowered;
	[smem:$0x3FD2] =	sst s25  }
0xac: {  	s6 =	sshll.u32 s26, $0x1;
	_ =	strace $0x80000046;
	[dreg:$0x1] =	wrdreg $0xFFFFFFFF  }
0xad: {  	s28 =	simm.s32 $_size_execute0_lowered;
	s4 =	sadd.s32 s4, s6;
	[dreg:$0x0] =	wrdreg $0x0  }
0xae: {  	s6 =	sshll.u32 s28, $0x1;
	[dreg:$0x2] =	wrdreg s4  }
0xaf: {  	[dreg:$0x3] =	wrdreg s6  }
0xb0: {  	[dreg:$0x4] =	wrdreg $0xC0  }
0xb1: {  	_ =	task [dreg:s8], $0x5FFFF  }
0xb2: {  	[dreg:$0x1] =	wrdreg $0xFFFFFFFF  }
0xb3: {  	[dreg:$0x0] =	wrdreg $0x60  }
0xb4: {  	[dreg:$0x2] =	wrdreg s15  }
0xb5: {  	[dreg:$0x3] =	wrdreg s24  }
0xb6: {  	[dreg:$0x4] =	wrdreg s16  }
0xb7: {  	[dreg:$0x5] =	wrdreg $0x9  }
0xb8: {  	_ =	task.clear_ibuf [dreg:s8], $0x6FFFF;
	_ =	strace $0x90000046  }
0xb9: {  	s29 =	simm.s32 $0x9;
	_ =	strace $0x80000048  }
0xba: {  	_ =	swait.ge [sflag:s29], $0x1  }
0xbb: {  	[sflag:s29] =	ssyncadd.s32 $0xFFFFFFFF  }
0xbc: {  	_ =	strace $0x90000048  }
0xbd: {  	_ =	sfence  }
0xbe: {  	s30 =	sld [smem:$0x0];
	_ =	sdelay $0x2  }
0xbf: {  	s31 =	sshll.u32 s1, $0xD;
	s1 =	sshrl.u32 s1, $0x2  }
0xc0: {  	s3 =	sand.u32 $0x4000, s31;
	s1 =	sadd.s32 s1, s30  }
0xc1: {  	s0 =	sor.u32 s3, s0;
	s1 =	sshll.u32 s1, $0x11  }
0xc2: {  	s0 =	sor.u32 s1, s0  }
0xc3: {  	s0 =	sadd.s32 $0x8F2B, s0  }
0xc4: {  	[sflag:s0] =	ssyncadd.remote.s32 $0x1  }
0xc5: {  	_ =	sfence.sel $0xFFFF  }
0xc6: {  	[dreg:$0x0] =	wrdreg $0xFFFFFFFF;
	(pc) =	sbr.abs _section_cstart, $3  }
0xc7: {  	[dreg:$0x1] =	wrdreg $0xFFFFFFFF  }
0xc8: {  	_ =	task.clear_ibuf [dreg:s8], $0x2FFFF;
	_ =	strace $0x9FFFFFFF  }
0xc9: {  	(tm) =	ssettm $0x7FFFFFFF  }
tec
execute0_lowered:
.L_overlay_start_1:
0x0: {  	(tag) =	ssettag $0x1  }
0x1: {  	s1 =	rddreg [dreg:$0x0]  }
0x2: {  	s0 =	rddreg [dreg:$0x1]  }
0x3: {  	s2 =	rddreg [dreg:$0x2];
	s4 =	srdreg.scid  }
0x4: {  	s5 =	stileid.u32;
	s3 =	simm.s32 $0x0;
	s15 =	simm.s32 $0x3  }
0x5: {  	s16 =	simm.s32 $0x400;
	s17 =	simm.s32 $0x80;
	s18 =	simm.s32 $0x800  }
0x6: {  	s19 =	simm.s32 $0x4800;
	s20 =	simm.s32 $0x1;
	s21 =	simm.s32 $0x8800  }
0x7: {  	s23 =	simm.s32 $0x2;
	s4 =	sand.u32 $0x1, s4;
	s5 =	sshll.u32 s5, $0x1  }
0x8: {  	s30 =	simm.s32 $0x0;
	[smem:$0x7FF] =	sst s3;
	s5 =	sor.u32 s4, s5  }
0x9: {  	_ =	strace $0x80000047;
	s4 =	ssub.s32 $0x2, s4;
	s6 =	sshll.u32 s5, $0x7  }
0xa: {  	s31 =	sshrl.u32 s4, $0x1;
	s5 =	sshll.u32 s5, $0xC;
	s0 =	sadd.s32 s6, s0  }
0xb: {  	s14 =	ssub.s32 s4, s31;
	s5 =	sadd.s32 s2, s5;
	s4 =	sadd.s32 $0x1200, s0  }
0xc: {  	s6 =	sadd.s32 $0x2200, s0;
	s7 =	sadd.s32 $0x200, s5;
	s8 =	sadd.s32 $0x400, s5  }
0xd: {  	s9 =	sadd.s32 $0x600, s5;
	s10 =	sadd.s32 $0x800, s5;
	s11 =	sadd.s32 $0xA00, s5  }
0xe: {  	s12 =	sadd.s32 $0xC00, s5;
	s13 =	sadd.s32 $0xE00, s5;
	s14 =	smax.u32 s14, $0x1  }
.LBB2_1:
0xf: {  	[tilespmem:s3], [sflag:$0x3] =	stream.linear.gather [hbm4b:s4+s3], $0x400, $0x38;
	[tilespmem:$0x9800] =	vst v63  }
0x10: {  	_ =	swait.ge [sflag:s15], $0x400  }
0x11: {  	[sflag:s15] =	ssyncset.done $0x0  }
0x12: {  	[sflag:s15] =	ssyncadd.s32 $0xFFFFFC00  }
0x13: {  	[tilespmem:s16], [sflag:$0x3] =	stream.linear.gather [hbm4b:s6+s3], $0x400, $0x38;
	[tilespmem:$0x9800] =	vst v63  }
0x14: {  	_ =	swait.ge [sflag:s15], $0x400  }
0x15: {  	v0 =	vmov s3;
	[sflag:s15] =	ssyncset.done $0x0  }
0x16: {  	s0 =	simm.s32 $0x1;
	v0 =	vand.u32 $0xFFFFFFFC, v0;
	[sflag:s15] =	ssyncadd.s32 $0xFFFFFC00  }
0x17: {  	v1 =	vmov s0;
	v0 =	vbroadcast v0, $0x0;
	[tilespmem:s18], [sflag:$0x1] =	stream.indirect.gather [hbm4b:s1+s17], $0x80, s3, s17, $0xb8;
	[tilespmem:$0x9800] =	vst v63  }
0x18: {  	s28 =	simm.s32 $0x2;
	v1 =	vand.u32 $0xFFFFFFFD, v1  }
0x19: {  	v2 =	vmov s28;
	v1 =	vbroadcast v1, $0x0;
	[tilespmem:s19], [sflag:$0x2] =	stream.indirect.gather [hbm4b:s1+s17], $0x80, s17, s17, $0xb8;
	[tilespmem:$0x9800] =	vst v63  }
0x1a: {  	v2 =	vand.u32 $0xFFFFFFFE, v2;
	_ =	swait.ge [sflag:s20], $0x4000  }
0x1b: {  	v2 =	vbroadcast v2, $0x0;
	[sflag:s20] =	ssyncset.done $0x0  }
0x1c: {  	[sflag:s20] =	ssyncadd.s32 $0xFFFFC000  }
0x1d: {  	s31 =	simm.s32 $0x900;
	s29 =	simm.s32 $0x3;
	v0 =	vld.idx.msk [tilespmem:v0+s16+$0x0], $0xffff  }
0x1e: {  	v3 =	vmov s29;
	v4 =	vld [tilespmem:s31+$0xFFFFFF80]  }
0x1f: {  	v1 =	vld.idx.msk [tilespmem:v1+s16+$0x0], $0xffff  }
0x20: {  	v5 =	vld [tilespmem:s31+$0xFFFFFF00]  }
0x21: {  	v2 =	vld.idx.msk [tilespmem:v2+s16+$0x0], $0xffff  }
0x22: {  	v6 =	vld [tilespmem:s31+$0x0]  }
0x23: {  	v3 =	vld.idx.msk [tilespmem:v3+s16+$0x0], $0xffff  }
0x24: {  	v7 =	vld [tilespmem:s31+$0x80]  }
0x25: {  	v5 =	vmul.f32 v5, v0;
	v4 =	vmul.f32 v4, v1;
	_ =	sdelay $0x1  }
0x26: {  	v4 =	vadd.f32 v4, v5;
	v5 =	vmul.f32 v6, v2;
	_ =	sdelay $0x1  }
0x27: {  	v4 =	vadd.f32 v5, v4;
	v5 =	vmul.f32 v7, v3;
	_ =	sdelay $0x1  }
0x28: {  	v4 =	vadd.f32 v5, v4  }
0x29: {  	s0 =	simm.s32 $0x8840  }
0x2a: {  	[tilespmem:s0+$0xFFFFFFC0] =	vst v4  }
0x2b: {  	v4 =	vld [tilespmem:s31+$0xFFFFFF10]  }
0x2c: {  	v5 =	vld [tilespmem:s31+$0xFFFFFF90];
	_ =	sdelay $0x1  }
0x2d: {  	v6 =	vld [tilespmem:s31+$0x10];
	_ =	sdelay $0x1  }
0x2e: {  	v7 =	vld [tilespmem:s31+$0x90]  }
0x2f: {  	v4 =	vmul.f32 v4, v0;
	v5 =	vmul.f32 v5, v1;
	_ =	sdelay $0x1  }
0x30: {  	v4 =	vadd.f32 v5, v4;
	v5 =	vmul.f32 v6, v2;
	_ =	sdelay $0x1  }
0x31: {  	v4 =	vadd.f32 v5, v4;
	v5 =	vmul.f32 v7, v3;
	_ =	sdelay $0x1  }
0x32: {  	v4 =	vadd.f32 v5, v4;
	_ =	sdelay $0x1  }
0x33: {  	[tilespmem:s0+$0xFFFFFFD0] =	vst v4  }
0x34: {  	v4 =	vld [tilespmem:s31+$0xFFFFFF20]  }
0x35: {  	v5 =	vld [tilespmem:s31+$0xFFFFFFA0];
	_ =	sdelay $0x1  }
0x36: {  	v6 =	vld [tilespmem:s31+$0x20];
	_ =	sdelay $0x1  }
0x37: {  	v7 =	vld [tilespmem:s31+$0xA0]  }
0x38: {  	v4 =	vmul.f32 v4, v0;
	v5 =	vmul.f32 v5, v1;
	_ =	sdelay $0x1  }
0x39: {  	v4 =	vadd.f32 v5, v4;
	v5 =	vmul.f32 v6, v2;
	_ =	sdelay $0x1  }
0x3a: {  	v6 =	vmul.f32 v7, v3;
	v4 =	vadd.f32 v5, v4;
	_ =	sdelay $0x1  }
0x3b: {  	v4 =	vadd.f32 v6, v4;
	_ =	sdelay $0x1  }
0x3c: {  	[tilespmem:s0+$0xFFFFFFE0] =	vst v4  }
0x3d: {  	v4 =	vld [tilespmem:s31+$0xFFFFFF30]  }
0x3e: {  	v5 =	vld [tilespmem:s31+$0xFFFFFFB0];
	_ =	sdelay $0x1  }
0x3f: {  	v6 =	vld [tilespmem:s31+$0x30];
	_ =	sdelay $0x1  }
0x40: {  	v7 =	vld [tilespmem:s31+$0xB0]  }
0x41: {  	v4 =	vmul.f32 v4, v0;
	v5 =	vmul.f32 v5, v1;
	_ =	sdelay $0x1  }
0x42: {  	v4 =	vadd.f32 v5, v4;
	v5 =	vmul.f32 v6, v2;
	_ =	sdelay $0x1  }
0x43: {  	v4 =	vadd.f32 v5, v4;
	v5 =	vmul.f32 v7, v3;
	_ =	sdelay $0x1  }
0x44: {  	v4 =	vadd.f32 v5, v4;
	_ =	sdelay $0x1  }
0x45: {  	[tilespmem:s0+$0xFFFFFFF0] =	vst v4  }
0x46: {  	v4 =	vld [tilespmem:s31+$0xFFFFFF40]  }
0x47: {  	v5 =	vld [tilespmem:s31+$0xFFFFFFC0];
	_ =	sdelay $0x1  }
0x48: {  	v6 =	vld [tilespmem:s31+$0x40];
	_ =	sdelay $0x1  }
0x49: {  	v7 =	vld [tilespmem:s31+$0xC0]  }
0x4a: {  	v4 =	vmul.f32 v4, v0;
	v5 =	vmul.f32 v5, v1;
	_ =	sdelay $0x1  }
0x4b: {  	v4 =	vadd.f32 v5, v4;
	v5 =	vmul.f32 v6, v2;
	_ =	sdelay $0x1  }
0x4c: {  	v4 =	vadd.f32 v5, v4;
	v5 =	vmul.f32 v7, v3;
	_ =	sdelay $0x1  }
0x4d: {  	v4 =	vadd.f32 v5, v4;
	_ =	sdelay $0x1  }
0x4e: {  	[tilespmem:s0+$0x0] =	vst v4  }
0x4f: {  	v4 =	vld [tilespmem:s31+$0xFFFFFF50]  }
0x50: {  	s24 =	simm.s32 $0x4;
	s22 =	simm.s32 $0xB00;
	s2 =	simm.s32 $0x8840;
	v5 =	vld [tilespmem:s31+$0xFFFFFFD0]  }
.LBB2_2:
0x51: {  	s28 =	sadd.s32 $0x2, s24  }
0x52: {  	v6 =	vld [tilespmem:s31+$0x50];
	s0 =	sadd.s32 $0x80, s0;
	s25 =	smov.u32 s24;
	s26 =	sadd.s32 $0x4, s24  }
0x53: {  	p0 =	sne.s32 s24, $0x7C;
	s29 =	sadd.s32 $0x1, s25;
	v7 =	vmov s28;
	v8 =	vld [tilespmem:s31+$0xD0]  }
0x54: {  	v9 =	vmov s25;
	v10 =	vmov s29  }
0x55: {  	v9 =	vand.u32 $0xFFFFFFFC, v9;
	v10 =	vand.u32 $0xFFFFFFFD, v10;
	v4 =	vmul.f32 v4, v0  }
0x56: {  	v10 =	vbroadcast v10, $0x0;
	v5 =	vmul.f32 v5, v1  }
0x57: {  	v6 =	vmul.f32 v6, v2  }
0x58: {  	v4 =	vadd.f32 v5, v4;
	v5 =	vmul.f32 v8, v3  }
0x59: {  	v7 =	vand.u32 $0xFFFFFFFE, v7  }
0x5a: {  	v7 =	vbroadcast v7, $0x0;
	v4 =	vadd.f32 v6, v4;
	_ =	sdelay $0x1  }
0x5b: {  	v4 =	vadd.f32 v5, v4;
	_ =	sdelay $0x1  }
0x5c: {  	[tilespmem:s2+$0x10] =	vst v4  }
0x5d: {  	v4 =	vld [tilespmem:s31+$0xFFFFFF60]  }
0x5e: {  	v5 =	vld [tilespmem:s31+$0xFFFFFFE0]  }
0x5f: {  	v6 =	vld [tilespmem:s31+$0x60]  }
0x60: {  	v8 =	vld [tilespmem:s31+$0xE0];
	_ =	sdelay $0x1  }
0x61: {  	v4 =	vmul.f32 v4, v0  }
0x62: {  	v5 =	vmul.f32 v5, v1  }
0x63: {  	v6 =	vmul.f32 v6, v2  }
0x64: {  	v4 =	vadd.f32 v5, v4;
	v5 =	vmul.f32 v8, v3;
	_ =	sdelay $0x1  }
0x65: {  	v4 =	vadd.f32 v6, v4;
	_ =	sdelay $0x1  }
0x66: {  	v4 =	vadd.f32 v5, v4;
	_ =	sdelay $0x1  }
0x67: {  	[tilespmem:s2+$0x20] =	vst v4  }
0x68: {  	v4 =	vld [tilespmem:s31+$0xFFFFFF70]  }
0x69: {  	v5 =	vld [tilespmem:s31+$0xFFFFFFF0]  }
0x6a: {  	v6 =	vld [tilespmem:s31+$0x70]  }
0x6b: {  	v8 =	vld [tilespmem:s31+$0xF0];
	s31 =	smov.u32 s22;
	_ =	sdelay $0x1  }
0x6c: {  	v0 =	vmul.f32 v4, v0  }
0x6d: {  	v1 =	vmul.f32 v5, v1  }
0x6e: {  	v2 =	vmul.f32 v6, v2  }
0x6f: {  	v0 =	vadd.f32 v1, v0;
	v1 =	vmul.f32 v8, v3  }
0x70: {  	v3 =	vbroadcast v9, $0x0  }
0x71: {  	v0 =	vadd.f32 v2, v0;
	_ =	sdelay $0x1  }
0x72: {  	v0 =	vadd.f32 v1, v0;
	_ =	sdelay $0x1  }
0x73: {  	[tilespmem:s2+$0x30] =	vst v0;
	s2 =	smov.u32 s0  }
0x74: {  	s24 =	sadd.s32 $0x3, s25;
	v0 =	vld.idx.msk [tilespmem:v3+s16+$0x0], $0xffff  }
0x75: {  	v3 =	vmov s24;
	v4 =	vld [tilespmem:s22+$0xFFFFFF80]  }
0x76: {  	v1 =	vld.idx.msk [tilespmem:v10+s16+$0x0], $0xffff  }
0x77: {  	v5 =	vld [tilespmem:s22+$0xFFFFFF00]  }
0x78: {  	v2 =	vld.idx.msk [tilespmem:v7+s16+$0x0], $0xffff  }
0x79: {  	v6 =	vld [tilespmem:s22+$0x0]  }
0x7a: {  	v3 =	vld.idx.msk [tilespmem:v3+s16+$0x0], $0xffff  }
0x7b: {  	v7 =	vld [tilespmem:s22+$0x80]  }
0x7c: {  	v4 =	vmul.f32 v4, v1;
	v5 =	vmul.f32 v5, v0;
	_ =	sdelay $0x1  }
0x7d: {  	v4 =	vadd.f32 v4, v5;
	v5 =	vmul.f32 v6, v2;
	_ =	sdelay $0x1  }
0x7e: {  	v4 =	vadd.f32 v5, v4;
	v5 =	vmul.f32 v7, v3;
	_ =	sdelay $0x1  }
0x7f: {  	v4 =	vadd.f32 v5, v4;
	_ =	sdelay $0x1  }
0x80: {  	[tilespmem:s0+$0xFFFFFFC0] =	vst v4  }
0x81: {  	v4 =	vld [tilespmem:s22+$0xFFFFFF10]  }
0x82: {  	v5 =	vld [tilespmem:s22+$0xFFFFFF90];
	_ =	sdelay $0x1  }
0x83: {  	v6 =	vld [tilespmem:s22+$0x10];
	_ =	sdelay $0x1  }
0x84: {  	v4 =	vmul.f32 v4, v0;
	v7 =	vld [tilespmem:s22+$0x90]  }
0x85: {  	v5 =	vmul.f32 v5, v1;
	_ =	sdelay $0x1  }
0x86: {  	v4 =	vadd.f32 v5, v4;
	v5 =	vmul.f32 v6, v2;
	_ =	sdelay $0x1  }
0x87: {  	v4 =	vadd.f32 v5, v4;
	v5 =	vmul.f32 v7, v3;
	_ =	sdelay $0x1  }
0x88: {  	v4 =	vadd.f32 v5, v4;
	_ =	sdelay $0x1  }
0x89: {  	[tilespmem:s0+$0xFFFFFFD0] =	vst v4  }
0x8a: {  	v4 =	vld [tilespmem:s22+$0xFFFFFF20]  }
0x8b: {  	v5 =	vld [tilespmem:s22+$0xFFFFFFA0]  }
0x8c: {  	v6 =	vld [tilespmem:s22+$0xA0]  }
0x8d: {  	v7 =	vld [tilespmem:s22+$0x20];
	_ =	sdelay $0x2  }
0x8e: {  	v4 =	vmul.f32 v4, v0;
	v5 =	vmul.f32 v5, v1  }
0x8f: {  	v6 =	vmul.f32 v6, v3  }
0x90: {  	v4 =	vadd.f32 v5, v4;
	v5 =	vmul.f32 v7, v2;
	_ =	sdelay $0x1  }
0x91: {  	v4 =	vadd.f32 v5, v4;
	_ =	sdelay $0x1  }
0x92: {  	v4 =	vadd.f32 v6, v4;
	_ =	sdelay $0x1  }
0x93: {  	[tilespmem:s0+$0xFFFFFFE0] =	vst v4  }
0x94: {  	v4 =	vld [tilespmem:s22+$0xFFFFFF30]  }
0x95: {  	v5 =	vld [tilespmem:s22+$0xFFFFFFB0]  }
0x96: {  	v6 =	vld [tilespmem:s22+$0x30];
	_ =	sdelay $0x2  }
0x97: {  	v4 =	vmul.f32 v4, v0;
	v7 =	vld [tilespmem:s22+$0xB0]  }
0x98: {  	v5 =	vmul.f32 v5, v1;
	_ =	sdelay $0x1  }
0x99: {  	v4 =	vadd.f32 v5, v4;
	v5 =	vmul.f32 v6, v2;
	_ =	sdelay $0x1  }
0x9a: {  	v4 =	vadd.f32 v5, v4;
	v5 =	vmul.f32 v7, v3;
	_ =	sdelay $0x1  }
0x9b: {  	v4 =	vadd.f32 v5, v4;
	_ =	sdelay $0x1  }
0x9c: {  	[tilespmem:s0+$0xFFFFFFF0] =	vst v4  }
0x9d: {  	v4 =	vld [tilespmem:s22+$0xFFFFFF40]  }
0x9e: {  	v5 =	vld [tilespmem:s22+$0xFFFFFFC0];
	_ =	sdelay $0x1  }
0x9f: {  	v6 =	vld [tilespmem:s22+$0x40];
	_ =	sdelay $0x1  }
0xa0: {  	v7 =	vld [tilespmem:s22+$0xC0]  }
0xa1: {  	v4 =	vmul.f32 v4, v0;
	v5 =	vmul.f32 v5, v1;
	_ =	sdelay $0x1  }
0xa2: {  	v4 =	vadd.f32 v5, v4;
	v5 =	vmul.f32 v6, v2;
	_ =	sdelay $0x1  }
0xa3: {  	v4 =	vadd.f32 v5, v4;
	v5 =	vmul.f32 v7, v3;
	_ =	sdelay $0x1  }
.Ltmp0:
0xa4: {  	v4 =	vadd.f32 v5, v4;
	(pc) =	sbr.rel @p0 .LBB2_2-.Ltmp0, $4  }
0xa5: {  	_ = 	snop  }
0xa6: {  	[tilespmem:s0+$0x0] =	vst v4  }
0xa7: {  	v4 =	vld [tilespmem:s22+$0xFFFFFF50]  }
0xa8: {  	s24 =	smov.u32 s26;
	s22 =	sadd.s32 $0x200, s22;
	v5 =	vld [tilespmem:s31+$0xFFFFFFD0]  }
0xa9: {  	_ = 	snop  }
0xaa: {  	v6 =	vld [tilespmem:s31+$0x50];
	_ =	sdelay $0x1  }
0xab: {  	v7 =	vld [tilespmem:s31+$0xD0]  }
0xac: {  	v4 =	vmul.f32 v4, v0;
	v5 =	vmul.f32 v5, v1;
	_ =	sdelay $0x1  }
0xad: {  	v6 =	vmul.f32 v6, v2;
	v4 =	vadd.f32 v5, v4;
	_ =	sdelay $0x1  }
0xae: {  	v5 =	vmul.f32 v7, v3;
	v4 =	vadd.f32 v6, v4;
	_ =	sdelay $0x1  }
0xaf: {  	v4 =	vadd.f32 v5, v4;
	_ =	sdelay $0x1  }
0xb0: {  	[tilespmem:s2+$0x10] =	vst v4  }
0xb1: {  	v4 =	vld [tilespmem:s31+$0xFFFFFF60]  }
0xb2: {  	v5 =	vld [tilespmem:s31+$0xFFFFFFE0];
	_ =	sdelay $0x1  }
0xb3: {  	v6 =	vld [tilespmem:s31+$0x60];
	_ =	sdelay $0x1  }
0xb4: {  	v7 =	vld [tilespmem:s31+$0xE0]  }
0xb5: {  	v4 =	vmul.f32 v4, v0;
	v5 =	vmul.f32 v5, v1;
	_ =	sdelay $0x1  }
0xb6: {  	v6 =	vmul.f32 v6, v2;
	v4 =	vadd.f32 v5, v4;
	_ =	sdelay $0x1  }
0xb7: {  	v5 =	vmul.f32 v7, v3;
	v4 =	vadd.f32 v6, v4;
	_ =	sdelay $0x1  }
0xb8: {  	v4 =	vadd.f32 v5, v4;
	_ =	sdelay $0x1  }
0xb9: {  	[tilespmem:s2+$0x20] =	vst v4  }
0xba: {  	v4 =	vld [tilespmem:s31+$0xFFFFFF70]  }
0xbb: {  	v5 =	vld [tilespmem:s31+$0xFFFFFFF0];
	_ =	sdelay $0x1  }
0xbc: {  	v6 =	vld [tilespmem:s31+$0x70];
	_ =	sdelay $0x1  }
0xbd: {  	v7 =	vld [tilespmem:s31+$0xF0]  }
0xbe: {  	v0 =	vmul.f32 v4, v0;
	v1 =	vmul.f32 v5, v1;
	_ =	sdelay $0x1  }
0xbf: {  	v2 =	vmul.f32 v6, v2;
	v0 =	vadd.f32 v1, v0;
	_ =	sdelay $0x1  }
0xc0: {  	v1 =	vmul.f32 v7, v3;
	v0 =	vadd.f32 v2, v0;
	_ =	sdelay $0x1  }
0xc1: {  	v0 =	vadd.f32 v1, v0;
	_ =	sdelay $0x1  }
0xc2: {  	s0 =	simm.s32 $0x80;
	[tilespmem:s2+$0x30] =	vst v0  }
0xc3: {  	v0 =	vmov s0;
	[hbm4b:s5+s3] =	stream.linear.scatter [tilespmem:s21], [sflag:$0x3], $0x1000, $0x38;
	[tilespmem:$0x9800] =	vst v63  }
0xc4: {  	s26 =	simm.s32 $0x81;
	v0 =	vand.u32 $0xFFFFFFFC, v0;
	_ =	swait.ge [sflag:s15], $0x1000  }
0xc5: {  	v1 =	vmov s26;
	v0 =	vbroadcast v0, $0x0;
	[sflag:s15] =	ssyncset.done $0x0  }
0xc6: {  	s28 =	simm.s32 $0x82;
	s22 =	simm.s32 $0x100;
	v1 =	vand.u32 $0xFFFFFFFD, v1;
	[sflag:s15] =	ssyncadd.s32 $0xFFFFF000  }
0xc7: {  	v2 =	vmov s28;
	v1 =	vbroadcast v1, $0x0;
	[tilespmem:s18], [sflag:$0x1] =	stream.indirect.gather [hbm4b:s1+s0], $0x80, s22, s0, $0xb8;
	[tilespmem:$0x9800] =	vst v63  }
0xc8: {  	v2 =	vand.u32 $0xFFFFFFFE, v2;
	_ =	swait.ge [sflag:s23], $0x4000  }
0xc9: {  	v2 =	vbroadcast v2, $0x0;
	[sflag:s23] =	ssyncset.done $0x0  }
0xca: {  	[sflag:s23] =	ssyncadd.s32 $0xFFFFC000  }
0xcb: {  	s29 =	simm.s32 $0x83;
	s31 =	simm.s32 $0x4900;
	v0 =	vld.idx.msk [tilespmem:v0+s16+$0x0], $0xffff  }
0xcc: {  	v3 =	vmov s29;
	v4 =	vld [tilespmem:s31+$0xFFFFFF80]  }
0xcd: {  	v1 =	vld.idx.msk [tilespmem:v1+s16+$0x0], $0xffff  }
0xce: {  	v5 =	vld [tilespmem:s31+$0xFFFFFF00]  }
0xcf: {  	v2 =	vld.idx.msk [tilespmem:v2+s16+$0x0], $0xffff  }
0xd0: {  	v6 =	vld [tilespmem:s31+$0x0]  }
0xd1: {  	v3 =	vld.idx.msk [tilespmem:v3+s16+$0x0], $0xffff  }
0xd2: {  	v7 =	vld [tilespmem:s31+$0x80]  }
0xd3: {  	v5 =	vmul.f32 v5, v0;
	v4 =	vmul.f32 v4, v1;
	_ =	sdelay $0x1  }
0xd4: {  	v4 =	vadd.f32 v4, v5;
	v5 =	vmul.f32 v6, v2;
	_ =	sdelay $0x1  }
0xd5: {  	v4 =	vadd.f32 v5, v4;
	v5 =	vmul.f32 v7, v3;
	_ =	sdelay $0x1  }
0xd6: {  	v4 =	vadd.f32 v5, v4  }
0xd7: {  	s0 =	simm.s32 $0x8840  }
0xd8: {  	[tilespmem:s0+$0xFFFFFFC0] =	vst v4  }
0xd9: {  	v4 =	vld [tilespmem:s31+$0xFFFFFF10]  }
0xda: {  	v5 =	vld [tilespmem:s31+$0xFFFFFF90];
	_ =	sdelay $0x1  }
0xdb: {  	v6 =	vld [tilespmem:s31+$0x10];
	_ =	sdelay $0x1  }
0xdc: {  	v7 =	vld [tilespmem:s31+$0x90]  }
0xdd: {  	v4 =	vmul.f32 v4, v0;
	v5 =	vmul.f32 v5, v1;
	_ =	sdelay $0x1  }
0xde: {  	v4 =	vadd.f32 v5, v4;
	v5 =	vmul.f32 v6, v2;
	_ =	sdelay $0x1  }
0xdf: {  	v4 =	vadd.f32 v5, v4;
	v5 =	vmul.f32 v7, v3;
	_ =	sdelay $0x1  }
0xe0: {  	v4 =	vadd.f32 v5, v4;
	_ =	sdelay $0x1  }
0xe1: {  	[tilespmem:s0+$0xFFFFFFD0] =	vst v4  }
0xe2: {  	v4 =	vld [tilespmem:s31+$0xFFFFFF20]  }
0xe3: {  	v5 =	vld [tilespmem:s31+$0xFFFFFFA0];
	_ =	sdelay $0x1  }
0xe4: {  	v6 =	vld [tilespmem:s31+$0x20];
	_ =	sdelay $0x1  }
0xe5: {  	v7 =	vld [tilespmem:s31+$0xA0]  }
0xe6: {  	v4 =	vmul.f32 v4, v0;
	v5 =	vmul.f32 v5, v1;
	_ =	sdelay $0x1  }
0xe7: {  	v4 =	vadd.f32 v5, v4;
	v5 =	vmul.f32 v6, v2;
	_ =	sdelay $0x1  }
0xe8: {  	v6 =	vmul.f32 v7, v3;
	v4 =	vadd.f32 v5, v4;
	_ =	sdelay $0x1  }
0xe9: {  	v4 =	vadd.f32 v6, v4;
	_ =	sdelay $0x1  }
0xea: {  	[tilespmem:s0+$0xFFFFFFE0] =	vst v4  }
0xeb: {  	v4 =	vld [tilespmem:s31+$0xFFFFFF30]  }
0xec: {  	v5 =	vld [tilespmem:s31+$0xFFFFFFB0];
	_ =	sdelay $0x1  }
0xed: {  	v6 =	vld [tilespmem:s31+$0x30];
	_ =	sdelay $0x1  }
0xee: {  	v7 =	vld [tilespmem:s31+$0xB0]  }
0xef: {  	v4 =	vmul.f32 v4, v0;
	v5 =	vmul.f32 v5, v1;
	_ =	sdelay $0x1  }
0xf0: {  	v4 =	vadd.f32 v5, v4;
	v5 =	vmul.f32 v6, v2;
	_ =	sdelay $0x1  }
0xf1: {  	v4 =	vadd.f32 v5, v4;
	v5 =	vmul.f32 v7, v3;
	_ =	sdelay $0x1  }
0xf2: {  	v4 =	vadd.f32 v5, v4;
	_ =	sdelay $0x1  }
0xf3: {  	[tilespmem:s0+$0xFFFFFFF0] =	vst v4  }
0xf4: {  	v4 =	vld [tilespmem:s31+$0xFFFFFF40]  }
0xf5: {  	v5 =	vld [tilespmem:s31+$0xFFFFFFC0];
	_ =	sdelay $0x1  }
0xf6: {  	v6 =	vld [tilespmem:s31+$0x40];
	_ =	sdelay $0x1  }
0xf7: {  	v7 =	vld [tilespmem:s31+$0xC0]  }
0xf8: {  	v4 =	vmul.f32 v4, v0;
	v5 =	vmul.f32 v5, v1;
	_ =	sdelay $0x1  }
0xf9: {  	v4 =	vadd.f32 v5, v4;
	v5 =	vmul.f32 v6, v2;
	_ =	sdelay $0x1  }
0xfa: {  	v4 =	vadd.f32 v5, v4;
	v5 =	vmul.f32 v7, v3;
	_ =	sdelay $0x1  }
0xfb: {  	v4 =	vadd.f32 v5, v4;
	_ =	sdelay $0x1  }
0xfc: {  	[tilespmem:s0+$0x0] =	vst v4  }
0xfd: {  	v4 =	vld [tilespmem:s31+$0xFFFFFF50]  }
0xfe: {  	s26 =	simm.s32 $0x84;
	s2 =	simm.s32 $0x8840;
	s22 =	simm.s32 $0x4B00;
	v5 =	vld [tilespmem:s31+$0xFFFFFFD0]  }
.LBB2_4:
0xff: {  	s28 =	sadd.s32 $0x2, s26  }
0x100: {  	v6 =	vld [tilespmem:s31+$0x50];
	s0 =	sadd.s32 $0x80, s0;
	s25 =	smov.u32 s26;
	s24 =	sadd.s32 $0x4, s26  }
0x101: {  	p0 =	sne.s32 s26, $0xFC;
	s29 =	sadd.s32 $0x1, s25;
	v7 =	vmov s28;
	v8 =	vld [tilespmem:s31+$0xD0]  }
0x102: {  	v9 =	vmov s25;
	v10 =	vmov s29  }
0x103: {  	v9 =	vand.u32 $0xFFFFFFFC, v9;
	v10 =	vand.u32 $0xFFFFFFFD, v10;
	v4 =	vmul.f32 v4, v0  }
0x104: {  	v10 =	vbroadcast v10, $0x0;
	v5 =	vmul.f32 v5, v1  }
0x105: {  	v6 =	vmul.f32 v6, v2  }
0x106: {  	v4 =	vadd.f32 v5, v4;
	v5 =	vmul.f32 v8, v3  }
0x107: {  	v7 =	vand.u32 $0xFFFFFFFE, v7  }
0x108: {  	v7 =	vbroadcast v7, $0x0;
	v4 =	vadd.f32 v6, v4;
	_ =	sdelay $0x1  }
0x109: {  	v4 =	vadd.f32 v5, v4;
	_ =	sdelay $0x1  }
0x10a: {  	[tilespmem:s2+$0x10] =	vst v4  }
0x10b: {  	v4 =	vld [tilespmem:s31+$0xFFFFFF60]  }
0x10c: {  	v5 =	vld [tilespmem:s31+$0xFFFFFFE0]  }
0x10d: {  	v6 =	vld [tilespmem:s31+$0x60]  }
0x10e: {  	v8 =	vld [tilespmem:s31+$0xE0];
	_ =	sdelay $0x1  }
0x10f: {  	v4 =	vmul.f32 v4, v0  }
0x110: {  	v5 =	vmul.f32 v5, v1  }
0x111: {  	v6 =	vmul.f32 v6, v2  }
0x112: {  	v4 =	vadd.f32 v5, v4;
	v5 =	vmul.f32 v8, v3;
	_ =	sdelay $0x1  }
0x113: {  	v4 =	vadd.f32 v6, v4;
	_ =	sdelay $0x1  }
0x114: {  	v4 =	vadd.f32 v5, v4;
	_ =	sdelay $0x1  }
0x115: {  	[tilespmem:s2+$0x20] =	vst v4  }
0x116: {  	v4 =	vld [tilespmem:s31+$0xFFFFFF70]  }
0x117: {  	v5 =	vld [tilespmem:s31+$0xFFFFFFF0]  }
0x118: {  	v6 =	vld [tilespmem:s31+$0x70]  }
0x119: {  	v8 =	vld [tilespmem:s31+$0xF0];
	s31 =	smov.u32 s22;
	_ =	sdelay $0x1  }
0x11a: {  	v0 =	vmul.f32 v4, v0  }
0x11b: {  	v1 =	vmul.f32 v5, v1  }
0x11c: {  	v2 =	vmul.f32 v6, v2  }
0x11d: {  	v0 =	vadd.f32 v1, v0;
	v1 =	vmul.f32 v8, v3  }
0x11e: {  	v3 =	vbroadcast v9, $0x0  }
0x11f: {  	v0 =	vadd.f32 v2, v0;
	_ =	sdelay $0x1  }
0x120: {  	v0 =	vadd.f32 v1, v0;
	_ =	sdelay $0x1  }
0x121: {  	[tilespmem:s2+$0x30] =	vst v0;
	s2 =	smov.u32 s0  }
0x122: {  	s25 =	sadd.s32 $0x3, s25;
	v0 =	vld.idx.msk [tilespmem:v3+s16+$0x0], $0xffff  }
0x123: {  	v3 =	vmov s25;
	v4 =	vld [tilespmem:s22+$0xFFFFFF80]  }
0x124: {  	v1 =	vld.idx.msk [tilespmem:v10+s16+$0x0], $0xffff  }
0x125: {  	v5 =	vld [tilespmem:s22+$0xFFFFFF00]  }
0x126: {  	v2 =	vld.idx.msk [tilespmem:v7+s16+$0x0], $0xffff  }
0x127: {  	v6 =	vld [tilespmem:s22+$0x0]  }
0x128: {  	v3 =	vld.idx.msk [tilespmem:v3+s16+$0x0], $0xffff  }
0x129: {  	v7 =	vld [tilespmem:s22+$0x80]  }
0x12a: {  	v4 =	vmul.f32 v4, v1;
	v5 =	vmul.f32 v5, v0;
	_ =	sdelay $0x1  }
0x12b: {  	v4 =	vadd.f32 v4, v5;
	v5 =	vmul.f32 v6, v2;
	_ =	sdelay $0x1  }
0x12c: {  	v4 =	vadd.f32 v5, v4;
	v5 =	vmul.f32 v7, v3;
	_ =	sdelay $0x1  }
0x12d: {  	v4 =	vadd.f32 v5, v4;
	_ =	sdelay $0x1  }
0x12e: {  	[tilespmem:s0+$0xFFFFFFC0] =	vst v4  }
0x12f: {  	v4 =	vld [tilespmem:s22+$0xFFFFFF10]  }
0x130: {  	v5 =	vld [tilespmem:s22+$0xFFFFFF90];
	_ =	sdelay $0x1  }
0x131: {  	v6 =	vld [tilespmem:s22+$0x10];
	_ =	sdelay $0x1  }
0x132: {  	v4 =	vmul.f32 v4, v0;
	v7 =	vld [tilespmem:s22+$0x90]  }
0x133: {  	v5 =	vmul.f32 v5, v1;
	_ =	sdelay $0x1  }
0x134: {  	v4 =	vadd.f32 v5, v4;
	v5 =	vmul.f32 v6, v2;
	_ =	sdelay $0x1  }
0x135: {  	v4 =	vadd.f32 v5, v4;
	v5 =	vmul.f32 v7, v3;
	_ =	sdelay $0x1  }
0x136: {  	v4 =	vadd.f32 v5, v4;
	_ =	sdelay $0x1  }
0x137: {  	[tilespmem:s0+$0xFFFFFFD0] =	vst v4  }
0x138: {  	v4 =	vld [tilespmem:s22+$0xFFFFFF20]  }
0x139: {  	v5 =	vld [tilespmem:s22+$0xFFFFFFA0]  }
0x13a: {  	v6 =	vld [tilespmem:s22+$0xA0]  }
0x13b: {  	v7 =	vld [tilespmem:s22+$0x20];
	_ =	sdelay $0x2  }
0x13c: {  	v4 =	vmul.f32 v4, v0;
	v5 =	vmul.f32 v5, v1  }
0x13d: {  	v6 =	vmul.f32 v6, v3  }
0x13e: {  	v4 =	vadd.f32 v5, v4;
	v5 =	vmul.f32 v7, v2;
	_ =	sdelay $0x1  }
0x13f: {  	v4 =	vadd.f32 v5, v4;
	_ =	sdelay $0x1  }
0x140: {  	v4 =	vadd.f32 v6, v4;
	_ =	sdelay $0x1  }
0x141: {  	[tilespmem:s0+$0xFFFFFFE0] =	vst v4  }
0x142: {  	v4 =	vld [tilespmem:s22+$0xFFFFFF30]  }
0x143: {  	v5 =	vld [tilespmem:s22+$0xFFFFFFB0]  }
0x144: {  	v6 =	vld [tilespmem:s22+$0x30];
	_ =	sdelay $0x2  }
0x145: {  	v4 =	vmul.f32 v4, v0;
	v7 =	vld [tilespmem:s22+$0xB0]  }
0x146: {  	v5 =	vmul.f32 v5, v1;
	_ =	sdelay $0x1  }
0x147: {  	v4 =	vadd.f32 v5, v4;
	v5 =	vmul.f32 v6, v2;
	_ =	sdelay $0x1  }
0x148: {  	v4 =	vadd.f32 v5, v4;
	v5 =	vmul.f32 v7, v3;
	_ =	sdelay $0x1  }
0x149: {  	v4 =	vadd.f32 v5, v4;
	_ =	sdelay $0x1  }
0x14a: {  	[tilespmem:s0+$0xFFFFFFF0] =	vst v4  }
0x14b: {  	v4 =	vld [tilespmem:s22+$0xFFFFFF40]  }
0x14c: {  	v5 =	vld [tilespmem:s22+$0xFFFFFFC0];
	_ =	sdelay $0x1  }
0x14d: {  	v6 =	vld [tilespmem:s22+$0x40];
	_ =	sdelay $0x1  }
0x14e: {  	v7 =	vld [tilespmem:s22+$0xC0]  }
0x14f: {  	v4 =	vmul.f32 v4, v0;
	v5 =	vmul.f32 v5, v1;
	_ =	sdelay $0x1  }
0x150: {  	v4 =	vadd.f32 v5, v4;
	v5 =	vmul.f32 v6, v2;
	_ =	sdelay $0x1  }
0x151: {  	v4 =	vadd.f32 v5, v4;
	v5 =	vmul.f32 v7, v3;
	_ =	sdelay $0x1  }
.Ltmp1:
0x152: {  	v4 =	vadd.f32 v5, v4;
	(pc) =	sbr.rel @p0 .LBB2_4-.Ltmp1, $4  }
0x153: {  	_ = 	snop  }
0x154: {  	[tilespmem:s0+$0x0] =	vst v4  }
0x155: {  	v4 =	vld [tilespmem:s22+$0xFFFFFF50]  }
0x156: {  	s26 =	smov.u32 s24;
	s22 =	sadd.s32 $0x200, s22;
	v5 =	vld [tilespmem:s31+$0xFFFFFFD0]  }
0x157: {  	_ = 	snop  }
0x158: {  	v6 =	vld [tilespmem:s31+$0x50];
	_ =	sdelay $0x1  }
0x159: {  	v7 =	vld [tilespmem:s31+$0xD0]  }
0x15a: {  	v4 =	vmul.f32 v4, v0;
	v5 =	vmul.f32 v5, v1;
	_ =	sdelay $0x1  }
0x15b: {  	v6 =	vmul.f32 v6, v2;
	v4 =	vadd.f32 v5, v4;
	_ =	sdelay $0x1  }
0x15c: {  	v5 =	vmul.f32 v7, v3;
	v4 =	vadd.f32 v6, v4;
	_ =	sdelay $0x1  }
0x15d: {  	v4 =	vadd.f32 v5, v4;
	_ =	sdelay $0x1  }
0x15e: {  	[tilespmem:s2+$0x10] =	vst v4  }
0x15f: {  	v4 =	vld [tilespmem:s31+$0xFFFFFF60]  }
0x160: {  	v5 =	vld [tilespmem:s31+$0xFFFFFFE0];
	_ =	sdelay $0x1  }
0x161: {  	v6 =	vld [tilespmem:s31+$0x60];
	_ =	sdelay $0x1  }
0x162: {  	v7 =	vld [tilespmem:s31+$0xE0]  }
0x163: {  	v4 =	vmul.f32 v4, v0;
	v5 =	vmul.f32 v5, v1;
	_ =	sdelay $0x1  }
0x164: {  	v6 =	vmul.f32 v6, v2;
	v4 =	vadd.f32 v5, v4;
	_ =	sdelay $0x1  }
0x165: {  	v5 =	vmul.f32 v7, v3;
	v4 =	vadd.f32 v6, v4;
	_ =	sdelay $0x1  }
0x166: {  	v4 =	vadd.f32 v5, v4;
	_ =	sdelay $0x1  }
0x167: {  	[tilespmem:s2+$0x20] =	vst v4  }
0x168: {  	v4 =	vld [tilespmem:s31+$0xFFFFFF70]  }
0x169: {  	v5 =	vld [tilespmem:s31+$0xFFFFFFF0];
	_ =	sdelay $0x1  }
0x16a: {  	v6 =	vld [tilespmem:s31+$0x70];
	_ =	sdelay $0x1  }
0x16b: {  	v7 =	vld [tilespmem:s31+$0xF0]  }
0x16c: {  	v0 =	vmul.f32 v4, v0;
	v1 =	vmul.f32 v5, v1;
	_ =	sdelay $0x1  }
0x16d: {  	v2 =	vmul.f32 v6, v2;
	v0 =	vadd.f32 v1, v0;
	_ =	sdelay $0x1  }
0x16e: {  	v1 =	vmul.f32 v7, v3;
	v0 =	vadd.f32 v2, v0;
	_ =	sdelay $0x1  }
0x16f: {  	v0 =	vadd.f32 v1, v0;
	_ =	sdelay $0x1  }
0x170: {  	s0 =	simm.s32 $0x100;
	[tilespmem:s2+$0x30] =	vst v0  }
0x171: {  	v0 =	vmov s0;
	[hbm4b:s7+s3] =	stream.linear.scatter [tilespmem:s21], [sflag:$0x3], $0x1000, $0x38;
	[tilespmem:$0x9800] =	vst v63  }
0x172: {  	s25 =	simm.s32 $0x101;
	v0 =	vand.u32 $0xFFFFFFFC, v0;
	_ =	swait.ge [sflag:s15], $0x1000  }
0x173: {  	v1 =	vmov s25;
	v0 =	vbroadcast v0, $0x0;
	[sflag:s15] =	ssyncset.done $0x0  }
0x174: {  	s26 =	simm.s32 $0x102;
	s28 =	simm.s32 $0x180;
	v1 =	vand.u32 $0xFFFFFFFD, v1;
	[sflag:s15] =	ssyncadd.s32 $0xFFFFF000  }
0x175: {  	v2 =	vmov s26;
	v1 =	vbroadcast v1, $0x0;
	[tilespmem:s19], [sflag:$0x2] =	stream.indirect.gather [hbm4b:s1+s17], $0x80, s28, s17, $0xb8;
	[tilespmem:$0x9800] =	vst v63  }
0x176: {  	v2 =	vand.u32 $0xFFFFFFFE, v2;
	_ =	swait.ge [sflag:s20], $0x4000  }
0x177: {  	v2 =	vbroadcast v2, $0x0;
	[sflag:s20] =	ssyncset.done $0x0  }
0x178: {  	[sflag:s20] =	ssyncadd.s32 $0xFFFFC000  }
0x179: {  	s29 =	simm.s32 $0x103;
	s31 =	simm.s32 $0x900;
	v0 =	vld.idx.msk [tilespmem:v0+s16+$0x0], $0xffff  }
0x17a: {  	v3 =	vmov s29;
	v4 =	vld [tilespmem:s31+$0xFFFFFF80]  }
0x17b: {  	v1 =	vld.idx.msk [tilespmem:v1+s16+$0x0], $0xffff  }
0x17c: {  	v5 =	vld [tilespmem:s31+$0xFFFFFF00]  }
0x17d: {  	v2 =	vld.idx.msk [tilespmem:v2+s16+$0x0], $0xffff  }
0x17e: {  	v6 =	vld [tilespmem:s31+$0x0]  }
0x17f: {  	v3 =	vld.idx.msk [tilespmem:v3+s16+$0x0], $0xffff  }
0x180: {  	v7 =	vld [tilespmem:s31+$0x80]  }
0x181: {  	v5 =	vmul.f32 v5, v0;
	v4 =	vmul.f32 v4, v1;
	_ =	sdelay $0x1  }
0x182: {  	v4 =	vadd.f32 v4, v5;
	v5 =	vmul.f32 v6, v2;
	_ =	sdelay $0x1  }
0x183: {  	v4 =	vadd.f32 v5, v4;
	v5 =	vmul.f32 v7, v3;
	_ =	sdelay $0x1  }
0x184: {  	v4 =	vadd.f32 v5, v4  }
0x185: {  	s0 =	simm.s32 $0x8840  }
0x186: {  	[tilespmem:s0+$0xFFFFFFC0] =	vst v4  }
0x187: {  	v4 =	vld [tilespmem:s31+$0xFFFFFF10]  }
0x188: {  	v5 =	vld [tilespmem:s31+$0xFFFFFF90];
	_ =	sdelay $0x1  }
0x189: {  	v6 =	vld [tilespmem:s31+$0x10];
	_ =	sdelay $0x1  }
0x18a: {  	v7 =	vld [tilespmem:s31+$0x90]  }
0x18b: {  	v4 =	vmul.f32 v4, v0;
	v5 =	vmul.f32 v5, v1;
	_ =	sdelay $0x1  }
0x18c: {  	v4 =	vadd.f32 v5, v4;
	v5 =	vmul.f32 v6, v2;
	_ =	sdelay $0x1  }
0x18d: {  	v4 =	vadd.f32 v5, v4;
	v5 =	vmul.f32 v7, v3;
	_ =	sdelay $0x1  }
0x18e: {  	v4 =	vadd.f32 v5, v4;
	_ =	sdelay $0x1  }
0x18f: {  	[tilespmem:s0+$0xFFFFFFD0] =	vst v4  }
0x190: {  	v4 =	vld [tilespmem:s31+$0xFFFFFF20]  }
0x191: {  	v5 =	vld [tilespmem:s31+$0xFFFFFFA0];
	_ =	sdelay $0x1  }
0x192: {  	v6 =	vld [tilespmem:s31+$0x20];
	_ =	sdelay $0x1  }
0x193: {  	v7 =	vld [tilespmem:s31+$0xA0]  }
0x194: {  	v4 =	vmul.f32 v4, v0;
	v5 =	vmul.f32 v5, v1;
	_ =	sdelay $0x1  }
0x195: {  	v4 =	vadd.f32 v5, v4;
	v5 =	vmul.f32 v6, v2;
	_ =	sdelay $0x1  }
0x196: {  	v6 =	vmul.f32 v7, v3;
	v4 =	vadd.f32 v5, v4;
	_ =	sdelay $0x1  }
0x197: {  	v4 =	vadd.f32 v6, v4;
	_ =	sdelay $0x1  }
0x198: {  	[tilespmem:s0+$0xFFFFFFE0] =	vst v4  }
0x199: {  	v4 =	vld [tilespmem:s31+$0xFFFFFF30]  }
0x19a: {  	v5 =	vld [tilespmem:s31+$0xFFFFFFB0];
	_ =	sdelay $0x1  }
0x19b: {  	v6 =	vld [tilespmem:s31+$0x30];
	_ =	sdelay $0x1  }
0x19c: {  	v7 =	vld [tilespmem:s31+$0xB0]  }
0x19d: {  	v4 =	vmul.f32 v4, v0;
	v5 =	vmul.f32 v5, v1;
	_ =	sdelay $0x1  }
0x19e: {  	v4 =	vadd.f32 v5, v4;
	v5 =	vmul.f32 v6, v2;
	_ =	sdelay $0x1  }
0x19f: {  	v4 =	vadd.f32 v5, v4;
	v5 =	vmul.f32 v7, v3;
	_ =	sdelay $0x1  }
0x1a0: {  	v4 =	vadd.f32 v5, v4;
	_ =	sdelay $0x1  }
0x1a1: {  	[tilespmem:s0+$0xFFFFFFF0] =	vst v4  }
0x1a2: {  	v4 =	vld [tilespmem:s31+$0xFFFFFF40]  }
0x1a3: {  	v5 =	vld [tilespmem:s31+$0xFFFFFFC0];
	_ =	sdelay $0x1  }
0x1a4: {  	v6 =	vld [tilespmem:s31+$0x40];
	_ =	sdelay $0x1  }
0x1a5: {  	v7 =	vld [tilespmem:s31+$0xC0]  }
0x1a6: {  	v4 =	vmul.f32 v4, v0;
	v5 =	vmul.f32 v5, v1;
	_ =	sdelay $0x1  }
0x1a7: {  	v4 =	vadd.f32 v5, v4;
	v5 =	vmul.f32 v6, v2;
	_ =	sdelay $0x1  }
0x1a8: {  	v4 =	vadd.f32 v5, v4;
	v5 =	vmul.f32 v7, v3;
	_ =	sdelay $0x1  }
0x1a9: {  	v4 =	vadd.f32 v5, v4;
	_ =	sdelay $0x1  }
0x1aa: {  	[tilespmem:s0+$0x0] =	vst v4  }
0x1ab: {  	v4 =	vld [tilespmem:s31+$0xFFFFFF50]  }
0x1ac: {  	s22 =	simm.s32 $0xB00;
	s26 =	simm.s32 $0x104;
	s2 =	simm.s32 $0x8840;
	v5 =	vld [tilespmem:s31+$0xFFFFFFD0]  }
.LBB2_6:
0x1ad: {  	s28 =	sadd.s32 $0x2, s26  }
0x1ae: {  	v6 =	vld [tilespmem:s31+$0x50];
	s0 =	sadd.s32 $0x80, s0;
	s25 =	smov.u32 s26;
	s24 =	sadd.s32 $0x4, s26  }
0x1af: {  	p0 =	sne.s32 s26, $0x17C;
	s29 =	sadd.s32 $0x1, s25;
	v7 =	vmov s28;
	v8 =	vld [tilespmem:s31+$0xD0]  }
0x1b0: {  	v9 =	vmov s25;
	v10 =	vmov s29  }
0x1b1: {  	v9 =	vand.u32 $0xFFFFFFFC, v9;
	v10 =	vand.u32 $0xFFFFFFFD, v10;
	v4 =	vmul.f32 v4, v0  }
0x1b2: {  	v10 =	vbroadcast v10, $0x0;
	v5 =	vmul.f32 v5, v1  }
0x1b3: {  	v6 =	vmul.f32 v6, v2  }
0x1b4: {  	v4 =	vadd.f32 v5, v4;
	v5 =	vmul.f32 v8, v3  }
0x1b5: {  	v7 =	vand.u32 $0xFFFFFFFE, v7  }
0x1b6: {  	v7 =	vbroadcast v7, $0x0;
	v4 =	vadd.f32 v6, v4;
	_ =	sdelay $0x1  }
0x1b7: {  	v4 =	vadd.f32 v5, v4;
	_ =	sdelay $0x1  }
0x1b8: {  	[tilespmem:s2+$0x10] =	vst v4  }
0x1b9: {  	v4 =	vld [tilespmem:s31+$0xFFFFFF60]  }
0x1ba: {  	v5 =	vld [tilespmem:s31+$0xFFFFFFE0]  }
0x1bb: {  	v6 =	vld [tilespmem:s31+$0x60]  }
0x1bc: {  	v8 =	vld [tilespmem:s31+$0xE0];
	_ =	sdelay $0x1  }
0x1bd: {  	v4 =	vmul.f32 v4, v0  }
0x1be: {  	v5 =	vmul.f32 v5, v1  }
0x1bf: {  	v6 =	vmul.f32 v6, v2  }
0x1c0: {  	v4 =	vadd.f32 v5, v4;
	v5 =	vmul.f32 v8, v3;
	_ =	sdelay $0x1  }
0x1c1: {  	v4 =	vadd.f32 v6, v4;
	_ =	sdelay $0x1  }
0x1c2: {  	v4 =	vadd.f32 v5, v4;
	_ =	sdelay $0x1  }
0x1c3: {  	[tilespmem:s2+$0x20] =	vst v4  }
0x1c4: {  	v4 =	vld [tilespmem:s31+$0xFFFFFF70]  }
0x1c5: {  	v5 =	vld [tilespmem:s31+$0xFFFFFFF0]  }
0x1c6: {  	v6 =	vld [tilespmem:s31+$0x70]  }
0x1c7: {  	v8 =	vld [tilespmem:s31+$0xF0];
	s31 =	smov.u32 s22;
	_ =	sdelay $0x1  }
0x1c8: {  	v0 =	vmul.f32 v4, v0  }
0x1c9: {  	v1 =	vmul.f32 v5, v1  }
0x1ca: {  	v2 =	vmul.f32 v6, v2  }
0x1cb: {  	v0 =	vadd.f32 v1, v0;
	v1 =	vmul.f32 v8, v3  }
0x1cc: {  	v3 =	vbroadcast v9, $0x0  }
0x1cd: {  	v0 =	vadd.f32 v2, v0;
	_ =	sdelay $0x1  }
0x1ce: {  	v0 =	vadd.f32 v1, v0;
	_ =	sdelay $0x1  }
0x1cf: {  	[tilespmem:s2+$0x30] =	vst v0;
	s2 =	smov.u32 s0  }
0x1d0: {  	s25 =	sadd.s32 $0x3, s25;
	v0 =	vld.idx.msk [tilespmem:v3+s16+$0x0], $0xffff  }
0x1d1: {  	v3 =	vmov s25;
	v4 =	vld [tilespmem:s22+$0xFFFFFF80]  }
0x1d2: {  	v1 =	vld.idx.msk [tilespmem:v10+s16+$0x0], $0xffff  }
0x1d3: {  	v5 =	vld [tilespmem:s22+$0xFFFFFF00]  }
0x1d4: {  	v2 =	vld.idx.msk [tilespmem:v7+s16+$0x0], $0xffff  }
0x1d5: {  	v6 =	vld [tilespmem:s22+$0x0]  }
0x1d6: {  	v3 =	vld.idx.msk [tilespmem:v3+s16+$0x0], $0xffff  }
0x1d7: {  	v7 =	vld [tilespmem:s22+$0x80]  }
0x1d8: {  	v4 =	vmul.f32 v4, v1;
	v5 =	vmul.f32 v5, v0;
	_ =	sdelay $0x1  }
0x1d9: {  	v4 =	vadd.f32 v4, v5;
	v5 =	vmul.f32 v6, v2;
	_ =	sdelay $0x1  }
0x1da: {  	v4 =	vadd.f32 v5, v4;
	v5 =	vmul.f32 v7, v3;
	_ =	sdelay $0x1  }
0x1db: {  	v4 =	vadd.f32 v5, v4;
	_ =	sdelay $0x1  }
0x1dc: {  	[tilespmem:s0+$0xFFFFFFC0] =	vst v4  }
0x1dd: {  	v4 =	vld [tilespmem:s22+$0xFFFFFF10]  }
0x1de: {  	v5 =	vld [tilespmem:s22+$0xFFFFFF90];
	_ =	sdelay $0x1  }
0x1df: {  	v6 =	vld [tilespmem:s22+$0x10];
	_ =	sdelay $0x1  }
0x1e0: {  	v4 =	vmul.f32 v4, v0;
	v7 =	vld [tilespmem:s22+$0x90]  }
0x1e1: {  	v5 =	vmul.f32 v5, v1;
	_ =	sdelay $0x1  }
0x1e2: {  	v4 =	vadd.f32 v5, v4;
	v5 =	vmul.f32 v6, v2;
	_ =	sdelay $0x1  }
0x1e3: {  	v4 =	vadd.f32 v5, v4;
	v5 =	vmul.f32 v7, v3;
	_ =	sdelay $0x1  }
0x1e4: {  	v4 =	vadd.f32 v5, v4;
	_ =	sdelay $0x1  }
0x1e5: {  	[tilespmem:s0+$0xFFFFFFD0] =	vst v4  }
0x1e6: {  	v4 =	vld [tilespmem:s22+$0xFFFFFF20]  }
0x1e7: {  	v5 =	vld [tilespmem:s22+$0xFFFFFFA0]  }
0x1e8: {  	v6 =	vld [tilespmem:s22+$0xA0]  }
0x1e9: {  	v7 =	vld [tilespmem:s22+$0x20];
	_ =	sdelay $0x2  }
0x1ea: {  	v4 =	vmul.f32 v4, v0;
	v5 =	vmul.f32 v5, v1  }
0x1eb: {  	v6 =	vmul.f32 v6, v3  }
0x1ec: {  	v4 =	vadd.f32 v5, v4;
	v5 =	vmul.f32 v7, v2;
	_ =	sdelay $0x1  }
0x1ed: {  	v4 =	vadd.f32 v5, v4;
	_ =	sdelay $0x1  }
0x1ee: {  	v4 =	vadd.f32 v6, v4;
	_ =	sdelay $0x1  }
0x1ef: {  	[tilespmem:s0+$0xFFFFFFE0] =	vst v4  }
0x1f0: {  	v4 =	vld [tilespmem:s22+$0xFFFFFF30]  }
0x1f1: {  	v5 =	vld [tilespmem:s22+$0xFFFFFFB0]  }
0x1f2: {  	v6 =	vld [tilespmem:s22+$0x30];
	_ =	sdelay $0x2  }
0x1f3: {  	v4 =	vmul.f32 v4, v0;
	v7 =	vld [tilespmem:s22+$0xB0]  }
0x1f4: {  	v5 =	vmul.f32 v5, v1;
	_ =	sdelay $0x1  }
0x1f5: {  	v4 =	vadd.f32 v5, v4;
	v5 =	vmul.f32 v6, v2;
	_ =	sdelay $0x1  }
0x1f6: {  	v4 =	vadd.f32 v5, v4;
	v5 =	vmul.f32 v7, v3;
	_ =	sdelay $0x1  }
0x1f7: {  	v4 =	vadd.f32 v5, v4;
	_ =	sdelay $0x1  }
0x1f8: {  	[tilespmem:s0+$0xFFFFFFF0] =	vst v4  }
0x1f9: {  	v4 =	vld [tilespmem:s22+$0xFFFFFF40]  }
0x1fa: {  	v5 =	vld [tilespmem:s22+$0xFFFFFFC0];
	_ =	sdelay $0x1  }
0x1fb: {  	v6 =	vld [tilespmem:s22+$0x40];
	_ =	sdelay $0x1  }
0x1fc: {  	v7 =	vld [tilespmem:s22+$0xC0]  }
0x1fd: {  	v4 =	vmul.f32 v4, v0;
	v5 =	vmul.f32 v5, v1;
	_ =	sdelay $0x1  }
0x1fe: {  	v4 =	vadd.f32 v5, v4;
	v5 =	vmul.f32 v6, v2;
	_ =	sdelay $0x1  }
0x1ff: {  	v4 =	vadd.f32 v5, v4;
	v5 =	vmul.f32 v7, v3;
	_ =	sdelay $0x1  }
.Ltmp2:
0x200: {  	v4 =	vadd.f32 v5, v4;
	(pc) =	sbr.rel @p0 .LBB2_6-.Ltmp2, $4  }
0x201: {  	_ = 	snop  }
0x202: {  	[tilespmem:s0+$0x0] =	vst v4  }
0x203: {  	v4 =	vld [tilespmem:s22+$0xFFFFFF50]  }
0x204: {  	s26 =	smov.u32 s24;
	s22 =	sadd.s32 $0x200, s22;
	v5 =	vld [tilespmem:s31+$0xFFFFFFD0]  }
0x205: {  	_ = 	snop  }
0x206: {  	v6 =	vld [tilespmem:s31+$0x50];
	_ =	sdelay $0x1  }
0x207: {  	v7 =	vld [tilespmem:s31+$0xD0]  }
0x208: {  	v4 =	vmul.f32 v4, v0;
	v5 =	vmul.f32 v5, v1;
	_ =	sdelay $0x1  }
0x209: {  	v6 =	vmul.f32 v6, v2;
	v4 =	vadd.f32 v5, v4;
	_ =	sdelay $0x1  }
0x20a: {  	v5 =	vmul.f32 v7, v3;
	v4 =	vadd.f32 v6, v4;
	_ =	sdelay $0x1  }
0x20b: {  	v4 =	vadd.f32 v5, v4;
	_ =	sdelay $0x1  }
0x20c: {  	[tilespmem:s2+$0x10] =	vst v4  }
0x20d: {  	v4 =	vld [tilespmem:s31+$0xFFFFFF60]  }
0x20e: {  	v5 =	vld [tilespmem:s31+$0xFFFFFFE0];
	_ =	sdelay $0x1  }
0x20f: {  	v6 =	vld [tilespmem:s31+$0x60];
	_ =	sdelay $0x1  }
0x210: {  	v7 =	vld [tilespmem:s31+$0xE0]  }
0x211: {  	v4 =	vmul.f32 v4, v0;
	v5 =	vmul.f32 v5, v1;
	_ =	sdelay $0x1  }
0x212: {  	v6 =	vmul.f32 v6, v2;
	v4 =	vadd.f32 v5, v4;
	_ =	sdelay $0x1  }
0x213: {  	v5 =	vmul.f32 v7, v3;
	v4 =	vadd.f32 v6, v4;
	_ =	sdelay $0x1  }
0x214: {  	v4 =	vadd.f32 v5, v4;
	_ =	sdelay $0x1  }
0x215: {  	[tilespmem:s2+$0x20] =	vst v4  }
0x216: {  	v4 =	vld [tilespmem:s31+$0xFFFFFF70]  }
0x217: {  	v5 =	vld [tilespmem:s31+$0xFFFFFFF0];
	_ =	sdelay $0x1  }
0x218: {  	v6 =	vld [tilespmem:s31+$0x70];
	_ =	sdelay $0x1  }
0x219: {  	v7 =	vld [tilespmem:s31+$0xF0]  }
0x21a: {  	v0 =	vmul.f32 v4, v0;
	v1 =	vmul.f32 v5, v1;
	_ =	sdelay $0x1  }
0x21b: {  	v2 =	vmul.f32 v6, v2;
	v0 =	vadd.f32 v1, v0;
	_ =	sdelay $0x1  }
0x21c: {  	v1 =	vmul.f32 v7, v3;
	v0 =	vadd.f32 v2, v0;
	_ =	sdelay $0x1  }
0x21d: {  	v0 =	vadd.f32 v1, v0;
	_ =	sdelay $0x1  }
0x21e: {  	s0 =	simm.s32 $0x180;
	[tilespmem:s2+$0x30] =	vst v0  }
0x21f: {  	v0 =	vmov s0;
	[hbm4b:s8+s3] =	stream.linear.scatter [tilespmem:s21], [sflag:$0x3], $0x1000, $0x38;
	[tilespmem:$0x9800] =	vst v63  }
0x220: {  	s25 =	simm.s32 $0x181;
	v0 =	vand.u32 $0xFFFFFFFC, v0;
	_ =	swait.ge [sflag:s15], $0x1000  }
0x221: {  	v1 =	vmov s25;
	v0 =	vbroadcast v0, $0x0;
	[sflag:s15] =	ssyncset.done $0x0  }
0x222: {  	s26 =	simm.s32 $0x182;
	s28 =	simm.s32 $0x200;
	v1 =	vand.u32 $0xFFFFFFFD, v1;
	[sflag:s15] =	ssyncadd.s32 $0xFFFFF000  }
0x223: {  	v2 =	vmov s26;
	v1 =	vbroadcast v1, $0x0;
	[tilespmem:s18], [sflag:$0x1] =	stream.indirect.gather [hbm4b:s1+s17], $0x80, s28, s17, $0xb8;
	[tilespmem:$0x9800] =	vst v63  }
0x224: {  	v2 =	vand.u32 $0xFFFFFFFE, v2;
	_ =	swait.ge [sflag:s23], $0x4000  }
0x225: {  	v2 =	vbroadcast v2, $0x0;
	[sflag:s23] =	ssyncset.done $0x0  }
0x226: {  	[sflag:s23] =	ssyncadd.s32 $0xFFFFC000  }
0x227: {  	s29 =	simm.s32 $0x183;
	s31 =	simm.s32 $0x4900;
	v0 =	vld.idx.msk [tilespmem:v0+s16+$0x0], $0xffff  }
0x228: {  	v3 =	vmov s29;
	v4 =	vld [tilespmem:s31+$0xFFFFFF80]  }
0x229: {  	v1 =	vld.idx.msk [tilespmem:v1+s16+$0x0], $0xffff  }
0x22a: {  	v5 =	vld [tilespmem:s31+$0xFFFFFF00]  }
0x22b: {  	v2 =	vld.idx.msk [tilespmem:v2+s16+$0x0], $0xffff  }
0x22c: {  	v6 =	vld [tilespmem:s31+$0x0]  }
0x22d: {  	v3 =	vld.idx.msk [tilespmem:v3+s16+$0x0], $0xffff  }
0x22e: {  	v7 =	vld [tilespmem:s31+$0x80]  }
0x22f: {  	v5 =	vmul.f32 v5, v0;
	v4 =	vmul.f32 v4, v1;
	_ =	sdelay $0x1  }
0x230: {  	v4 =	vadd.f32 v4, v5;
	v5 =	vmul.f32 v6, v2;
	_ =	sdelay $0x1  }
0x231: {  	v4 =	vadd.f32 v5, v4;
	v5 =	vmul.f32 v7, v3;
	_ =	sdelay $0x1  }
0x232: {  	v4 =	vadd.f32 v5, v4  }
0x233: {  	s0 =	simm.s32 $0x8840  }
0x234: {  	[tilespmem:s0+$0xFFFFFFC0] =	vst v4  }
0x235: {  	v4 =	vld [tilespmem:s31+$0xFFFFFF10]  }
0x236: {  	v5 =	vld [tilespmem:s31+$0xFFFFFF90];
	_ =	sdelay $0x1  }
0x237: {  	v6 =	vld [tilespmem:s31+$0x10];
	_ =	sdelay $0x1  }
0x238: {  	v7 =	vld [tilespmem:s31+$0x90]  }
0x239: {  	v4 =	vmul.f32 v4, v0;
	v5 =	vmul.f32 v5, v1;
	_ =	sdelay $0x1  }
0x23a: {  	v4 =	vadd.f32 v5, v4;
	v5 =	vmul.f32 v6, v2;
	_ =	sdelay $0x1  }
0x23b: {  	v4 =	vadd.f32 v5, v4;
	v5 =	vmul.f32 v7, v3;
	_ =	sdelay $0x1  }
0x23c: {  	v4 =	vadd.f32 v5, v4;
	_ =	sdelay $0x1  }
0x23d: {  	[tilespmem:s0+$0xFFFFFFD0] =	vst v4  }
0x23e: {  	v4 =	vld [tilespmem:s31+$0xFFFFFF20]  }
0x23f: {  	v5 =	vld [tilespmem:s31+$0xFFFFFFA0];
	_ =	sdelay $0x1  }
0x240: {  	v6 =	vld [tilespmem:s31+$0x20];
	_ =	sdelay $0x1  }
0x241: {  	v7 =	vld [tilespmem:s31+$0xA0]  }
0x242: {  	v4 =	vmul.f32 v4, v0;
	v5 =	vmul.f32 v5, v1;
	_ =	sdelay $0x1  }
0x243: {  	v4 =	vadd.f32 v5, v4;
	v5 =	vmul.f32 v6, v2;
	_ =	sdelay $0x1  }
0x244: {  	v6 =	vmul.f32 v7, v3;
	v4 =	vadd.f32 v5, v4;
	_ =	sdelay $0x1  }
0x245: {  	v4 =	vadd.f32 v6, v4;
	_ =	sdelay $0x1  }
0x246: {  	[tilespmem:s0+$0xFFFFFFE0] =	vst v4  }
0x247: {  	v4 =	vld [tilespmem:s31+$0xFFFFFF30]  }
0x248: {  	v5 =	vld [tilespmem:s31+$0xFFFFFFB0];
	_ =	sdelay $0x1  }
0x249: {  	v6 =	vld [tilespmem:s31+$0x30];
	_ =	sdelay $0x1  }
0x24a: {  	v7 =	vld [tilespmem:s31+$0xB0]  }
0x24b: {  	v4 =	vmul.f32 v4, v0;
	v5 =	vmul.f32 v5, v1;
	_ =	sdelay $0x1  }
0x24c: {  	v4 =	vadd.f32 v5, v4;
	v5 =	vmul.f32 v6, v2;
	_ =	sdelay $0x1  }
0x24d: {  	v4 =	vadd.f32 v5, v4;
	v5 =	vmul.f32 v7, v3;
	_ =	sdelay $0x1  }
0x24e: {  	v4 =	vadd.f32 v5, v4;
	_ =	sdelay $0x1  }
0x24f: {  	[tilespmem:s0+$0xFFFFFFF0] =	vst v4  }
0x250: {  	v4 =	vld [tilespmem:s31+$0xFFFFFF40]  }
0x251: {  	v5 =	vld [tilespmem:s31+$0xFFFFFFC0];
	_ =	sdelay $0x1  }
0x252: {  	v6 =	vld [tilespmem:s31+$0x40];
	_ =	sdelay $0x1  }
0x253: {  	v7 =	vld [tilespmem:s31+$0xC0]  }
0x254: {  	v4 =	vmul.f32 v4, v0;
	v5 =	vmul.f32 v5, v1;
	_ =	sdelay $0x1  }
0x255: {  	v4 =	vadd.f32 v5, v4;
	v5 =	vmul.f32 v6, v2;
	_ =	sdelay $0x1  }
0x256: {  	v4 =	vadd.f32 v5, v4;
	v5 =	vmul.f32 v7, v3;
	_ =	sdelay $0x1  }
0x257: {  	v4 =	vadd.f32 v5, v4;
	_ =	sdelay $0x1  }
0x258: {  	[tilespmem:s0+$0x0] =	vst v4  }
0x259: {  	v4 =	vld [tilespmem:s31+$0xFFFFFF50]  }
0x25a: {  	s22 =	simm.s32 $0x4B00;
	s26 =	simm.s32 $0x184;
	s2 =	simm.s32 $0x8840;
	v5 =	vld [tilespmem:s31+$0xFFFFFFD0]  }
.LBB2_8:
0x25b: {  	s28 =	sadd.s32 $0x2, s26  }
0x25c: {  	v6 =	vld [tilespmem:s31+$0x50];
	s0 =	sadd.s32 $0x80, s0;
	s25 =	smov.u32 s26;
	s24 =	sadd.s32 $0x4, s26  }
0x25d: {  	p0 =	sne.s32 s26, $0x1FC;
	s29 =	sadd.s32 $0x1, s25;
	v7 =	vmov s28;
	v8 =	vld [tilespmem:s31+$0xD0]  }
0x25e: {  	v9 =	vmov s25;
	v10 =	vmov s29  }
0x25f: {  	v9 =	vand.u32 $0xFFFFFFFC, v9;
	v10 =	vand.u32 $0xFFFFFFFD, v10;
	v4 =	vmul.f32 v4, v0  }
0x260: {  	v10 =	vbroadcast v10, $0x0;
	v5 =	vmul.f32 v5, v1  }
0x261: {  	v6 =	vmul.f32 v6, v2  }
0x262: {  	v4 =	vadd.f32 v5, v4;
	v5 =	vmul.f32 v8, v3  }
0x263: {  	v7 =	vand.u32 $0xFFFFFFFE, v7  }
0x264: {  	v7 =	vbroadcast v7, $0x0;
	v4 =	vadd.f32 v6, v4;
	_ =	sdelay $0x1  }
0x265: {  	v4 =	vadd.f32 v5, v4;
	_ =	sdelay $0x1  }
0x266: {  	[tilespmem:s2+$0x10] =	vst v4  }
0x267: {  	v4 =	vld [tilespmem:s31+$0xFFFFFF60]  }
0x268: {  	v5 =	vld [tilespmem:s31+$0xFFFFFFE0]  }
0x269: {  	v6 =	vld [tilespmem:s31+$0x60]  }
0x26a: {  	v8 =	vld [tilespmem:s31+$0xE0];
	_ =	sdelay $0x1  }
0x26b: {  	v4 =	vmul.f32 v4, v0  }
0x26c: {  	v5 =	vmul.f32 v5, v1  }
0x26d: {  	v6 =	vmul.f32 v6, v2  }
0x26e: {  	v4 =	vadd.f32 v5, v4;
	v5 =	vmul.f32 v8, v3;
	_ =	sdelay $0x1  }
0x26f: {  	v4 =	vadd.f32 v6, v4;
	_ =	sdelay $0x1  }
0x270: {  	v4 =	vadd.f32 v5, v4;
	_ =	sdelay $0x1  }
0x271: {  	[tilespmem:s2+$0x20] =	vst v4  }
0x272: {  	v4 =	vld [tilespmem:s31+$0xFFFFFF70]  }
0x273: {  	v5 =	vld [tilespmem:s31+$0xFFFFFFF0]  }
0x274: {  	v6 =	vld [tilespmem:s31+$0x70]  }
0x275: {  	v8 =	vld [tilespmem:s31+$0xF0];
	s31 =	smov.u32 s22;
	_ =	sdelay $0x1  }
0x276: {  	v0 =	vmul.f32 v4, v0  }
0x277: {  	v1 =	vmul.f32 v5, v1  }
0x278: {  	v2 =	vmul.f32 v6, v2  }
0x279: {  	v0 =	vadd.f32 v1, v0;
	v1 =	vmul.f32 v8, v3  }
0x27a: {  	v3 =	vbroadcast v9, $0x0  }
0x27b: {  	v0 =	vadd.f32 v2, v0;
	_ =	sdelay $0x1  }
0x27c: {  	v0 =	vadd.f32 v1, v0;
	_ =	sdelay $0x1  }
0x27d: {  	[tilespmem:s2+$0x30] =	vst v0;
	s2 =	smov.u32 s0  }
0x27e: {  	s25 =	sadd.s32 $0x3, s25;
	v0 =	vld.idx.msk [tilespmem:v3+s16+$0x0], $0xffff  }
0x27f: {  	v3 =	vmov s25;
	v4 =	vld [tilespmem:s22+$0xFFFFFF80]  }
0x280: {  	v1 =	vld.idx.msk [tilespmem:v10+s16+$0x0], $0xffff  }
0x281: {  	v5 =	vld [tilespmem:s22+$0xFFFFFF00]  }
0x282: {  	v2 =	vld.idx.msk [tilespmem:v7+s16+$0x0], $0xffff  }
0x283: {  	v6 =	vld [tilespmem:s22+$0x0]  }
0x284: {  	v3 =	vld.idx.msk [tilespmem:v3+s16+$0x0], $0xffff  }
0x285: {  	v7 =	vld [tilespmem:s22+$0x80]  }
0x286: {  	v4 =	vmul.f32 v4, v1;
	v5 =	vmul.f32 v5, v0;
	_ =	sdelay $0x1  }
0x287: {  	v4 =	vadd.f32 v4, v5;
	v5 =	vmul.f32 v6, v2;
	_ =	sdelay $0x1  }
0x288: {  	v4 =	vadd.f32 v5, v4;
	v5 =	vmul.f32 v7, v3;
	_ =	sdelay $0x1  }
0x289: {  	v4 =	vadd.f32 v5, v4;
	_ =	sdelay $0x1  }
0x28a: {  	[tilespmem:s0+$0xFFFFFFC0] =	vst v4  }
0x28b: {  	v4 =	vld [tilespmem:s22+$0xFFFFFF10]  }
0x28c: {  	v5 =	vld [tilespmem:s22+$0xFFFFFF90];
	_ =	sdelay $0x1  }
0x28d: {  	v6 =	vld [tilespmem:s22+$0x10];
	_ =	sdelay $0x1  }
0x28e: {  	v4 =	vmul.f32 v4, v0;
	v7 =	vld [tilespmem:s22+$0x90]  }
0x28f: {  	v5 =	vmul.f32 v5, v1;
	_ =	sdelay $0x1  }
0x290: {  	v4 =	vadd.f32 v5, v4;
	v5 =	vmul.f32 v6, v2;
	_ =	sdelay $0x1  }
0x291: {  	v4 =	vadd.f32 v5, v4;
	v5 =	vmul.f32 v7, v3;
	_ =	sdelay $0x1  }
0x292: {  	v4 =	vadd.f32 v5, v4;
	_ =	sdelay $0x1  }
0x293: {  	[tilespmem:s0+$0xFFFFFFD0] =	vst v4  }
0x294: {  	v4 =	vld [tilespmem:s22+$0xFFFFFF20]  }
0x295: {  	v5 =	vld [tilespmem:s22+$0xFFFFFFA0]  }
0x296: {  	v6 =	vld [tilespmem:s22+$0xA0]  }
0x297: {  	v7 =	vld [tilespmem:s22+$0x20];
	_ =	sdelay $0x2  }
0x298: {  	v4 =	vmul.f32 v4, v0;
	v5 =	vmul.f32 v5, v1  }
0x299: {  	v6 =	vmul.f32 v6, v3  }
0x29a: {  	v4 =	vadd.f32 v5, v4;
	v5 =	vmul.f32 v7, v2;
	_ =	sdelay $0x1  }
0x29b: {  	v4 =	vadd.f32 v5, v4;
	_ =	sdelay $0x1  }
0x29c: {  	v4 =	vadd.f32 v6, v4;
	_ =	sdelay $0x1  }
0x29d: {  	[tilespmem:s0+$0xFFFFFFE0] =	vst v4  }
0x29e: {  	v4 =	vld [tilespmem:s22+$0xFFFFFF30]  }
0x29f: {  	v5 =	vld [tilespmem:s22+$0xFFFFFFB0]  }
0x2a0: {  	v6 =	vld [tilespmem:s22+$0x30];
	_ =	sdelay $0x2  }
0x2a1: {  	v4 =	vmul.f32 v4, v0;
	v7 =	vld [tilespmem:s22+$0xB0]  }
0x2a2: {  	v5 =	vmul.f32 v5, v1;
	_ =	sdelay $0x1  }
0x2a3: {  	v4 =	vadd.f32 v5, v4;
	v5 =	vmul.f32 v6, v2;
	_ =	sdelay $0x1  }
0x2a4: {  	v4 =	vadd.f32 v5, v4;
	v5 =	vmul.f32 v7, v3;
	_ =	sdelay $0x1  }
0x2a5: {  	v4 =	vadd.f32 v5, v4;
	_ =	sdelay $0x1  }
0x2a6: {  	[tilespmem:s0+$0xFFFFFFF0] =	vst v4  }
0x2a7: {  	v4 =	vld [tilespmem:s22+$0xFFFFFF40]  }
0x2a8: {  	v5 =	vld [tilespmem:s22+$0xFFFFFFC0];
	_ =	sdelay $0x1  }
0x2a9: {  	v6 =	vld [tilespmem:s22+$0x40];
	_ =	sdelay $0x1  }
0x2aa: {  	v7 =	vld [tilespmem:s22+$0xC0]  }
0x2ab: {  	v4 =	vmul.f32 v4, v0;
	v5 =	vmul.f32 v5, v1;
	_ =	sdelay $0x1  }
0x2ac: {  	v4 =	vadd.f32 v5, v4;
	v5 =	vmul.f32 v6, v2;
	_ =	sdelay $0x1  }
0x2ad: {  	v4 =	vadd.f32 v5, v4;
	v5 =	vmul.f32 v7, v3;
	_ =	sdelay $0x1  }
.Ltmp3:
0x2ae: {  	v4 =	vadd.f32 v5, v4;
	(pc) =	sbr.rel @p0 .LBB2_8-.Ltmp3, $4  }
0x2af: {  	_ = 	snop  }
0x2b0: {  	[tilespmem:s0+$0x0] =	vst v4  }
0x2b1: {  	v4 =	vld [tilespmem:s22+$0xFFFFFF50]  }
0x2b2: {  	s26 =	smov.u32 s24;
	s22 =	sadd.s32 $0x200, s22;
	v5 =	vld [tilespmem:s31+$0xFFFFFFD0]  }
0x2b3: {  	_ = 	snop  }
0x2b4: {  	v6 =	vld [tilespmem:s31+$0x50];
	_ =	sdelay $0x1  }
0x2b5: {  	v7 =	vld [tilespmem:s31+$0xD0]  }
0x2b6: {  	v4 =	vmul.f32 v4, v0;
	v5 =	vmul.f32 v5, v1;
	_ =	sdelay $0x1  }
0x2b7: {  	v6 =	vmul.f32 v6, v2;
	v4 =	vadd.f32 v5, v4;
	_ =	sdelay $0x1  }
0x2b8: {  	v5 =	vmul.f32 v7, v3;
	v4 =	vadd.f32 v6, v4;
	_ =	sdelay $0x1  }
0x2b9: {  	v4 =	vadd.f32 v5, v4;
	_ =	sdelay $0x1  }
0x2ba: {  	[tilespmem:s2+$0x10] =	vst v4  }
0x2bb: {  	v4 =	vld [tilespmem:s31+$0xFFFFFF60]  }
0x2bc: {  	v5 =	vld [tilespmem:s31+$0xFFFFFFE0];
	_ =	sdelay $0x1  }
0x2bd: {  	v6 =	vld [tilespmem:s31+$0x60];
	_ =	sdelay $0x1  }
0x2be: {  	v7 =	vld [tilespmem:s31+$0xE0]  }
0x2bf: {  	v4 =	vmul.f32 v4, v0;
	v5 =	vmul.f32 v5, v1;
	_ =	sdelay $0x1  }
0x2c0: {  	v6 =	vmul.f32 v6, v2;
	v4 =	vadd.f32 v5, v4;
	_ =	sdelay $0x1  }
0x2c1: {  	v5 =	vmul.f32 v7, v3;
	v4 =	vadd.f32 v6, v4;
	_ =	sdelay $0x1  }
0x2c2: {  	v4 =	vadd.f32 v5, v4;
	_ =	sdelay $0x1  }
0x2c3: {  	[tilespmem:s2+$0x20] =	vst v4  }
0x2c4: {  	v4 =	vld [tilespmem:s31+$0xFFFFFF70]  }
0x2c5: {  	v5 =	vld [tilespmem:s31+$0xFFFFFFF0];
	_ =	sdelay $0x1  }
0x2c6: {  	v6 =	vld [tilespmem:s31+$0x70];
	_ =	sdelay $0x1  }
0x2c7: {  	v7 =	vld [tilespmem:s31+$0xF0]  }
0x2c8: {  	v0 =	vmul.f32 v4, v0;
	v1 =	vmul.f32 v5, v1;
	_ =	sdelay $0x1  }
0x2c9: {  	v2 =	vmul.f32 v6, v2;
	v0 =	vadd.f32 v1, v0;
	_ =	sdelay $0x1  }
0x2ca: {  	v1 =	vmul.f32 v7, v3;
	v0 =	vadd.f32 v2, v0;
	_ =	sdelay $0x1  }
0x2cb: {  	v0 =	vadd.f32 v1, v0;
	_ =	sdelay $0x1  }
0x2cc: {  	s0 =	simm.s32 $0x200;
	[tilespmem:s2+$0x30] =	vst v0  }
0x2cd: {  	v0 =	vmov s0;
	[hbm4b:s9+s3] =	stream.linear.scatter [tilespmem:s21], [sflag:$0x3], $0x1000, $0x38;
	[tilespmem:$0x9800] =	vst v63  }
0x2ce: {  	s25 =	simm.s32 $0x201;
	v0 =	vand.u32 $0xFFFFFFFC, v0;
	_ =	swait.ge [sflag:s15], $0x1000  }
0x2cf: {  	v1 =	vmov s25;
	v0 =	vbroadcast v0, $0x0;
	[sflag:s15] =	ssyncset.done $0x0  }
0x2d0: {  	s26 =	simm.s32 $0x202;
	s28 =	simm.s32 $0x280;
	v1 =	vand.u32 $0xFFFFFFFD, v1;
	[sflag:s15] =	ssyncadd.s32 $0xFFFFF000  }
0x2d1: {  	v2 =	vmov s26;
	v1 =	vbroadcast v1, $0x0;
	[tilespmem:s19], [sflag:$0x2] =	stream.indirect.gather [hbm4b:s1+s17], $0x80, s28, s17, $0xb8;
	[tilespmem:$0x9800] =	vst v63  }
0x2d2: {  	v2 =	vand.u32 $0xFFFFFFFE, v2;
	_ =	swait.ge [sflag:s20], $0x4000  }
0x2d3: {  	v2 =	vbroadcast v2, $0x0;
	[sflag:s20] =	ssyncset.done $0x0  }
0x2d4: {  	[sflag:s20] =	ssyncadd.s32 $0xFFFFC000  }
0x2d5: {  	s29 =	simm.s32 $0x203;
	s31 =	simm.s32 $0x900;
	v0 =	vld.idx.msk [tilespmem:v0+s16+$0x0], $0xffff  }
0x2d6: {  	v3 =	vmov s29;
	v4 =	vld [tilespmem:s31+$0xFFFFFF80]  }
0x2d7: {  	v1 =	vld.idx.msk [tilespmem:v1+s16+$0x0], $0xffff  }
0x2d8: {  	v5 =	vld [tilespmem:s31+$0xFFFFFF00]  }
0x2d9: {  	v2 =	vld.idx.msk [tilespmem:v2+s16+$0x0], $0xffff  }
0x2da: {  	v6 =	vld [tilespmem:s31+$0x0]  }
0x2db: {  	v3 =	vld.idx.msk [tilespmem:v3+s16+$0x0], $0xffff  }
0x2dc: {  	v7 =	vld [tilespmem:s31+$0x80]  }
0x2dd: {  	v5 =	vmul.f32 v5, v0;
	v4 =	vmul.f32 v4, v1;
	_ =	sdelay $0x1  }
0x2de: {  	v4 =	vadd.f32 v4, v5;
	v5 =	vmul.f32 v6, v2;
	_ =	sdelay $0x1  }
0x2df: {  	v4 =	vadd.f32 v5, v4;
	v5 =	vmul.f32 v7, v3;
	_ =	sdelay $0x1  }
0x2e0: {  	v4 =	vadd.f32 v5, v4  }
0x2e1: {  	s0 =	simm.s32 $0x8840  }
0x2e2: {  	[tilespmem:s0+$0xFFFFFFC0] =	vst v4  }
0x2e3: {  	v4 =	vld [tilespmem:s31+$0xFFFFFF10]  }
0x2e4: {  	v5 =	vld [tilespmem:s31+$0xFFFFFF90];
	_ =	sdelay $0x1  }
0x2e5: {  	v6 =	vld [tilespmem:s31+$0x10];
	_ =	sdelay $0x1  }
0x2e6: {  	v7 =	vld [tilespmem:s31+$0x90]  }
0x2e7: {  	v4 =	vmul.f32 v4, v0;
	v5 =	vmul.f32 v5, v1;
	_ =	sdelay $0x1  }
0x2e8: {  	v4 =	vadd.f32 v5, v4;
	v5 =	vmul.f32 v6, v2;
	_ =	sdelay $0x1  }
0x2e9: {  	v4 =	vadd.f32 v5, v4;
	v5 =	vmul.f32 v7, v3;
	_ =	sdelay $0x1  }
0x2ea: {  	v4 =	vadd.f32 v5, v4;
	_ =	sdelay $0x1  }
0x2eb: {  	[tilespmem:s0+$0xFFFFFFD0] =	vst v4  }
0x2ec: {  	v4 =	vld [tilespmem:s31+$0xFFFFFF20]  }
0x2ed: {  	v5 =	vld [tilespmem:s31+$0xFFFFFFA0];
	_ =	sdelay $0x1  }
0x2ee: {  	v6 =	vld [tilespmem:s31+$0x20];
	_ =	sdelay $0x1  }
0x2ef: {  	v7 =	vld [tilespmem:s31+$0xA0]  }
0x2f0: {  	v4 =	vmul.f32 v4, v0;
	v5 =	vmul.f32 v5, v1;
	_ =	sdelay $0x1  }
0x2f1: {  	v4 =	vadd.f32 v5, v4;
	v5 =	vmul.f32 v6, v2;
	_ =	sdelay $0x1  }
0x2f2: {  	v6 =	vmul.f32 v7, v3;
	v4 =	vadd.f32 v5, v4;
	_ =	sdelay $0x1  }
0x2f3: {  	v4 =	vadd.f32 v6, v4;
	_ =	sdelay $0x1  }
0x2f4: {  	[tilespmem:s0+$0xFFFFFFE0] =	vst v4  }
0x2f5: {  	v4 =	vld [tilespmem:s31+$0xFFFFFF30]  }
0x2f6: {  	v5 =	vld [tilespmem:s31+$0xFFFFFFB0];
	_ =	sdelay $0x1  }
0x2f7: {  	v6 =	vld [tilespmem:s31+$0x30];
	_ =	sdelay $0x1  }
0x2f8: {  	v7 =	vld [tilespmem:s31+$0xB0]  }
0x2f9: {  	v4 =	vmul.f32 v4, v0;
	v5 =	vmul.f32 v5, v1;
	_ =	sdelay $0x1  }
0x2fa: {  	v4 =	vadd.f32 v5, v4;
	v5 =	vmul.f32 v6, v2;
	_ =	sdelay $0x1  }
0x2fb: {  	v4 =	vadd.f32 v5, v4;
	v5 =	vmul.f32 v7, v3;
	_ =	sdelay $0x1  }
0x2fc: {  	v4 =	vadd.f32 v5, v4;
	_ =	sdelay $0x1  }
0x2fd: {  	[tilespmem:s0+$0xFFFFFFF0] =	vst v4  }
0x2fe: {  	v4 =	vld [tilespmem:s31+$0xFFFFFF40]  }
0x2ff: {  	v5 =	vld [tilespmem:s31+$0xFFFFFFC0];
	_ =	sdelay $0x1  }
0x300: {  	v6 =	vld [tilespmem:s31+$0x40];
	_ =	sdelay $0x1  }
0x301: {  	v7 =	vld [tilespmem:s31+$0xC0]  }
0x302: {  	v4 =	vmul.f32 v4, v0;
	v5 =	vmul.f32 v5, v1;
	_ =	sdelay $0x1  }
0x303: {  	v4 =	vadd.f32 v5, v4;
	v5 =	vmul.f32 v6, v2;
	_ =	sdelay $0x1  }
0x304: {  	v4 =	vadd.f32 v5, v4;
	v5 =	vmul.f32 v7, v3;
	_ =	sdelay $0x1  }
0x305: {  	v4 =	vadd.f32 v5, v4;
	_ =	sdelay $0x1  }
0x306: {  	[tilespmem:s0+$0x0] =	vst v4  }
0x307: {  	v4 =	vld [tilespmem:s31+$0xFFFFFF50]  }
0x308: {  	s22 =	simm.s32 $0xB00;
	s26 =	simm.s32 $0x204;
	s2 =	simm.s32 $0x8840;
	v5 =	vld [tilespmem:s31+$0xFFFFFFD0]  }
.LBB2_10:
0x309: {  	s28 =	sadd.s32 $0x2, s26  }
0x30a: {  	v6 =	vld [tilespmem:s31+$0x50];
	s0 =	sadd.s32 $0x80, s0;
	s25 =	smov.u32 s26;
	s24 =	sadd.s32 $0x4, s26  }
0x30b: {  	p0 =	sne.s32 s26, $0x27C;
	s29 =	sadd.s32 $0x1, s25;
	v7 =	vmov s28;
	v8 =	vld [tilespmem:s31+$0xD0]  }
0x30c: {  	v9 =	vmov s25;
	v10 =	vmov s29  }
0x30d: {  	v9 =	vand.u32 $0xFFFFFFFC, v9;
	v10 =	vand.u32 $0xFFFFFFFD, v10;
	v4 =	vmul.f32 v4, v0  }
0x30e: {  	v10 =	vbroadcast v10, $0x0;
	v5 =	vmul.f32 v5, v1  }
0x30f: {  	v6 =	vmul.f32 v6, v2  }
0x310: {  	v4 =	vadd.f32 v5, v4;
	v5 =	vmul.f32 v8, v3  }
0x311: {  	v7 =	vand.u32 $0xFFFFFFFE, v7  }
0x312: {  	v7 =	vbroadcast v7, $0x0;
	v4 =	vadd.f32 v6, v4;
	_ =	sdelay $0x1  }
0x313: {  	v4 =	vadd.f32 v5, v4;
	_ =	sdelay $0x1  }
0x314: {  	[tilespmem:s2+$0x10] =	vst v4  }
0x315: {  	v4 =	vld [tilespmem:s31+$0xFFFFFF60]  }
0x316: {  	v5 =	vld [tilespmem:s31+$0xFFFFFFE0]  }
0x317: {  	v6 =	vld [tilespmem:s31+$0x60]  }
0x318: {  	v8 =	vld [tilespmem:s31+$0xE0];
	_ =	sdelay $0x1  }
0x319: {  	v4 =	vmul.f32 v4, v0  }
0x31a: {  	v5 =	vmul.f32 v5, v1  }
0x31b: {  	v6 =	vmul.f32 v6, v2  }
0x31c: {  	v4 =	vadd.f32 v5, v4;
	v5 =	vmul.f32 v8, v3;
	_ =	sdelay $0x1  }
0x31d: {  	v4 =	vadd.f32 v6, v4;
	_ =	sdelay $0x1  }
0x31e: {  	v4 =	vadd.f32 v5, v4;
	_ =	sdelay $0x1  }
0x31f: {  	[tilespmem:s2+$0x20] =	vst v4  }
0x320: {  	v4 =	vld [tilespmem:s31+$0xFFFFFF70]  }
0x321: {  	v5 =	vld [tilespmem:s31+$0xFFFFFFF0]  }
0x322: {  	v6 =	vld [tilespmem:s31+$0x70]  }
0x323: {  	v8 =	vld [tilespmem:s31+$0xF0];
	s31 =	smov.u32 s22;
	_ =	sdelay $0x1  }
0x324: {  	v0 =	vmul.f32 v4, v0  }
0x325: {  	v1 =	vmul.f32 v5, v1  }
0x326: {  	v2 =	vmul.f32 v6, v2  }
0x327: {  	v0 =	vadd.f32 v1, v0;
	v1 =	vmul.f32 v8, v3  }
0x328: {  	v3 =	vbroadcast v9, $0x0  }
0x329: {  	v0 =	vadd.f32 v2, v0;
	_ =	sdelay $0x1  }
0x32a: {  	v0 =	vadd.f32 v1, v0;
	_ =	sdelay $0x1  }
0x32b: {  	[tilespmem:s2+$0x30] =	vst v0;
	s2 =	smov.u32 s0  }
0x32c: {  	s25 =	sadd.s32 $0x3, s25;
	v0 =	vld.idx.msk [tilespmem:v3+s16+$0x0], $0xffff  }
0x32d: {  	v3 =	vmov s25;
	v4 =	vld [tilespmem:s22+$0xFFFFFF80]  }
0x32e: {  	v1 =	vld.idx.msk [tilespmem:v10+s16+$0x0], $0xffff  }
0x32f: {  	v5 =	vld [tilespmem:s22+$0xFFFFFF00]  }
0x330: {  	v2 =	vld.idx.msk [tilespmem:v7+s16+$0x0], $0xffff  }
0x331: {  	v6 =	vld [tilespmem:s22+$0x0]  }
0x332: {  	v3 =	vld.idx.msk [tilespmem:v3+s16+$0x0], $0xffff  }
0x333: {  	v7 =	vld [tilespmem:s22+$0x80]  }
0x334: {  	v4 =	vmul.f32 v4, v1;
	v5 =	vmul.f32 v5, v0;
	_ =	sdelay $0x1  }
0x335: {  	v4 =	vadd.f32 v4, v5;
	v5 =	vmul.f32 v6, v2;
	_ =	sdelay $0x1  }
0x336: {  	v4 =	vadd.f32 v5, v4;
	v5 =	vmul.f32 v7, v3;
	_ =	sdelay $0x1  }
0x337: {  	v4 =	vadd.f32 v5, v4;
	_ =	sdelay $0x1  }
0x338: {  	[tilespmem:s0+$0xFFFFFFC0] =	vst v4  }
0x339: {  	v4 =	vld [tilespmem:s22+$0xFFFFFF10]  }
0x33a: {  	v5 =	vld [tilespmem:s22+$0xFFFFFF90];
	_ =	sdelay $0x1  }
0x33b: {  	v6 =	vld [tilespmem:s22+$0x10];
	_ =	sdelay $0x1  }
0x33c: {  	v4 =	vmul.f32 v4, v0;
	v7 =	vld [tilespmem:s22+$0x90]  }
0x33d: {  	v5 =	vmul.f32 v5, v1;
	_ =	sdelay $0x1  }
0x33e: {  	v4 =	vadd.f32 v5, v4;
	v5 =	vmul.f32 v6, v2;
	_ =	sdelay $0x1  }
0x33f: {  	v4 =	vadd.f32 v5, v4;
	v5 =	vmul.f32 v7, v3;
	_ =	sdelay $0x1  }
0x340: {  	v4 =	vadd.f32 v5, v4;
	_ =	sdelay $0x1  }
0x341: {  	[tilespmem:s0+$0xFFFFFFD0] =	vst v4  }
0x342: {  	v4 =	vld [tilespmem:s22+$0xFFFFFF20]  }
0x343: {  	v5 =	vld [tilespmem:s22+$0xFFFFFFA0]  }
0x344: {  	v6 =	vld [tilespmem:s22+$0xA0]  }
0x345: {  	v7 =	vld [tilespmem:s22+$0x20];
	_ =	sdelay $0x2  }
0x346: {  	v4 =	vmul.f32 v4, v0;
	v5 =	vmul.f32 v5, v1  }
0x347: {  	v6 =	vmul.f32 v6, v3  }
0x348: {  	v4 =	vadd.f32 v5, v4;
	v5 =	vmul.f32 v7, v2;
	_ =	sdelay $0x1  }
0x349: {  	v4 =	vadd.f32 v5, v4;
	_ =	sdelay $0x1  }
0x34a: {  	v4 =	vadd.f32 v6, v4;
	_ =	sdelay $0x1  }
0x34b: {  	[tilespmem:s0+$0xFFFFFFE0] =	vst v4  }
0x34c: {  	v4 =	vld [tilespmem:s22+$0xFFFFFF30]  }
0x34d: {  	v5 =	vld [tilespmem:s22+$0xFFFFFFB0]  }
0x34e: {  	v6 =	vld [tilespmem:s22+$0x30];
	_ =	sdelay $0x2  }
0x34f: {  	v4 =	vmul.f32 v4, v0;
	v7 =	vld [tilespmem:s22+$0xB0]  }
0x350: {  	v5 =	vmul.f32 v5, v1;
	_ =	sdelay $0x1  }
0x351: {  	v4 =	vadd.f32 v5, v4;
	v5 =	vmul.f32 v6, v2;
	_ =	sdelay $0x1  }
0x352: {  	v4 =	vadd.f32 v5, v4;
	v5 =	vmul.f32 v7, v3;
	_ =	sdelay $0x1  }
0x353: {  	v4 =	vadd.f32 v5, v4;
	_ =	sdelay $0x1  }
0x354: {  	[tilespmem:s0+$0xFFFFFFF0] =	vst v4  }
0x355: {  	v4 =	vld [tilespmem:s22+$0xFFFFFF40]  }
0x356: {  	v5 =	vld [tilespmem:s22+$0xFFFFFFC0];
	_ =	sdelay $0x1  }
0x357: {  	v6 =	vld [tilespmem:s22+$0x40];
	_ =	sdelay $0x1  }
0x358: {  	v7 =	vld [tilespmem:s22+$0xC0]  }
0x359: {  	v4 =	vmul.f32 v4, v0;
	v5 =	vmul.f32 v5, v1;
	_ =	sdelay $0x1  }
0x35a: {  	v4 =	vadd.f32 v5, v4;
	v5 =	vmul.f32 v6, v2;
	_ =	sdelay $0x1  }
0x35b: {  	v4 =	vadd.f32 v5, v4;
	v5 =	vmul.f32 v7, v3;
	_ =	sdelay $0x1  }
.Ltmp4:
0x35c: {  	v4 =	vadd.f32 v5, v4;
	(pc) =	sbr.rel @p0 .LBB2_10-.Ltmp4, $4  }
0x35d: {  	_ = 	snop  }
0x35e: {  	[tilespmem:s0+$0x0] =	vst v4  }
0x35f: {  	v4 =	vld [tilespmem:s22+$0xFFFFFF50]  }
0x360: {  	s26 =	smov.u32 s24;
	s22 =	sadd.s32 $0x200, s22;
	v5 =	vld [tilespmem:s31+$0xFFFFFFD0]  }
0x361: {  	_ = 	snop  }
0x362: {  	v6 =	vld [tilespmem:s31+$0x50];
	_ =	sdelay $0x1  }
0x363: {  	v7 =	vld [tilespmem:s31+$0xD0]  }
0x364: {  	v4 =	vmul.f32 v4, v0;
	v5 =	vmul.f32 v5, v1;
	_ =	sdelay $0x1  }
0x365: {  	v6 =	vmul.f32 v6, v2;
	v4 =	vadd.f32 v5, v4;
	_ =	sdelay $0x1  }
0x366: {  	v5 =	vmul.f32 v7, v3;
	v4 =	vadd.f32 v6, v4;
	_ =	sdelay $0x1  }
0x367: {  	v4 =	vadd.f32 v5, v4;
	_ =	sdelay $0x1  }
0x368: {  	[tilespmem:s2+$0x10] =	vst v4  }
0x369: {  	v4 =	vld [tilespmem:s31+$0xFFFFFF60]  }
0x36a: {  	v5 =	vld [tilespmem:s31+$0xFFFFFFE0];
	_ =	sdelay $0x1  }
0x36b: {  	v6 =	vld [tilespmem:s31+$0x60];
	_ =	sdelay $0x1  }
0x36c: {  	v7 =	vld [tilespmem:s31+$0xE0]  }
0x36d: {  	v4 =	vmul.f32 v4, v0;
	v5 =	vmul.f32 v5, v1;
	_ =	sdelay $0x1  }
0x36e: {  	v6 =	vmul.f32 v6, v2;
	v4 =	vadd.f32 v5, v4;
	_ =	sdelay $0x1  }
0x36f: {  	v5 =	vmul.f32 v7, v3;
	v4 =	vadd.f32 v6, v4;
	_ =	sdelay $0x1  }
0x370: {  	v4 =	vadd.f32 v5, v4;
	_ =	sdelay $0x1  }
0x371: {  	[tilespmem:s2+$0x20] =	vst v4  }
0x372: {  	v4 =	vld [tilespmem:s31+$0xFFFFFF70]  }
0x373: {  	v5 =	vld [tilespmem:s31+$0xFFFFFFF0];
	_ =	sdelay $0x1  }
0x374: {  	v6 =	vld [tilespmem:s31+$0x70];
	_ =	sdelay $0x1  }
0x375: {  	v7 =	vld [tilespmem:s31+$0xF0]  }
0x376: {  	v0 =	vmul.f32 v4, v0;
	v1 =	vmul.f32 v5, v1;
	_ =	sdelay $0x1  }
0x377: {  	v2 =	vmul.f32 v6, v2;
	v0 =	vadd.f32 v1, v0;
	_ =	sdelay $0x1  }
0x378: {  	v1 =	vmul.f32 v7, v3;
	v0 =	vadd.f32 v2, v0;
	_ =	sdelay $0x1  }
0x379: {  	v0 =	vadd.f32 v1, v0;
	_ =	sdelay $0x1  }
0x37a: {  	s0 =	simm.s32 $0x280;
	[tilespmem:s2+$0x30] =	vst v0  }
0x37b: {  	v0 =	vmov s0;
	[hbm4b:s10+s3] =	stream.linear.scatter [tilespmem:s21], [sflag:$0x3], $0x1000, $0x38;
	[tilespmem:$0x9800] =	vst v63  }
0x37c: {  	s25 =	simm.s32 $0x281;
	v0 =	vand.u32 $0xFFFFFFFC, v0;
	_ =	swait.ge [sflag:s15], $0x1000  }
0x37d: {  	v1 =	vmov s25;
	v0 =	vbroadcast v0, $0x0;
	[sflag:s15] =	ssyncset.done $0x0  }
0x37e: {  	s26 =	simm.s32 $0x282;
	s28 =	simm.s32 $0x300;
	v1 =	vand.u32 $0xFFFFFFFD, v1;
	[sflag:s15] =	ssyncadd.s32 $0xFFFFF000  }
0x37f: {  	v2 =	vmov s26;
	v1 =	vbroadcast v1, $0x0;
	[tilespmem:s18], [sflag:$0x1] =	stream.indirect.gather [hbm4b:s1+s17], $0x80, s28, s17, $0xb8;
	[tilespmem:$0x9800] =	vst v63  }
0x380: {  	v2 =	vand.u32 $0xFFFFFFFE, v2;
	_ =	swait.ge [sflag:s23], $0x4000  }
0x381: {  	v2 =	vbroadcast v2, $0x0;
	[sflag:s23] =	ssyncset.done $0x0  }
0x382: {  	[sflag:s23] =	ssyncadd.s32 $0xFFFFC000  }
0x383: {  	s29 =	simm.s32 $0x283;
	s31 =	simm.s32 $0x4900;
	v0 =	vld.idx.msk [tilespmem:v0+s16+$0x0], $0xffff  }
0x384: {  	v3 =	vmov s29;
	v4 =	vld [tilespmem:s31+$0xFFFFFF80]  }
0x385: {  	v1 =	vld.idx.msk [tilespmem:v1+s16+$0x0], $0xffff  }
0x386: {  	v5 =	vld [tilespmem:s31+$0xFFFFFF00]  }
0x387: {  	v2 =	vld.idx.msk [tilespmem:v2+s16+$0x0], $0xffff  }
0x388: {  	v6 =	vld [tilespmem:s31+$0x0]  }
0x389: {  	v3 =	vld.idx.msk [tilespmem:v3+s16+$0x0], $0xffff  }
0x38a: {  	v7 =	vld [tilespmem:s31+$0x80]  }
0x38b: {  	v5 =	vmul.f32 v5, v0;
	v4 =	vmul.f32 v4, v1;
	_ =	sdelay $0x1  }
0x38c: {  	v4 =	vadd.f32 v4, v5;
	v5 =	vmul.f32 v6, v2;
	_ =	sdelay $0x1  }
0x38d: {  	v4 =	vadd.f32 v5, v4;
	v5 =	vmul.f32 v7, v3;
	_ =	sdelay $0x1  }
0x38e: {  	v4 =	vadd.f32 v5, v4  }
0x38f: {  	s0 =	simm.s32 $0x8840  }
0x390: {  	[tilespmem:s0+$0xFFFFFFC0] =	vst v4  }
0x391: {  	v4 =	vld [tilespmem:s31+$0xFFFFFF10]  }
0x392: {  	v5 =	vld [tilespmem:s31+$0xFFFFFF90];
	_ =	sdelay $0x1  }
0x393: {  	v6 =	vld [tilespmem:s31+$0x10];
	_ =	sdelay $0x1  }
0x394: {  	v7 =	vld [tilespmem:s31+$0x90]  }
0x395: {  	v4 =	vmul.f32 v4, v0;
	v5 =	vmul.f32 v5, v1;
	_ =	sdelay $0x1  }
0x396: {  	v4 =	vadd.f32 v5, v4;
	v5 =	vmul.f32 v6, v2;
	_ =	sdelay $0x1  }
0x397: {  	v4 =	vadd.f32 v5, v4;
	v5 =	vmul.f32 v7, v3;
	_ =	sdelay $0x1  }
0x398: {  	v4 =	vadd.f32 v5, v4;
	_ =	sdelay $0x1  }
0x399: {  	[tilespmem:s0+$0xFFFFFFD0] =	vst v4  }
0x39a: {  	v4 =	vld [tilespmem:s31+$0xFFFFFF20]  }
0x39b: {  	v5 =	vld [tilespmem:s31+$0xFFFFFFA0];
	_ =	sdelay $0x1  }
0x39c: {  	v6 =	vld [tilespmem:s31+$0x20];
	_ =	sdelay $0x1  }
0x39d: {  	v7 =	vld [tilespmem:s31+$0xA0]  }
0x39e: {  	v4 =	vmul.f32 v4, v0;
	v5 =	vmul.f32 v5, v1;
	_ =	sdelay $0x1  }
0x39f: {  	v4 =	vadd.f32 v5, v4;
	v5 =	vmul.f32 v6, v2;
	_ =	sdelay $0x1  }
0x3a0: {  	v6 =	vmul.f32 v7, v3;
	v4 =	vadd.f32 v5, v4;
	_ =	sdelay $0x1  }
0x3a1: {  	v4 =	vadd.f32 v6, v4;
	_ =	sdelay $0x1  }
0x3a2: {  	[tilespmem:s0+$0xFFFFFFE0] =	vst v4  }
0x3a3: {  	v4 =	vld [tilespmem:s31+$0xFFFFFF30]  }
0x3a4: {  	v5 =	vld [tilespmem:s31+$0xFFFFFFB0];
	_ =	sdelay $0x1  }
0x3a5: {  	v6 =	vld [tilespmem:s31+$0x30];
	_ =	sdelay $0x1  }
0x3a6: {  	v7 =	vld [tilespmem:s31+$0xB0]  }
0x3a7: {  	v4 =	vmul.f32 v4, v0;
	v5 =	vmul.f32 v5, v1;
	_ =	sdelay $0x1  }
0x3a8: {  	v4 =	vadd.f32 v5, v4;
	v5 =	vmul.f32 v6, v2;
	_ =	sdelay $0x1  }
0x3a9: {  	v4 =	vadd.f32 v5, v4;
	v5 =	vmul.f32 v7, v3;
	_ =	sdelay $0x1  }
0x3aa: {  	v4 =	vadd.f32 v5, v4;
	_ =	sdelay $0x1  }
0x3ab: {  	[tilespmem:s0+$0xFFFFFFF0] =	vst v4  }
0x3ac: {  	v4 =	vld [tilespmem:s31+$0xFFFFFF40]  }
0x3ad: {  	v5 =	vld [tilespmem:s31+$0xFFFFFFC0];
	_ =	sdelay $0x1  }
0x3ae: {  	v6 =	vld [tilespmem:s31+$0x40];
	_ =	sdelay $0x1  }
0x3af: {  	v7 =	vld [tilespmem:s31+$0xC0]  }
0x3b0: {  	v4 =	vmul.f32 v4, v0;
	v5 =	vmul.f32 v5, v1;
	_ =	sdelay $0x1  }
0x3b1: {  	v4 =	vadd.f32 v5, v4;
	v5 =	vmul.f32 v6, v2;
	_ =	sdelay $0x1  }
0x3b2: {  	v4 =	vadd.f32 v5, v4;
	v5 =	vmul.f32 v7, v3;
	_ =	sdelay $0x1  }
0x3b3: {  	v4 =	vadd.f32 v5, v4;
	_ =	sdelay $0x1  }
0x3b4: {  	[tilespmem:s0+$0x0] =	vst v4  }
0x3b5: {  	v4 =	vld [tilespmem:s31+$0xFFFFFF50]  }
0x3b6: {  	s22 =	simm.s32 $0x4B00;
	s26 =	simm.s32 $0x284;
	s2 =	simm.s32 $0x8840;
	v5 =	vld [tilespmem:s31+$0xFFFFFFD0]  }
.LBB2_12:
0x3b7: {  	s28 =	sadd.s32 $0x2, s26  }
0x3b8: {  	v6 =	vld [tilespmem:s31+$0x50];
	s0 =	sadd.s32 $0x80, s0;
	s25 =	smov.u32 s26;
	s24 =	sadd.s32 $0x4, s26  }
0x3b9: {  	p0 =	sne.s32 s26, $0x2FC;
	s29 =	sadd.s32 $0x1, s25;
	v7 =	vmov s28;
	v8 =	vld [tilespmem:s31+$0xD0]  }
0x3ba: {  	v9 =	vmov s25;
	v10 =	vmov s29  }
0x3bb: {  	v9 =	vand.u32 $0xFFFFFFFC, v9;
	v10 =	vand.u32 $0xFFFFFFFD, v10;
	v4 =	vmul.f32 v4, v0  }
0x3bc: {  	v10 =	vbroadcast v10, $0x0;
	v5 =	vmul.f32 v5, v1  }
0x3bd: {  	v6 =	vmul.f32 v6, v2  }
0x3be: {  	v4 =	vadd.f32 v5, v4;
	v5 =	vmul.f32 v8, v3  }
0x3bf: {  	v7 =	vand.u32 $0xFFFFFFFE, v7  }
0x3c0: {  	v7 =	vbroadcast v7, $0x0;
	v4 =	vadd.f32 v6, v4;
	_ =	sdelay $0x1  }
0x3c1: {  	v4 =	vadd.f32 v5, v4;
	_ =	sdelay $0x1  }
0x3c2: {  	[tilespmem:s2+$0x10] =	vst v4  }
0x3c3: {  	v4 =	vld [tilespmem:s31+$0xFFFFFF60]  }
0x3c4: {  	v5 =	vld [tilespmem:s31+$0xFFFFFFE0]  }
0x3c5: {  	v6 =	vld [tilespmem:s31+$0x60]  }
0x3c6: {  	v8 =	vld [tilespmem:s31+$0xE0];
	_ =	sdelay $0x1  }
0x3c7: {  	v4 =	vmul.f32 v4, v0  }
0x3c8: {  	v5 =	vmul.f32 v5, v1  }
0x3c9: {  	v6 =	vmul.f32 v6, v2  }
0x3ca: {  	v4 =	vadd.f32 v5, v4;
	v5 =	vmul.f32 v8, v3;
	_ =	sdelay $0x1  }
0x3cb: {  	v4 =	vadd.f32 v6, v4;
	_ =	sdelay $0x1  }
0x3cc: {  	v4 =	vadd.f32 v5, v4;
	_ =	sdelay $0x1  }
0x3cd: {  	[tilespmem:s2+$0x20] =	vst v4  }
0x3ce: {  	v4 =	vld [tilespmem:s31+$0xFFFFFF70]  }
0x3cf: {  	v5 =	vld [tilespmem:s31+$0xFFFFFFF0]  }
0x3d0: {  	v6 =	vld [tilespmem:s31+$0x70]  }
0x3d1: {  	v8 =	vld [tilespmem:s31+$0xF0];
	s31 =	smov.u32 s22;
	_ =	sdelay $0x1  }
0x3d2: {  	v0 =	vmul.f32 v4, v0  }
0x3d3: {  	v1 =	vmul.f32 v5, v1  }
0x3d4: {  	v2 =	vmul.f32 v6, v2  }
0x3d5: {  	v0 =	vadd.f32 v1, v0;
	v1 =	vmul.f32 v8, v3  }
0x3d6: {  	v3 =	vbroadcast v9, $0x0  }
0x3d7: {  	v0 =	vadd.f32 v2, v0;
	_ =	sdelay $0x1  }
0x3d8: {  	v0 =	vadd.f32 v1, v0;
	_ =	sdelay $0x1  }
0x3d9: {  	[tilespmem:s2+$0x30] =	vst v0;
	s2 =	smov.u32 s0  }
0x3da: {  	s25 =	sadd.s32 $0x3, s25;
	v0 =	vld.idx.msk [tilespmem:v3+s16+$0x0], $0xffff  }
0x3db: {  	v3 =	vmov s25;
	v4 =	vld [tilespmem:s22+$0xFFFFFF80]  }
0x3dc: {  	v1 =	vld.idx.msk [tilespmem:v10+s16+$0x0], $0xffff  }
0x3dd: {  	v5 =	vld [tilespmem:s22+$0xFFFFFF00]  }
0x3de: {  	v2 =	vld.idx.msk [tilespmem:v7+s16+$0x0], $0xffff  }
0x3df: {  	v6 =	vld [tilespmem:s22+$0x0]  }
0x3e0: {  	v3 =	vld.idx.msk [tilespmem:v3+s16+$0x0], $0xffff  }
0x3e1: {  	v7 =	vld [tilespmem:s22+$0x80]  }
0x3e2: {  	v4 =	vmul.f32 v4, v1;
	v5 =	vmul.f32 v5, v0;
	_ =	sdelay $0x1  }
0x3e3: {  	v4 =	vadd.f32 v4, v5;
	v5 =	vmul.f32 v6, v2;
	_ =	sdelay $0x1  }
0x3e4: {  	v4 =	vadd.f32 v5, v4;
	v5 =	vmul.f32 v7, v3;
	_ =	sdelay $0x1  }
0x3e5: {  	v4 =	vadd.f32 v5, v4;
	_ =	sdelay $0x1  }
0x3e6: {  	[tilespmem:s0+$0xFFFFFFC0] =	vst v4  }
0x3e7: {  	v4 =	vld [tilespmem:s22+$0xFFFFFF10]  }
0x3e8: {  	v5 =	vld [tilespmem:s22+$0xFFFFFF90];
	_ =	sdelay $0x1  }
0x3e9: {  	v6 =	vld [tilespmem:s22+$0x10];
	_ =	sdelay $0x1  }
0x3ea: {  	v4 =	vmul.f32 v4, v0;
	v7 =	vld [tilespmem:s22+$0x90]  }
0x3eb: {  	v5 =	vmul.f32 v5, v1;
	_ =	sdelay $0x1  }
0x3ec: {  	v4 =	vadd.f32 v5, v4;
	v5 =	vmul.f32 v6, v2;
	_ =	sdelay $0x1  }
0x3ed: {  	v4 =	vadd.f32 v5, v4;
	v5 =	vmul.f32 v7, v3;
	_ =	sdelay $0x1  }
0x3ee: {  	v4 =	vadd.f32 v5, v4;
	_ =	sdelay $0x1  }
0x3ef: {  	[tilespmem:s0+$0xFFFFFFD0] =	vst v4  }
0x3f0: {  	v4 =	vld [tilespmem:s22+$0xFFFFFF20]  }
0x3f1: {  	v5 =	vld [tilespmem:s22+$0xFFFFFFA0]  }
0x3f2: {  	v6 =	vld [tilespmem:s22+$0xA0]  }
0x3f3: {  	v7 =	vld [tilespmem:s22+$0x20];
	_ =	sdelay $0x2  }
0x3f4: {  	v4 =	vmul.f32 v4, v0;
	v5 =	vmul.f32 v5, v1  }
0x3f5: {  	v6 =	vmul.f32 v6, v3  }
0x3f6: {  	v4 =	vadd.f32 v5, v4;
	v5 =	vmul.f32 v7, v2;
	_ =	sdelay $0x1  }
0x3f7: {  	v4 =	vadd.f32 v5, v4;
	_ =	sdelay $0x1  }
0x3f8: {  	v4 =	vadd.f32 v6, v4;
	_ =	sdelay $0x1  }
0x3f9: {  	[tilespmem:s0+$0xFFFFFFE0] =	vst v4  }
0x3fa: {  	v4 =	vld [tilespmem:s22+$0xFFFFFF30]  }
0x3fb: {  	v5 =	vld [tilespmem:s22+$0xFFFFFFB0]  }
0x3fc: {  	v6 =	vld [tilespmem:s22+$0x30];
	_ =	sdelay $0x2  }
0x3fd: {  	v4 =	vmul.f32 v4, v0;
	v7 =	vld [tilespmem:s22+$0xB0]  }
0x3fe: {  	v5 =	vmul.f32 v5, v1;
	_ =	sdelay $0x1  }
0x3ff: {  	v4 =	vadd.f32 v5, v4;
	v5 =	vmul.f32 v6, v2;
	_ =	sdelay $0x1  }
0x400: {  	v4 =	vadd.f32 v5, v4;
	v5 =	vmul.f32 v7, v3;
	_ =	sdelay $0x1  }
0x401: {  	v4 =	vadd.f32 v5, v4;
	_ =	sdelay $0x1  }
0x402: {  	[tilespmem:s0+$0xFFFFFFF0] =	vst v4  }
0x403: {  	v4 =	vld [tilespmem:s22+$0xFFFFFF40]  }
0x404: {  	v5 =	vld [tilespmem:s22+$0xFFFFFFC0];
	_ =	sdelay $0x1  }
0x405: {  	v6 =	vld [tilespmem:s22+$0x40];
	_ =	sdelay $0x1  }
0x406: {  	v7 =	vld [tilespmem:s22+$0xC0]  }
0x407: {  	v4 =	vmul.f32 v4, v0;
	v5 =	vmul.f32 v5, v1;
	_ =	sdelay $0x1  }
0x408: {  	v4 =	vadd.f32 v5, v4;
	v5 =	vmul.f32 v6, v2;
	_ =	sdelay $0x1  }
0x409: {  	v4 =	vadd.f32 v5, v4;
	v5 =	vmul.f32 v7, v3;
	_ =	sdelay $0x1  }
.Ltmp5:
0x40a: {  	v4 =	vadd.f32 v5, v4;
	(pc) =	sbr.rel @p0 .LBB2_12-.Ltmp5, $4  }
0x40b: {  	_ = 	snop  }
0x40c: {  	[tilespmem:s0+$0x0] =	vst v4  }
0x40d: {  	v4 =	vld [tilespmem:s22+$0xFFFFFF50]  }
0x40e: {  	s26 =	smov.u32 s24;
	s22 =	sadd.s32 $0x200, s22;
	v5 =	vld [tilespmem:s31+$0xFFFFFFD0]  }
0x40f: {  	_ = 	snop  }
0x410: {  	v6 =	vld [tilespmem:s31+$0x50];
	_ =	sdelay $0x1  }
0x411: {  	v7 =	vld [tilespmem:s31+$0xD0]  }
0x412: {  	v4 =	vmul.f32 v4, v0;
	v5 =	vmul.f32 v5, v1;
	_ =	sdelay $0x1  }
0x413: {  	v6 =	vmul.f32 v6, v2;
	v4 =	vadd.f32 v5, v4;
	_ =	sdelay $0x1  }
0x414: {  	v5 =	vmul.f32 v7, v3;
	v4 =	vadd.f32 v6, v4;
	_ =	sdelay $0x1  }
0x415: {  	v4 =	vadd.f32 v5, v4;
	_ =	sdelay $0x1  }
0x416: {  	[tilespmem:s2+$0x10] =	vst v4  }
0x417: {  	v4 =	vld [tilespmem:s31+$0xFFFFFF60]  }
0x418: {  	v5 =	vld [tilespmem:s31+$0xFFFFFFE0];
	_ =	sdelay $0x1  }
0x419: {  	v6 =	vld [tilespmem:s31+$0x60];
	_ =	sdelay $0x1  }
0x41a: {  	v7 =	vld [tilespmem:s31+$0xE0]  }
0x41b: {  	v4 =	vmul.f32 v4, v0;
	v5 =	vmul.f32 v5, v1;
	_ =	sdelay $0x1  }
0x41c: {  	v6 =	vmul.f32 v6, v2;
	v4 =	vadd.f32 v5, v4;
	_ =	sdelay $0x1  }
0x41d: {  	v5 =	vmul.f32 v7, v3;
	v4 =	vadd.f32 v6, v4;
	_ =	sdelay $0x1  }
0x41e: {  	v4 =	vadd.f32 v5, v4;
	_ =	sdelay $0x1  }
0x41f: {  	[tilespmem:s2+$0x20] =	vst v4  }
0x420: {  	v4 =	vld [tilespmem:s31+$0xFFFFFF70]  }
0x421: {  	v5 =	vld [tilespmem:s31+$0xFFFFFFF0];
	_ =	sdelay $0x1  }
0x422: {  	v6 =	vld [tilespmem:s31+$0x70];
	_ =	sdelay $0x1  }
0x423: {  	v7 =	vld [tilespmem:s31+$0xF0]  }
0x424: {  	v0 =	vmul.f32 v4, v0;
	v1 =	vmul.f32 v5, v1;
	_ =	sdelay $0x1  }
0x425: {  	v2 =	vmul.f32 v6, v2;
	v0 =	vadd.f32 v1, v0;
	_ =	sdelay $0x1  }
0x426: {  	v1 =	vmul.f32 v7, v3;
	v0 =	vadd.f32 v2, v0;
	_ =	sdelay $0x1  }
0x427: {  	v0 =	vadd.f32 v1, v0;
	_ =	sdelay $0x1  }
0x428: {  	s0 =	simm.s32 $0x300;
	[tilespmem:s2+$0x30] =	vst v0  }
0x429: {  	v0 =	vmov s0;
	[hbm4b:s11+s3] =	stream.linear.scatter [tilespmem:s21], [sflag:$0x3], $0x1000, $0x38;
	[tilespmem:$0x9800] =	vst v63  }
0x42a: {  	s25 =	simm.s32 $0x301;
	v0 =	vand.u32 $0xFFFFFFFC, v0;
	_ =	swait.ge [sflag:s15], $0x1000  }
0x42b: {  	v1 =	vmov s25;
	v0 =	vbroadcast v0, $0x0;
	[sflag:s15] =	ssyncset.done $0x0  }
0x42c: {  	s26 =	simm.s32 $0x302;
	s28 =	simm.s32 $0x380;
	v1 =	vand.u32 $0xFFFFFFFD, v1;
	[sflag:s15] =	ssyncadd.s32 $0xFFFFF000  }
0x42d: {  	v2 =	vmov s26;
	v1 =	vbroadcast v1, $0x0;
	[tilespmem:s19], [sflag:$0x2] =	stream.indirect.gather [hbm4b:s1+s17], $0x80, s28, s17, $0xb8;
	[tilespmem:$0x9800] =	vst v63  }
0x42e: {  	v2 =	vand.u32 $0xFFFFFFFE, v2;
	_ =	swait.ge [sflag:s20], $0x4000  }
0x42f: {  	v2 =	vbroadcast v2, $0x0;
	[sflag:s20] =	ssyncset.done $0x0  }
0x430: {  	[sflag:s20] =	ssyncadd.s32 $0xFFFFC000  }
0x431: {  	s29 =	simm.s32 $0x303;
	s31 =	simm.s32 $0x900;
	v0 =	vld.idx.msk [tilespmem:v0+s16+$0x0], $0xffff  }
0x432: {  	v3 =	vmov s29;
	v4 =	vld [tilespmem:s31+$0xFFFFFF80]  }
0x433: {  	v1 =	vld.idx.msk [tilespmem:v1+s16+$0x0], $0xffff  }
0x434: {  	v5 =	vld [tilespmem:s31+$0xFFFFFF00]  }
0x435: {  	v2 =	vld.idx.msk [tilespmem:v2+s16+$0x0], $0xffff  }
0x436: {  	v6 =	vld [tilespmem:s31+$0x0]  }
0x437: {  	v3 =	vld.idx.msk [tilespmem:v3+s16+$0x0], $0xffff  }
0x438: {  	v7 =	vld [tilespmem:s31+$0x80]  }
0x439: {  	v5 =	vmul.f32 v5, v0;
	v4 =	vmul.f32 v4, v1;
	_ =	sdelay $0x1  }
0x43a: {  	v4 =	vadd.f32 v4, v5;
	v5 =	vmul.f32 v6, v2;
	_ =	sdelay $0x1  }
0x43b: {  	v4 =	vadd.f32 v5, v4;
	v5 =	vmul.f32 v7, v3;
	_ =	sdelay $0x1  }
0x43c: {  	v4 =	vadd.f32 v5, v4  }
0x43d: {  	s0 =	simm.s32 $0x8840  }
0x43e: {  	[tilespmem:s0+$0xFFFFFFC0] =	vst v4  }
0x43f: {  	v4 =	vld [tilespmem:s31+$0xFFFFFF10]  }
0x440: {  	v5 =	vld [tilespmem:s31+$0xFFFFFF90];
	_ =	sdelay $0x1  }
0x441: {  	v6 =	vld [tilespmem:s31+$0x10];
	_ =	sdelay $0x1  }
0x442: {  	v7 =	vld [tilespmem:s31+$0x90]  }
0x443: {  	v4 =	vmul.f32 v4, v0;
	v5 =	vmul.f32 v5, v1;
	_ =	sdelay $0x1  }
0x444: {  	v4 =	vadd.f32 v5, v4;
	v5 =	vmul.f32 v6, v2;
	_ =	sdelay $0x1  }
0x445: {  	v4 =	vadd.f32 v5, v4;
	v5 =	vmul.f32 v7, v3;
	_ =	sdelay $0x1  }
0x446: {  	v4 =	vadd.f32 v5, v4;
	_ =	sdelay $0x1  }
0x447: {  	[tilespmem:s0+$0xFFFFFFD0] =	vst v4  }
0x448: {  	v4 =	vld [tilespmem:s31+$0xFFFFFF20]  }
0x449: {  	v5 =	vld [tilespmem:s31+$0xFFFFFFA0];
	_ =	sdelay $0x1  }
0x44a: {  	v6 =	vld [tilespmem:s31+$0x20];
	_ =	sdelay $0x1  }
0x44b: {  	v7 =	vld [tilespmem:s31+$0xA0]  }
0x44c: {  	v4 =	vmul.f32 v4, v0;
	v5 =	vmul.f32 v5, v1;
	_ =	sdelay $0x1  }
0x44d: {  	v4 =	vadd.f32 v5, v4;
	v5 =	vmul.f32 v6, v2;
	_ =	sdelay $0x1  }
0x44e: {  	v6 =	vmul.f32 v7, v3;
	v4 =	vadd.f32 v5, v4;
	_ =	sdelay $0x1  }
0x44f: {  	v4 =	vadd.f32 v6, v4;
	_ =	sdelay $0x1  }
0x450: {  	[tilespmem:s0+$0xFFFFFFE0] =	vst v4  }
0x451: {  	v4 =	vld [tilespmem:s31+$0xFFFFFF30]  }
0x452: {  	v5 =	vld [tilespmem:s31+$0xFFFFFFB0];
	_ =	sdelay $0x1  }
0x453: {  	v6 =	vld [tilespmem:s31+$0x30];
	_ =	sdelay $0x1  }
0x454: {  	v7 =	vld [tilespmem:s31+$0xB0]  }
0x455: {  	v4 =	vmul.f32 v4, v0;
	v5 =	vmul.f32 v5, v1;
	_ =	sdelay $0x1  }
0x456: {  	v4 =	vadd.f32 v5, v4;
	v5 =	vmul.f32 v6, v2;
	_ =	sdelay $0x1  }
0x457: {  	v4 =	vadd.f32 v5, v4;
	v5 =	vmul.f32 v7, v3;
	_ =	sdelay $0x1  }
0x458: {  	v4 =	vadd.f32 v5, v4;
	_ =	sdelay $0x1  }
0x459: {  	[tilespmem:s0+$0xFFFFFFF0] =	vst v4  }
0x45a: {  	v4 =	vld [tilespmem:s31+$0xFFFFFF40]  }
0x45b: {  	v5 =	vld [tilespmem:s31+$0xFFFFFFC0];
	_ =	sdelay $0x1  }
0x45c: {  	v6 =	vld [tilespmem:s31+$0x40];
	_ =	sdelay $0x1  }
0x45d: {  	v7 =	vld [tilespmem:s31+$0xC0]  }
0x45e: {  	v4 =	vmul.f32 v4, v0;
	v5 =	vmul.f32 v5, v1;
	_ =	sdelay $0x1  }
0x45f: {  	v4 =	vadd.f32 v5, v4;
	v5 =	vmul.f32 v6, v2;
	_ =	sdelay $0x1  }
0x460: {  	v4 =	vadd.f32 v5, v4;
	v5 =	vmul.f32 v7, v3;
	_ =	sdelay $0x1  }
0x461: {  	v4 =	vadd.f32 v5, v4;
	_ =	sdelay $0x1  }
0x462: {  	[tilespmem:s0+$0x0] =	vst v4  }
0x463: {  	v4 =	vld [tilespmem:s31+$0xFFFFFF50]  }
0x464: {  	s22 =	simm.s32 $0xB00;
	s26 =	simm.s32 $0x304;
	s2 =	simm.s32 $0x8840;
	v5 =	vld [tilespmem:s31+$0xFFFFFFD0]  }
.LBB2_14:
0x465: {  	s28 =	sadd.s32 $0x2, s26  }
0x466: {  	v6 =	vld [tilespmem:s31+$0x50];
	s0 =	sadd.s32 $0x80, s0;
	s25 =	smov.u32 s26;
	s24 =	sadd.s32 $0x4, s26  }
0x467: {  	p0 =	sne.s32 s26, $0x37C;
	s29 =	sadd.s32 $0x1, s25;
	v7 =	vmov s28;
	v8 =	vld [tilespmem:s31+$0xD0]  }
0x468: {  	v9 =	vmov s25;
	v10 =	vmov s29  }
0x469: {  	v9 =	vand.u32 $0xFFFFFFFC, v9;
	v10 =	vand.u32 $0xFFFFFFFD, v10;
	v4 =	vmul.f32 v4, v0  }
0x46a: {  	v10 =	vbroadcast v10, $0x0;
	v5 =	vmul.f32 v5, v1  }
0x46b: {  	v6 =	vmul.f32 v6, v2  }
0x46c: {  	v4 =	vadd.f32 v5, v4;
	v5 =	vmul.f32 v8, v3  }
0x46d: {  	v7 =	vand.u32 $0xFFFFFFFE, v7  }
0x46e: {  	v7 =	vbroadcast v7, $0x0;
	v4 =	vadd.f32 v6, v4;
	_ =	sdelay $0x1  }
0x46f: {  	v4 =	vadd.f32 v5, v4;
	_ =	sdelay $0x1  }
0x470: {  	[tilespmem:s2+$0x10] =	vst v4  }
0x471: {  	v4 =	vld [tilespmem:s31+$0xFFFFFF60]  }
0x472: {  	v5 =	vld [tilespmem:s31+$0xFFFFFFE0]  }
0x473: {  	v6 =	vld [tilespmem:s31+$0x60]  }
0x474: {  	v8 =	vld [tilespmem:s31+$0xE0];
	_ =	sdelay $0x1  }
0x475: {  	v4 =	vmul.f32 v4, v0  }
0x476: {  	v5 =	vmul.f32 v5, v1  }
0x477: {  	v6 =	vmul.f32 v6, v2  }
0x478: {  	v4 =	vadd.f32 v5, v4;
	v5 =	vmul.f32 v8, v3;
	_ =	sdelay $0x1  }
0x479: {  	v4 =	vadd.f32 v6, v4;
	_ =	sdelay $0x1  }
0x47a: {  	v4 =	vadd.f32 v5, v4;
	_ =	sdelay $0x1  }
0x47b: {  	[tilespmem:s2+$0x20] =	vst v4  }
0x47c: {  	v4 =	vld [tilespmem:s31+$0xFFFFFF70]  }
0x47d: {  	v5 =	vld [tilespmem:s31+$0xFFFFFFF0]  }
0x47e: {  	v6 =	vld [tilespmem:s31+$0x70]  }
0x47f: {  	v8 =	vld [tilespmem:s31+$0xF0];
	s31 =	smov.u32 s22;
	_ =	sdelay $0x1  }
0x480: {  	v0 =	vmul.f32 v4, v0  }
0x481: {  	v1 =	vmul.f32 v5, v1  }
0x482: {  	v2 =	vmul.f32 v6, v2  }
0x483: {  	v0 =	vadd.f32 v1, v0;
	v1 =	vmul.f32 v8, v3  }
0x484: {  	v3 =	vbroadcast v9, $0x0  }
0x485: {  	v0 =	vadd.f32 v2, v0;
	_ =	sdelay $0x1  }
0x486: {  	v0 =	vadd.f32 v1, v0;
	_ =	sdelay $0x1  }
0x487: {  	[tilespmem:s2+$0x30] =	vst v0;
	s2 =	smov.u32 s0  }
0x488: {  	s25 =	sadd.s32 $0x3, s25;
	v0 =	vld.idx.msk [tilespmem:v3+s16+$0x0], $0xffff  }
0x489: {  	v3 =	vmov s25;
	v4 =	vld [tilespmem:s22+$0xFFFFFF80]  }
0x48a: {  	v1 =	vld.idx.msk [tilespmem:v10+s16+$0x0], $0xffff  }
0x48b: {  	v5 =	vld [tilespmem:s22+$0xFFFFFF00]  }
0x48c: {  	v2 =	vld.idx.msk [tilespmem:v7+s16+$0x0], $0xffff  }
0x48d: {  	v6 =	vld [tilespmem:s22+$0x0]  }
0x48e: {  	v3 =	vld.idx.msk [tilespmem:v3+s16+$0x0], $0xffff  }
0x48f: {  	v7 =	vld [tilespmem:s22+$0x80]  }
0x490: {  	v4 =	vmul.f32 v4, v1;
	v5 =	vmul.f32 v5, v0;
	_ =	sdelay $0x1  }
0x491: {  	v4 =	vadd.f32 v4, v5;
	v5 =	vmul.f32 v6, v2;
	_ =	sdelay $0x1  }
0x492: {  	v4 =	vadd.f32 v5, v4;
	v5 =	vmul.f32 v7, v3;
	_ =	sdelay $0x1  }
0x493: {  	v4 =	vadd.f32 v5, v4;
	_ =	sdelay $0x1  }
0x494: {  	[tilespmem:s0+$0xFFFFFFC0] =	vst v4  }
0x495: {  	v4 =	vld [tilespmem:s22+$0xFFFFFF10]  }
0x496: {  	v5 =	vld [tilespmem:s22+$0xFFFFFF90];
	_ =	sdelay $0x1  }
0x497: {  	v6 =	vld [tilespmem:s22+$0x10];
	_ =	sdelay $0x1  }
0x498: {  	v4 =	vmul.f32 v4, v0;
	v7 =	vld [tilespmem:s22+$0x90]  }
0x499: {  	v5 =	vmul.f32 v5, v1;
	_ =	sdelay $0x1  }
0x49a: {  	v4 =	vadd.f32 v5, v4;
	v5 =	vmul.f32 v6, v2;
	_ =	sdelay $0x1  }
0x49b: {  	v4 =	vadd.f32 v5, v4;
	v5 =	vmul.f32 v7, v3;
	_ =	sdelay $0x1  }
0x49c: {  	v4 =	vadd.f32 v5, v4;
	_ =	sdelay $0x1  }
0x49d: {  	[tilespmem:s0+$0xFFFFFFD0] =	vst v4  }
0x49e: {  	v4 =	vld [tilespmem:s22+$0xFFFFFF20]  }
0x49f: {  	v5 =	vld [tilespmem:s22+$0xFFFFFFA0]  }
0x4a0: {  	v6 =	vld [tilespmem:s22+$0xA0]  }
0x4a1: {  	v7 =	vld [tilespmem:s22+$0x20];
	_ =	sdelay $0x2  }
0x4a2: {  	v4 =	vmul.f32 v4, v0;
	v5 =	vmul.f32 v5, v1  }
0x4a3: {  	v6 =	vmul.f32 v6, v3  }
0x4a4: {  	v4 =	vadd.f32 v5, v4;
	v5 =	vmul.f32 v7, v2;
	_ =	sdelay $0x1  }
0x4a5: {  	v4 =	vadd.f32 v5, v4;
	_ =	sdelay $0x1  }
0x4a6: {  	v4 =	vadd.f32 v6, v4;
	_ =	sdelay $0x1  }
0x4a7: {  	[tilespmem:s0+$0xFFFFFFE0] =	vst v4  }
0x4a8: {  	v4 =	vld [tilespmem:s22+$0xFFFFFF30]  }
0x4a9: {  	v5 =	vld [tilespmem:s22+$0xFFFFFFB0]  }
0x4aa: {  	v6 =	vld [tilespmem:s22+$0x30];
	_ =	sdelay $0x2  }
0x4ab: {  	v4 =	vmul.f32 v4, v0;
	v7 =	vld [tilespmem:s22+$0xB0]  }
0x4ac: {  	v5 =	vmul.f32 v5, v1;
	_ =	sdelay $0x1  }
0x4ad: {  	v4 =	vadd.f32 v5, v4;
	v5 =	vmul.f32 v6, v2;
	_ =	sdelay $0x1  }
0x4ae: {  	v4 =	vadd.f32 v5, v4;
	v5 =	vmul.f32 v7, v3;
	_ =	sdelay $0x1  }
0x4af: {  	v4 =	vadd.f32 v5, v4;
	_ =	sdelay $0x1  }
0x4b0: {  	[tilespmem:s0+$0xFFFFFFF0] =	vst v4  }
0x4b1: {  	v4 =	vld [tilespmem:s22+$0xFFFFFF40]  }
0x4b2: {  	v5 =	vld [tilespmem:s22+$0xFFFFFFC0];
	_ =	sdelay $0x1  }
0x4b3: {  	v6 =	vld [tilespmem:s22+$0x40];
	_ =	sdelay $0x1  }
0x4b4: {  	v7 =	vld [tilespmem:s22+$0xC0]  }
0x4b5: {  	v4 =	vmul.f32 v4, v0;
	v5 =	vmul.f32 v5, v1;
	_ =	sdelay $0x1  }
0x4b6: {  	v4 =	vadd.f32 v5, v4;
	v5 =	vmul.f32 v6, v2;
	_ =	sdelay $0x1  }
0x4b7: {  	v4 =	vadd.f32 v5, v4;
	v5 =	vmul.f32 v7, v3;
	_ =	sdelay $0x1  }
.Ltmp6:
0x4b8: {  	v4 =	vadd.f32 v5, v4;
	(pc) =	sbr.rel @p0 .LBB2_14-.Ltmp6, $4  }
0x4b9: {  	_ = 	snop  }
0x4ba: {  	[tilespmem:s0+$0x0] =	vst v4  }
0x4bb: {  	v4 =	vld [tilespmem:s22+$0xFFFFFF50]  }
0x4bc: {  	s26 =	smov.u32 s24;
	s22 =	sadd.s32 $0x200, s22;
	v5 =	vld [tilespmem:s31+$0xFFFFFFD0]  }
0x4bd: {  	_ = 	snop  }
0x4be: {  	v6 =	vld [tilespmem:s31+$0x50];
	_ =	sdelay $0x1  }
0x4bf: {  	v7 =	vld [tilespmem:s31+$0xD0]  }
0x4c0: {  	v4 =	vmul.f32 v4, v0;
	v5 =	vmul.f32 v5, v1;
	_ =	sdelay $0x1  }
0x4c1: {  	v6 =	vmul.f32 v6, v2;
	v4 =	vadd.f32 v5, v4;
	_ =	sdelay $0x1  }
0x4c2: {  	v5 =	vmul.f32 v7, v3;
	v4 =	vadd.f32 v6, v4;
	_ =	sdelay $0x1  }
0x4c3: {  	v4 =	vadd.f32 v5, v4;
	_ =	sdelay $0x1  }
0x4c4: {  	[tilespmem:s2+$0x10] =	vst v4  }
0x4c5: {  	v4 =	vld [tilespmem:s31+$0xFFFFFF60]  }
0x4c6: {  	v5 =	vld [tilespmem:s31+$0xFFFFFFE0];
	_ =	sdelay $0x1  }
0x4c7: {  	v6 =	vld [tilespmem:s31+$0x60];
	_ =	sdelay $0x1  }
0x4c8: {  	v7 =	vld [tilespmem:s31+$0xE0]  }
0x4c9: {  	v4 =	vmul.f32 v4, v0;
	v5 =	vmul.f32 v5, v1;
	_ =	sdelay $0x1  }
0x4ca: {  	v6 =	vmul.f32 v6, v2;
	v4 =	vadd.f32 v5, v4;
	_ =	sdelay $0x1  }
0x4cb: {  	v5 =	vmul.f32 v7, v3;
	v4 =	vadd.f32 v6, v4;
	_ =	sdelay $0x1  }
0x4cc: {  	v4 =	vadd.f32 v5, v4;
	_ =	sdelay $0x1  }
0x4cd: {  	[tilespmem:s2+$0x20] =	vst v4  }
0x4ce: {  	v4 =	vld [tilespmem:s31+$0xFFFFFF70]  }
0x4cf: {  	v5 =	vld [tilespmem:s31+$0xFFFFFFF0];
	_ =	sdelay $0x1  }
0x4d0: {  	v6 =	vld [tilespmem:s31+$0x70];
	_ =	sdelay $0x1  }
0x4d1: {  	v7 =	vld [tilespmem:s31+$0xF0]  }
0x4d2: {  	v0 =	vmul.f32 v4, v0;
	v1 =	vmul.f32 v5, v1;
	_ =	sdelay $0x1  }
0x4d3: {  	v2 =	vmul.f32 v6, v2;
	v0 =	vadd.f32 v1, v0;
	_ =	sdelay $0x1  }
0x4d4: {  	v1 =	vmul.f32 v7, v3;
	v0 =	vadd.f32 v2, v0;
	_ =	sdelay $0x1  }
0x4d5: {  	v0 =	vadd.f32 v1, v0  }
0x4d6: {  	s0 =	simm.s32 $0x380  }
0x4d7: {  	s26 =	simm.s32 $0x381;
	[tilespmem:s2+$0x30] =	vst v0;
	v0 =	vmov s0  }
0x4d8: {  	[hbm4b:s12+s3] =	stream.linear.scatter [tilespmem:s21], [sflag:$0x3], $0x1000, $0x38;
	v0 =	vand.u32 $0xFFFFFFFC, v0;
	[tilespmem:$0x9800] =	vst v63  }
0x4d9: {  	v1 =	vmov s26;
	_ =	swait.ge [sflag:s15], $0x1000;
	v0 =	vbroadcast v0, $0x0  }
0x4da: {  	s28 =	simm.s32 $0x382;
	v1 =	vand.u32 $0xFFFFFFFD, v1;
	[sflag:s15] =	ssyncset.done $0x0  }
0x4db: {  	v2 =	vmov s28;
	v1 =	vbroadcast v1, $0x0;
	[sflag:s15] =	ssyncadd.s32 $0xFFFFF000  }
0x4dc: {  	v2 =	vand.u32 $0xFFFFFFFE, v2;
	_ =	swait.ge [sflag:s23], $0x4000  }
0x4dd: {  	v2 =	vbroadcast v2, $0x0;
	[sflag:s23] =	ssyncset.done $0x0  }
0x4de: {  	[sflag:s23] =	ssyncadd.s32 $0xFFFFC000  }
0x4df: {  	s29 =	simm.s32 $0x383;
	s31 =	simm.s32 $0x4900;
	v0 =	vld.idx.msk [tilespmem:v0+s16+$0x0], $0xffff  }
0x4e0: {  	v3 =	vmov s29;
	v4 =	vld [tilespmem:s31+$0xFFFFFF80]  }
0x4e1: {  	v1 =	vld.idx.msk [tilespmem:v1+s16+$0x0], $0xffff  }
0x4e2: {  	v5 =	vld [tilespmem:s31+$0xFFFFFF00]  }
0x4e3: {  	v2 =	vld.idx.msk [tilespmem:v2+s16+$0x0], $0xffff  }
0x4e4: {  	v6 =	vld [tilespmem:s31+$0x0]  }
0x4e5: {  	v3 =	vld.idx.msk [tilespmem:v3+s16+$0x0], $0xffff  }
0x4e6: {  	v7 =	vld [tilespmem:s31+$0x80]  }
0x4e7: {  	v5 =	vmul.f32 v5, v0;
	v4 =	vmul.f32 v4, v1;
	_ =	sdelay $0x1  }
0x4e8: {  	v4 =	vadd.f32 v4, v5;
	v5 =	vmul.f32 v6, v2;
	_ =	sdelay $0x1  }
0x4e9: {  	v4 =	vadd.f32 v5, v4;
	v5 =	vmul.f32 v7, v3;
	_ =	sdelay $0x1  }
0x4ea: {  	v4 =	vadd.f32 v5, v4  }
0x4eb: {  	s0 =	simm.s32 $0x8840  }
0x4ec: {  	[tilespmem:s0+$0xFFFFFFC0] =	vst v4  }
0x4ed: {  	v4 =	vld [tilespmem:s31+$0xFFFFFF10]  }
0x4ee: {  	v5 =	vld [tilespmem:s31+$0xFFFFFF90];
	_ =	sdelay $0x1  }
0x4ef: {  	v6 =	vld [tilespmem:s31+$0x10];
	_ =	sdelay $0x1  }
0x4f0: {  	v7 =	vld [tilespmem:s31+$0x90]  }
0x4f1: {  	v4 =	vmul.f32 v4, v0;
	v5 =	vmul.f32 v5, v1;
	_ =	sdelay $0x1  }
0x4f2: {  	v4 =	vadd.f32 v5, v4;
	v5 =	vmul.f32 v6, v2;
	_ =	sdelay $0x1  }
0x4f3: {  	v4 =	vadd.f32 v5, v4;
	v5 =	vmul.f32 v7, v3;
	_ =	sdelay $0x1  }
0x4f4: {  	v4 =	vadd.f32 v5, v4;
	_ =	sdelay $0x1  }
0x4f5: {  	[tilespmem:s0+$0xFFFFFFD0] =	vst v4  }
0x4f6: {  	v4 =	vld [tilespmem:s31+$0xFFFFFF20]  }
0x4f7: {  	v5 =	vld [tilespmem:s31+$0xFFFFFFA0];
	_ =	sdelay $0x1  }
0x4f8: {  	v6 =	vld [tilespmem:s31+$0x20];
	_ =	sdelay $0x1  }
0x4f9: {  	v7 =	vld [tilespmem:s31+$0xA0]  }
0x4fa: {  	v4 =	vmul.f32 v4, v0;
	v5 =	vmul.f32 v5, v1;
	_ =	sdelay $0x1  }
0x4fb: {  	v4 =	vadd.f32 v5, v4;
	v5 =	vmul.f32 v6, v2;
	_ =	sdelay $0x1  }
0x4fc: {  	v6 =	vmul.f32 v7, v3;
	v4 =	vadd.f32 v5, v4;
	_ =	sdelay $0x1  }
0x4fd: {  	v4 =	vadd.f32 v6, v4;
	_ =	sdelay $0x1  }
0x4fe: {  	[tilespmem:s0+$0xFFFFFFE0] =	vst v4  }
0x4ff: {  	v4 =	vld [tilespmem:s31+$0xFFFFFF30]  }
0x500: {  	v5 =	vld [tilespmem:s31+$0xFFFFFFB0];
	_ =	sdelay $0x1  }
0x501: {  	v6 =	vld [tilespmem:s31+$0x30];
	_ =	sdelay $0x1  }
0x502: {  	v7 =	vld [tilespmem:s31+$0xB0]  }
0x503: {  	v4 =	vmul.f32 v4, v0;
	v5 =	vmul.f32 v5, v1;
	_ =	sdelay $0x1  }
0x504: {  	v4 =	vadd.f32 v5, v4;
	v5 =	vmul.f32 v6, v2;
	_ =	sdelay $0x1  }
0x505: {  	v4 =	vadd.f32 v5, v4;
	v5 =	vmul.f32 v7, v3;
	_ =	sdelay $0x1  }
0x506: {  	v4 =	vadd.f32 v5, v4;
	_ =	sdelay $0x1  }
0x507: {  	[tilespmem:s0+$0xFFFFFFF0] =	vst v4  }
0x508: {  	v4 =	vld [tilespmem:s31+$0xFFFFFF40]  }
0x509: {  	v5 =	vld [tilespmem:s31+$0xFFFFFFC0];
	_ =	sdelay $0x1  }
0x50a: {  	v6 =	vld [tilespmem:s31+$0x40];
	_ =	sdelay $0x1  }
0x50b: {  	v7 =	vld [tilespmem:s31+$0xC0]  }
0x50c: {  	v4 =	vmul.f32 v4, v0;
	v5 =	vmul.f32 v5, v1;
	_ =	sdelay $0x1  }
0x50d: {  	v4 =	vadd.f32 v5, v4;
	v5 =	vmul.f32 v6, v2;
	_ =	sdelay $0x1  }
0x50e: {  	v4 =	vadd.f32 v5, v4;
	v5 =	vmul.f32 v7, v3;
	_ =	sdelay $0x1  }
0x50f: {  	v4 =	vadd.f32 v5, v4;
	_ =	sdelay $0x1  }
0x510: {  	[tilespmem:s0+$0x0] =	vst v4  }
0x511: {  	v4 =	vld [tilespmem:s31+$0xFFFFFF50]  }
0x512: {  	s22 =	simm.s32 $0x4B00;
	s26 =	simm.s32 $0x384;
	s2 =	simm.s32 $0x8840;
	v5 =	vld [tilespmem:s31+$0xFFFFFFD0]  }
.LBB2_16:
0x513: {  	s28 =	sadd.s32 $0x2, s26  }
0x514: {  	v6 =	vld [tilespmem:s31+$0x50];
	s0 =	sadd.s32 $0x80, s0;
	s25 =	smov.u32 s26;
	s24 =	sadd.s32 $0x4, s26  }
0x515: {  	p0 =	sne.s32 s26, $0x3FC;
	s29 =	sadd.s32 $0x1, s25;
	v7 =	vmov s28;
	v8 =	vld [tilespmem:s31+$0xD0]  }
0x516: {  	v9 =	vmov s25;
	v10 =	vmov s29  }
0x517: {  	v9 =	vand.u32 $0xFFFFFFFC, v9;
	v10 =	vand.u32 $0xFFFFFFFD, v10;
	v4 =	vmul.f32 v4, v0  }
0x518: {  	v10 =	vbroadcast v10, $0x0;
	v5 =	vmul.f32 v5, v1  }
0x519: {  	v6 =	vmul.f32 v6, v2  }
0x51a: {  	v4 =	vadd.f32 v5, v4;
	v5 =	vmul.f32 v8, v3  }
0x51b: {  	v7 =	vand.u32 $0xFFFFFFFE, v7  }
0x51c: {  	v7 =	vbroadcast v7, $0x0;
	v4 =	vadd.f32 v6, v4;
	_ =	sdelay $0x1  }
0x51d: {  	v4 =	vadd.f32 v5, v4;
	_ =	sdelay $0x1  }
0x51e: {  	[tilespmem:s2+$0x10] =	vst v4  }
0x51f: {  	v4 =	vld [tilespmem:s31+$0xFFFFFF60]  }
0x520: {  	v5 =	vld [tilespmem:s31+$0xFFFFFFE0]  }
0x521: {  	v6 =	vld [tilespmem:s31+$0x60]  }
0x522: {  	v8 =	vld [tilespmem:s31+$0xE0];
	_ =	sdelay $0x1  }
0x523: {  	v4 =	vmul.f32 v4, v0  }
0x524: {  	v5 =	vmul.f32 v5, v1  }
0x525: {  	v6 =	vmul.f32 v6, v2  }
0x526: {  	v4 =	vadd.f32 v5, v4;
	v5 =	vmul.f32 v8, v3;
	_ =	sdelay $0x1  }
0x527: {  	v4 =	vadd.f32 v6, v4;
	_ =	sdelay $0x1  }
0x528: {  	v4 =	vadd.f32 v5, v4;
	_ =	sdelay $0x1  }
0x529: {  	[tilespmem:s2+$0x20] =	vst v4  }
0x52a: {  	v4 =	vld [tilespmem:s31+$0xFFFFFF70]  }
0x52b: {  	v5 =	vld [tilespmem:s31+$0xFFFFFFF0]  }
0x52c: {  	v6 =	vld [tilespmem:s31+$0x70]  }
0x52d: {  	v8 =	vld [tilespmem:s31+$0xF0];
	s31 =	smov.u32 s22;
	_ =	sdelay $0x1  }
0x52e: {  	v0 =	vmul.f32 v4, v0  }
0x52f: {  	v1 =	vmul.f32 v5, v1  }
0x530: {  	v2 =	vmul.f32 v6, v2  }
0x531: {  	v0 =	vadd.f32 v1, v0;
	v1 =	vmul.f32 v8, v3  }
0x532: {  	v3 =	vbroadcast v9, $0x0  }
0x533: {  	v0 =	vadd.f32 v2, v0;
	_ =	sdelay $0x1  }
0x534: {  	v0 =	vadd.f32 v1, v0;
	_ =	sdelay $0x1  }
0x535: {  	[tilespmem:s2+$0x30] =	vst v0;
	s2 =	smov.u32 s0  }
0x536: {  	s25 =	sadd.s32 $0x3, s25;
	v0 =	vld.idx.msk [tilespmem:v3+s16+$0x0], $0xffff  }
0x537: {  	v3 =	vmov s25;
	v4 =	vld [tilespmem:s22+$0xFFFFFF80]  }
0x538: {  	v1 =	vld.idx.msk [tilespmem:v10+s16+$0x0], $0xffff  }
0x539: {  	v5 =	vld [tilespmem:s22+$0xFFFFFF00]  }
0x53a: {  	v2 =	vld.idx.msk [tilespmem:v7+s16+$0x0], $0xffff  }
0x53b: {  	v6 =	vld [tilespmem:s22+$0x0]  }
0x53c: {  	v3 =	vld.idx.msk [tilespmem:v3+s16+$0x0], $0xffff  }
0x53d: {  	v7 =	vld [tilespmem:s22+$0x80]  }
0x53e: {  	v4 =	vmul.f32 v4, v1;
	v5 =	vmul.f32 v5, v0;
	_ =	sdelay $0x1  }
0x53f: {  	v4 =	vadd.f32 v4, v5;
	v5 =	vmul.f32 v6, v2;
	_ =	sdelay $0x1  }
0x540: {  	v4 =	vadd.f32 v5, v4;
	v5 =	vmul.f32 v7, v3;
	_ =	sdelay $0x1  }
0x541: {  	v4 =	vadd.f32 v5, v4;
	_ =	sdelay $0x1  }
0x542: {  	[tilespmem:s0+$0xFFFFFFC0] =	vst v4  }
0x543: {  	v4 =	vld [tilespmem:s22+$0xFFFFFF10]  }
0x544: {  	v5 =	vld [tilespmem:s22+$0xFFFFFF90];
	_ =	sdelay $0x1  }
0x545: {  	v6 =	vld [tilespmem:s22+$0x10];
	_ =	sdelay $0x1  }
0x546: {  	v4 =	vmul.f32 v4, v0;
	v7 =	vld [tilespmem:s22+$0x90]  }
0x547: {  	v5 =	vmul.f32 v5, v1;
	_ =	sdelay $0x1  }
0x548: {  	v4 =	vadd.f32 v5, v4;
	v5 =	vmul.f32 v6, v2;
	_ =	sdelay $0x1  }
0x549: {  	v4 =	vadd.f32 v5, v4;
	v5 =	vmul.f32 v7, v3;
	_ =	sdelay $0x1  }
0x54a: {  	v4 =	vadd.f32 v5, v4;
	_ =	sdelay $0x1  }
0x54b: {  	[tilespmem:s0+$0xFFFFFFD0] =	vst v4  }
0x54c: {  	v4 =	vld [tilespmem:s22+$0xFFFFFF20]  }
0x54d: {  	v5 =	vld [tilespmem:s22+$0xFFFFFFA0]  }
0x54e: {  	v6 =	vld [tilespmem:s22+$0xA0]  }
0x54f: {  	v7 =	vld [tilespmem:s22+$0x20];
	_ =	sdelay $0x2  }
0x550: {  	v4 =	vmul.f32 v4, v0;
	v5 =	vmul.f32 v5, v1  }
0x551: {  	v6 =	vmul.f32 v6, v3  }
0x552: {  	v4 =	vadd.f32 v5, v4;
	v5 =	vmul.f32 v7, v2;
	_ =	sdelay $0x1  }
0x553: {  	v4 =	vadd.f32 v5, v4;
	_ =	sdelay $0x1  }
0x554: {  	v4 =	vadd.f32 v6, v4;
	_ =	sdelay $0x1  }
0x555: {  	[tilespmem:s0+$0xFFFFFFE0] =	vst v4  }
0x556: {  	v4 =	vld [tilespmem:s22+$0xFFFFFF30]  }
0x557: {  	v5 =	vld [tilespmem:s22+$0xFFFFFFB0]  }
0x558: {  	v6 =	vld [tilespmem:s22+$0x30];
	_ =	sdelay $0x2  }
0x559: {  	v4 =	vmul.f32 v4, v0;
	v7 =	vld [tilespmem:s22+$0xB0]  }
0x55a: {  	v5 =	vmul.f32 v5, v1;
	_ =	sdelay $0x1  }
0x55b: {  	v4 =	vadd.f32 v5, v4;
	v5 =	vmul.f32 v6, v2;
	_ =	sdelay $0x1  }
0x55c: {  	v4 =	vadd.f32 v5, v4;
	v5 =	vmul.f32 v7, v3;
	_ =	sdelay $0x1  }
0x55d: {  	v4 =	vadd.f32 v5, v4;
	_ =	sdelay $0x1  }
0x55e: {  	[tilespmem:s0+$0xFFFFFFF0] =	vst v4  }
0x55f: {  	v4 =	vld [tilespmem:s22+$0xFFFFFF40]  }
0x560: {  	v5 =	vld [tilespmem:s22+$0xFFFFFFC0];
	_ =	sdelay $0x1  }
0x561: {  	v6 =	vld [tilespmem:s22+$0x40];
	_ =	sdelay $0x1  }
0x562: {  	v7 =	vld [tilespmem:s22+$0xC0]  }
0x563: {  	v4 =	vmul.f32 v4, v0;
	v5 =	vmul.f32 v5, v1;
	_ =	sdelay $0x1  }
0x564: {  	v4 =	vadd.f32 v5, v4;
	v5 =	vmul.f32 v6, v2;
	_ =	sdelay $0x1  }
0x565: {  	v4 =	vadd.f32 v5, v4;
	v5 =	vmul.f32 v7, v3;
	_ =	sdelay $0x1  }
.Ltmp7:
0x566: {  	v4 =	vadd.f32 v5, v4;
	(pc) =	sbr.rel @p0 .LBB2_16-.Ltmp7, $4  }
0x567: {  	_ = 	snop  }
0x568: {  	[tilespmem:s0+$0x0] =	vst v4  }
0x569: {  	v4 =	vld [tilespmem:s22+$0xFFFFFF50]  }
0x56a: {  	s26 =	smov.u32 s24;
	s22 =	sadd.s32 $0x200, s22;
	v5 =	vld [tilespmem:s31+$0xFFFFFFD0]  }
0x56b: {  	_ = 	snop  }
0x56c: {  	v6 =	vld [tilespmem:s31+$0x50];
	_ =	sdelay $0x1  }
0x56d: {  	v7 =	vld [tilespmem:s31+$0xD0]  }
0x56e: {  	v4 =	vmul.f32 v4, v0;
	v5 =	vmul.f32 v5, v1;
	_ =	sdelay $0x1  }
0x56f: {  	v6 =	vmul.f32 v6, v2;
	v4 =	vadd.f32 v5, v4;
	_ =	sdelay $0x1  }
0x570: {  	v52 =	vmul.f32 v7, v3;
	v4 =	vadd.f32 v6, v4;
	_ =	sdelay $0x1  }
0x571: {  	v4 =	vadd.f32 v52, v4;
	_ =	sdelay $0x1  }
0x572: {  	[tilespmem:s2+$0x10] =	vst v4  }
0x573: {  	v4 =	vld [tilespmem:s31+$0xFFFFFF60]  }
0x574: {  	v53 =	vld [tilespmem:s31+$0xFFFFFFE0];
	_ =	sdelay $0x1  }
0x575: {  	v54 =	vld [tilespmem:s31+$0x60];
	_ =	sdelay $0x1  }
0x576: {  	v55 =	vld [tilespmem:s31+$0xE0]  }
0x577: {  	v4 =	vmul.f32 v4, v0;
	v5 =	vmul.f32 v53, v1;
	_ =	sdelay $0x1  }
0x578: {  	v6 =	vmul.f32 v54, v2;
	v4 =	vadd.f32 v5, v4;
	_ =	sdelay $0x1  }
0x579: {  	v56 =	vmul.f32 v55, v3;
	v4 =	vadd.f32 v6, v4;
	_ =	sdelay $0x1  }
0x57a: {  	v4 =	vadd.f32 v56, v4;
	_ =	sdelay $0x1  }
0x57b: {  	[tilespmem:s2+$0x20] =	vst v4  }
0x57c: {  	v4 =	vld [tilespmem:s31+$0xFFFFFF70]  }
0x57d: {  	v57 =	vld [tilespmem:s31+$0xFFFFFFF0];
	_ =	sdelay $0x1  }
0x57e: {  	v58 =	vld [tilespmem:s31+$0x70];
	_ =	sdelay $0x1  }
0x57f: {  	v59 =	vld [tilespmem:s31+$0xF0]  }
0x580: {  	v60 =	vmul.f32 v4, v0;
	v61 =	vmul.f32 v57, v1;
	_ =	sdelay $0x1  }
0x581: {  	v62 =	vmul.f32 v58, v2;
	v0 =	vadd.f32 v61, v60;
	_ =	sdelay $0x1  }
0x582: {  	v63 =	vmul.f32 v59, v3;
	v0 =	vadd.f32 v62, v0;
	_ =	sdelay $0x1  }
0x583: {  	s30 =	sadd.s32 $0x1, s30;
	v0 =	vadd.f32 v63, v0  }
0x584: {  	p0 =	sne.s32 s30, s14  }
.Ltmp8:
0x585: {  	[tilespmem:s2+$0x30] =	vst v0;
	(pc) =	sbr.rel @p0 .LBB2_1-.Ltmp8, $4  }
0x586: {  	[hbm4b:s13+s3] =	stream.linear.scatter [tilespmem:s21], [sflag:$0x3], $0x1000, $0x38;
	[tilespmem:$0x9800] =	vst v63  }
0x587: {  	_ =	swait.ge [sflag:s15], $0x1000  }
0x588: {  	[sflag:s15] =	ssyncset.done $0x0  }
0x589: {  	[sflag:s15] =	ssyncadd.s32 $0xFFFFF000  }
0x58a: {  	_ =	sfence.sel $0x180000  }
0x58b: {  	[bflag:$0x0] =	sbarrier.arrive $0xFFFF  }
0x58c: {  	_ =	strace $0x90000047  }
0x58d: {  	s0 =	stileid.u32;
	[bflag:$0x2] =	sbarrier.arrive $0xFFFF  }
0x58e: {  	p0 =	sne.s32 s0, $0x0;
	s0 =	rddreg [dreg:$0x3]  }
0x58f: {  	s0 =	sadd.s32 @!p0 $0x100000, s0  }
0x590: {  	[sflag:s0] =	ssyncadd.tile.s32 @!p0 $0x1;
	_ =	shalt  }
.Lfunc_end2:
_tile_overlayer_lowered:
.L_overlay_start_2:
0x591: {  	(tag) =	ssettag $0x2  }
0x592: {  	s0 =	rddreg [dreg:$0x0];
	s2 =	stileid.u32  }
0x593: {  	s1 =	rddreg [dreg:$0x1];
	p0 =	sne.s32 s2, $0x0  }
0x594: {  	s3 =	rddreg [dreg:$0x2];
	[bflag:$0x3] =	sbarrier.arrive $0xFFFF;
	s2 =	simm.s32 @!p0 $0x1C03  }
0x595: {  	[timem:s3], [sflag:s2] =	dma.local @!p0 [hbm:s0], s1  }
0x596: {  	s0 =	simm.s32 @!p0 $0x3  }
0x597: {  	_ =	swait.ge @!p0 [sflag:s0], s1  }
0x598: {  	s1 =	ssub.s32 @!p0 $0x0, s1;
	[sflag:s0] =	ssyncset.done @!p0 $0x0  }
0x599: {  	[sflag:s0] =	ssyncadd.s32 @!p0 s1  }
0x59a: {  	[bflag:$0x3] =	sbarrier.arrive $0xFFFF  }
0x59b: {  	_ =	shalt  }

</sc_bundles>
